<compile_context>
chip_gen: v7x
topology: tpu7x:2x2x1
jax: 0.10.2.dev20260603
libtpu: 0.0.44.dev20260713+nightly
codegen_flags: <defaults>
</compile_context>

<pallas_src>
import jax
import jax.numpy as jnp
from jax import lax
from jax.experimental import pallas as pl
from jax.experimental.pallas import tpu as pltpu
from jax.experimental.pallas import tpu_sc as plsc

_B = 4096
_F = 13
_V = 1000
_E = 128
_NC = 2
_NS = 16
_NW = _NC * _NS
_BPW = _B // _NW
_CH = _BPW
_L = 16

_TWT = _F * _V


def _sc_gather_body(idxf_hbm, emb_hbm, wide_hbm,
                    fm_out, ws_out,
                    idxf_v, rows0, rows1, rows2, wout_v, wsum_v,
                    sem_g, sem_w, sem_w2):
    w = lax.axis_index("s") * _NC + lax.axis_index("c")
    base = w * _CH

    pltpu.sync_copy(idxf_hbm.at[w], idxf_v)

    rows = (rows0, rows1, rows2)

    wide_cps = [pltpu.async_copy(wide_hbm.at[idxf_v.at[f]], wout_v.at[f],
                                 sem_w)
                for f in range(_F)]

    gcp = [None] * 3
    wcp = [None] * 3
    gcp[0] = pltpu.async_copy(emb_hbm.at[idxf_v.at[0]], rows[0], sem_g)
    for f in range(_F):
        b = f % 3
        if f + 1 < _F:
            nb = (f + 1) % 3
            if wcp[nb] is not None:
                wcp[nb].wait()
            gcp[nb] = pltpu.async_copy(emb_hbm.at[idxf_v.at[f + 1]],
                                       rows[nb], sem_g)
        gcp[b].wait()
        wcp[b] = pltpu.async_copy(rows[b], fm_out.at[f, pl.ds(base, _CH)],
                                  sem_w2)
    for b in range(3):
        wcp[b].wait()

    for cp in wide_cps:
        cp.wait()
    for g in range(_CH // _L):
        acc = wout_v[0, pl.ds(g * _L, _L)]
        for f in range(1, _F):
            acc = acc + wout_v[f, pl.ds(g * _L, _L)]
        wsum_v[pl.ds(g * _L, _L)] = acc
    pltpu.sync_copy(wsum_v, ws_out.at[0, pl.ds(base, _CH)])


def _sc_gather(idxf, emb, wide):
    mesh = plsc.VectorSubcoreMesh(core_axis_name="c", subcore_axis_name="s",
                                  num_cores=_NC, num_subcores=_NS)
    f32 = jnp.float32
    return pl.kernel(
        _sc_gather_body,
        out_type=(
            jax.ShapeDtypeStruct((_F, _B, _E), f32),
            jax.ShapeDtypeStruct((1, _B), f32),
        ),
        mesh=mesh,
        scratch_types=[
            pltpu.VMEM((_F, _CH), jnp.int32),
            pltpu.VMEM((_CH, _E), f32),
            pltpu.VMEM((_CH, _E), f32),
            pltpu.VMEM((_CH, _E), f32),
            pltpu.VMEM((_F, _CH), f32),
            pltpu.VMEM((_CH,), f32),
            pltpu.SemaphoreType.DMA,
            pltpu.SemaphoreType.DMA,
            pltpu.SemaphoreType.DMA,
        ],
        name="two_tower_sc_gather",
    )(idxf, emb, wide)


def _tower_from_refs(x3_ref, W1, b1, W2, b2, W3, b3):
    f32 = jnp.float32
    x3 = [x3_ref[f] for f in range(_F)]
    s = x3[0]
    ss = s * s
    for f in range(1, _F):
        e = x3[f]
        s = s + e
        ss = ss + e * e
    fm = 0.5 * (s * s - ss)
    x = jnp.concatenate(x3, axis=1)
    h = jnp.dot(x.astype(jnp.bfloat16), W1[:],
                preferred_element_type=f32) + b1[:]
    h = jnp.maximum(h, 0.0)
    h = jnp.dot(h.astype(jnp.bfloat16), W2[:],
                preferred_element_type=f32) + b2[:]
    h = jnp.maximum(h, 0.0)
    d = jnp.dot(h.astype(jnp.bfloat16), W3[:],
                preferred_element_type=f32) + b3[:]
    return fm, d


def _tc_user_body(ux_ref, uW1, ub1, uW2, ub2, uW3, ub3,
                  fm_ref, d_ref):
    fm, d = _tower_from_refs(ux_ref, uW1, ub1, uW2, ub2, uW3, ub3)
    fm_ref[:] = fm
    d_ref[:] = d


def _tc_final_body(ix_ref, iW1, ib1, iW2, ib2, iW3, ib3,
                   fmu_ref, du_ref, wsu_ref, wsi_ref, out_ref):
    fm_i, d_i = _tower_from_refs(ix_ref, iW1, ib1, iW2, ib2, iW3, ib3)
    logit = (wsu_ref[:] * wsi_ref[:]
             + jnp.sum(fmu_ref[:] * fm_i, axis=1, keepdims=True)
             + jnp.sum(du_ref[:] * d_i, axis=1, keepdims=True))
    out_ref[:] = jax.nn.sigmoid(logit)


_BS = 1024


def _xmap(i):
    return (i, 0)


def _x3map(i):
    return (0, i, 0)


def _wmap(i):
    return (0, 0)


def _tc_user(u_x, uW1, ub1, uW2, ub2, uW3, ub3):
    f32 = jnp.float32
    full = lambda a: pl.BlockSpec(a.shape, _wmap)
    return pl.pallas_call(
        _tc_user_body,
        grid=(_B // _BS,),
        in_specs=[
            pl.BlockSpec((_F, _BS, _E), _x3map),
        ] + [full(a) for a in (uW1, ub1, uW2, ub2, uW3, ub3)],
        out_specs=(
            pl.BlockSpec((_BS, _E), _xmap),
            pl.BlockSpec((_BS, _E), _xmap),
        ),
        out_shape=(
            jax.ShapeDtypeStruct((_B, _E), f32),
            jax.ShapeDtypeStruct((_B, _E), f32),
        ),
        compiler_params=pltpu.CompilerParams(
            dimension_semantics=("arbitrary",),
        ),
        name="two_tower_tc_user",
    )(u_x, uW1, ub1, uW2, ub2, uW3, ub3)


def _tc_final(i_x, iW1, ib1, iW2, ib2, iW3, ib3, fm_u, d_u, ws_u, ws_i):
    f32 = jnp.float32
    full = lambda a: pl.BlockSpec(a.shape, _wmap)
    return pl.pallas_call(
        _tc_final_body,
        grid=(_B // _BS,),
        in_specs=[
            pl.BlockSpec((_F, _BS, _E), _x3map),
        ] + [full(a) for a in (iW1, ib1, iW2, ib2, iW3, ib3)] + [
            pl.BlockSpec((_BS, _E), _xmap),
            pl.BlockSpec((_BS, _E), _xmap),
            pl.BlockSpec((_BS, 1), _xmap),
            pl.BlockSpec((_BS, 1), _xmap),
        ],
        out_specs=pl.BlockSpec((_BS, 1), _xmap),
        out_shape=jax.ShapeDtypeStruct((_B, 1), f32),
        compiler_params=pltpu.CompilerParams(
            dimension_semantics=("arbitrary",),
        ),
        name="two_tower_tc_final",
    )(i_x, iW1, ib1, iW2, ib2, iW3, ib3, fm_u, d_u, ws_u, ws_i)


def kernel(inputs, user_emb, user_wide, item_emb, item_wide,
           uW1, ub1, uW2, ub2, uW3, ub3,
           iW1, ib1, iW2, ib2, iW3, ib3):
    i32 = jnp.int32
    bf16 = jnp.bfloat16
    off = (jnp.arange(_F, dtype=i32) * _V)[None, :]
    u_flat = inputs[:, :_F].astype(i32) + off
    i_flat = inputs[:, _F:].astype(i32) + off
    u_idxf = u_flat.reshape(_NW, _CH, _F).transpose(0, 2, 1)
    i_idxf = i_flat.reshape(_NW, _CH, _F).transpose(0, 2, 1)

    u_fm, u_ws = _sc_gather(u_idxf, user_emb.reshape(_TWT, _E),
                            user_wide.reshape(_TWT))
    i_fm, i_ws = _sc_gather(i_idxf, item_emb.reshape(_TWT, _E),
                            item_wide.reshape(_TWT))

    fm_u, d_u = _tc_user(
        u_fm,
        uW1.astype(bf16), ub1.reshape(1, -1), uW2.astype(bf16),
        ub2.reshape(1, -1), uW3.astype(bf16), ub3.reshape(1, -1))

    i_fm, i_ws, fm_u = lax.optimization_barrier((i_fm, i_ws, fm_u))

    pred = _tc_final(
        i_fm,
        iW1.astype(bf16), ib1.reshape(1, -1), iW2.astype(bf16),
        ib2.reshape(1, -1), iW3.astype(bf16), ib3.reshape(1, -1),
        fm_u, d_u, u_ws.reshape(_B, 1), i_ws.reshape(_B, 1))
    return pred

# --- scband reference (transcript-rebuilt; emitter-appended) ---
"""Pipeline reference for scband-two-tower-deep-fm-47072841564944 (READ-ONLY COPY).

The authoritative reference and input builder live on the scoring server;
editing this copy changes nothing except your own understanding.
"""

import jax, jax.numpy as jnp
import numpy as np

B = 4096
F_USER = 13
F_ITEM = 13
VOCAB = 1000
EMB = 128
HID = [1024, 512, 128]
D_IN = F_USER * EMB  # same for item tower


def _tower(wide_in, fm_in, W1, b1, W2, b2, W3, b3):
    # wide (first-order) part: sum of per-field wide weights -> [B, 1]
    wide = jnp.sum(wide_in, axis=1, keepdims=True)
    # FM second-order part: 0.5 * ((sum e)^2 - sum e^2) -> [B, EMB]
    s = jnp.sum(fm_in, axis=1)
    ss = jnp.sum(fm_in * fm_in, axis=1)
    fm = 0.5 * (s * s - ss)
    # deep part: MLP over flattened field embeddings
    deep = fm_in.reshape(fm_in.shape[0], -1)
    deep = jax.nn.relu(deep @ W1 + b1)
    deep = jax.nn.relu(deep @ W2 + b2)
    deep = deep @ W3 + b3
    # tower representation: concat(wide, fm, deep)
    return jnp.concatenate([wide, fm, deep], axis=1)


def setup_inputs(seed: int = 0) -> dict:
    key = jax.random.key(seed)
    ks = [jax.random.fold_in(key, i) for i in range(20)]
    inputs = jax.random.randint(ks[0], (B, F_USER + F_ITEM), 0, VOCAB)
    user_emb = jax.random.normal(ks[1], (F_USER, VOCAB, EMB), dtype=jnp.float32) * 0.01
    user_wide = jax.random.normal(ks[2], (F_USER, VOCAB), dtype=jnp.float32) * 0.01
    item_emb = jax.random.normal(ks[3], (F_ITEM, VOCAB, EMB), dtype=jnp.float32) * 0.01
    item_wide = jax.random.normal(ks[4], (F_ITEM, VOCAB), dtype=jnp.float32) * 0.01

    def dense(k, fi, fo):
        return jax.random.normal(k, (fi, fo), dtype=jnp.float32) * (1.0 / np.sqrt(fi))

    uW1 = dense(ks[5], D_IN, HID[0]); ub1 = jnp.zeros((HID[0],), jnp.float32)
    uW2 = dense(ks[6], HID[0], HID[1]); ub2 = jnp.zeros((HID[1],), jnp.float32)
    uW3 = dense(ks[7], HID[1], HID[2]); ub3 = jnp.zeros((HID[2],), jnp.float32)
    iW1 = dense(ks[8], D_IN, HID[0]); ib1 = jnp.zeros((HID[0],), jnp.float32)
    iW2 = dense(ks[9], HID[0], HID[1]); ib2 = jnp.zeros((HID[1],), jnp.float32)
    iW3 = dense(ks[10], HID[1], HID[2]); ib3 = jnp.zeros((HID[2],), jnp.float32)
    return {
        'inputs': inputs,
        'user_emb': user_emb, 'user_wide': user_wide,
        'item_emb': item_emb, 'item_wide': item_wide,
        'uW1': uW1, 'ub1': ub1, 'uW2': uW2, 'ub2': ub2, 'uW3': uW3, 'ub3': ub3,
        'iW1': iW1, 'ib1': ib1, 'iW2': iW2, 'ib2': ib2, 'iW3': iW3, 'ib3': ib3,
    }


def reference(inputs, user_emb, user_wide, item_emb, item_wide,
              uW1, ub1, uW2, ub2, uW3, ub3,
              iW1, ib1, iW2, ib2, iW3, ib3):
    u_idx = inputs[:, :F_USER]
    i_idx = inputs[:, F_USER:]
    fu = jnp.arange(F_USER)[None, :]
    fi = jnp.arange(F_ITEM)[None, :]
    # per-field embedding lookups (gather)
    u_fm = user_emb[fu, u_idx]      # [B, F_USER, EMB]
    u_w = user_wide[fu, u_idx]      # [B, F_USER]
    i_fm = item_emb[fi, i_idx]      # [B, F_ITEM, EMB]
    i_w = item_wide[fi, i_idx]      # [B, F_ITEM]
    u_rep = _tower(u_w, u_fm, uW1, ub1, uW2, ub2, uW3, ub3)
    i_rep = _tower(i_w, i_fm, iW1, ib1, iW2, ib2, iW3, ib3)
    pred = jnp.sum(u_rep * i_rep, axis=1, keepdims=True)
    pred = jax.nn.sigmoid(pred)
    return pred

if __name__ == "__main__":
    import jax
    _d = setup_inputs()
    print(jax.jit(kernel)(*tuple(_d.values())))

</pallas_src>

<mosaic_0001>
#map = affine_map<(d0, d1) -> (0, 0, 0)>
#map1 = affine_map<(d0, d1) -> (0, 0)>
#map2 = affine_map<(d0, d1) -> (0)>
module attributes {stable_mosaic.version = 14 : i64} {
  func.func @two_tower_sc_gather(%arg0: i32, %arg1: i32, %arg2: memref<32x13x128xi32, #tpu.memory_space<hbm>>, %arg3: memref<13000x128xf32, #tpu.memory_space<hbm>>, %arg4: memref<13000xf32, #tpu.memory_space<hbm>>, %arg5: memref<13x4096x128xf32, #tpu.memory_space<hbm>>, %arg6: memref<1x4096xf32, #tpu.memory_space<hbm>>, %arg7: memref<13x128xi32, #tpu.memory_space<vmem>>, %arg8: memref<128x128xf32, #tpu.memory_space<vmem>>, %arg9: memref<128x128xf32, #tpu.memory_space<vmem>>, %arg10: memref<128x128xf32, #tpu.memory_space<vmem>>, %arg11: memref<13x128xf32, #tpu.memory_space<vmem>>, %arg12: memref<128xf32, #tpu.memory_space<vmem>>, %arg13: memref<!tpu.dma_semaphore, #tpu.memory_space<semaphore_mem>>, %arg14: memref<!tpu.dma_semaphore, #tpu.memory_space<semaphore_mem>>, %arg15: memref<!tpu.dma_semaphore, #tpu.memory_space<semaphore_mem>>) attributes {dimension_semantics = [#tpu.dimension_semantics<core_parallel>, #tpu.dimension_semantics<subcore_parallel>], iteration_bounds = array<i64: 2, 16>, scalar_prefetch = 0 : i64, scratch_operands = 9 : i64, tpu.core_type = #tpu.core_type<sc_vector_subcore>, window_params = [{transform_indices = #map}, {transform_indices = #map1}, {transform_indices = #map2}, {transform_indices = #map}, {transform_indices = #map1}]} {
    %mul3A = arith.constant 2 : i32
    %mul3A_0 = arith.muli %arg1, %mul3A : i32
    %add3A = arith.addi %mul3A_0, %arg0 : i32
    %mul3A_1 = arith.constant 128 : i32
    %mul3A_2 = arith.muli %add3A, %mul3A_1 : i32
    "tpu.region"() ({
      %run_scoped3A_1271 = tpu.sem_alloc : memref<!tpu.dma_semaphore, #tpu.memory_space<semaphore_mem>>
      %dma_start3A_1272 = arith.constant 0 : i32
      %dma_start3A_1273 = arith.constant 0 : i32
      %dma_start3A_1274 = tpu.memref_slice %arg2[%add3A, %dma_start3A_1272, %dma_start3A_1273] : memref<32x13x128xi32, #tpu.memory_space<hbm>> -> memref<1x13x128xi32, #tpu.memory_space<hbm>>
      %dma_start3A_1275 = tpu.memref_squeeze %dma_start3A_1274 : memref<1x13x128xi32, #tpu.memory_space<hbm>> -> memref<13x128xi32, #tpu.memory_space<hbm>>
      %dma_start3A_1276 = arith.constant 0 : i32
      %dma_start3A_1277 = arith.constant 0 : i32
      %dma_start3A_1278 = tpu.memref_slice %arg2[%add3A, %dma_start3A_1276, %dma_start3A_1277] : memref<32x13x128xi32, #tpu.memory_space<hbm>> -> memref<1x13x128xi32, #tpu.memory_space<hbm>>
      %dma_start3A_1279 = tpu.memref_squeeze %dma_start3A_1278 : memref<1x13x128xi32, #tpu.memory_space<hbm>> -> memref<13x128xi32, #tpu.memory_space<hbm>>
      tpu.enqueue_dma source(%dma_start3A_1279 : memref<13x128xi32, #tpu.memory_space<hbm>>) target(%arg7 : memref<13x128xi32, #tpu.memory_space<vmem>>) target_semaphore(%run_scoped3A_1271 : memref<!tpu.dma_semaphore, #tpu.memory_space<semaphore_mem>>)
      %dma_wait3A_1280 = arith.constant 0 : i32
      %dma_wait3A_1281 = arith.constant 0 : i32
      %dma_wait3A_1282 = tpu.memref_slice %arg2[%add3A, %dma_wait3A_1280, %dma_wait3A_1281] : memref<32x13x128xi32, #tpu.memory_space<hbm>> -> memref<1x13x128xi32, #tpu.memory_space<hbm>>
      %dma_wait3A_1283 = tpu.memref_squeeze %dma_wait3A_1282 : memref<1x13x128xi32, #tpu.memory_space<hbm>> -> memref<13x128xi32, #tpu.memory_space<hbm>>
      %dma_wait3A_1284 = arith.constant 0 : i32
      %dma_wait3A_1285 = arith.constant 0 : i32
      %dma_wait3A_1286 = tpu.memref_slice %arg2[%add3A, %dma_wait3A_1284, %dma_wait3A_1285] : memref<32x13x128xi32, #tpu.memory_space<hbm>> -> memref<1x13x128xi32, #tpu.memory_space<hbm>>
      %dma_wait3A_1287 = tpu.memref_squeeze %dma_wait3A_1286 : memref<1x13x128xi32, #tpu.memory_space<hbm>> -> memref<13x128xi32, #tpu.memory_space<hbm>>
      tpu.wait_dma2 semaphore(%run_scoped3A_1271 : memref<!tpu.dma_semaphore, #tpu.memory_space<semaphore_mem>>) src(%dma_wait3A_1287 : memref<13x128xi32, #tpu.memory_space<hbm>>) dst(%arg7 : memref<13x128xi32, #tpu.memory_space<vmem>>)
      tpu.yield
    }) : () -> ()
    %dma_start3A = arith.constant 0 : i32
    %dma_start3A_3 = arith.constant 0 : i32
    %dma_start3A_4 = arith.constant 0 : i32
    %dma_start3A_5 = tpu.memref_slice %arg11[%dma_start3A_3, %dma_start3A_4] : memref<13x128xf32, #tpu.memory_space<vmem>> -> memref<1x128xf32, #tpu.memory_space<vmem>>
    %dma_start3A_6 = tpu.memref_squeeze %dma_start3A_5 : memref<1x128xf32, #tpu.memory_space<vmem>> -> memref<128xf32, #tpu.memory_space<vmem>>
    %dma_start3A_7 = arith.constant 0 : i32
    %dma_start3A_8 = tpu.memref_slice %arg7[%dma_start3A, %dma_start3A_7] : memref<13x128xi32, #tpu.memory_space<vmem>> -> memref<1x128xi32, #tpu.memory_space<vmem>>
    %dma_start3A_9 = tpu.memref_squeeze %dma_start3A_8 : memref<1x128xi32, #tpu.memory_space<vmem>> -> memref<128xi32, #tpu.memory_space<vmem>>
    %dma_start3A_10 = arith.constant 0 : i32
    %dma_start3A_11 = tpu.memref_slice %arg4[%dma_start3A_10] : memref<13000xf32, #tpu.memory_space<hbm>> -> memref<13000xf32, #tpu.memory_space<hbm>>
    tpu.enqueue_indirect_dma source(%dma_start3A_11 : memref<13000xf32, #tpu.memory_space<hbm>>) target(%dma_start3A_6 : memref<128xf32, #tpu.memory_space<vmem>>) offsets(%dma_start3A_9 : memref<128xi32, #tpu.memory_space<vmem>>) semaphore(%arg14 : memref<!tpu.dma_semaphore, #tpu.memory_space<semaphore_mem>>)
    %dma_start3A_12 = arith.constant 1 : i32
    %dma_start3A_13 = arith.constant 1 : i32
    %dma_start3A_14 = arith.constant 0 : i32
    %dma_start3A_15 = tpu.memref_slice %arg11[%dma_start3A_13, %dma_start3A_14] : memref<13x128xf32, #tpu.memory_space<vmem>> -> memref<1x128xf32, #tpu.memory_space<vmem>>
    %dma_start3A_16 = tpu.memref_squeeze %dma_start3A_15 : memref<1x128xf32, #tpu.memory_space<vmem>> -> memref<128xf32, #tpu.memory_space<vmem>>
    %dma_start3A_17 = arith.constant 0 : i32
    %dma_start3A_18 = tpu.memref_slice %arg7[%dma_start3A_12, %dma_start3A_17] : memref<13x128xi32, #tpu.memory_space<vmem>> -> memref<1x128xi32, #tpu.memory_space<vmem>>
    %dma_start3A_19 = tpu.memref_squeeze %dma_start3A_18 : memref<1x128xi32, #tpu.memory_space<vmem>> -> memref<128xi32, #tpu.memory_space<vmem>>
    %dma_start3A_20 = arith.constant 0 : i32
    %dma_start3A_21 = tpu.memref_slice %arg4[%dma_start3A_20] : memref<13000xf32, #tpu.memory_space<hbm>> -> memref<13000xf32, #tpu.memory_space<hbm>>
    tpu.enqueue_indirect_dma source(%dma_start3A_21 : memref<13000xf32, #tpu.memory_space<hbm>>) target(%dma_start3A_16 : memref<128xf32, #tpu.memory_space<vmem>>) offsets(%dma_start3A_19 : memref<128xi32, #tpu.memory_space<vmem>>) semaphore(%arg14 : memref<!tpu.dma_semaphore, #tpu.memory_space<semaphore_mem>>)
    %dma_start3A_22 = arith.constant 2 : i32
    %dma_start3A_23 = arith.constant 2 : i32
    %dma_start3A_24 = arith.constant 0 : i32
    %dma_start3A_25 = tpu.memref_slice %arg11[%dma_start3A_23, %dma_start3A_24] : memref<13x128xf32, #tpu.memory_space<vmem>> -> memref<1x128xf32, #tpu.memory_space<vmem>>
    %dma_start3A_26 = tpu.memref_squeeze %dma_start3A_25 : memref<1x128xf32, #tpu.memory_space<vmem>> -> memref<128xf32, #tpu.memory_space<vmem>>
    %dma_start3A_27 = arith.constant 0 : i32
    %dma_start3A_28 = tpu.memref_slice %arg7[%dma_start3A_22, %dma_start3A_27] : memref<13x128xi32, #tpu.memory_space<vmem>> -> memref<1x128xi32, #tpu.memory_space<vmem>>
    %dma_start3A_29 = tpu.memref_squeeze %dma_start3A_28 : memref<1x128xi32, #tpu.memory_space<vmem>> -> memref<128xi32, #tpu.memory_space<vmem>>
    %dma_start3A_30 = arith.constant 0 : i32
    %dma_start3A_31 = tpu.memref_slice %arg4[%dma_start3A_30] : memref<13000xf32, #tpu.memory_space<hbm>> -> memref<13000xf32, #tpu.memory_space<hbm>>
    tpu.enqueue_indirect_dma source(%dma_start3A_31 : memref<13000xf32, #tpu.memory_space<hbm>>) target(%dma_start3A_26 : memref<128xf32, #tpu.memory_space<vmem>>) offsets(%dma_start3A_29 : memref<128xi32, #tpu.memory_space<vmem>>) semaphore(%arg14 : memref<!tpu.dma_semaphore, #tpu.memory_space<semaphore_mem>>)
    %dma_start3A_32 = arith.constant 3 : i32
    %dma_start3A_33 = arith.constant 3 : i32
    %dma_start3A_34 = arith.constant 0 : i32
    %dma_start3A_35 = tpu.memref_slice %arg11[%dma_start3A_33, %dma_start3A_34] : memref<13x128xf32, #tpu.memory_space<vmem>> -> memref<1x128xf32, #tpu.memory_space<vmem>>
    %dma_start3A_36 = tpu.memref_squeeze %dma_start3A_35 : memref<1x128xf32, #tpu.memory_space<vmem>> -> memref<128xf32, #tpu.memory_space<vmem>>
    %dma_start3A_37 = arith.constant 0 : i32
    %dma_start3A_38 = tpu.memref_slice %arg7[%dma_start3A_32, %dma_start3A_37] : memref<13x128xi32, #tpu.memory_space<vmem>> -> memref<1x128xi32, #tpu.memory_space<vmem>>
    %dma_start3A_39 = tpu.memref_squeeze %dma_start3A_38 : memref<1x128xi32, #tpu.memory_space<vmem>> -> memref<128xi32, #tpu.memory_space<vmem>>
    %dma_start3A_40 = arith.constant 0 : i32
    %dma_start3A_41 = tpu.memref_slice %arg4[%dma_start3A_40] : memref<13000xf32, #tpu.memory_space<hbm>> -> memref<13000xf32, #tpu.memory_space<hbm>>
    tpu.enqueue_indirect_dma source(%dma_start3A_41 : memref<13000xf32, #tpu.memory_space<hbm>>) target(%dma_start3A_36 : memref<128xf32, #tpu.memory_space<vmem>>) offsets(%dma_start3A_39 : memref<128xi32, #tpu.memory_space<vmem>>) semaphore(%arg14 : memref<!tpu.dma_semaphore, #tpu.memory_space<semaphore_mem>>)
    %dma_start3A_42 = arith.constant 4 : i32
    %dma_start3A_43 = arith.constant 4 : i32
    %dma_start3A_44 = arith.constant 0 : i32
    %dma_start3A_45 = tpu.memref_slice %arg11[%dma_start3A_43, %dma_start3A_44] : memref<13x128xf32, #tpu.memory_space<vmem>> -> memref<1x128xf32, #tpu.memory_space<vmem>>
    %dma_start3A_46 = tpu.memref_squeeze %dma_start3A_45 : memref<1x128xf32, #tpu.memory_space<vmem>> -> memref<128xf32, #tpu.memory_space<vmem>>
    %dma_start3A_47 = arith.constant 0 : i32
    %dma_start3A_48 = tpu.memref_slice %arg7[%dma_start3A_42, %dma_start3A_47] : memref<13x128xi32, #tpu.memory_space<vmem>> -> memref<1x128xi32, #tpu.memory_space<vmem>>
    %dma_start3A_49 = tpu.memref_squeeze %dma_start3A_48 : memref<1x128xi32, #tpu.memory_space<vmem>> -> memref<128xi32, #tpu.memory_space<vmem>>
    %dma_start3A_50 = arith.constant 0 : i32
    %dma_start3A_51 = tpu.memref_slice %arg4[%dma_start3A_50] : memref<13000xf32, #tpu.memory_space<hbm>> -> memref<13000xf32, #tpu.memory_space<hbm>>
    tpu.enqueue_indirect_dma source(%dma_start3A_51 : memref<13000xf32, #tpu.memory_space<hbm>>) target(%dma_start3A_46 : memref<128xf32, #tpu.memory_space<vmem>>) offsets(%dma_start3A_49 : memref<128xi32, #tpu.memory_space<vmem>>) semaphore(%arg14 : memref<!tpu.dma_semaphore, #tpu.memory_space<semaphore_mem>>)
    %dma_start3A_52 = arith.constant 5 : i32
    %dma_start3A_53 = arith.constant 5 : i32
    %dma_start3A_54 = arith.constant 0 : i32
    %dma_start3A_55 = tpu.memref_slice %arg11[%dma_start3A_53, %dma_start3A_54] : memref<13x128xf32, #tpu.memory_space<vmem>> -> memref<1x128xf32, #tpu.memory_space<vmem>>
    %dma_start3A_56 = tpu.memref_squeeze %dma_start3A_55 : memref<1x128xf32, #tpu.memory_space<vmem>> -> memref<128xf32, #tpu.memory_space<vmem>>
    %dma_start3A_57 = arith.constant 0 : i32
    %dma_start3A_58 = tpu.memref_slice %arg7[%dma_start3A_52, %dma_start3A_57] : memref<13x128xi32, #tpu.memory_space<vmem>> -> memref<1x128xi32, #tpu.memory_space<vmem>>
    %dma_start3A_59 = tpu.memref_squeeze %dma_start3A_58 : memref<1x128xi32, #tpu.memory_space<vmem>> -> memref<128xi32, #tpu.memory_space<vmem>>
    %dma_start3A_60 = arith.constant 0 : i32
    %dma_start3A_61 = tpu.memref_slice %arg4[%dma_start3A_60] : memref<13000xf32, #tpu.memory_space<hbm>> -> memref<13000xf32, #tpu.memory_space<hbm>>
    tpu.enqueue_indirect_dma source(%dma_start3A_61 : memref<13000xf32, #tpu.memory_space<hbm>>) target(%dma_start3A_56 : memref<128xf32, #tpu.memory_space<vmem>>) offsets(%dma_start3A_59 : memref<128xi32, #tpu.memory_space<vmem>>) semaphore(%arg14 : memref<!tpu.dma_semaphore, #tpu.memory_space<semaphore_mem>>)
    %dma_start3A_62 = arith.constant 6 : i32
    %dma_start3A_63 = arith.constant 6 : i32
    %dma_start3A_64 = arith.constant 0 : i32
    %dma_start3A_65 = tpu.memref_slice %arg11[%dma_start3A_63, %dma_start3A_64] : memref<13x128xf32, #tpu.memory_space<vmem>> -> memref<1x128xf32, #tpu.memory_space<vmem>>
    %dma_start3A_66 = tpu.memref_squeeze %dma_start3A_65 : memref<1x128xf32, #tpu.memory_space<vmem>> -> memref<128xf32, #tpu.memory_space<vmem>>
    %dma_start3A_67 = arith.constant 0 : i32
    %dma_start3A_68 = tpu.memref_slice %arg7[%dma_start3A_62, %dma_start3A_67] : memref<13x128xi32, #tpu.memory_space<vmem>> -> memref<1x128xi32, #tpu.memory_space<vmem>>
    %dma_start3A_69 = tpu.memref_squeeze %dma_start3A_68 : memref<1x128xi32, #tpu.memory_space<vmem>> -> memref<128xi32, #tpu.memory_space<vmem>>
    %dma_start3A_70 = arith.constant 0 : i32
    %dma_start3A_71 = tpu.memref_slice %arg4[%dma_start3A_70] : memref<13000xf32, #tpu.memory_space<hbm>> -> memref<13000xf32, #tpu.memory_space<hbm>>
    tpu.enqueue_indirect_dma source(%dma_start3A_71 : memref<13000xf32, #tpu.memory_space<hbm>>) target(%dma_start3A_66 : memref<128xf32, #tpu.memory_space<vmem>>) offsets(%dma_start3A_69 : memref<128xi32, #tpu.memory_space<vmem>>) semaphore(%arg14 : memref<!tpu.dma_semaphore, #tpu.memory_space<semaphore_mem>>)
    %dma_start3A_72 = arith.constant 7 : i32
    %dma_start3A_73 = arith.constant 7 : i32
    %dma_start3A_74 = arith.constant 0 : i32
    %dma_start3A_75 = tpu.memref_slice %arg11[%dma_start3A_73, %dma_start3A_74] : memref<13x128xf32, #tpu.memory_space<vmem>> -> memref<1x128xf32, #tpu.memory_space<vmem>>
    %dma_start3A_76 = tpu.memref_squeeze %dma_start3A_75 : memref<1x128xf32, #tpu.memory_space<vmem>> -> memref<128xf32, #tpu.memory_space<vmem>>
    %dma_start3A_77 = arith.constant 0 : i32
    %dma_start3A_78 = tpu.memref_slice %arg7[%dma_start3A_72, %dma_start3A_77] : memref<13x128xi32, #tpu.memory_space<vmem>> -> memref<1x128xi32, #tpu.memory_space<vmem>>
    %dma_start3A_79 = tpu.memref_squeeze %dma_start3A_78 : memref<1x128xi32, #tpu.memory_space<vmem>> -> memref<128xi32, #tpu.memory_space<vmem>>
    %dma_start3A_80 = arith.constant 0 : i32
    %dma_start3A_81 = tpu.memref_slice %arg4[%dma_start3A_80] : memref<13000xf32, #tpu.memory_space<hbm>> -> memref<13000xf32, #tpu.memory_space<hbm>>
    tpu.enqueue_indirect_dma source(%dma_start3A_81 : memref<13000xf32, #tpu.memory_space<hbm>>) target(%dma_start3A_76 : memref<128xf32, #tpu.memory_space<vmem>>) offsets(%dma_start3A_79 : memref<128xi32, #tpu.memory_space<vmem>>) semaphore(%arg14 : memref<!tpu.dma_semaphore, #tpu.memory_space<semaphore_mem>>)
    %dma_start3A_82 = arith.constant 8 : i32
    %dma_start3A_83 = arith.constant 8 : i32
    %dma_start3A_84 = arith.constant 0 : i32
    %dma_start3A_85 = tpu.memref_slice %arg11[%dma_start3A_83, %dma_start3A_84] : memref<13x128xf32, #tpu.memory_space<vmem>> -> memref<1x128xf32, #tpu.memory_space<vmem>>
    %dma_start3A_86 = tpu.memref_squeeze %dma_start3A_85 : memref<1x128xf32, #tpu.memory_space<vmem>> -> memref<128xf32, #tpu.memory_space<vmem>>
    %dma_start3A_87 = arith.constant 0 : i32
    %dma_start3A_88 = tpu.memref_slice %arg7[%dma_start3A_82, %dma_start3A_87] : memref<13x128xi32, #tpu.memory_space<vmem>> -> memref<1x128xi32, #tpu.memory_space<vmem>>
    %dma_start3A_89 = tpu.memref_squeeze %dma_start3A_88 : memref<1x128xi32, #tpu.memory_space<vmem>> -> memref<128xi32, #tpu.memory_space<vmem>>
    %dma_start3A_90 = arith.constant 0 : i32
    %dma_start3A_91 = tpu.memref_slice %arg4[%dma_start3A_90] : memref<13000xf32, #tpu.memory_space<hbm>> -> memref<13000xf32, #tpu.memory_space<hbm>>
    tpu.enqueue_indirect_dma source(%dma_start3A_91 : memref<13000xf32, #tpu.memory_space<hbm>>) target(%dma_start3A_86 : memref<128xf32, #tpu.memory_space<vmem>>) offsets(%dma_start3A_89 : memref<128xi32, #tpu.memory_space<vmem>>) semaphore(%arg14 : memref<!tpu.dma_semaphore, #tpu.memory_space<semaphore_mem>>)
    %dma_start3A_92 = arith.constant 9 : i32
    %dma_start3A_93 = arith.constant 9 : i32
    %dma_start3A_94 = arith.constant 0 : i32
    %dma_start3A_95 = tpu.memref_slice %arg11[%dma_start3A_93, %dma_start3A_94] : memref<13x128xf32, #tpu.memory_space<vmem>> -> memref<1x128xf32, #tpu.memory_space<vmem>>
    %dma_start3A_96 = tpu.memref_squeeze %dma_start3A_95 : memref<1x128xf32, #tpu.memory_space<vmem>> -> memref<128xf32, #tpu.memory_space<vmem>>
    %dma_start3A_97 = arith.constant 0 : i32
    %dma_start3A_98 = tpu.memref_slice %arg7[%dma_start3A_92, %dma_start3A_97] : memref<13x128xi32, #tpu.memory_space<vmem>> -> memref<1x128xi32, #tpu.memory_space<vmem>>
    %dma_start3A_99 = tpu.memref_squeeze %dma_start3A_98 : memref<1x128xi32, #tpu.memory_space<vmem>> -> memref<128xi32, #tpu.memory_space<vmem>>
    %dma_start3A_100 = arith.constant 0 : i32
    %dma_start3A_101 = tpu.memref_slice %arg4[%dma_start3A_100] : memref<13000xf32, #tpu.memory_space<hbm>> -> memref<13000xf32, #tpu.memory_space<hbm>>
    tpu.enqueue_indirect_dma source(%dma_start3A_101 : memref<13000xf32, #tpu.memory_space<hbm>>) target(%dma_start3A_96 : memref<128xf32, #tpu.memory_space<vmem>>) offsets(%dma_start3A_99 : memref<128xi32, #tpu.memory_space<vmem>>) semaphore(%arg14 : memref<!tpu.dma_semaphore, #tpu.memory_space<semaphore_mem>>)
    %dma_start3A_102 = arith.constant 10 : i32
    %dma_start3A_103 = arith.constant 10 : i32
    %dma_start3A_104 = arith.constant 0 : i32
    %dma_start3A_105 = tpu.memref_slice %arg11[%dma_start3A_103, %dma_start3A_104] : memref<13x128xf32, #tpu.memory_space<vmem>> -> memref<1x128xf32, #tpu.memory_space<vmem>>
    %dma_start3A_106 = tpu.memref_squeeze %dma_start3A_105 : memref<1x128xf32, #tpu.memory_space<vmem>> -> memref<128xf32, #tpu.memory_space<vmem>>
    %dma_start3A_107 = arith.constant 0 : i32
    %dma_start3A_108 = tpu.memref_slice %arg7[%dma_start3A_102, %dma_start3A_107] : memref<13x128xi32, #tpu.memory_space<vmem>> -> memref<1x128xi32, #tpu.memory_space<vmem>>
    %dma_start3A_109 = tpu.memref_squeeze %dma_start3A_108 : memref<1x128xi32, #tpu.memory_space<vmem>> -> memref<128xi32, #tpu.memory_space<vmem>>
    %dma_start3A_110 = arith.constant 0 : i32
    %dma_start3A_111 = tpu.memref_slice %arg4[%dma_start3A_110] : memref<13000xf32, #tpu.memory_space<hbm>> -> memref<13000xf32, #tpu.memory_space<hbm>>
    tpu.enqueue_indirect_dma source(%dma_start3A_111 : memref<13000xf32, #tpu.memory_space<hbm>>) target(%dma_start3A_106 : memref<128xf32, #tpu.memory_space<vmem>>) offsets(%dma_start3A_109 : memref<128xi32, #tpu.memory_space<vmem>>) semaphore(%arg14 : memref<!tpu.dma_semaphore, #tpu.memory_space<semaphore_mem>>)
    %dma_start3A_112 = arith.constant 11 : i32
    %dma_start3A_113 = arith.constant 11 : i32
    %dma_start3A_114 = arith.constant 0 : i32
    %dma_start3A_115 = tpu.memref_slice %arg11[%dma_start3A_113, %dma_start3A_114] : memref<13x128xf32, #tpu.memory_space<vmem>> -> memref<1x128xf32, #tpu.memory_space<vmem>>
    %dma_start3A_116 = tpu.memref_squeeze %dma_start3A_115 : memref<1x128xf32, #tpu.memory_space<vmem>> -> memref<128xf32, #tpu.memory_space<vmem>>
    %dma_start3A_117 = arith.constant 0 : i32
    %dma_start3A_118 = tpu.memref_slice %arg7[%dma_start3A_112, %dma_start3A_117] : memref<13x128xi32, #tpu.memory_space<vmem>> -> memref<1x128xi32, #tpu.memory_space<vmem>>
    %dma_start3A_119 = tpu.memref_squeeze %dma_start3A_118 : memref<1x128xi32, #tpu.memory_space<vmem>> -> memref<128xi32, #tpu.memory_space<vmem>>
    %dma_start3A_120 = arith.constant 0 : i32
    %dma_start3A_121 = tpu.memref_slice %arg4[%dma_start3A_120] : memref<13000xf32, #tpu.memory_space<hbm>> -> memref<13000xf32, #tpu.memory_space<hbm>>
    tpu.enqueue_indirect_dma source(%dma_start3A_121 : memref<13000xf32, #tpu.memory_space<hbm>>) target(%dma_start3A_116 : memref<128xf32, #tpu.memory_space<vmem>>) offsets(%dma_start3A_119 : memref<128xi32, #tpu.memory_space<vmem>>) semaphore(%arg14 : memref<!tpu.dma_semaphore, #tpu.memory_space<semaphore_mem>>)
    %dma_start3A_122 = arith.constant 12 : i32
    %dma_start3A_123 = arith.constant 12 : i32
    %dma_start3A_124 = arith.constant 0 : i32
    %dma_start3A_125 = tpu.memref_slice %arg11[%dma_start3A_123, %dma_start3A_124] : memref<13x128xf32, #tpu.memory_space<vmem>> -> memref<1x128xf32, #tpu.memory_space<vmem>>
    %dma_start3A_126 = tpu.memref_squeeze %dma_start3A_125 : memref<1x128xf32, #tpu.memory_space<vmem>> -> memref<128xf32, #tpu.memory_space<vmem>>
    %dma_start3A_127 = arith.constant 0 : i32
    %dma_start3A_128 = tpu.memref_slice %arg7[%dma_start3A_122, %dma_start3A_127] : memref<13x128xi32, #tpu.memory_space<vmem>> -> memref<1x128xi32, #tpu.memory_space<vmem>>
    %dma_start3A_129 = tpu.memref_squeeze %dma_start3A_128 : memref<1x128xi32, #tpu.memory_space<vmem>> -> memref<128xi32, #tpu.memory_space<vmem>>
    %dma_start3A_130 = arith.constant 0 : i32
    %dma_start3A_131 = tpu.memref_slice %arg4[%dma_start3A_130] : memref<13000xf32, #tpu.memory_space<hbm>> -> memref<13000xf32, #tpu.memory_space<hbm>>
    tpu.enqueue_indirect_dma source(%dma_start3A_131 : memref<13000xf32, #tpu.memory_space<hbm>>) target(%dma_start3A_126 : memref<128xf32, #tpu.memory_space<vmem>>) offsets(%dma_start3A_129 : memref<128xi32, #tpu.memory_space<vmem>>) semaphore(%arg14 : memref<!tpu.dma_semaphore, #tpu.memory_space<semaphore_mem>>)
    %dma_start3A_132 = arith.constant 0 : i32
    %dma_start3A_133 = arith.constant 0 : i32
    %dma_start3A_134 = tpu.memref_slice %arg7[%dma_start3A_132, %dma_start3A_133] : memref<13x128xi32, #tpu.memory_space<vmem>> -> memref<1x128xi32, #tpu.memory_space<vmem>>
    %dma_start3A_135 = tpu.memref_squeeze %dma_start3A_134 : memref<1x128xi32, #tpu.memory_space<vmem>> -> memref<128xi32, #tpu.memory_space<vmem>>
    %dma_start3A_136 = arith.constant 0 : i32
    %dma_start3A_137 = arith.constant 0 : i32
    %dma_start3A_138 = tpu.memref_slice %arg3[%dma_start3A_136, %dma_start3A_137] : memref<13000x128xf32, #tpu.memory_space<hbm>> -> memref<13000x128xf32, #tpu.memory_space<hbm>>
    tpu.enqueue_indirect_dma source(%dma_start3A_138 : memref<13000x128xf32, #tpu.memory_space<hbm>>) target(%arg8 : memref<128x128xf32, #tpu.memory_space<vmem>>) offsets(%dma_start3A_135 : memref<128xi32, #tpu.memory_space<vmem>>) semaphore(%arg13 : memref<!tpu.dma_semaphore, #tpu.memory_space<semaphore_mem>>)
    %dma_start3A_139 = arith.constant 1 : i32
    %dma_start3A_140 = arith.constant 0 : i32
    %dma_start3A_141 = tpu.memref_slice %arg7[%dma_start3A_139, %dma_start3A_140] : memref<13x128xi32, #tpu.memory_space<vmem>> -> memref<1x128xi32, #tpu.memory_space<vmem>>
    %dma_start3A_142 = tpu.memref_squeeze %dma_start3A_141 : memref<1x128xi32, #tpu.memory_space<vmem>> -> memref<128xi32, #tpu.memory_space<vmem>>
    %dma_start3A_143 = arith.constant 0 : i32
    %dma_start3A_144 = arith.constant 0 : i32
    %dma_start3A_145 = tpu.memref_slice %arg3[%dma_start3A_143, %dma_start3A_144] : memref<13000x128xf32, #tpu.memory_space<hbm>> -> memref<13000x128xf32, #tpu.memory_space<hbm>>
    tpu.enqueue_indirect_dma source(%dma_start3A_145 : memref<13000x128xf32, #tpu.memory_space<hbm>>) target(%arg9 : memref<128x128xf32, #tpu.memory_space<vmem>>) offsets(%dma_start3A_142 : memref<128xi32, #tpu.memory_space<vmem>>) semaphore(%arg13 : memref<!tpu.dma_semaphore, #tpu.memory_space<semaphore_mem>>)
    %dma_wait3A = arith.constant 0 : i32
    %dma_wait3A_146 = arith.constant 0 : i32
    %dma_wait3A_147 = tpu.memref_slice %arg7[%dma_wait3A, %dma_wait3A_146] : memref<13x128xi32, #tpu.memory_space<vmem>> -> memref<1x128xi32, #tpu.memory_space<vmem>>
    %dma_wait3A_148 = tpu.memref_squeeze %dma_wait3A_147 : memref<1x128xi32, #tpu.memory_space<vmem>> -> memref<128xi32, #tpu.memory_space<vmem>>
    %dma_wait3A_149 = arith.constant 0 : i32
    %dma_wait3A_150 = arith.constant 0 : i32
    %dma_wait3A_151 = tpu.memref_slice %arg3[%dma_wait3A_149, %dma_wait3A_150] : memref<13000x128xf32, #tpu.memory_space<hbm>> -> memref<13000x128xf32, #tpu.memory_space<hbm>>
    tpu.wait_indirect_dma semaphore(%arg13 : memref<!tpu.dma_semaphore, #tpu.memory_space<semaphore_mem>>) src(%dma_wait3A_151 : memref<13000x128xf32, #tpu.memory_space<hbm>>) dst(%arg8 : memref<128x128xf32, #tpu.memory_space<vmem>>)
    %dma_start3A_152 = arith.constant 0 : i32
    %dma_start3A_153 = arith.constant 0 : i32
    %dma_start3A_154 = tpu.memref_slice %arg5[%dma_start3A_152, %mul3A_2, %dma_start3A_153] : memref<13x4096x128xf32, #tpu.memory_space<hbm>> -> memref<1x128x128xf32, #tpu.memory_space<hbm>>
    %dma_start3A_155 = tpu.memref_squeeze %dma_start3A_154 : memref<1x128x128xf32, #tpu.memory_space<hbm>> -> memref<128x128xf32, #tpu.memory_space<hbm>>
    %dma_start3A_156 = arith.constant 0 : i32
    %dma_start3A_157 = tpu.memref_slice %arg5[%dma_start3A_152, %mul3A_2, %dma_start3A_156] : memref<13x4096x128xf32, #tpu.memory_space<hbm>> -> memref<1x128x128xf32, #tpu.memory_space<hbm>>
    %dma_start3A_158 = tpu.memref_squeeze %dma_start3A_157 : memref<1x128x128xf32, #tpu.memory_space<hbm>> -> memref<128x128xf32, #tpu.memory_space<hbm>>
    tpu.enqueue_dma source(%arg8 : memref<128x128xf32, #tpu.memory_space<vmem>>) target(%dma_start3A_158 : memref<128x128xf32, #tpu.memory_space<hbm>>) target_semaphore(%arg15 : memref<!tpu.dma_semaphore, #tpu.memory_space<semaphore_mem>>)
    %dma_start3A_159 = arith.constant 2 : i32
    %dma_start3A_160 = arith.constant 0 : i32
    %dma_start3A_161 = tpu.memref_slice %arg7[%dma_start3A_159, %dma_start3A_160] : memref<13x128xi32, #tpu.memory_space<vmem>> -> memref<1x128xi32, #tpu.memory_space<vmem>>
    %dma_start3A_162 = tpu.memref_squeeze %dma_start3A_161 : memref<1x128xi32, #tpu.memory_space<vmem>> -> memref<128xi32, #tpu.memory_space<vmem>>
    %dma_start3A_163 = arith.constant 0 : i32
    %dma_start3A_164 = arith.constant 0 : i32
    %dma_start3A_165 = tpu.memref_slice %arg3[%dma_start3A_163, %dma_start3A_164] : memref<13000x128xf32, #tpu.memory_space<hbm>> -> memref<13000x128xf32, #tpu.memory_space<hbm>>
    tpu.enqueue_indirect_dma source(%dma_start3A_165 : memref<13000x128xf32, #tpu.memory_space<hbm>>) target(%arg10 : memref<128x128xf32, #tpu.memory_space<vmem>>) offsets(%dma_start3A_162 : memref<128xi32, #tpu.memory_space<vmem>>) semaphore(%arg13 : memref<!tpu.dma_semaphore, #tpu.memory_space<semaphore_mem>>)
    %dma_wait3A_166 = arith.constant 1 : i32
    %dma_wait3A_167 = arith.constant 0 : i32
    %dma_wait3A_168 = tpu.memref_slice %arg7[%dma_wait3A_166, %dma_wait3A_167] : memref<13x128xi32, #tpu.memory_space<vmem>> -> memref<1x128xi32, #tpu.memory_space<vmem>>
    %dma_wait3A_169 = tpu.memref_squeeze %dma_wait3A_168 : memref<1x128xi32, #tpu.memory_space<vmem>> -> memref<128xi32, #tpu.memory_space<vmem>>
    %dma_wait3A_170 = arith.constant 0 : i32
    %dma_wait3A_171 = arith.constant 0 : i32
    %dma_wait3A_172 = tpu.memref_slice %arg3[%dma_wait3A_170, %dma_wait3A_171] : memref<13000x128xf32, #tpu.memory_space<hbm>> -> memref<13000x128xf32, #tpu.memory_space<hbm>>
    tpu.wait_indirect_dma semaphore(%arg13 : memref<!tpu.dma_semaphore, #tpu.memory_space<semaphore_mem>>) src(%dma_wait3A_172 : memref<13000x128xf32, #tpu.memory_space<hbm>>) dst(%arg9 : memref<128x128xf32, #tpu.memory_space<vmem>>)
    %dma_start3A_173 = arith.constant 1 : i32
    %dma_start3A_174 = arith.constant 0 : i32
    %dma_start3A_175 = tpu.memref_slice %arg5[%dma_start3A_173, %mul3A_2, %dma_start3A_174] : memref<13x4096x128xf32, #tpu.memory_space<hbm>> -> memref<1x128x128xf32, #tpu.memory_space<hbm>>
    %dma_start3A_176 = tpu.memref_squeeze %dma_start3A_175 : memref<1x128x128xf32, #tpu.memory_space<hbm>> -> memref<128x128xf32, #tpu.memory_space<hbm>>
    %dma_start3A_177 = arith.constant 0 : i32
    %dma_start3A_178 = tpu.memref_slice %arg5[%dma_start3A_173, %mul3A_2, %dma_start3A_177] : memref<13x4096x128xf32, #tpu.memory_space<hbm>> -> memref<1x128x128xf32, #tpu.memory_space<hbm>>
    %dma_start3A_179 = tpu.memref_squeeze %dma_start3A_178 : memref<1x128x128xf32, #tpu.memory_space<hbm>> -> memref<128x128xf32, #tpu.memory_space<hbm>>
    tpu.enqueue_dma source(%arg9 : memref<128x128xf32, #tpu.memory_space<vmem>>) target(%dma_start3A_179 : memref<128x128xf32, #tpu.memory_space<hbm>>) target_semaphore(%arg15 : memref<!tpu.dma_semaphore, #tpu.memory_space<semaphore_mem>>)
    %dma_wait3A_180 = arith.constant 0 : i32
    %dma_wait3A_181 = arith.constant 0 : i32
    %dma_wait3A_182 = tpu.memref_slice %arg5[%dma_wait3A_180, %mul3A_2, %dma_wait3A_181] : memref<13x4096x128xf32, #tpu.memory_space<hbm>> -> memref<1x128x128xf32, #tpu.memory_space<hbm>>
    %dma_wait3A_183 = tpu.memref_squeeze %dma_wait3A_182 : memref<1x128x128xf32, #tpu.memory_space<hbm>> -> memref<128x128xf32, #tpu.memory_space<hbm>>
    %dma_wait3A_184 = arith.constant 0 : i32
    %dma_wait3A_185 = tpu.memref_slice %arg5[%dma_wait3A_180, %mul3A_2, %dma_wait3A_184] : memref<13x4096x128xf32, #tpu.memory_space<hbm>> -> memref<1x128x128xf32, #tpu.memory_space<hbm>>
    %dma_wait3A_186 = tpu.memref_squeeze %dma_wait3A_185 : memref<1x128x128xf32, #tpu.memory_space<hbm>> -> memref<128x128xf32, #tpu.memory_space<hbm>>
    tpu.wait_dma2 semaphore(%arg15 : memref<!tpu.dma_semaphore, #tpu.memory_space<semaphore_mem>>) src(%arg8 : memref<128x128xf32, #tpu.memory_space<vmem>>) dst(%dma_wait3A_186 : memref<128x128xf32, #tpu.memory_space<hbm>>)
    %dma_start3A_187 = arith.constant 3 : i32
    %dma_start3A_188 = arith.constant 0 : i32
    %dma_start3A_189 = tpu.memref_slice %arg7[%dma_start3A_187, %dma_start3A_188] : memref<13x128xi32, #tpu.memory_space<vmem>> -> memref<1x128xi32, #tpu.memory_space<vmem>>
    %dma_start3A_190 = tpu.memref_squeeze %dma_start3A_189 : memref<1x128xi32, #tpu.memory_space<vmem>> -> memref<128xi32, #tpu.memory_space<vmem>>
    %dma_start3A_191 = arith.constant 0 : i32
    %dma_start3A_192 = arith.constant 0 : i32
    %dma_start3A_193 = tpu.memref_slice %arg3[%dma_start3A_191, %dma_start3A_192] : memref<13000x128xf32, #tpu.memory_space<hbm>> -> memref<13000x128xf32, #tpu.memory_space<hbm>>
    tpu.enqueue_indirect_dma source(%dma_start3A_193 : memref<13000x128xf32, #tpu.memory_space<hbm>>) target(%arg8 : memref<128x128xf32, #tpu.memory_space<vmem>>) offsets(%dma_start3A_190 : memref<128xi32, #tpu.memory_space<vmem>>) semaphore(%arg13 : memref<!tpu.dma_semaphore, #tpu.memory_space<semaphore_mem>>)
    %dma_wait3A_194 = arith.constant 2 : i32
    %dma_wait3A_195 = arith.constant 0 : i32
    %dma_wait3A_196 = tpu.memref_slice %arg7[%dma_wait3A_194, %dma_wait3A_195] : memref<13x128xi32, #tpu.memory_space<vmem>> -> memref<1x128xi32, #tpu.memory_space<vmem>>
    %dma_wait3A_197 = tpu.memref_squeeze %dma_wait3A_196 : memref<1x128xi32, #tpu.memory_space<vmem>> -> memref<128xi32, #tpu.memory_space<vmem>>
    %dma_wait3A_198 = arith.constant 0 : i32
    %dma_wait3A_199 = arith.constant 0 : i32
    %dma_wait3A_200 = tpu.memref_slice %arg3[%dma_wait3A_198, %dma_wait3A_199] : memref<13000x128xf32, #tpu.memory_space<hbm>> -> memref<13000x128xf32, #tpu.memory_space<hbm>>
    tpu.wait_indirect_dma semaphore(%arg13 : memref<!tpu.dma_semaphore, #tpu.memory_space<semaphore_mem>>) src(%dma_wait3A_200 : memref<13000x128xf32, #tpu.memory_space<hbm>>) dst(%arg10 : memref<128x128xf32, #tpu.memory_space<vmem>>)
    %dma_start3A_201 = arith.constant 2 : i32
    %dma_start3A_202 = arith.constant 0 : i32
    %dma_start3A_203 = tpu.memref_slice %arg5[%dma_start3A_201, %mul3A_2, %dma_start3A_202] : memref<13x4096x128xf32, #tpu.memory_space<hbm>> -> memref<1x128x128xf32, #tpu.memory_space<hbm>>
    %dma_start3A_204 = tpu.memref_squeeze %dma_start3A_203 : memref<1x128x128xf32, #tpu.memory_space<hbm>> -> memref<128x128xf32, #tpu.memory_space<hbm>>
    %dma_start3A_205 = arith.constant 0 : i32
    %dma_start3A_206 = tpu.memref_slice %arg5[%dma_start3A_201, %mul3A_2, %dma_start3A_205] : memref<13x4096x128xf32, #tpu.memory_space<hbm>> -> memref<1x128x128xf32, #tpu.memory_space<hbm>>
    %dma_start3A_207 = tpu.memref_squeeze %dma_start3A_206 : memref<1x128x128xf32, #tpu.memory_space<hbm>> -> memref<128x128xf32, #tpu.memory_space<hbm>>
    tpu.enqueue_dma source(%arg10 : memref<128x128xf32, #tpu.memory_space<vmem>>) target(%dma_start3A_207 : memref<128x128xf32, #tpu.memory_space<hbm>>) target_semaphore(%arg15 : memref<!tpu.dma_semaphore, #tpu.memory_space<semaphore_mem>>)
    %dma_wait3A_208 = arith.constant 1 : i32
    %dma_wait3A_209 = arith.constant 0 : i32
    %dma_wait3A_210 = tpu.memref_slice %arg5[%dma_wait3A_208, %mul3A_2, %dma_wait3A_209] : memref<13x4096x128xf32, #tpu.memory_space<hbm>> -> memref<1x128x128xf32, #tpu.memory_space<hbm>>
    %dma_wait3A_211 = tpu.memref_squeeze %dma_wait3A_210 : memref<1x128x128xf32, #tpu.memory_space<hbm>> -> memref<128x128xf32, #tpu.memory_space<hbm>>
    %dma_wait3A_212 = arith.constant 0 : i32
    %dma_wait3A_213 = tpu.memref_slice %arg5[%dma_wait3A_208, %mul3A_2, %dma_wait3A_212] : memref<13x4096x128xf32, #tpu.memory_space<hbm>> -> memref<1x128x128xf32, #tpu.memory_space<hbm>>
    %dma_wait3A_214 = tpu.memref_squeeze %dma_wait3A_213 : memref<1x128x128xf32, #tpu.memory_space<hbm>> -> memref<128x128xf32, #tpu.memory_space<hbm>>
    tpu.wait_dma2 semaphore(%arg15 : memref<!tpu.dma_semaphore, #tpu.memory_space<semaphore_mem>>) src(%arg9 : memref<128x128xf32, #tpu.memory_space<vmem>>) dst(%dma_wait3A_214 : memref<128x128xf32, #tpu.memory_space<hbm>>)
    %dma_start3A_215 = arith.constant 4 : i32
    %dma_start3A_216 = arith.constant 0 : i32
    %dma_start3A_217 = tpu.memref_slice %arg7[%dma_start3A_215, %dma_start3A_216] : memref<13x128xi32, #tpu.memory_space<vmem>> -> memref<1x128xi32, #tpu.memory_space<vmem>>
    %dma_start3A_218 = tpu.memref_squeeze %dma_start3A_217 : memref<1x128xi32, #tpu.memory_space<vmem>> -> memref<128xi32, #tpu.memory_space<vmem>>
    %dma_start3A_219 = arith.constant 0 : i32
    %dma_start3A_220 = arith.constant 0 : i32
    %dma_start3A_221 = tpu.memref_slice %arg3[%dma_start3A_219, %dma_start3A_220] : memref<13000x128xf32, #tpu.memory_space<hbm>> -> memref<13000x128xf32, #tpu.memory_space<hbm>>
    tpu.enqueue_indirect_dma source(%dma_start3A_221 : memref<13000x128xf32, #tpu.memory_space<hbm>>) target(%arg9 : memref<128x128xf32, #tpu.memory_space<vmem>>) offsets(%dma_start3A_218 : memref<128xi32, #tpu.memory_space<vmem>>) semaphore(%arg13 : memref<!tpu.dma_semaphore, #tpu.memory_space<semaphore_mem>>)
    %dma_wait3A_222 = arith.constant 3 : i32
    %dma_wait3A_223 = arith.constant 0 : i32
    %dma_wait3A_224 = tpu.memref_slice %arg7[%dma_wait3A_222, %dma_wait3A_223] : memref<13x128xi32, #tpu.memory_space<vmem>> -> memref<1x128xi32, #tpu.memory_space<vmem>>
    %dma_wait3A_225 = tpu.memref_squeeze %dma_wait3A_224 : memref<1x128xi32, #tpu.memory_space<vmem>> -> memref<128xi32, #tpu.memory_space<vmem>>
    %dma_wait3A_226 = arith.constant 0 : i32
    %dma_wait3A_227 = arith.constant 0 : i32
    %dma_wait3A_228 = tpu.memref_slice %arg3[%dma_wait3A_226, %dma_wait3A_227] : memref<13000x128xf32, #tpu.memory_space<hbm>> -> memref<13000x128xf32, #tpu.memory_space<hbm>>
    tpu.wait_indirect_dma semaphore(%arg13 : memref<!tpu.dma_semaphore, #tpu.memory_space<semaphore_mem>>) src(%dma_wait3A_228 : memref<13000x128xf32, #tpu.memory_space<hbm>>) dst(%arg8 : memref<128x128xf32, #tpu.memory_space<vmem>>)
    %dma_start3A_229 = arith.constant 3 : i32
    %dma_start3A_230 = arith.constant 0 : i32
    %dma_start3A_231 = tpu.memref_slice %arg5[%dma_start3A_229, %mul3A_2, %dma_start3A_230] : memref<13x4096x128xf32, #tpu.memory_space<hbm>> -> memref<1x128x128xf32, #tpu.memory_space<hbm>>
    %dma_start3A_232 = tpu.memref_squeeze %dma_start3A_231 : memref<1x128x128xf32, #tpu.memory_space<hbm>> -> memref<128x128xf32, #tpu.memory_space<hbm>>
    %dma_start3A_233 = arith.constant 0 : i32
    %dma_start3A_234 = tpu.memref_slice %arg5[%dma_start3A_229, %mul3A_2, %dma_start3A_233] : memref<13x4096x128xf32, #tpu.memory_space<hbm>> -> memref<1x128x128xf32, #tpu.memory_space<hbm>>
    %dma_start3A_235 = tpu.memref_squeeze %dma_start3A_234 : memref<1x128x128xf32, #tpu.memory_space<hbm>> -> memref<128x128xf32, #tpu.memory_space<hbm>>
    tpu.enqueue_dma source(%arg8 : memref<128x128xf32, #tpu.memory_space<vmem>>) target(%dma_start3A_235 : memref<128x128xf32, #tpu.memory_space<hbm>>) target_semaphore(%arg15 : memref<!tpu.dma_semaphore, #tpu.memory_space<semaphore_mem>>)
    %dma_wait3A_236 = arith.constant 2 : i32
    %dma_wait3A_237 = arith.constant 0 : i32
    %dma_wait3A_238 = tpu.memref_slice %arg5[%dma_wait3A_236, %mul3A_2, %dma_wait3A_237] : memref<13x4096x128xf32, #tpu.memory_space<hbm>> -> memref<1x128x128xf32, #tpu.memory_space<hbm>>
    %dma_wait3A_239 = tpu.memref_squeeze %dma_wait3A_238 : memref<1x128x128xf32, #tpu.memory_space<hbm>> -> memref<128x128xf32, #tpu.memory_space<hbm>>
    %dma_wait3A_240 = arith.constant 0 : i32
    %dma_wait3A_241 = tpu.memref_slice %arg5[%dma_wait3A_236, %mul3A_2, %dma_wait3A_240] : memref<13x4096x128xf32, #tpu.memory_space<hbm>> -> memref<1x128x128xf32, #tpu.memory_space<hbm>>
    %dma_wait3A_242 = tpu.memref_squeeze %dma_wait3A_241 : memref<1x128x128xf32, #tpu.memory_space<hbm>> -> memref<128x128xf32, #tpu.memory_space<hbm>>
    tpu.wait_dma2 semaphore(%arg15 : memref<!tpu.dma_semaphore, #tpu.memory_space<semaphore_mem>>) src(%arg10 : memref<128x128xf32, #tpu.memory_space<vmem>>) dst(%dma_wait3A_242 : memref<128x128xf32, #tpu.memory_space<hbm>>)
    %dma_start3A_243 = arith.constant 5 : i32
    %dma_start3A_244 = arith.constant 0 : i32
    %dma_start3A_245 = tpu.memref_slice %arg7[%dma_start3A_243, %dma_start3A_244] : memref<13x128xi32, #tpu.memory_space<vmem>> -> memref<1x128xi32, #tpu.memory_space<vmem>>
    %dma_start3A_246 = tpu.memref_squeeze %dma_start3A_245 : memref<1x128xi32, #tpu.memory_space<vmem>> -> memref<128xi32, #tpu.memory_space<vmem>>
    %dma_start3A_247 = arith.constant 0 : i32
    %dma_start3A_248 = arith.constant 0 : i32
    %dma_start3A_249 = tpu.memref_slice %arg3[%dma_start3A_247, %dma_start3A_248] : memref<13000x128xf32, #tpu.memory_space<hbm>> -> memref<13000x128xf32, #tpu.memory_space<hbm>>
    tpu.enqueue_indirect_dma source(%dma_start3A_249 : memref<13000x128xf32, #tpu.memory_space<hbm>>) target(%arg10 : memref<128x128xf32, #tpu.memory_space<vmem>>) offsets(%dma_start3A_246 : memref<128xi32, #tpu.memory_space<vmem>>) semaphore(%arg13 : memref<!tpu.dma_semaphore, #tpu.memory_space<semaphore_mem>>)
    %dma_wait3A_250 = arith.constant 4 : i32
    %dma_wait3A_251 = arith.constant 0 : i32
    %dma_wait3A_252 = tpu.memref_slice %arg7[%dma_wait3A_250, %dma_wait3A_251] : memref<13x128xi32, #tpu.memory_space<vmem>> -> memref<1x128xi32, #tpu.memory_space<vmem>>
    %dma_wait3A_253 = tpu.memref_squeeze %dma_wait3A_252 : memref<1x128xi32, #tpu.memory_space<vmem>> -> memref<128xi32, #tpu.memory_space<vmem>>
    %dma_wait3A_254 = arith.constant 0 : i32
    %dma_wait3A_255 = arith.constant 0 : i32
    %dma_wait3A_256 = tpu.memref_slice %arg3[%dma_wait3A_254, %dma_wait3A_255] : memref<13000x128xf32, #tpu.memory_space<hbm>> -> memref<13000x128xf32, #tpu.memory_space<hbm>>
    tpu.wait_indirect_dma semaphore(%arg13 : memref<!tpu.dma_semaphore, #tpu.memory_space<semaphore_mem>>) src(%dma_wait3A_256 : memref<13000x128xf32, #tpu.memory_space<hbm>>) dst(%arg9 : memref<128x128xf32, #tpu.memory_space<vmem>>)
    %dma_start3A_257 = arith.constant 4 : i32
    %dma_start3A_258 = arith.constant 0 : i32
    %dma_start3A_259 = tpu.memref_slice %arg5[%dma_start3A_257, %mul3A_2, %dma_start3A_258] : memref<13x4096x128xf32, #tpu.memory_space<hbm>> -> memref<1x128x128xf32, #tpu.memory_space<hbm>>
    %dma_start3A_260 = tpu.memref_squeeze %dma_start3A_259 : memref<1x128x128xf32, #tpu.memory_space<hbm>> -> memref<128x128xf32, #tpu.memory_space<hbm>>
    %dma_start3A_261 = arith.constant 0 : i32
    %dma_start3A_262 = tpu.memref_slice %arg5[%dma_start3A_257, %mul3A_2, %dma_start3A_261] : memref<13x4096x128xf32, #tpu.memory_space<hbm>> -> memref<1x128x128xf32, #tpu.memory_space<hbm>>
    %dma_start3A_263 = tpu.memref_squeeze %dma_start3A_262 : memref<1x128x128xf32, #tpu.memory_space<hbm>> -> memref<128x128xf32, #tpu.memory_space<hbm>>
    tpu.enqueue_dma source(%arg9 : memref<128x128xf32, #tpu.memory_space<vmem>>) target(%dma_start3A_263 : memref<128x128xf32, #tpu.memory_space<hbm>>) target_semaphore(%arg15 : memref<!tpu.dma_semaphore, #tpu.memory_space<semaphore_mem>>)
    %dma_wait3A_264 = arith.constant 3 : i32
    %dma_wait3A_265 = arith.constant 0 : i32
    %dma_wait3A_266 = tpu.memref_slice %arg5[%dma_wait3A_264, %mul3A_2, %dma_wait3A_265] : memref<13x4096x128xf32, #tpu.memory_space<hbm>> -> memref<1x128x128xf32, #tpu.memory_space<hbm>>
    %dma_wait3A_267 = tpu.memref_squeeze %dma_wait3A_266 : memref<1x128x128xf32, #tpu.memory_space<hbm>> -> memref<128x128xf32, #tpu.memory_space<hbm>>
    %dma_wait3A_268 = arith.constant 0 : i32
    %dma_wait3A_269 = tpu.memref_slice %arg5[%dma_wait3A_264, %mul3A_2, %dma_wait3A_268] : memref<13x4096x128xf32, #tpu.memory_space<hbm>> -> memref<1x128x128xf32, #tpu.memory_space<hbm>>
    %dma_wait3A_270 = tpu.memref_squeeze %dma_wait3A_269 : memref<1x128x128xf32, #tpu.memory_space<hbm>> -> memref<128x128xf32, #tpu.memory_space<hbm>>
    tpu.wait_dma2 semaphore(%arg15 : memref<!tpu.dma_semaphore, #tpu.memory_space<semaphore_mem>>) src(%arg8 : memref<128x128xf32, #tpu.memory_space<vmem>>) dst(%dma_wait3A_270 : memref<128x128xf32, #tpu.memory_space<hbm>>)
    %dma_start3A_271 = arith.constant 6 : i32
    %dma_start3A_272 = arith.constant 0 : i32
    %dma_start3A_273 = tpu.memref_slice %arg7[%dma_start3A_271, %dma_start3A_272] : memref<13x128xi32, #tpu.memory_space<vmem>> -> memref<1x128xi32, #tpu.memory_space<vmem>>
    %dma_start3A_274 = tpu.memref_squeeze %dma_start3A_273 : memref<1x128xi32, #tpu.memory_space<vmem>> -> memref<128xi32, #tpu.memory_space<vmem>>
    %dma_start3A_275 = arith.constant 0 : i32
    %dma_start3A_276 = arith.constant 0 : i32
    %dma_start3A_277 = tpu.memref_slice %arg3[%dma_start3A_275, %dma_start3A_276] : memref<13000x128xf32, #tpu.memory_space<hbm>> -> memref<13000x128xf32, #tpu.memory_space<hbm>>
    tpu.enqueue_indirect_dma source(%dma_start3A_277 : memref<13000x128xf32, #tpu.memory_space<hbm>>) target(%arg8 : memref<128x128xf32, #tpu.memory_space<vmem>>) offsets(%dma_start3A_274 : memref<128xi32, #tpu.memory_space<vmem>>) semaphore(%arg13 : memref<!tpu.dma_semaphore, #tpu.memory_space<semaphore_mem>>)
    %dma_wait3A_278 = arith.constant 5 : i32
    %dma_wait3A_279 = arith.constant 0 : i32
    %dma_wait3A_280 = tpu.memref_slice %arg7[%dma_wait3A_278, %dma_wait3A_279] : memref<13x128xi32, #tpu.memory_space<vmem>> -> memref<1x128xi32, #tpu.memory_space<vmem>>
    %dma_wait3A_281 = tpu.memref_squeeze %dma_wait3A_280 : memref<1x128xi32, #tpu.memory_space<vmem>> -> memref<128xi32, #tpu.memory_space<vmem>>
    %dma_wait3A_282 = arith.constant 0 : i32
    %dma_wait3A_283 = arith.constant 0 : i32
    %dma_wait3A_284 = tpu.memref_slice %arg3[%dma_wait3A_282, %dma_wait3A_283] : memref<13000x128xf32, #tpu.memory_space<hbm>> -> memref<13000x128xf32, #tpu.memory_space<hbm>>
    tpu.wait_indirect_dma semaphore(%arg13 : memref<!tpu.dma_semaphore, #tpu.memory_space<semaphore_mem>>) src(%dma_wait3A_284 : memref<13000x128xf32, #tpu.memory_space<hbm>>) dst(%arg10 : memref<128x128xf32, #tpu.memory_space<vmem>>)
    %dma_start3A_285 = arith.constant 5 : i32
    %dma_start3A_286 = arith.constant 0 : i32
    %dma_start3A_287 = tpu.memref_slice %arg5[%dma_start3A_285, %mul3A_2, %dma_start3A_286] : memref<13x4096x128xf32, #tpu.memory_space<hbm>> -> memref<1x128x128xf32, #tpu.memory_space<hbm>>
    %dma_start3A_288 = tpu.memref_squeeze %dma_start3A_287 : memref<1x128x128xf32, #tpu.memory_space<hbm>> -> memref<128x128xf32, #tpu.memory_space<hbm>>
    %dma_start3A_289 = arith.constant 0 : i32
    %dma_start3A_290 = tpu.memref_slice %arg5[%dma_start3A_285, %mul3A_2, %dma_start3A_289] : memref<13x4096x128xf32, #tpu.memory_space<hbm>> -> memref<1x128x128xf32, #tpu.memory_space<hbm>>
    %dma_start3A_291 = tpu.memref_squeeze %dma_start3A_290 : memref<1x128x128xf32, #tpu.memory_space<hbm>> -> memref<128x128xf32, #tpu.memory_space<hbm>>
    tpu.enqueue_dma source(%arg10 : memref<128x128xf32, #tpu.memory_space<vmem>>) target(%dma_start3A_291 : memref<128x128xf32, #tpu.memory_space<hbm>>) target_semaphore(%arg15 : memref<!tpu.dma_semaphore, #tpu.memory_space<semaphore_mem>>)
    %dma_wait3A_292 = arith.constant 4 : i32
    %dma_wait3A_293 = arith.constant 0 : i32
    %dma_wait3A_294 = tpu.memref_slice %arg5[%dma_wait3A_292, %mul3A_2, %dma_wait3A_293] : memref<13x4096x128xf32, #tpu.memory_space<hbm>> -> memref<1x128x128xf32, #tpu.memory_space<hbm>>
    %dma_wait3A_295 = tpu.memref_squeeze %dma_wait3A_294 : memref<1x128x128xf32, #tpu.memory_space<hbm>> -> memref<128x128xf32, #tpu.memory_space<hbm>>
    %dma_wait3A_296 = arith.constant 0 : i32
    %dma_wait3A_297 = tpu.memref_slice %arg5[%dma_wait3A_292, %mul3A_2, %dma_wait3A_296] : memref<13x4096x128xf32, #tpu.memory_space<hbm>> -> memref<1x128x128xf32, #tpu.memory_space<hbm>>
    %dma_wait3A_298 = tpu.memref_squeeze %dma_wait3A_297 : memref<1x128x128xf32, #tpu.memory_space<hbm>> -> memref<128x128xf32, #tpu.memory_space<hbm>>
    tpu.wait_dma2 semaphore(%arg15 : memref<!tpu.dma_semaphore, #tpu.memory_space<semaphore_mem>>) src(%arg9 : memref<128x128xf32, #tpu.memory_space<vmem>>) dst(%dma_wait3A_298 : memref<128x128xf32, #tpu.memory_space<hbm>>)
    %dma_start3A_299 = arith.constant 7 : i32
    %dma_start3A_300 = arith.constant 0 : i32
    %dma_start3A_301 = tpu.memref_slice %arg7[%dma_start3A_299, %dma_start3A_300] : memref<13x128xi32, #tpu.memory_space<vmem>> -> memref<1x128xi32, #tpu.memory_space<vmem>>
    %dma_start3A_302 = tpu.memref_squeeze %dma_start3A_301 : memref<1x128xi32, #tpu.memory_space<vmem>> -> memref<128xi32, #tpu.memory_space<vmem>>
    %dma_start3A_303 = arith.constant 0 : i32
    %dma_start3A_304 = arith.constant 0 : i32
    %dma_start3A_305 = tpu.memref_slice %arg3[%dma_start3A_303, %dma_start3A_304] : memref<13000x128xf32, #tpu.memory_space<hbm>> -> memref<13000x128xf32, #tpu.memory_space<hbm>>
    tpu.enqueue_indirect_dma source(%dma_start3A_305 : memref<13000x128xf32, #tpu.memory_space<hbm>>) target(%arg9 : memref<128x128xf32, #tpu.memory_space<vmem>>) offsets(%dma_start3A_302 : memref<128xi32, #tpu.memory_space<vmem>>) semaphore(%arg13 : memref<!tpu.dma_semaphore, #tpu.memory_space<semaphore_mem>>)
    %dma_wait3A_306 = arith.constant 6 : i32
    %dma_wait3A_307 = arith.constant 0 : i32
    %dma_wait3A_308 = tpu.memref_slice %arg7[%dma_wait3A_306, %dma_wait3A_307] : memref<13x128xi32, #tpu.memory_space<vmem>> -> memref<1x128xi32, #tpu.memory_space<vmem>>
    %dma_wait3A_309 = tpu.memref_squeeze %dma_wait3A_308 : memref<1x128xi32, #tpu.memory_space<vmem>> -> memref<128xi32, #tpu.memory_space<vmem>>
    %dma_wait3A_310 = arith.constant 0 : i32
    %dma_wait3A_311 = arith.constant 0 : i32
    %dma_wait3A_312 = tpu.memref_slice %arg3[%dma_wait3A_310, %dma_wait3A_311] : memref<13000x128xf32, #tpu.memory_space<hbm>> -> memref<13000x128xf32, #tpu.memory_space<hbm>>
    tpu.wait_indirect_dma semaphore(%arg13 : memref<!tpu.dma_semaphore, #tpu.memory_space<semaphore_mem>>) src(%dma_wait3A_312 : memref<13000x128xf32, #tpu.memory_space<hbm>>) dst(%arg8 : memref<128x128xf32, #tpu.memory_space<vmem>>)
    %dma_start3A_313 = arith.constant 6 : i32
    %dma_start3A_314 = arith.constant 0 : i32
    %dma_start3A_315 = tpu.memref_slice %arg5[%dma_start3A_313, %mul3A_2, %dma_start3A_314] : memref<13x4096x128xf32, #tpu.memory_space<hbm>> -> memref<1x128x128xf32, #tpu.memory_space<hbm>>
    %dma_start3A_316 = tpu.memref_squeeze %dma_start3A_315 : memref<1x128x128xf32, #tpu.memory_space<hbm>> -> memref<128x128xf32, #tpu.memory_space<hbm>>
    %dma_start3A_317 = arith.constant 0 : i32
    %dma_start3A_318 = tpu.memref_slice %arg5[%dma_start3A_313, %mul3A_2, %dma_start3A_317] : memref<13x4096x128xf32, #tpu.memory_space<hbm>> -> memref<1x128x128xf32, #tpu.memory_space<hbm>>
    %dma_start3A_319 = tpu.memref_squeeze %dma_start3A_318 : memref<1x128x128xf32, #tpu.memory_space<hbm>> -> memref<128x128xf32, #tpu.memory_space<hbm>>
    tpu.enqueue_dma source(%arg8 : memref<128x128xf32, #tpu.memory_space<vmem>>) target(%dma_start3A_319 : memref<128x128xf32, #tpu.memory_space<hbm>>) target_semaphore(%arg15 : memref<!tpu.dma_semaphore, #tpu.memory_space<semaphore_mem>>)
    %dma_wait3A_320 = arith.constant 5 : i32
    %dma_wait3A_321 = arith.constant 0 : i32
    %dma_wait3A_322 = tpu.memref_slice %arg5[%dma_wait3A_320, %mul3A_2, %dma_wait3A_321] : memref<13x4096x128xf32, #tpu.memory_space<hbm>> -> memref<1x128x128xf32, #tpu.memory_space<hbm>>
    %dma_wait3A_323 = tpu.memref_squeeze %dma_wait3A_322 : memref<1x128x128xf32, #tpu.memory_space<hbm>> -> memref<128x128xf32, #tpu.memory_space<hbm>>
    %dma_wait3A_324 = arith.constant 0 : i32
    %dma_wait3A_325 = tpu.memref_slice %arg5[%dma_wait3A_320, %mul3A_2, %dma_wait3A_324] : memref<13x4096x128xf32, #tpu.memory_space<hbm>> -> memref<1x128x128xf32, #tpu.memory_space<hbm>>
    %dma_wait3A_326 = tpu.memref_squeeze %dma_wait3A_325 : memref<1x128x128xf32, #tpu.memory_space<hbm>> -> memref<128x128xf32, #tpu.memory_space<hbm>>
    tpu.wait_dma2 semaphore(%arg15 : memref<!tpu.dma_semaphore, #tpu.memory_space<semaphore_mem>>) src(%arg10 : memref<128x128xf32, #tpu.memory_space<vmem>>) dst(%dma_wait3A_326 : memref<128x128xf32, #tpu.memory_space<hbm>>)
    %dma_start3A_327 = arith.constant 8 : i32
    %dma_start3A_328 = arith.constant 0 : i32
    %dma_start3A_329 = tpu.memref_slice %arg7[%dma_start3A_327, %dma_start3A_328] : memref<13x128xi32, #tpu.memory_space<vmem>> -> memref<1x128xi32, #tpu.memory_space<vmem>>
    %dma_start3A_330 = tpu.memref_squeeze %dma_start3A_329 : memref<1x128xi32, #tpu.memory_space<vmem>> -> memref<128xi32, #tpu.memory_space<vmem>>
    %dma_start3A_331 = arith.constant 0 : i32
    %dma_start3A_332 = arith.constant 0 : i32
    %dma_start3A_333 = tpu.memref_slice %arg3[%dma_start3A_331, %dma_start3A_332] : memref<13000x128xf32, #tpu.memory_space<hbm>> -> memref<13000x128xf32, #tpu.memory_space<hbm>>
    tpu.enqueue_indirect_dma source(%dma_start3A_333 : memref<13000x128xf32, #tpu.memory_space<hbm>>) target(%arg10 : memref<128x128xf32, #tpu.memory_space<vmem>>) offsets(%dma_start3A_330 : memref<128xi32, #tpu.memory_space<vmem>>) semaphore(%arg13 : memref<!tpu.dma_semaphore, #tpu.memory_space<semaphore_mem>>)
    %dma_wait3A_334 = arith.constant 7 : i32
    %dma_wait3A_335 = arith.constant 0 : i32
    %dma_wait3A_336 = tpu.memref_slice %arg7[%dma_wait3A_334, %dma_wait3A_335] : memref<13x128xi32, #tpu.memory_space<vmem>> -> memref<1x128xi32, #tpu.memory_space<vmem>>
    %dma_wait3A_337 = tpu.memref_squeeze %dma_wait3A_336 : memref<1x128xi32, #tpu.memory_space<vmem>> -> memref<128xi32, #tpu.memory_space<vmem>>
    %dma_wait3A_338 = arith.constant 0 : i32
    %dma_wait3A_339 = arith.constant 0 : i32
    %dma_wait3A_340 = tpu.memref_slice %arg3[%dma_wait3A_338, %dma_wait3A_339] : memref<13000x128xf32, #tpu.memory_space<hbm>> -> memref<13000x128xf32, #tpu.memory_space<hbm>>
    tpu.wait_indirect_dma semaphore(%arg13 : memref<!tpu.dma_semaphore, #tpu.memory_space<semaphore_mem>>) src(%dma_wait3A_340 : memref<13000x128xf32, #tpu.memory_space<hbm>>) dst(%arg9 : memref<128x128xf32, #tpu.memory_space<vmem>>)
    %dma_start3A_341 = arith.constant 7 : i32
    %dma_start3A_342 = arith.constant 0 : i32
    %dma_start3A_343 = tpu.memref_slice %arg5[%dma_start3A_341, %mul3A_2, %dma_start3A_342] : memref<13x4096x128xf32, #tpu.memory_space<hbm>> -> memref<1x128x128xf32, #tpu.memory_space<hbm>>
    %dma_start3A_344 = tpu.memref_squeeze %dma_start3A_343 : memref<1x128x128xf32, #tpu.memory_space<hbm>> -> memref<128x128xf32, #tpu.memory_space<hbm>>
    %dma_start3A_345 = arith.constant 0 : i32
    %dma_start3A_346 = tpu.memref_slice %arg5[%dma_start3A_341, %mul3A_2, %dma_start3A_345] : memref<13x4096x128xf32, #tpu.memory_space<hbm>> -> memref<1x128x128xf32, #tpu.memory_space<hbm>>
    %dma_start3A_347 = tpu.memref_squeeze %dma_start3A_346 : memref<1x128x128xf32, #tpu.memory_space<hbm>> -> memref<128x128xf32, #tpu.memory_space<hbm>>
    tpu.enqueue_dma source(%arg9 : memref<128x128xf32, #tpu.memory_space<vmem>>) target(%dma_start3A_347 : memref<128x128xf32, #tpu.memory_space<hbm>>) target_semaphore(%arg15 : memref<!tpu.dma_semaphore, #tpu.memory_space<semaphore_mem>>)
    %dma_wait3A_348 = arith.constant 6 : i32
    %dma_wait3A_349 = arith.constant 0 : i32
    %dma_wait3A_350 = tpu.memref_slice %arg5[%dma_wait3A_348, %mul3A_2, %dma_wait3A_349] : memref<13x4096x128xf32, #tpu.memory_space<hbm>> -> memref<1x128x128xf32, #tpu.memory_space<hbm>>
    %dma_wait3A_351 = tpu.memref_squeeze %dma_wait3A_350 : memref<1x128x128xf32, #tpu.memory_space<hbm>> -> memref<128x128xf32, #tpu.memory_space<hbm>>
    %dma_wait3A_352 = arith.constant 0 : i32
    %dma_wait3A_353 = tpu.memref_slice %arg5[%dma_wait3A_348, %mul3A_2, %dma_wait3A_352] : memref<13x4096x128xf32, #tpu.memory_space<hbm>> -> memref<1x128x128xf32, #tpu.memory_space<hbm>>
    %dma_wait3A_354 = tpu.memref_squeeze %dma_wait3A_353 : memref<1x128x128xf32, #tpu.memory_space<hbm>> -> memref<128x128xf32, #tpu.memory_space<hbm>>
    tpu.wait_dma2 semaphore(%arg15 : memref<!tpu.dma_semaphore, #tpu.memory_space<semaphore_mem>>) src(%arg8 : memref<128x128xf32, #tpu.memory_space<vmem>>) dst(%dma_wait3A_354 : memref<128x128xf32, #tpu.memory_space<hbm>>)
    %dma_start3A_355 = arith.constant 9 : i32
    %dma_start3A_356 = arith.constant 0 : i32
    %dma_start3A_357 = tpu.memref_slice %arg7[%dma_start3A_355, %dma_start3A_356] : memref<13x128xi32, #tpu.memory_space<vmem>> -> memref<1x128xi32, #tpu.memory_space<vmem>>
    %dma_start3A_358 = tpu.memref_squeeze %dma_start3A_357 : memref<1x128xi32, #tpu.memory_space<vmem>> -> memref<128xi32, #tpu.memory_space<vmem>>
    %dma_start3A_359 = arith.constant 0 : i32
    %dma_start3A_360 = arith.constant 0 : i32
    %dma_start3A_361 = tpu.memref_slice %arg3[%dma_start3A_359, %dma_start3A_360] : memref<13000x128xf32, #tpu.memory_space<hbm>> -> memref<13000x128xf32, #tpu.memory_space<hbm>>
    tpu.enqueue_indirect_dma source(%dma_start3A_361 : memref<13000x128xf32, #tpu.memory_space<hbm>>) target(%arg8 : memref<128x128xf32, #tpu.memory_space<vmem>>) offsets(%dma_start3A_358 : memref<128xi32, #tpu.memory_space<vmem>>) semaphore(%arg13 : memref<!tpu.dma_semaphore, #tpu.memory_space<semaphore_mem>>)
    %dma_wait3A_362 = arith.constant 8 : i32
    %dma_wait3A_363 = arith.constant 0 : i32
    %dma_wait3A_364 = tpu.memref_slice %arg7[%dma_wait3A_362, %dma_wait3A_363] : memref<13x128xi32, #tpu.memory_space<vmem>> -> memref<1x128xi32, #tpu.memory_space<vmem>>
    %dma_wait3A_365 = tpu.memref_squeeze %dma_wait3A_364 : memref<1x128xi32, #tpu.memory_space<vmem>> -> memref<128xi32, #tpu.memory_space<vmem>>
    %dma_wait3A_366 = arith.constant 0 : i32
    %dma_wait3A_367 = arith.constant 0 : i32
    %dma_wait3A_368 = tpu.memref_slice %arg3[%dma_wait3A_366, %dma_wait3A_367] : memref<13000x128xf32, #tpu.memory_space<hbm>> -> memref<13000x128xf32, #tpu.memory_space<hbm>>
    tpu.wait_indirect_dma semaphore(%arg13 : memref<!tpu.dma_semaphore, #tpu.memory_space<semaphore_mem>>) src(%dma_wait3A_368 : memref<13000x128xf32, #tpu.memory_space<hbm>>) dst(%arg10 : memref<128x128xf32, #tpu.memory_space<vmem>>)
    %dma_start3A_369 = arith.constant 8 : i32
    %dma_start3A_370 = arith.constant 0 : i32
    %dma_start3A_371 = tpu.memref_slice %arg5[%dma_start3A_369, %mul3A_2, %dma_start3A_370] : memref<13x4096x128xf32, #tpu.memory_space<hbm>> -> memref<1x128x128xf32, #tpu.memory_space<hbm>>
    %dma_start3A_372 = tpu.memref_squeeze %dma_start3A_371 : memref<1x128x128xf32, #tpu.memory_space<hbm>> -> memref<128x128xf32, #tpu.memory_space<hbm>>
    %dma_start3A_373 = arith.constant 0 : i32
    %dma_start3A_374 = tpu.memref_slice %arg5[%dma_start3A_369, %mul3A_2, %dma_start3A_373] : memref<13x4096x128xf32, #tpu.memory_space<hbm>> -> memref<1x128x128xf32, #tpu.memory_space<hbm>>
    %dma_start3A_375 = tpu.memref_squeeze %dma_start3A_374 : memref<1x128x128xf32, #tpu.memory_space<hbm>> -> memref<128x128xf32, #tpu.memory_space<hbm>>
    tpu.enqueue_dma source(%arg10 : memref<128x128xf32, #tpu.memory_space<vmem>>) target(%dma_start3A_375 : memref<128x128xf32, #tpu.memory_space<hbm>>) target_semaphore(%arg15 : memref<!tpu.dma_semaphore, #tpu.memory_space<semaphore_mem>>)
    %dma_wait3A_376 = arith.constant 7 : i32
    %dma_wait3A_377 = arith.constant 0 : i32
    %dma_wait3A_378 = tpu.memref_slice %arg5[%dma_wait3A_376, %mul3A_2, %dma_wait3A_377] : memref<13x4096x128xf32, #tpu.memory_space<hbm>> -> memref<1x128x128xf32, #tpu.memory_space<hbm>>
    %dma_wait3A_379 = tpu.memref_squeeze %dma_wait3A_378 : memref<1x128x128xf32, #tpu.memory_space<hbm>> -> memref<128x128xf32, #tpu.memory_space<hbm>>
    %dma_wait3A_380 = arith.constant 0 : i32
    %dma_wait3A_381 = tpu.memref_slice %arg5[%dma_wait3A_376, %mul3A_2, %dma_wait3A_380] : memref<13x4096x128xf32, #tpu.memory_space<hbm>> -> memref<1x128x128xf32, #tpu.memory_space<hbm>>
    %dma_wait3A_382 = tpu.memref_squeeze %dma_wait3A_381 : memref<1x128x128xf32, #tpu.memory_space<hbm>> -> memref<128x128xf32, #tpu.memory_space<hbm>>
    tpu.wait_dma2 semaphore(%arg15 : memref<!tpu.dma_semaphore, #tpu.memory_space<semaphore_mem>>) src(%arg9 : memref<128x128xf32, #tpu.memory_space<vmem>>) dst(%dma_wait3A_382 : memref<128x128xf32, #tpu.memory_space<hbm>>)
    %dma_start3A_383 = arith.constant 10 : i32
    %dma_start3A_384 = arith.constant 0 : i32
    %dma_start3A_385 = tpu.memref_slice %arg7[%dma_start3A_383, %dma_start3A_384] : memref<13x128xi32, #tpu.memory_space<vmem>> -> memref<1x128xi32, #tpu.memory_space<vmem>>
    %dma_start3A_386 = tpu.memref_squeeze %dma_start3A_385 : memref<1x128xi32, #tpu.memory_space<vmem>> -> memref<128xi32, #tpu.memory_space<vmem>>
    %dma_start3A_387 = arith.constant 0 : i32
    %dma_start3A_388 = arith.constant 0 : i32
    %dma_start3A_389 = tpu.memref_slice %arg3[%dma_start3A_387, %dma_start3A_388] : memref<13000x128xf32, #tpu.memory_space<hbm>> -> memref<13000x128xf32, #tpu.memory_space<hbm>>
    tpu.enqueue_indirect_dma source(%dma_start3A_389 : memref<13000x128xf32, #tpu.memory_space<hbm>>) target(%arg9 : memref<128x128xf32, #tpu.memory_space<vmem>>) offsets(%dma_start3A_386 : memref<128xi32, #tpu.memory_space<vmem>>) semaphore(%arg13 : memref<!tpu.dma_semaphore, #tpu.memory_space<semaphore_mem>>)
    %dma_wait3A_390 = arith.constant 9 : i32
    %dma_wait3A_391 = arith.constant 0 : i32
    %dma_wait3A_392 = tpu.memref_slice %arg7[%dma_wait3A_390, %dma_wait3A_391] : memref<13x128xi32, #tpu.memory_space<vmem>> -> memref<1x128xi32, #tpu.memory_space<vmem>>
    %dma_wait3A_393 = tpu.memref_squeeze %dma_wait3A_392 : memref<1x128xi32, #tpu.memory_space<vmem>> -> memref<128xi32, #tpu.memory_space<vmem>>
    %dma_wait3A_394 = arith.constant 0 : i32
    %dma_wait3A_395 = arith.constant 0 : i32
    %dma_wait3A_396 = tpu.memref_slice %arg3[%dma_wait3A_394, %dma_wait3A_395] : memref<13000x128xf32, #tpu.memory_space<hbm>> -> memref<13000x128xf32, #tpu.memory_space<hbm>>
    tpu.wait_indirect_dma semaphore(%arg13 : memref<!tpu.dma_semaphore, #tpu.memory_space<semaphore_mem>>) src(%dma_wait3A_396 : memref<13000x128xf32, #tpu.memory_space<hbm>>) dst(%arg8 : memref<128x128xf32, #tpu.memory_space<vmem>>)
    %dma_start3A_397 = arith.constant 9 : i32
    %dma_start3A_398 = arith.constant 0 : i32
    %dma_start3A_399 = tpu.memref_slice %arg5[%dma_start3A_397, %mul3A_2, %dma_start3A_398] : memref<13x4096x128xf32, #tpu.memory_space<hbm>> -> memref<1x128x128xf32, #tpu.memory_space<hbm>>
    %dma_start3A_400 = tpu.memref_squeeze %dma_start3A_399 : memref<1x128x128xf32, #tpu.memory_space<hbm>> -> memref<128x128xf32, #tpu.memory_space<hbm>>
    %dma_start3A_401 = arith.constant 0 : i32
    %dma_start3A_402 = tpu.memref_slice %arg5[%dma_start3A_397, %mul3A_2, %dma_start3A_401] : memref<13x4096x128xf32, #tpu.memory_space<hbm>> -> memref<1x128x128xf32, #tpu.memory_space<hbm>>
    %dma_start3A_403 = tpu.memref_squeeze %dma_start3A_402 : memref<1x128x128xf32, #tpu.memory_space<hbm>> -> memref<128x128xf32, #tpu.memory_space<hbm>>
    tpu.enqueue_dma source(%arg8 : memref<128x128xf32, #tpu.memory_space<vmem>>) target(%dma_start3A_403 : memref<128x128xf32, #tpu.memory_space<hbm>>) target_semaphore(%arg15 : memref<!tpu.dma_semaphore, #tpu.memory_space<semaphore_mem>>)
    %dma_wait3A_404 = arith.constant 8 : i32
    %dma_wait3A_405 = arith.constant 0 : i32
    %dma_wait3A_406 = tpu.memref_slice %arg5[%dma_wait3A_404, %mul3A_2, %dma_wait3A_405] : memref<13x4096x128xf32, #tpu.memory_space<hbm>> -> memref<1x128x128xf32, #tpu.memory_space<hbm>>
    %dma_wait3A_407 = tpu.memref_squeeze %dma_wait3A_406 : memref<1x128x128xf32, #tpu.memory_space<hbm>> -> memref<128x128xf32, #tpu.memory_space<hbm>>
    %dma_wait3A_408 = arith.constant 0 : i32
    %dma_wait3A_409 = tpu.memref_slice %arg5[%dma_wait3A_404, %mul3A_2, %dma_wait3A_408] : memref<13x4096x128xf32, #tpu.memory_space<hbm>> -> memref<1x128x128xf32, #tpu.memory_space<hbm>>
    %dma_wait3A_410 = tpu.memref_squeeze %dma_wait3A_409 : memref<1x128x128xf32, #tpu.memory_space<hbm>> -> memref<128x128xf32, #tpu.memory_space<hbm>>
    tpu.wait_dma2 semaphore(%arg15 : memref<!tpu.dma_semaphore, #tpu.memory_space<semaphore_mem>>) src(%arg10 : memref<128x128xf32, #tpu.memory_space<vmem>>) dst(%dma_wait3A_410 : memref<128x128xf32, #tpu.memory_space<hbm>>)
    %dma_start3A_411 = arith.constant 11 : i32
    %dma_start3A_412 = arith.constant 0 : i32
    %dma_start3A_413 = tpu.memref_slice %arg7[%dma_start3A_411, %dma_start3A_412] : memref<13x128xi32, #tpu.memory_space<vmem>> -> memref<1x128xi32, #tpu.memory_space<vmem>>
    %dma_start3A_414 = tpu.memref_squeeze %dma_start3A_413 : memref<1x128xi32, #tpu.memory_space<vmem>> -> memref<128xi32, #tpu.memory_space<vmem>>
    %dma_start3A_415 = arith.constant 0 : i32
    %dma_start3A_416 = arith.constant 0 : i32
    %dma_start3A_417 = tpu.memref_slice %arg3[%dma_start3A_415, %dma_start3A_416] : memref<13000x128xf32, #tpu.memory_space<hbm>> -> memref<13000x128xf32, #tpu.memory_space<hbm>>
    tpu.enqueue_indirect_dma source(%dma_start3A_417 : memref<13000x128xf32, #tpu.memory_space<hbm>>) target(%arg10 : memref<128x128xf32, #tpu.memory_space<vmem>>) offsets(%dma_start3A_414 : memref<128xi32, #tpu.memory_space<vmem>>) semaphore(%arg13 : memref<!tpu.dma_semaphore, #tpu.memory_space<semaphore_mem>>)
    %dma_wait3A_418 = arith.constant 10 : i32
    %dma_wait3A_419 = arith.constant 0 : i32
    %dma_wait3A_420 = tpu.memref_slice %arg7[%dma_wait3A_418, %dma_wait3A_419] : memref<13x128xi32, #tpu.memory_space<vmem>> -> memref<1x128xi32, #tpu.memory_space<vmem>>
    %dma_wait3A_421 = tpu.memref_squeeze %dma_wait3A_420 : memref<1x128xi32, #tpu.memory_space<vmem>> -> memref<128xi32, #tpu.memory_space<vmem>>
    %dma_wait3A_422 = arith.constant 0 : i32
    %dma_wait3A_423 = arith.constant 0 : i32
    %dma_wait3A_424 = tpu.memref_slice %arg3[%dma_wait3A_422, %dma_wait3A_423] : memref<13000x128xf32, #tpu.memory_space<hbm>> -> memref<13000x128xf32, #tpu.memory_space<hbm>>
    tpu.wait_indirect_dma semaphore(%arg13 : memref<!tpu.dma_semaphore, #tpu.memory_space<semaphore_mem>>) src(%dma_wait3A_424 : memref<13000x128xf32, #tpu.memory_space<hbm>>) dst(%arg9 : memref<128x128xf32, #tpu.memory_space<vmem>>)
    %dma_start3A_425 = arith.constant 10 : i32
    %dma_start3A_426 = arith.constant 0 : i32
    %dma_start3A_427 = tpu.memref_slice %arg5[%dma_start3A_425, %mul3A_2, %dma_start3A_426] : memref<13x4096x128xf32, #tpu.memory_space<hbm>> -> memref<1x128x128xf32, #tpu.memory_space<hbm>>
    %dma_start3A_428 = tpu.memref_squeeze %dma_start3A_427 : memref<1x128x128xf32, #tpu.memory_space<hbm>> -> memref<128x128xf32, #tpu.memory_space<hbm>>
    %dma_start3A_429 = arith.constant 0 : i32
    %dma_start3A_430 = tpu.memref_slice %arg5[%dma_start3A_425, %mul3A_2, %dma_start3A_429] : memref<13x4096x128xf32, #tpu.memory_space<hbm>> -> memref<1x128x128xf32, #tpu.memory_space<hbm>>
    %dma_start3A_431 = tpu.memref_squeeze %dma_start3A_430 : memref<1x128x128xf32, #tpu.memory_space<hbm>> -> memref<128x128xf32, #tpu.memory_space<hbm>>
    tpu.enqueue_dma source(%arg9 : memref<128x128xf32, #tpu.memory_space<vmem>>) target(%dma_start3A_431 : memref<128x128xf32, #tpu.memory_space<hbm>>) target_semaphore(%arg15 : memref<!tpu.dma_semaphore, #tpu.memory_space<semaphore_mem>>)
    %dma_wait3A_432 = arith.constant 9 : i32
    %dma_wait3A_433 = arith.constant 0 : i32
    %dma_wait3A_434 = tpu.memref_slice %arg5[%dma_wait3A_432, %mul3A_2, %dma_wait3A_433] : memref<13x4096x128xf32, #tpu.memory_space<hbm>> -> memref<1x128x128xf32, #tpu.memory_space<hbm>>
    %dma_wait3A_435 = tpu.memref_squeeze %dma_wait3A_434 : memref<1x128x128xf32, #tpu.memory_space<hbm>> -> memref<128x128xf32, #tpu.memory_space<hbm>>
    %dma_wait3A_436 = arith.constant 0 : i32
    %dma_wait3A_437 = tpu.memref_slice %arg5[%dma_wait3A_432, %mul3A_2, %dma_wait3A_436] : memref<13x4096x128xf32, #tpu.memory_space<hbm>> -> memref<1x128x128xf32, #tpu.memory_space<hbm>>
    %dma_wait3A_438 = tpu.memref_squeeze %dma_wait3A_437 : memref<1x128x128xf32, #tpu.memory_space<hbm>> -> memref<128x128xf32, #tpu.memory_space<hbm>>
    tpu.wait_dma2 semaphore(%arg15 : memref<!tpu.dma_semaphore, #tpu.memory_space<semaphore_mem>>) src(%arg8 : memref<128x128xf32, #tpu.memory_space<vmem>>) dst(%dma_wait3A_438 : memref<128x128xf32, #tpu.memory_space<hbm>>)
    %dma_start3A_439 = arith.constant 12 : i32
    %dma_start3A_440 = arith.constant 0 : i32
    %dma_start3A_441 = tpu.memref_slice %arg7[%dma_start3A_439, %dma_start3A_440] : memref<13x128xi32, #tpu.memory_space<vmem>> -> memref<1x128xi32, #tpu.memory_space<vmem>>
    %dma_start3A_442 = tpu.memref_squeeze %dma_start3A_441 : memref<1x128xi32, #tpu.memory_space<vmem>> -> memref<128xi32, #tpu.memory_space<vmem>>
    %dma_start3A_443 = arith.constant 0 : i32
    %dma_start3A_444 = arith.constant 0 : i32
    %dma_start3A_445 = tpu.memref_slice %arg3[%dma_start3A_443, %dma_start3A_444] : memref<13000x128xf32, #tpu.memory_space<hbm>> -> memref<13000x128xf32, #tpu.memory_space<hbm>>
    tpu.enqueue_indirect_dma source(%dma_start3A_445 : memref<13000x128xf32, #tpu.memory_space<hbm>>) target(%arg8 : memref<128x128xf32, #tpu.memory_space<vmem>>) offsets(%dma_start3A_442 : memref<128xi32, #tpu.memory_space<vmem>>) semaphore(%arg13 : memref<!tpu.dma_semaphore, #tpu.memory_space<semaphore_mem>>)
    %dma_wait3A_446 = arith.constant 11 : i32
    %dma_wait3A_447 = arith.constant 0 : i32
    %dma_wait3A_448 = tpu.memref_slice %arg7[%dma_wait3A_446, %dma_wait3A_447] : memref<13x128xi32, #tpu.memory_space<vmem>> -> memref<1x128xi32, #tpu.memory_space<vmem>>
    %dma_wait3A_449 = tpu.memref_squeeze %dma_wait3A_448 : memref<1x128xi32, #tpu.memory_space<vmem>> -> memref<128xi32, #tpu.memory_space<vmem>>
    %dma_wait3A_450 = arith.constant 0 : i32
    %dma_wait3A_451 = arith.constant 0 : i32
    %dma_wait3A_452 = tpu.memref_slice %arg3[%dma_wait3A_450, %dma_wait3A_451] : memref<13000x128xf32, #tpu.memory_space<hbm>> -> memref<13000x128xf32, #tpu.memory_space<hbm>>
    tpu.wait_indirect_dma semaphore(%arg13 : memref<!tpu.dma_semaphore, #tpu.memory_space<semaphore_mem>>) src(%dma_wait3A_452 : memref<13000x128xf32, #tpu.memory_space<hbm>>) dst(%arg10 : memref<128x128xf32, #tpu.memory_space<vmem>>)
    %dma_start3A_453 = arith.constant 11 : i32
    %dma_start3A_454 = arith.constant 0 : i32
    %dma_start3A_455 = tpu.memref_slice %arg5[%dma_start3A_453, %mul3A_2, %dma_start3A_454] : memref<13x4096x128xf32, #tpu.memory_space<hbm>> -> memref<1x128x128xf32, #tpu.memory_space<hbm>>
    %dma_start3A_456 = tpu.memref_squeeze %dma_start3A_455 : memref<1x128x128xf32, #tpu.memory_space<hbm>> -> memref<128x128xf32, #tpu.memory_space<hbm>>
    %dma_start3A_457 = arith.constant 0 : i32
    %dma_start3A_458 = tpu.memref_slice %arg5[%dma_start3A_453, %mul3A_2, %dma_start3A_457] : memref<13x4096x128xf32, #tpu.memory_space<hbm>> -> memref<1x128x128xf32, #tpu.memory_space<hbm>>
    %dma_start3A_459 = tpu.memref_squeeze %dma_start3A_458 : memref<1x128x128xf32, #tpu.memory_space<hbm>> -> memref<128x128xf32, #tpu.memory_space<hbm>>
    tpu.enqueue_dma source(%arg10 : memref<128x128xf32, #tpu.memory_space<vmem>>) target(%dma_start3A_459 : memref<128x128xf32, #tpu.memory_space<hbm>>) target_semaphore(%arg15 : memref<!tpu.dma_semaphore, #tpu.memory_space<semaphore_mem>>)
    %dma_wait3A_460 = arith.constant 12 : i32
    %dma_wait3A_461 = arith.constant 0 : i32
    %dma_wait3A_462 = tpu.memref_slice %arg7[%dma_wait3A_460, %dma_wait3A_461] : memref<13x128xi32, #tpu.memory_space<vmem>> -> memref<1x128xi32, #tpu.memory_space<vmem>>
    %dma_wait3A_463 = tpu.memref_squeeze %dma_wait3A_462 : memref<1x128xi32, #tpu.memory_space<vmem>> -> memref<128xi32, #tpu.memory_space<vmem>>
    %dma_wait3A_464 = arith.constant 0 : i32
    %dma_wait3A_465 = arith.constant 0 : i32
    %dma_wait3A_466 = tpu.memref_slice %arg3[%dma_wait3A_464, %dma_wait3A_465] : memref<13000x128xf32, #tpu.memory_space<hbm>> -> memref<13000x128xf32, #tpu.memory_space<hbm>>
    tpu.wait_indirect_dma semaphore(%arg13 : memref<!tpu.dma_semaphore, #tpu.memory_space<semaphore_mem>>) src(%dma_wait3A_466 : memref<13000x128xf32, #tpu.memory_space<hbm>>) dst(%arg8 : memref<128x128xf32, #tpu.memory_space<vmem>>)
    %dma_start3A_467 = arith.constant 12 : i32
    %dma_start3A_468 = arith.constant 0 : i32
    %dma_start3A_469 = tpu.memref_slice %arg5[%dma_start3A_467, %mul3A_2, %dma_start3A_468] : memref<13x4096x128xf32, #tpu.memory_space<hbm>> -> memref<1x128x128xf32, #tpu.memory_space<hbm>>
    %dma_start3A_470 = tpu.memref_squeeze %dma_start3A_469 : memref<1x128x128xf32, #tpu.memory_space<hbm>> -> memref<128x128xf32, #tpu.memory_space<hbm>>
    %dma_start3A_471 = arith.constant 0 : i32
    %dma_start3A_472 = tpu.memref_slice %arg5[%dma_start3A_467, %mul3A_2, %dma_start3A_471] : memref<13x4096x128xf32, #tpu.memory_space<hbm>> -> memref<1x128x128xf32, #tpu.memory_space<hbm>>
    %dma_start3A_473 = tpu.memref_squeeze %dma_start3A_472 : memref<1x128x128xf32, #tpu.memory_space<hbm>> -> memref<128x128xf32, #tpu.memory_space<hbm>>
    tpu.enqueue_dma source(%arg8 : memref<128x128xf32, #tpu.memory_space<vmem>>) target(%dma_start3A_473 : memref<128x128xf32, #tpu.memory_space<hbm>>) target_semaphore(%arg15 : memref<!tpu.dma_semaphore, #tpu.memory_space<semaphore_mem>>)
    %dma_wait3A_474 = arith.constant 12 : i32
    %dma_wait3A_475 = arith.constant 0 : i32
    %dma_wait3A_476 = tpu.memref_slice %arg5[%dma_wait3A_474, %mul3A_2, %dma_wait3A_475] : memref<13x4096x128xf32, #tpu.memory_space<hbm>> -> memref<1x128x128xf32, #tpu.memory_space<hbm>>
    %dma_wait3A_477 = tpu.memref_squeeze %dma_wait3A_476 : memref<1x128x128xf32, #tpu.memory_space<hbm>> -> memref<128x128xf32, #tpu.memory_space<hbm>>
    %dma_wait3A_478 = arith.constant 0 : i32
    %dma_wait3A_479 = tpu.memref_slice %arg5[%dma_wait3A_474, %mul3A_2, %dma_wait3A_478] : memref<13x4096x128xf32, #tpu.memory_space<hbm>> -> memref<1x128x128xf32, #tpu.memory_space<hbm>>
    %dma_wait3A_480 = tpu.memref_squeeze %dma_wait3A_479 : memref<1x128x128xf32, #tpu.memory_space<hbm>> -> memref<128x128xf32, #tpu.memory_space<hbm>>
    tpu.wait_dma2 semaphore(%arg15 : memref<!tpu.dma_semaphore, #tpu.memory_space<semaphore_mem>>) src(%arg8 : memref<128x128xf32, #tpu.memory_space<vmem>>) dst(%dma_wait3A_480 : memref<128x128xf32, #tpu.memory_space<hbm>>)
    %dma_wait3A_481 = arith.constant 10 : i32
    %dma_wait3A_482 = arith.constant 0 : i32
    %dma_wait3A_483 = tpu.memref_slice %arg5[%dma_wait3A_481, %mul3A_2, %dma_wait3A_482] : memref<13x4096x128xf32, #tpu.memory_space<hbm>> -> memref<1x128x128xf32, #tpu.memory_space<hbm>>
    %dma_wait3A_484 = tpu.memref_squeeze %dma_wait3A_483 : memref<1x128x128xf32, #tpu.memory_space<hbm>> -> memref<128x128xf32, #tpu.memory_space<hbm>>
    %dma_wait3A_485 = arith.constant 0 : i32
    %dma_wait3A_486 = tpu.memref_slice %arg5[%dma_wait3A_481, %mul3A_2, %dma_wait3A_485] : memref<13x4096x128xf32, #tpu.memory_space<hbm>> -> memref<1x128x128xf32, #tpu.memory_space<hbm>>
    %dma_wait3A_487 = tpu.memref_squeeze %dma_wait3A_486 : memref<1x128x128xf32, #tpu.memory_space<hbm>> -> memref<128x128xf32, #tpu.memory_space<hbm>>
    tpu.wait_dma2 semaphore(%arg15 : memref<!tpu.dma_semaphore, #tpu.memory_space<semaphore_mem>>) src(%arg9 : memref<128x128xf32, #tpu.memory_space<vmem>>) dst(%dma_wait3A_487 : memref<128x128xf32, #tpu.memory_space<hbm>>)
    %dma_wait3A_488 = arith.constant 11 : i32
    %dma_wait3A_489 = arith.constant 0 : i32
    %dma_wait3A_490 = tpu.memref_slice %arg5[%dma_wait3A_488, %mul3A_2, %dma_wait3A_489] : memref<13x4096x128xf32, #tpu.memory_space<hbm>> -> memref<1x128x128xf32, #tpu.memory_space<hbm>>
    %dma_wait3A_491 = tpu.memref_squeeze %dma_wait3A_490 : memref<1x128x128xf32, #tpu.memory_space<hbm>> -> memref<128x128xf32, #tpu.memory_space<hbm>>
    %dma_wait3A_492 = arith.constant 0 : i32
    %dma_wait3A_493 = tpu.memref_slice %arg5[%dma_wait3A_488, %mul3A_2, %dma_wait3A_492] : memref<13x4096x128xf32, #tpu.memory_space<hbm>> -> memref<1x128x128xf32, #tpu.memory_space<hbm>>
    %dma_wait3A_494 = tpu.memref_squeeze %dma_wait3A_493 : memref<1x128x128xf32, #tpu.memory_space<hbm>> -> memref<128x128xf32, #tpu.memory_space<hbm>>
    tpu.wait_dma2 semaphore(%arg15 : memref<!tpu.dma_semaphore, #tpu.memory_space<semaphore_mem>>) src(%arg10 : memref<128x128xf32, #tpu.memory_space<vmem>>) dst(%dma_wait3A_494 : memref<128x128xf32, #tpu.memory_space<hbm>>)
    %dma_wait3A_495 = arith.constant 0 : i32
    %dma_wait3A_496 = arith.constant 0 : i32
    %dma_wait3A_497 = arith.constant 0 : i32
    %dma_wait3A_498 = tpu.memref_slice %arg11[%dma_wait3A_496, %dma_wait3A_497] : memref<13x128xf32, #tpu.memory_space<vmem>> -> memref<1x128xf32, #tpu.memory_space<vmem>>
    %dma_wait3A_499 = tpu.memref_squeeze %dma_wait3A_498 : memref<1x128xf32, #tpu.memory_space<vmem>> -> memref<128xf32, #tpu.memory_space<vmem>>
    %dma_wait3A_500 = arith.constant 0 : i32
    %dma_wait3A_501 = tpu.memref_slice %arg7[%dma_wait3A_495, %dma_wait3A_500] : memref<13x128xi32, #tpu.memory_space<vmem>> -> memref<1x128xi32, #tpu.memory_space<vmem>>
    %dma_wait3A_502 = tpu.memref_squeeze %dma_wait3A_501 : memref<1x128xi32, #tpu.memory_space<vmem>> -> memref<128xi32, #tpu.memory_space<vmem>>
    %dma_wait3A_503 = arith.constant 0 : i32
    %dma_wait3A_504 = tpu.memref_slice %arg4[%dma_wait3A_503] : memref<13000xf32, #tpu.memory_space<hbm>> -> memref<13000xf32, #tpu.memory_space<hbm>>
    tpu.wait_indirect_dma semaphore(%arg14 : memref<!tpu.dma_semaphore, #tpu.memory_space<semaphore_mem>>) src(%dma_wait3A_504 : memref<13000xf32, #tpu.memory_space<hbm>>) dst(%dma_wait3A_499 : memref<128xf32, #tpu.memory_space<vmem>>)
    %dma_wait3A_505 = arith.constant 1 : i32
    %dma_wait3A_506 = arith.constant 1 : i32
    %dma_wait3A_507 = arith.constant 0 : i32
    %dma_wait3A_508 = tpu.memref_slice %arg11[%dma_wait3A_506, %dma_wait3A_507] : memref<13x128xf32, #tpu.memory_space<vmem>> -> memref<1x128xf32, #tpu.memory_space<vmem>>
    %dma_wait3A_509 = tpu.memref_squeeze %dma_wait3A_508 : memref<1x128xf32, #tpu.memory_space<vmem>> -> memref<128xf32, #tpu.memory_space<vmem>>
    %dma_wait3A_510 = arith.constant 0 : i32
    %dma_wait3A_511 = tpu.memref_slice %arg7[%dma_wait3A_505, %dma_wait3A_510] : memref<13x128xi32, #tpu.memory_space<vmem>> -> memref<1x128xi32, #tpu.memory_space<vmem>>
    %dma_wait3A_512 = tpu.memref_squeeze %dma_wait3A_511 : memref<1x128xi32, #tpu.memory_space<vmem>> -> memref<128xi32, #tpu.memory_space<vmem>>
    %dma_wait3A_513 = arith.constant 0 : i32
    %dma_wait3A_514 = tpu.memref_slice %arg4[%dma_wait3A_513] : memref<13000xf32, #tpu.memory_space<hbm>> -> memref<13000xf32, #tpu.memory_space<hbm>>
    tpu.wait_indirect_dma semaphore(%arg14 : memref<!tpu.dma_semaphore, #tpu.memory_space<semaphore_mem>>) src(%dma_wait3A_514 : memref<13000xf32, #tpu.memory_space<hbm>>) dst(%dma_wait3A_509 : memref<128xf32, #tpu.memory_space<vmem>>)
    %dma_wait3A_515 = arith.constant 2 : i32
    %dma_wait3A_516 = arith.constant 2 : i32
    %dma_wait3A_517 = arith.constant 0 : i32
    %dma_wait3A_518 = tpu.memref_slice %arg11[%dma_wait3A_516, %dma_wait3A_517] : memref<13x128xf32, #tpu.memory_space<vmem>> -> memref<1x128xf32, #tpu.memory_space<vmem>>
    %dma_wait3A_519 = tpu.memref_squeeze %dma_wait3A_518 : memref<1x128xf32, #tpu.memory_space<vmem>> -> memref<128xf32, #tpu.memory_space<vmem>>
    %dma_wait3A_520 = arith.constant 0 : i32
    %dma_wait3A_521 = tpu.memref_slice %arg7[%dma_wait3A_515, %dma_wait3A_520] : memref<13x128xi32, #tpu.memory_space<vmem>> -> memref<1x128xi32, #tpu.memory_space<vmem>>
    %dma_wait3A_522 = tpu.memref_squeeze %dma_wait3A_521 : memref<1x128xi32, #tpu.memory_space<vmem>> -> memref<128xi32, #tpu.memory_space<vmem>>
    %dma_wait3A_523 = arith.constant 0 : i32
    %dma_wait3A_524 = tpu.memref_slice %arg4[%dma_wait3A_523] : memref<13000xf32, #tpu.memory_space<hbm>> -> memref<13000xf32, #tpu.memory_space<hbm>>
    tpu.wait_indirect_dma semaphore(%arg14 : memref<!tpu.dma_semaphore, #tpu.memory_space<semaphore_mem>>) src(%dma_wait3A_524 : memref<13000xf32, #tpu.memory_space<hbm>>) dst(%dma_wait3A_519 : memref<128xf32, #tpu.memory_space<vmem>>)
    %dma_wait3A_525 = arith.constant 3 : i32
    %dma_wait3A_526 = arith.constant 3 : i32
    %dma_wait3A_527 = arith.constant 0 : i32
    %dma_wait3A_528 = tpu.memref_slice %arg11[%dma_wait3A_526, %dma_wait3A_527] : memref<13x128xf32, #tpu.memory_space<vmem>> -> memref<1x128xf32, #tpu.memory_space<vmem>>
    %dma_wait3A_529 = tpu.memref_squeeze %dma_wait3A_528 : memref<1x128xf32, #tpu.memory_space<vmem>> -> memref<128xf32, #tpu.memory_space<vmem>>
    %dma_wait3A_530 = arith.constant 0 : i32
    %dma_wait3A_531 = tpu.memref_slice %arg7[%dma_wait3A_525, %dma_wait3A_530] : memref<13x128xi32, #tpu.memory_space<vmem>> -> memref<1x128xi32, #tpu.memory_space<vmem>>
    %dma_wait3A_532 = tpu.memref_squeeze %dma_wait3A_531 : memref<1x128xi32, #tpu.memory_space<vmem>> -> memref<128xi32, #tpu.memory_space<vmem>>
    %dma_wait3A_533 = arith.constant 0 : i32
    %dma_wait3A_534 = tpu.memref_slice %arg4[%dma_wait3A_533] : memref<13000xf32, #tpu.memory_space<hbm>> -> memref<13000xf32, #tpu.memory_space<hbm>>
    tpu.wait_indirect_dma semaphore(%arg14 : memref<!tpu.dma_semaphore, #tpu.memory_space<semaphore_mem>>) src(%dma_wait3A_534 : memref<13000xf32, #tpu.memory_space<hbm>>) dst(%dma_wait3A_529 : memref<128xf32, #tpu.memory_space<vmem>>)
    %dma_wait3A_535 = arith.constant 4 : i32
    %dma_wait3A_536 = arith.constant 4 : i32
    %dma_wait3A_537 = arith.constant 0 : i32
    %dma_wait3A_538 = tpu.memref_slice %arg11[%dma_wait3A_536, %dma_wait3A_537] : memref<13x128xf32, #tpu.memory_space<vmem>> -> memref<1x128xf32, #tpu.memory_space<vmem>>
    %dma_wait3A_539 = tpu.memref_squeeze %dma_wait3A_538 : memref<1x128xf32, #tpu.memory_space<vmem>> -> memref<128xf32, #tpu.memory_space<vmem>>
    %dma_wait3A_540 = arith.constant 0 : i32
    %dma_wait3A_541 = tpu.memref_slice %arg7[%dma_wait3A_535, %dma_wait3A_540] : memref<13x128xi32, #tpu.memory_space<vmem>> -> memref<1x128xi32, #tpu.memory_space<vmem>>
    %dma_wait3A_542 = tpu.memref_squeeze %dma_wait3A_541 : memref<1x128xi32, #tpu.memory_space<vmem>> -> memref<128xi32, #tpu.memory_space<vmem>>
    %dma_wait3A_543 = arith.constant 0 : i32
    %dma_wait3A_544 = tpu.memref_slice %arg4[%dma_wait3A_543] : memref<13000xf32, #tpu.memory_space<hbm>> -> memref<13000xf32, #tpu.memory_space<hbm>>
    tpu.wait_indirect_dma semaphore(%arg14 : memref<!tpu.dma_semaphore, #tpu.memory_space<semaphore_mem>>) src(%dma_wait3A_544 : memref<13000xf32, #tpu.memory_space<hbm>>) dst(%dma_wait3A_539 : memref<128xf32, #tpu.memory_space<vmem>>)
    %dma_wait3A_545 = arith.constant 5 : i32
    %dma_wait3A_546 = arith.constant 5 : i32
    %dma_wait3A_547 = arith.constant 0 : i32
    %dma_wait3A_548 = tpu.memref_slice %arg11[%dma_wait3A_546, %dma_wait3A_547] : memref<13x128xf32, #tpu.memory_space<vmem>> -> memref<1x128xf32, #tpu.memory_space<vmem>>
    %dma_wait3A_549 = tpu.memref_squeeze %dma_wait3A_548 : memref<1x128xf32, #tpu.memory_space<vmem>> -> memref<128xf32, #tpu.memory_space<vmem>>
    %dma_wait3A_550 = arith.constant 0 : i32
    %dma_wait3A_551 = tpu.memref_slice %arg7[%dma_wait3A_545, %dma_wait3A_550] : memref<13x128xi32, #tpu.memory_space<vmem>> -> memref<1x128xi32, #tpu.memory_space<vmem>>
    %dma_wait3A_552 = tpu.memref_squeeze %dma_wait3A_551 : memref<1x128xi32, #tpu.memory_space<vmem>> -> memref<128xi32, #tpu.memory_space<vmem>>
    %dma_wait3A_553 = arith.constant 0 : i32
    %dma_wait3A_554 = tpu.memref_slice %arg4[%dma_wait3A_553] : memref<13000xf32, #tpu.memory_space<hbm>> -> memref<13000xf32, #tpu.memory_space<hbm>>
    tpu.wait_indirect_dma semaphore(%arg14 : memref<!tpu.dma_semaphore, #tpu.memory_space<semaphore_mem>>) src(%dma_wait3A_554 : memref<13000xf32, #tpu.memory_space<hbm>>) dst(%dma_wait3A_549 : memref<128xf32, #tpu.memory_space<vmem>>)
    %dma_wait3A_555 = arith.constant 6 : i32
    %dma_wait3A_556 = arith.constant 6 : i32
    %dma_wait3A_557 = arith.constant 0 : i32
    %dma_wait3A_558 = tpu.memref_slice %arg11[%dma_wait3A_556, %dma_wait3A_557] : memref<13x128xf32, #tpu.memory_space<vmem>> -> memref<1x128xf32, #tpu.memory_space<vmem>>
    %dma_wait3A_559 = tpu.memref_squeeze %dma_wait3A_558 : memref<1x128xf32, #tpu.memory_space<vmem>> -> memref<128xf32, #tpu.memory_space<vmem>>
    %dma_wait3A_560 = arith.constant 0 : i32
    %dma_wait3A_561 = tpu.memref_slice %arg7[%dma_wait3A_555, %dma_wait3A_560] : memref<13x128xi32, #tpu.memory_space<vmem>> -> memref<1x128xi32, #tpu.memory_space<vmem>>
    %dma_wait3A_562 = tpu.memref_squeeze %dma_wait3A_561 : memref<1x128xi32, #tpu.memory_space<vmem>> -> memref<128xi32, #tpu.memory_space<vmem>>
    %dma_wait3A_563 = arith.constant 0 : i32
    %dma_wait3A_564 = tpu.memref_slice %arg4[%dma_wait3A_563] : memref<13000xf32, #tpu.memory_space<hbm>> -> memref<13000xf32, #tpu.memory_space<hbm>>
    tpu.wait_indirect_dma semaphore(%arg14 : memref<!tpu.dma_semaphore, #tpu.memory_space<semaphore_mem>>) src(%dma_wait3A_564 : memref<13000xf32, #tpu.memory_space<hbm>>) dst(%dma_wait3A_559 : memref<128xf32, #tpu.memory_space<vmem>>)
    %dma_wait3A_565 = arith.constant 7 : i32
    %dma_wait3A_566 = arith.constant 7 : i32
    %dma_wait3A_567 = arith.constant 0 : i32
    %dma_wait3A_568 = tpu.memref_slice %arg11[%dma_wait3A_566, %dma_wait3A_567] : memref<13x128xf32, #tpu.memory_space<vmem>> -> memref<1x128xf32, #tpu.memory_space<vmem>>
    %dma_wait3A_569 = tpu.memref_squeeze %dma_wait3A_568 : memref<1x128xf32, #tpu.memory_space<vmem>> -> memref<128xf32, #tpu.memory_space<vmem>>
    %dma_wait3A_570 = arith.constant 0 : i32
    %dma_wait3A_571 = tpu.memref_slice %arg7[%dma_wait3A_565, %dma_wait3A_570] : memref<13x128xi32, #tpu.memory_space<vmem>> -> memref<1x128xi32, #tpu.memory_space<vmem>>
    %dma_wait3A_572 = tpu.memref_squeeze %dma_wait3A_571 : memref<1x128xi32, #tpu.memory_space<vmem>> -> memref<128xi32, #tpu.memory_space<vmem>>
    %dma_wait3A_573 = arith.constant 0 : i32
    %dma_wait3A_574 = tpu.memref_slice %arg4[%dma_wait3A_573] : memref<13000xf32, #tpu.memory_space<hbm>> -> memref<13000xf32, #tpu.memory_space<hbm>>
    tpu.wait_indirect_dma semaphore(%arg14 : memref<!tpu.dma_semaphore, #tpu.memory_space<semaphore_mem>>) src(%dma_wait3A_574 : memref<13000xf32, #tpu.memory_space<hbm>>) dst(%dma_wait3A_569 : memref<128xf32, #tpu.memory_space<vmem>>)
    %dma_wait3A_575 = arith.constant 8 : i32
    %dma_wait3A_576 = arith.constant 8 : i32
    %dma_wait3A_577 = arith.constant 0 : i32
    %dma_wait3A_578 = tpu.memref_slice %arg11[%dma_wait3A_576, %dma_wait3A_577] : memref<13x128xf32, #tpu.memory_space<vmem>> -> memref<1x128xf32, #tpu.memory_space<vmem>>
    %dma_wait3A_579 = tpu.memref_squeeze %dma_wait3A_578 : memref<1x128xf32, #tpu.memory_space<vmem>> -> memref<128xf32, #tpu.memory_space<vmem>>
    %dma_wait3A_580 = arith.constant 0 : i32
    %dma_wait3A_581 = tpu.memref_slice %arg7[%dma_wait3A_575, %dma_wait3A_580] : memref<13x128xi32, #tpu.memory_space<vmem>> -> memref<1x128xi32, #tpu.memory_space<vmem>>
    %dma_wait3A_582 = tpu.memref_squeeze %dma_wait3A_581 : memref<1x128xi32, #tpu.memory_space<vmem>> -> memref<128xi32, #tpu.memory_space<vmem>>
    %dma_wait3A_583 = arith.constant 0 : i32
    %dma_wait3A_584 = tpu.memref_slice %arg4[%dma_wait3A_583] : memref<13000xf32, #tpu.memory_space<hbm>> -> memref<13000xf32, #tpu.memory_space<hbm>>
    tpu.wait_indirect_dma semaphore(%arg14 : memref<!tpu.dma_semaphore, #tpu.memory_space<semaphore_mem>>) src(%dma_wait3A_584 : memref<13000xf32, #tpu.memory_space<hbm>>) dst(%dma_wait3A_579 : memref<128xf32, #tpu.memory_space<vmem>>)
    %dma_wait3A_585 = arith.constant 9 : i32
    %dma_wait3A_586 = arith.constant 9 : i32
    %dma_wait3A_587 = arith.constant 0 : i32
    %dma_wait3A_588 = tpu.memref_slice %arg11[%dma_wait3A_586, %dma_wait3A_587] : memref<13x128xf32, #tpu.memory_space<vmem>> -> memref<1x128xf32, #tpu.memory_space<vmem>>
    %dma_wait3A_589 = tpu.memref_squeeze %dma_wait3A_588 : memref<1x128xf32, #tpu.memory_space<vmem>> -> memref<128xf32, #tpu.memory_space<vmem>>
    %dma_wait3A_590 = arith.constant 0 : i32
    %dma_wait3A_591 = tpu.memref_slice %arg7[%dma_wait3A_585, %dma_wait3A_590] : memref<13x128xi32, #tpu.memory_space<vmem>> -> memref<1x128xi32, #tpu.memory_space<vmem>>
    %dma_wait3A_592 = tpu.memref_squeeze %dma_wait3A_591 : memref<1x128xi32, #tpu.memory_space<vmem>> -> memref<128xi32, #tpu.memory_space<vmem>>
    %dma_wait3A_593 = arith.constant 0 : i32
    %dma_wait3A_594 = tpu.memref_slice %arg4[%dma_wait3A_593] : memref<13000xf32, #tpu.memory_space<hbm>> -> memref<13000xf32, #tpu.memory_space<hbm>>
    tpu.wait_indirect_dma semaphore(%arg14 : memref<!tpu.dma_semaphore, #tpu.memory_space<semaphore_mem>>) src(%dma_wait3A_594 : memref<13000xf32, #tpu.memory_space<hbm>>) dst(%dma_wait3A_589 : memref<128xf32, #tpu.memory_space<vmem>>)
    %dma_wait3A_595 = arith.constant 10 : i32
    %dma_wait3A_596 = arith.constant 10 : i32
    %dma_wait3A_597 = arith.constant 0 : i32
    %dma_wait3A_598 = tpu.memref_slice %arg11[%dma_wait3A_596, %dma_wait3A_597] : memref<13x128xf32, #tpu.memory_space<vmem>> -> memref<1x128xf32, #tpu.memory_space<vmem>>
    %dma_wait3A_599 = tpu.memref_squeeze %dma_wait3A_598 : memref<1x128xf32, #tpu.memory_space<vmem>> -> memref<128xf32, #tpu.memory_space<vmem>>
    %dma_wait3A_600 = arith.constant 0 : i32
    %dma_wait3A_601 = tpu.memref_slice %arg7[%dma_wait3A_595, %dma_wait3A_600] : memref<13x128xi32, #tpu.memory_space<vmem>> -> memref<1x128xi32, #tpu.memory_space<vmem>>
    %dma_wait3A_602 = tpu.memref_squeeze %dma_wait3A_601 : memref<1x128xi32, #tpu.memory_space<vmem>> -> memref<128xi32, #tpu.memory_space<vmem>>
    %dma_wait3A_603 = arith.constant 0 : i32
    %dma_wait3A_604 = tpu.memref_slice %arg4[%dma_wait3A_603] : memref<13000xf32, #tpu.memory_space<hbm>> -> memref<13000xf32, #tpu.memory_space<hbm>>
    tpu.wait_indirect_dma semaphore(%arg14 : memref<!tpu.dma_semaphore, #tpu.memory_space<semaphore_mem>>) src(%dma_wait3A_604 : memref<13000xf32, #tpu.memory_space<hbm>>) dst(%dma_wait3A_599 : memref<128xf32, #tpu.memory_space<vmem>>)
    %dma_wait3A_605 = arith.constant 11 : i32
    %dma_wait3A_606 = arith.constant 11 : i32
    %dma_wait3A_607 = arith.constant 0 : i32
    %dma_wait3A_608 = tpu.memref_slice %arg11[%dma_wait3A_606, %dma_wait3A_607] : memref<13x128xf32, #tpu.memory_space<vmem>> -> memref<1x128xf32, #tpu.memory_space<vmem>>
    %dma_wait3A_609 = tpu.memref_squeeze %dma_wait3A_608 : memref<1x128xf32, #tpu.memory_space<vmem>> -> memref<128xf32, #tpu.memory_space<vmem>>
    %dma_wait3A_610 = arith.constant 0 : i32
    %dma_wait3A_611 = tpu.memref_slice %arg7[%dma_wait3A_605, %dma_wait3A_610] : memref<13x128xi32, #tpu.memory_space<vmem>> -> memref<1x128xi32, #tpu.memory_space<vmem>>
    %dma_wait3A_612 = tpu.memref_squeeze %dma_wait3A_611 : memref<1x128xi32, #tpu.memory_space<vmem>> -> memref<128xi32, #tpu.memory_space<vmem>>
    %dma_wait3A_613 = arith.constant 0 : i32
    %dma_wait3A_614 = tpu.memref_slice %arg4[%dma_wait3A_613] : memref<13000xf32, #tpu.memory_space<hbm>> -> memref<13000xf32, #tpu.memory_space<hbm>>
    tpu.wait_indirect_dma semaphore(%arg14 : memref<!tpu.dma_semaphore, #tpu.memory_space<semaphore_mem>>) src(%dma_wait3A_614 : memref<13000xf32, #tpu.memory_space<hbm>>) dst(%dma_wait3A_609 : memref<128xf32, #tpu.memory_space<vmem>>)
    %dma_wait3A_615 = arith.constant 12 : i32
    %dma_wait3A_616 = arith.constant 12 : i32
    %dma_wait3A_617 = arith.constant 0 : i32
    %dma_wait3A_618 = tpu.memref_slice %arg11[%dma_wait3A_616, %dma_wait3A_617] : memref<13x128xf32, #tpu.memory_space<vmem>> -> memref<1x128xf32, #tpu.memory_space<vmem>>
    %dma_wait3A_619 = tpu.memref_squeeze %dma_wait3A_618 : memref<1x128xf32, #tpu.memory_space<vmem>> -> memref<128xf32, #tpu.memory_space<vmem>>
    %dma_wait3A_620 = arith.constant 0 : i32
    %dma_wait3A_621 = tpu.memref_slice %arg7[%dma_wait3A_615, %dma_wait3A_620] : memref<13x128xi32, #tpu.memory_space<vmem>> -> memref<1x128xi32, #tpu.memory_space<vmem>>
    %dma_wait3A_622 = tpu.memref_squeeze %dma_wait3A_621 : memref<1x128xi32, #tpu.memory_space<vmem>> -> memref<128xi32, #tpu.memory_space<vmem>>
    %dma_wait3A_623 = arith.constant 0 : i32
    %dma_wait3A_624 = tpu.memref_slice %arg4[%dma_wait3A_623] : memref<13000xf32, #tpu.memory_space<hbm>> -> memref<13000xf32, #tpu.memory_space<hbm>>
    tpu.wait_indirect_dma semaphore(%arg14 : memref<!tpu.dma_semaphore, #tpu.memory_space<semaphore_mem>>) src(%dma_wait3A_624 : memref<13000xf32, #tpu.memory_space<hbm>>) dst(%dma_wait3A_619 : memref<128xf32, #tpu.memory_space<vmem>>)
    %get3A = arith.constant 0 : i32
    %get3A_625 = arith.index_cast %get3A : i32 to index
    %get3A_626 = arith.constant 0 : index
    %get3A_627 = tpu.vector_load %arg11[%get3A_625, %get3A_626] {strides = array<i32>} : memref<13x128xf32, #tpu.memory_space<vmem>>, vector<1x16xf32>,
    %get3A_628 = vector.shape_cast %get3A_627 : vector<1x16xf32> to vector<16xf32>
    %get3A_629 = arith.constant 1 : i32
    %get3A_630 = arith.index_cast %get3A_629 : i32 to index
    %get3A_631 = arith.constant 0 : index
    %get3A_632 = tpu.vector_load %arg11[%get3A_630, %get3A_631] {strides = array<i32>} : memref<13x128xf32, #tpu.memory_space<vmem>>, vector<1x16xf32>,
    %get3A_633 = vector.shape_cast %get3A_632 : vector<1x16xf32> to vector<16xf32>
    %add3A_634 = arith.addf %get3A_628, %get3A_633 : vector<16xf32>
    %get3A_635 = arith.constant 2 : i32
    %get3A_636 = arith.index_cast %get3A_635 : i32 to index
    %get3A_637 = arith.constant 0 : index
    %get3A_638 = tpu.vector_load %arg11[%get3A_636, %get3A_637] {strides = array<i32>} : memref<13x128xf32, #tpu.memory_space<vmem>>, vector<1x16xf32>,
    %get3A_639 = vector.shape_cast %get3A_638 : vector<1x16xf32> to vector<16xf32>
    %add3A_640 = arith.addf %add3A_634, %get3A_639 : vector<16xf32>
    %get3A_641 = arith.constant 3 : i32
    %get3A_642 = arith.index_cast %get3A_641 : i32 to index
    %get3A_643 = arith.constant 0 : index
    %get3A_644 = tpu.vector_load %arg11[%get3A_642, %get3A_643] {strides = array<i32>} : memref<13x128xf32, #tpu.memory_space<vmem>>, vector<1x16xf32>,
    %get3A_645 = vector.shape_cast %get3A_644 : vector<1x16xf32> to vector<16xf32>
    %add3A_646 = arith.addf %add3A_640, %get3A_645 : vector<16xf32>
    %get3A_647 = arith.constant 4 : i32
    %get3A_648 = arith.index_cast %get3A_647 : i32 to index
    %get3A_649 = arith.constant 0 : index
    %get3A_650 = tpu.vector_load %arg11[%get3A_648, %get3A_649] {strides = array<i32>} : memref<13x128xf32, #tpu.memory_space<vmem>>, vector<1x16xf32>,
    %get3A_651 = vector.shape_cast %get3A_650 : vector<1x16xf32> to vector<16xf32>
    %add3A_652 = arith.addf %add3A_646, %get3A_651 : vector<16xf32>
    %get3A_653 = arith.constant 5 : i32
    %get3A_654 = arith.index_cast %get3A_653 : i32 to index
    %get3A_655 = arith.constant 0 : index
    %get3A_656 = tpu.vector_load %arg11[%get3A_654, %get3A_655] {strides = array<i32>} : memref<13x128xf32, #tpu.memory_space<vmem>>, vector<1x16xf32>,
    %get3A_657 = vector.shape_cast %get3A_656 : vector<1x16xf32> to vector<16xf32>
    %add3A_658 = arith.addf %add3A_652, %get3A_657 : vector<16xf32>
    %get3A_659 = arith.constant 6 : i32
    %get3A_660 = arith.index_cast %get3A_659 : i32 to index
    %get3A_661 = arith.constant 0 : index
    %get3A_662 = tpu.vector_load %arg11[%get3A_660, %get3A_661] {strides = array<i32>} : memref<13x128xf32, #tpu.memory_space<vmem>>, vector<1x16xf32>,
    %get3A_663 = vector.shape_cast %get3A_662 : vector<1x16xf32> to vector<16xf32>
    %add3A_664 = arith.addf %add3A_658, %get3A_663 : vector<16xf32>
    %get3A_665 = arith.constant 7 : i32
    %get3A_666 = arith.index_cast %get3A_665 : i32 to index
    %get3A_667 = arith.constant 0 : index
    %get3A_668 = tpu.vector_load %arg11[%get3A_666, %get3A_667] {strides = array<i32>} : memref<13x128xf32, #tpu.memory_space<vmem>>, vector<1x16xf32>,
    %get3A_669 = vector.shape_cast %get3A_668 : vector<1x16xf32> to vector<16xf32>
    %add3A_670 = arith.addf %add3A_664, %get3A_669 : vector<16xf32>
    %get3A_671 = arith.constant 8 : i32
    %get3A_672 = arith.index_cast %get3A_671 : i32 to index
    %get3A_673 = arith.constant 0 : index
    %get3A_674 = tpu.vector_load %arg11[%get3A_672, %get3A_673] {strides = array<i32>} : memref<13x128xf32, #tpu.memory_space<vmem>>, vector<1x16xf32>,
    %get3A_675 = vector.shape_cast %get3A_674 : vector<1x16xf32> to vector<16xf32>
    %add3A_676 = arith.addf %add3A_670, %get3A_675 : vector<16xf32>
    %get3A_677 = arith.constant 9 : i32
    %get3A_678 = arith.index_cast %get3A_677 : i32 to index
    %get3A_679 = arith.constant 0 : index
    %get3A_680 = tpu.vector_load %arg11[%get3A_678, %get3A_679] {strides = array<i32>} : memref<13x128xf32, #tpu.memory_space<vmem>>, vector<1x16xf32>,
    %get3A_681 = vector.shape_cast %get3A_680 : vector<1x16xf32> to vector<16xf32>
    %add3A_682 = arith.addf %add3A_676, %get3A_681 : vector<16xf32>
    %get3A_683 = arith.constant 10 : i32
    %get3A_684 = arith.index_cast %get3A_683 : i32 to index
    %get3A_685 = arith.constant 0 : index
    %get3A_686 = tpu.vector_load %arg11[%get3A_684, %get3A_685] {strides = array<i32>} : memref<13x128xf32, #tpu.memory_space<vmem>>, vector<1x16xf32>,
    %get3A_687 = vector.shape_cast %get3A_686 : vector<1x16xf32> to vector<16xf32>
    %add3A_688 = arith.addf %add3A_682, %get3A_687 : vector<16xf32>
    %get3A_689 = arith.constant 11 : i32
    %get3A_690 = arith.index_cast %get3A_689 : i32 to index
    %get3A_691 = arith.constant 0 : index
    %get3A_692 = tpu.vector_load %arg11[%get3A_690, %get3A_691] {strides = array<i32>} : memref<13x128xf32, #tpu.memory_space<vmem>>, vector<1x16xf32>,
    %get3A_693 = vector.shape_cast %get3A_692 : vector<1x16xf32> to vector<16xf32>
    %add3A_694 = arith.addf %add3A_688, %get3A_693 : vector<16xf32>
    %get3A_695 = arith.constant 12 : i32
    %get3A_696 = arith.index_cast %get3A_695 : i32 to index
    %get3A_697 = arith.constant 0 : index
    %get3A_698 = tpu.vector_load %arg11[%get3A_696, %get3A_697] {strides = array<i32>} : memref<13x128xf32, #tpu.memory_space<vmem>>, vector<1x16xf32>,
    %get3A_699 = vector.shape_cast %get3A_698 : vector<1x16xf32> to vector<16xf32>
    %add3A_700 = arith.addf %add3A_694, %get3A_699 : vector<16xf32>
    %swap3A = arith.constant 0 : index
    %swap3A_701 = tpu.vector_load %arg12[%swap3A] {strides = array<i32>} : memref<128xf32, #tpu.memory_space<vmem>>, vector<16xf32>,
    %swap3A_702 = vector.shape_cast %swap3A_701 : vector<16xf32> to vector<16xf32>
    %swap3A_703 = vector.shape_cast %add3A_700 : vector<16xf32> to vector<16xf32>
    tpu.vector_store %arg12[%swap3A], %swap3A_703 {strides = array<i32>} : memref<128xf32, #tpu.memory_space<vmem>>, vector<16xf32>,
    %get3A_704 = arith.constant 0 : i32
    %get3A_705 = arith.index_cast %get3A_704 : i32 to index
    %get3A_706 = arith.constant 16 : index
    %get3A_707 = tpu.vector_load %arg11[%get3A_705, %get3A_706] {strides = array<i32>} : memref<13x128xf32, #tpu.memory_space<vmem>>, vector<1x16xf32>,
    %get3A_708 = vector.shape_cast %get3A_707 : vector<1x16xf32> to vector<16xf32>
    %get3A_709 = arith.constant 1 : i32
    %get3A_710 = arith.index_cast %get3A_709 : i32 to index
    %get3A_711 = arith.constant 16 : index
    %get3A_712 = tpu.vector_load %arg11[%get3A_710, %get3A_711] {strides = array<i32>} : memref<13x128xf32, #tpu.memory_space<vmem>>, vector<1x16xf32>,
    %get3A_713 = vector.shape_cast %get3A_712 : vector<1x16xf32> to vector<16xf32>
    %add3A_714 = arith.addf %get3A_708, %get3A_713 : vector<16xf32>
    %get3A_715 = arith.constant 2 : i32
    %get3A_716 = arith.index_cast %get3A_715 : i32 to index
    %get3A_717 = arith.constant 16 : index
    %get3A_718 = tpu.vector_load %arg11[%get3A_716, %get3A_717] {strides = array<i32>} : memref<13x128xf32, #tpu.memory_space<vmem>>, vector<1x16xf32>,
    %get3A_719 = vector.shape_cast %get3A_718 : vector<1x16xf32> to vector<16xf32>
    %add3A_720 = arith.addf %add3A_714, %get3A_719 : vector<16xf32>
    %get3A_721 = arith.constant 3 : i32
    %get3A_722 = arith.index_cast %get3A_721 : i32 to index
    %get3A_723 = arith.constant 16 : index
    %get3A_724 = tpu.vector_load %arg11[%get3A_722, %get3A_723] {strides = array<i32>} : memref<13x128xf32, #tpu.memory_space<vmem>>, vector<1x16xf32>,
    %get3A_725 = vector.shape_cast %get3A_724 : vector<1x16xf32> to vector<16xf32>
    %add3A_726 = arith.addf %add3A_720, %get3A_725 : vector<16xf32>
    %get3A_727 = arith.constant 4 : i32
    %get3A_728 = arith.index_cast %get3A_727 : i32 to index
    %get3A_729 = arith.constant 16 : index
    %get3A_730 = tpu.vector_load %arg11[%get3A_728, %get3A_729] {strides = array<i32>} : memref<13x128xf32, #tpu.memory_space<vmem>>, vector<1x16xf32>,
    %get3A_731 = vector.shape_cast %get3A_730 : vector<1x16xf32> to vector<16xf32>
    %add3A_732 = arith.addf %add3A_726, %get3A_731 : vector<16xf32>
    %get3A_733 = arith.constant 5 : i32
    %get3A_734 = arith.index_cast %get3A_733 : i32 to index
    %get3A_735 = arith.constant 16 : index
    %get3A_736 = tpu.vector_load %arg11[%get3A_734, %get3A_735] {strides = array<i32>} : memref<13x128xf32, #tpu.memory_space<vmem>>, vector<1x16xf32>,
    %get3A_737 = vector.shape_cast %get3A_736 : vector<1x16xf32> to vector<16xf32>
    %add3A_738 = arith.addf %add3A_732, %get3A_737 : vector<16xf32>
    %get3A_739 = arith.constant 6 : i32
    %get3A_740 = arith.index_cast %get3A_739 : i32 to index
    %get3A_741 = arith.constant 16 : index
    %get3A_742 = tpu.vector_load %arg11[%get3A_740, %get3A_741] {strides = array<i32>} : memref<13x128xf32, #tpu.memory_space<vmem>>, vector<1x16xf32>,
    %get3A_743 = vector.shape_cast %get3A_742 : vector<1x16xf32> to vector<16xf32>
    %add3A_744 = arith.addf %add3A_738, %get3A_743 : vector<16xf32>
    %get3A_745 = arith.constant 7 : i32
    %get3A_746 = arith.index_cast %get3A_745 : i32 to index
    %get3A_747 = arith.constant 16 : index
    %get3A_748 = tpu.vector_load %arg11[%get3A_746, %get3A_747] {strides = array<i32>} : memref<13x128xf32, #tpu.memory_space<vmem>>, vector<1x16xf32>,
    %get3A_749 = vector.shape_cast %get3A_748 : vector<1x16xf32> to vector<16xf32>
    %add3A_750 = arith.addf %add3A_744, %get3A_749 : vector<16xf32>
    %get3A_751 = arith.constant 8 : i32
    %get3A_752 = arith.index_cast %get3A_751 : i32 to index
    %get3A_753 = arith.constant 16 : index
    %get3A_754 = tpu.vector_load %arg11[%get3A_752, %get3A_753] {strides = array<i32>} : memref<13x128xf32, #tpu.memory_space<vmem>>, vector<1x16xf32>,
    %get3A_755 = vector.shape_cast %get3A_754 : vector<1x16xf32> to vector<16xf32>
    %add3A_756 = arith.addf %add3A_750, %get3A_755 : vector<16xf32>
    %get3A_757 = arith.constant 9 : i32
    %get3A_758 = arith.index_cast %get3A_757 : i32 to index
    %get3A_759 = arith.constant 16 : index
    %get3A_760 = tpu.vector_load %arg11[%get3A_758, %get3A_759] {strides = array<i32>} : memref<13x128xf32, #tpu.memory_space<vmem>>, vector<1x16xf32>,
    %get3A_761 = vector.shape_cast %get3A_760 : vector<1x16xf32> to vector<16xf32>
    %add3A_762 = arith.addf %add3A_756, %get3A_761 : vector<16xf32>
    %get3A_763 = arith.constant 10 : i32
    %get3A_764 = arith.index_cast %get3A_763 : i32 to index
    %get3A_765 = arith.constant 16 : index
    %get3A_766 = tpu.vector_load %arg11[%get3A_764, %get3A_765] {strides = array<i32>} : memref<13x128xf32, #tpu.memory_space<vmem>>, vector<1x16xf32>,
    %get3A_767 = vector.shape_cast %get3A_766 : vector<1x16xf32> to vector<16xf32>
    %add3A_768 = arith.addf %add3A_762, %get3A_767 : vector<16xf32>
    %get3A_769 = arith.constant 11 : i32
    %get3A_770 = arith.index_cast %get3A_769 : i32 to index
    %get3A_771 = arith.constant 16 : index
    %get3A_772 = tpu.vector_load %arg11[%get3A_770, %get3A_771] {strides = array<i32>} : memref<13x128xf32, #tpu.memory_space<vmem>>, vector<1x16xf32>,
    %get3A_773 = vector.shape_cast %get3A_772 : vector<1x16xf32> to vector<16xf32>
    %add3A_774 = arith.addf %add3A_768, %get3A_773 : vector<16xf32>
    %get3A_775 = arith.constant 12 : i32
    %get3A_776 = arith.index_cast %get3A_775 : i32 to index
    %get3A_777 = arith.constant 16 : index
    %get3A_778 = tpu.vector_load %arg11[%get3A_776, %get3A_777] {strides = array<i32>} : memref<13x128xf32, #tpu.memory_space<vmem>>, vector<1x16xf32>,
    %get3A_779 = vector.shape_cast %get3A_778 : vector<1x16xf32> to vector<16xf32>
    %add3A_780 = arith.addf %add3A_774, %get3A_779 : vector<16xf32>
    %swap3A_781 = arith.constant 16 : index
    %swap3A_782 = tpu.vector_load %arg12[%swap3A_781] {strides = array<i32>} : memref<128xf32, #tpu.memory_space<vmem>>, vector<16xf32>,
    %swap3A_783 = vector.shape_cast %swap3A_782 : vector<16xf32> to vector<16xf32>
    %swap3A_784 = vector.shape_cast %add3A_780 : vector<16xf32> to vector<16xf32>
    tpu.vector_store %arg12[%swap3A_781], %swap3A_784 {strides = array<i32>} : memref<128xf32, #tpu.memory_space<vmem>>, vector<16xf32>,
    %get3A_785 = arith.constant 0 : i32
    %get3A_786 = arith.index_cast %get3A_785 : i32 to index
    %get3A_787 = arith.constant 32 : index
    %get3A_788 = tpu.vector_load %arg11[%get3A_786, %get3A_787] {strides = array<i32>} : memref<13x128xf32, #tpu.memory_space<vmem>>, vector<1x16xf32>,
    %get3A_789 = vector.shape_cast %get3A_788 : vector<1x16xf32> to vector<16xf32>
    %get3A_790 = arith.constant 1 : i32
    %get3A_791 = arith.index_cast %get3A_790 : i32 to index
    %get3A_792 = arith.constant 32 : index
    %get3A_793 = tpu.vector_load %arg11[%get3A_791, %get3A_792] {strides = array<i32>} : memref<13x128xf32, #tpu.memory_space<vmem>>, vector<1x16xf32>,
    %get3A_794 = vector.shape_cast %get3A_793 : vector<1x16xf32> to vector<16xf32>
    %add3A_795 = arith.addf %get3A_789, %get3A_794 : vector<16xf32>
    %get3A_796 = arith.constant 2 : i32
    %get3A_797 = arith.index_cast %get3A_796 : i32 to index
    %get3A_798 = arith.constant 32 : index
    %get3A_799 = tpu.vector_load %arg11[%get3A_797, %get3A_798] {strides = array<i32>} : memref<13x128xf32, #tpu.memory_space<vmem>>, vector<1x16xf32>,
    %get3A_800 = vector.shape_cast %get3A_799 : vector<1x16xf32> to vector<16xf32>
    %add3A_801 = arith.addf %add3A_795, %get3A_800 : vector<16xf32>
    %get3A_802 = arith.constant 3 : i32
    %get3A_803 = arith.index_cast %get3A_802 : i32 to index
    %get3A_804 = arith.constant 32 : index
    %get3A_805 = tpu.vector_load %arg11[%get3A_803, %get3A_804] {strides = array<i32>} : memref<13x128xf32, #tpu.memory_space<vmem>>, vector<1x16xf32>,
    %get3A_806 = vector.shape_cast %get3A_805 : vector<1x16xf32> to vector<16xf32>
    %add3A_807 = arith.addf %add3A_801, %get3A_806 : vector<16xf32>
    %get3A_808 = arith.constant 4 : i32
    %get3A_809 = arith.index_cast %get3A_808 : i32 to index
    %get3A_810 = arith.constant 32 : index
    %get3A_811 = tpu.vector_load %arg11[%get3A_809, %get3A_810] {strides = array<i32>} : memref<13x128xf32, #tpu.memory_space<vmem>>, vector<1x16xf32>,
    %get3A_812 = vector.shape_cast %get3A_811 : vector<1x16xf32> to vector<16xf32>
    %add3A_813 = arith.addf %add3A_807, %get3A_812 : vector<16xf32>
    %get3A_814 = arith.constant 5 : i32
    %get3A_815 = arith.index_cast %get3A_814 : i32 to index
    %get3A_816 = arith.constant 32 : index
    %get3A_817 = tpu.vector_load %arg11[%get3A_815, %get3A_816] {strides = array<i32>} : memref<13x128xf32, #tpu.memory_space<vmem>>, vector<1x16xf32>,
    %get3A_818 = vector.shape_cast %get3A_817 : vector<1x16xf32> to vector<16xf32>
    %add3A_819 = arith.addf %add3A_813, %get3A_818 : vector<16xf32>
    %get3A_820 = arith.constant 6 : i32
    %get3A_821 = arith.index_cast %get3A_820 : i32 to index
    %get3A_822 = arith.constant 32 : index
    %get3A_823 = tpu.vector_load %arg11[%get3A_821, %get3A_822] {strides = array<i32>} : memref<13x128xf32, #tpu.memory_space<vmem>>, vector<1x16xf32>,
    %get3A_824 = vector.shape_cast %get3A_823 : vector<1x16xf32> to vector<16xf32>
    %add3A_825 = arith.addf %add3A_819, %get3A_824 : vector<16xf32>
    %get3A_826 = arith.constant 7 : i32
    %get3A_827 = arith.index_cast %get3A_826 : i32 to index
    %get3A_828 = arith.constant 32 : index
    %get3A_829 = tpu.vector_load %arg11[%get3A_827, %get3A_828] {strides = array<i32>} : memref<13x128xf32, #tpu.memory_space<vmem>>, vector<1x16xf32>,
    %get3A_830 = vector.shape_cast %get3A_829 : vector<1x16xf32> to vector<16xf32>
    %add3A_831 = arith.addf %add3A_825, %get3A_830 : vector<16xf32>
    %get3A_832 = arith.constant 8 : i32
    %get3A_833 = arith.index_cast %get3A_832 : i32 to index
    %get3A_834 = arith.constant 32 : index
    %get3A_835 = tpu.vector_load %arg11[%get3A_833, %get3A_834] {strides = array<i32>} : memref<13x128xf32, #tpu.memory_space<vmem>>, vector<1x16xf32>,
    %get3A_836 = vector.shape_cast %get3A_835 : vector<1x16xf32> to vector<16xf32>
    %add3A_837 = arith.addf %add3A_831, %get3A_836 : vector<16xf32>
    %get3A_838 = arith.constant 9 : i32
    %get3A_839 = arith.index_cast %get3A_838 : i32 to index
    %get3A_840 = arith.constant 32 : index
    %get3A_841 = tpu.vector_load %arg11[%get3A_839, %get3A_840] {strides = array<i32>} : memref<13x128xf32, #tpu.memory_space<vmem>>, vector<1x16xf32>,
    %get3A_842 = vector.shape_cast %get3A_841 : vector<1x16xf32> to vector<16xf32>
    %add3A_843 = arith.addf %add3A_837, %get3A_842 : vector<16xf32>
    %get3A_844 = arith.constant 10 : i32
    %get3A_845 = arith.index_cast %get3A_844 : i32 to index
    %get3A_846 = arith.constant 32 : index
    %get3A_847 = tpu.vector_load %arg11[%get3A_845, %get3A_846] {strides = array<i32>} : memref<13x128xf32, #tpu.memory_space<vmem>>, vector<1x16xf32>,
    %get3A_848 = vector.shape_cast %get3A_847 : vector<1x16xf32> to vector<16xf32>
    %add3A_849 = arith.addf %add3A_843, %get3A_848 : vector<16xf32>
    %get3A_850 = arith.constant 11 : i32
    %get3A_851 = arith.index_cast %get3A_850 : i32 to index
    %get3A_852 = arith.constant 32 : index
    %get3A_853 = tpu.vector_load %arg11[%get3A_851, %get3A_852] {strides = array<i32>} : memref<13x128xf32, #tpu.memory_space<vmem>>, vector<1x16xf32>,
    %get3A_854 = vector.shape_cast %get3A_853 : vector<1x16xf32> to vector<16xf32>
    %add3A_855 = arith.addf %add3A_849, %get3A_854 : vector<16xf32>
    %get3A_856 = arith.constant 12 : i32
    %get3A_857 = arith.index_cast %get3A_856 : i32 to index
    %get3A_858 = arith.constant 32 : index
    %get3A_859 = tpu.vector_load %arg11[%get3A_857, %get3A_858] {strides = array<i32>} : memref<13x128xf32, #tpu.memory_space<vmem>>, vector<1x16xf32>,
    %get3A_860 = vector.shape_cast %get3A_859 : vector<1x16xf32> to vector<16xf32>
    %add3A_861 = arith.addf %add3A_855, %get3A_860 : vector<16xf32>
    %swap3A_862 = arith.constant 32 : index
    %swap3A_863 = tpu.vector_load %arg12[%swap3A_862] {strides = array<i32>} : memref<128xf32, #tpu.memory_space<vmem>>, vector<16xf32>,
    %swap3A_864 = vector.shape_cast %swap3A_863 : vector<16xf32> to vector<16xf32>
    %swap3A_865 = vector.shape_cast %add3A_861 : vector<16xf32> to vector<16xf32>
    tpu.vector_store %arg12[%swap3A_862], %swap3A_865 {strides = array<i32>} : memref<128xf32, #tpu.memory_space<vmem>>, vector<16xf32>,
    %get3A_866 = arith.constant 0 : i32
    %get3A_867 = arith.index_cast %get3A_866 : i32 to index
    %get3A_868 = arith.constant 48 : index
    %get3A_869 = tpu.vector_load %arg11[%get3A_867, %get3A_868] {strides = array<i32>} : memref<13x128xf32, #tpu.memory_space<vmem>>, vector<1x16xf32>,
    %get3A_870 = vector.shape_cast %get3A_869 : vector<1x16xf32> to vector<16xf32>
    %get3A_871 = arith.constant 1 : i32
    %get3A_872 = arith.index_cast %get3A_871 : i32 to index
    %get3A_873 = arith.constant 48 : index
    %get3A_874 = tpu.vector_load %arg11[%get3A_872, %get3A_873] {strides = array<i32>} : memref<13x128xf32, #tpu.memory_space<vmem>>, vector<1x16xf32>,
    %get3A_875 = vector.shape_cast %get3A_874 : vector<1x16xf32> to vector<16xf32>
    %add3A_876 = arith.addf %get3A_870, %get3A_875 : vector<16xf32>
    %get3A_877 = arith.constant 2 : i32
    %get3A_878 = arith.index_cast %get3A_877 : i32 to index
    %get3A_879 = arith.constant 48 : index
    %get3A_880 = tpu.vector_load %arg11[%get3A_878, %get3A_879] {strides = array<i32>} : memref<13x128xf32, #tpu.memory_space<vmem>>, vector<1x16xf32>,
    %get3A_881 = vector.shape_cast %get3A_880 : vector<1x16xf32> to vector<16xf32>
    %add3A_882 = arith.addf %add3A_876, %get3A_881 : vector<16xf32>
    %get3A_883 = arith.constant 3 : i32
    %get3A_884 = arith.index_cast %get3A_883 : i32 to index
    %get3A_885 = arith.constant 48 : index
    %get3A_886 = tpu.vector_load %arg11[%get3A_884, %get3A_885] {strides = array<i32>} : memref<13x128xf32, #tpu.memory_space<vmem>>, vector<1x16xf32>,
    %get3A_887 = vector.shape_cast %get3A_886 : vector<1x16xf32> to vector<16xf32>
    %add3A_888 = arith.addf %add3A_882, %get3A_887 : vector<16xf32>
    %get3A_889 = arith.constant 4 : i32
    %get3A_890 = arith.index_cast %get3A_889 : i32 to index
    %get3A_891 = arith.constant 48 : index
    %get3A_892 = tpu.vector_load %arg11[%get3A_890, %get3A_891] {strides = array<i32>} : memref<13x128xf32, #tpu.memory_space<vmem>>, vector<1x16xf32>,
    %get3A_893 = vector.shape_cast %get3A_892 : vector<1x16xf32> to vector<16xf32>
    %add3A_894 = arith.addf %add3A_888, %get3A_893 : vector<16xf32>
    %get3A_895 = arith.constant 5 : i32
    %get3A_896 = arith.index_cast %get3A_895 : i32 to index
    %get3A_897 = arith.constant 48 : index
    %get3A_898 = tpu.vector_load %arg11[%get3A_896, %get3A_897] {strides = array<i32>} : memref<13x128xf32, #tpu.memory_space<vmem>>, vector<1x16xf32>,
    %get3A_899 = vector.shape_cast %get3A_898 : vector<1x16xf32> to vector<16xf32>
    %add3A_900 = arith.addf %add3A_894, %get3A_899 : vector<16xf32>
    %get3A_901 = arith.constant 6 : i32
    %get3A_902 = arith.index_cast %get3A_901 : i32 to index
    %get3A_903 = arith.constant 48 : index
    %get3A_904 = tpu.vector_load %arg11[%get3A_902, %get3A_903] {strides = array<i32>} : memref<13x128xf32, #tpu.memory_space<vmem>>, vector<1x16xf32>,
    %get3A_905 = vector.shape_cast %get3A_904 : vector<1x16xf32> to vector<16xf32>
    %add3A_906 = arith.addf %add3A_900, %get3A_905 : vector<16xf32>
    %get3A_907 = arith.constant 7 : i32
    %get3A_908 = arith.index_cast %get3A_907 : i32 to index
    %get3A_909 = arith.constant 48 : index
    %get3A_910 = tpu.vector_load %arg11[%get3A_908, %get3A_909] {strides = array<i32>} : memref<13x128xf32, #tpu.memory_space<vmem>>, vector<1x16xf32>,
    %get3A_911 = vector.shape_cast %get3A_910 : vector<1x16xf32> to vector<16xf32>
    %add3A_912 = arith.addf %add3A_906, %get3A_911 : vector<16xf32>
    %get3A_913 = arith.constant 8 : i32
    %get3A_914 = arith.index_cast %get3A_913 : i32 to index
    %get3A_915 = arith.constant 48 : index
    %get3A_916 = tpu.vector_load %arg11[%get3A_914, %get3A_915] {strides = array<i32>} : memref<13x128xf32, #tpu.memory_space<vmem>>, vector<1x16xf32>,
    %get3A_917 = vector.shape_cast %get3A_916 : vector<1x16xf32> to vector<16xf32>
    %add3A_918 = arith.addf %add3A_912, %get3A_917 : vector<16xf32>
    %get3A_919 = arith.constant 9 : i32
    %get3A_920 = arith.index_cast %get3A_919 : i32 to index
    %get3A_921 = arith.constant 48 : index
    %get3A_922 = tpu.vector_load %arg11[%get3A_920, %get3A_921] {strides = array<i32>} : memref<13x128xf32, #tpu.memory_space<vmem>>, vector<1x16xf32>,
    %get3A_923 = vector.shape_cast %get3A_922 : vector<1x16xf32> to vector<16xf32>
    %add3A_924 = arith.addf %add3A_918, %get3A_923 : vector<16xf32>
    %get3A_925 = arith.constant 10 : i32
    %get3A_926 = arith.index_cast %get3A_925 : i32 to index
    %get3A_927 = arith.constant 48 : index
    %get3A_928 = tpu.vector_load %arg11[%get3A_926, %get3A_927] {strides = array<i32>} : memref<13x128xf32, #tpu.memory_space<vmem>>, vector<1x16xf32>,
    %get3A_929 = vector.shape_cast %get3A_928 : vector<1x16xf32> to vector<16xf32>
    %add3A_930 = arith.addf %add3A_924, %get3A_929 : vector<16xf32>
    %get3A_931 = arith.constant 11 : i32
    %get3A_932 = arith.index_cast %get3A_931 : i32 to index
    %get3A_933 = arith.constant 48 : index
    %get3A_934 = tpu.vector_load %arg11[%get3A_932, %get3A_933] {strides = array<i32>} : memref<13x128xf32, #tpu.memory_space<vmem>>, vector<1x16xf32>,
    %get3A_935 = vector.shape_cast %get3A_934 : vector<1x16xf32> to vector<16xf32>
    %add3A_936 = arith.addf %add3A_930, %get3A_935 : vector<16xf32>
    %get3A_937 = arith.constant 12 : i32
    %get3A_938 = arith.index_cast %get3A_937 : i32 to index
    %get3A_939 = arith.constant 48 : index
    %get3A_940 = tpu.vector_load %arg11[%get3A_938, %get3A_939] {strides = array<i32>} : memref<13x128xf32, #tpu.memory_space<vmem>>, vector<1x16xf32>,
    %get3A_941 = vector.shape_cast %get3A_940 : vector<1x16xf32> to vector<16xf32>
    %add3A_942 = arith.addf %add3A_936, %get3A_941 : vector<16xf32>
    %swap3A_943 = arith.constant 48 : index
    %swap3A_944 = tpu.vector_load %arg12[%swap3A_943] {strides = array<i32>} : memref<128xf32, #tpu.memory_space<vmem>>, vector<16xf32>,
    %swap3A_945 = vector.shape_cast %swap3A_944 : vector<16xf32> to vector<16xf32>
    %swap3A_946 = vector.shape_cast %add3A_942 : vector<16xf32> to vector<16xf32>
    tpu.vector_store %arg12[%swap3A_943], %swap3A_946 {strides = array<i32>} : memref<128xf32, #tpu.memory_space<vmem>>, vector<16xf32>,
    %get3A_947 = arith.constant 0 : i32
    %get3A_948 = arith.index_cast %get3A_947 : i32 to index
    %get3A_949 = arith.constant 64 : index
    %get3A_950 = tpu.vector_load %arg11[%get3A_948, %get3A_949] {strides = array<i32>} : memref<13x128xf32, #tpu.memory_space<vmem>>, vector<1x16xf32>,
    %get3A_951 = vector.shape_cast %get3A_950 : vector<1x16xf32> to vector<16xf32>
    %get3A_952 = arith.constant 1 : i32
    %get3A_953 = arith.index_cast %get3A_952 : i32 to index
    %get3A_954 = arith.constant 64 : index
    %get3A_955 = tpu.vector_load %arg11[%get3A_953, %get3A_954] {strides = array<i32>} : memref<13x128xf32, #tpu.memory_space<vmem>>, vector<1x16xf32>,
    %get3A_956 = vector.shape_cast %get3A_955 : vector<1x16xf32> to vector<16xf32>
    %add3A_957 = arith.addf %get3A_951, %get3A_956 : vector<16xf32>
    %get3A_958 = arith.constant 2 : i32
    %get3A_959 = arith.index_cast %get3A_958 : i32 to index
    %get3A_960 = arith.constant 64 : index
    %get3A_961 = tpu.vector_load %arg11[%get3A_959, %get3A_960] {strides = array<i32>} : memref<13x128xf32, #tpu.memory_space<vmem>>, vector<1x16xf32>,
    %get3A_962 = vector.shape_cast %get3A_961 : vector<1x16xf32> to vector<16xf32>
    %add3A_963 = arith.addf %add3A_957, %get3A_962 : vector<16xf32>
    %get3A_964 = arith.constant 3 : i32
    %get3A_965 = arith.index_cast %get3A_964 : i32 to index
    %get3A_966 = arith.constant 64 : index
    %get3A_967 = tpu.vector_load %arg11[%get3A_965, %get3A_966] {strides = array<i32>} : memref<13x128xf32, #tpu.memory_space<vmem>>, vector<1x16xf32>,
    %get3A_968 = vector.shape_cast %get3A_967 : vector<1x16xf32> to vector<16xf32>
    %add3A_969 = arith.addf %add3A_963, %get3A_968 : vector<16xf32>
    %get3A_970 = arith.constant 4 : i32
    %get3A_971 = arith.index_cast %get3A_970 : i32 to index
    %get3A_972 = arith.constant 64 : index
    %get3A_973 = tpu.vector_load %arg11[%get3A_971, %get3A_972] {strides = array<i32>} : memref<13x128xf32, #tpu.memory_space<vmem>>, vector<1x16xf32>,
    %get3A_974 = vector.shape_cast %get3A_973 : vector<1x16xf32> to vector<16xf32>
    %add3A_975 = arith.addf %add3A_969, %get3A_974 : vector<16xf32>
    %get3A_976 = arith.constant 5 : i32
    %get3A_977 = arith.index_cast %get3A_976 : i32 to index
    %get3A_978 = arith.constant 64 : index
    %get3A_979 = tpu.vector_load %arg11[%get3A_977, %get3A_978] {strides = array<i32>} : memref<13x128xf32, #tpu.memory_space<vmem>>, vector<1x16xf32>,
    %get3A_980 = vector.shape_cast %get3A_979 : vector<1x16xf32> to vector<16xf32>
    %add3A_981 = arith.addf %add3A_975, %get3A_980 : vector<16xf32>
    %get3A_982 = arith.constant 6 : i32
    %get3A_983 = arith.index_cast %get3A_982 : i32 to index
    %get3A_984 = arith.constant 64 : index
    %get3A_985 = tpu.vector_load %arg11[%get3A_983, %get3A_984] {strides = array<i32>} : memref<13x128xf32, #tpu.memory_space<vmem>>, vector<1x16xf32>,
    %get3A_986 = vector.shape_cast %get3A_985 : vector<1x16xf32> to vector<16xf32>
    %add3A_987 = arith.addf %add3A_981, %get3A_986 : vector<16xf32>
    %get3A_988 = arith.constant 7 : i32
    %get3A_989 = arith.index_cast %get3A_988 : i32 to index
    %get3A_990 = arith.constant 64 : index
    %get3A_991 = tpu.vector_load %arg11[%get3A_989, %get3A_990] {strides = array<i32>} : memref<13x128xf32, #tpu.memory_space<vmem>>, vector<1x16xf32>,
    %get3A_992 = vector.shape_cast %get3A_991 : vector<1x16xf32> to vector<16xf32>
    %add3A_993 = arith.addf %add3A_987, %get3A_992 : vector<16xf32>
    %get3A_994 = arith.constant 8 : i32
    %get3A_995 = arith.index_cast %get3A_994 : i32 to index
    %get3A_996 = arith.constant 64 : index
    %get3A_997 = tpu.vector_load %arg11[%get3A_995, %get3A_996] {strides = array<i32>} : memref<13x128xf32, #tpu.memory_space<vmem>>, vector<1x16xf32>,
    %get3A_998 = vector.shape_cast %get3A_997 : vector<1x16xf32> to vector<16xf32>
    %add3A_999 = arith.addf %add3A_993, %get3A_998 : vector<16xf32>
    %get3A_1000 = arith.constant 9 : i32
    %get3A_1001 = arith.index_cast %get3A_1000 : i32 to index
    %get3A_1002 = arith.constant 64 : index
    %get3A_1003 = tpu.vector_load %arg11[%get3A_1001, %get3A_1002] {strides = array<i32>} : memref<13x128xf32, #tpu.memory_space<vmem>>, vector<1x16xf32>,
    %get3A_1004 = vector.shape_cast %get3A_1003 : vector<1x16xf32> to vector<16xf32>
    %add3A_1005 = arith.addf %add3A_999, %get3A_1004 : vector<16xf32>
    %get3A_1006 = arith.constant 10 : i32
    %get3A_1007 = arith.index_cast %get3A_1006 : i32 to index
    %get3A_1008 = arith.constant 64 : index
    %get3A_1009 = tpu.vector_load %arg11[%get3A_1007, %get3A_1008] {strides = array<i32>} : memref<13x128xf32, #tpu.memory_space<vmem>>, vector<1x16xf32>,
    %get3A_1010 = vector.shape_cast %get3A_1009 : vector<1x16xf32> to vector<16xf32>
    %add3A_1011 = arith.addf %add3A_1005, %get3A_1010 : vector<16xf32>
    %get3A_1012 = arith.constant 11 : i32
    %get3A_1013 = arith.index_cast %get3A_1012 : i32 to index
    %get3A_1014 = arith.constant 64 : index
    %get3A_1015 = tpu.vector_load %arg11[%get3A_1013, %get3A_1014] {strides = array<i32>} : memref<13x128xf32, #tpu.memory_space<vmem>>, vector<1x16xf32>,
    %get3A_1016 = vector.shape_cast %get3A_1015 : vector<1x16xf32> to vector<16xf32>
    %add3A_1017 = arith.addf %add3A_1011, %get3A_1016 : vector<16xf32>
    %get3A_1018 = arith.constant 12 : i32
    %get3A_1019 = arith.index_cast %get3A_1018 : i32 to index
    %get3A_1020 = arith.constant 64 : index
    %get3A_1021 = tpu.vector_load %arg11[%get3A_1019, %get3A_1020] {strides = array<i32>} : memref<13x128xf32, #tpu.memory_space<vmem>>, vector<1x16xf32>,
    %get3A_1022 = vector.shape_cast %get3A_1021 : vector<1x16xf32> to vector<16xf32>
    %add3A_1023 = arith.addf %add3A_1017, %get3A_1022 : vector<16xf32>
    %swap3A_1024 = arith.constant 64 : index
    %swap3A_1025 = tpu.vector_load %arg12[%swap3A_1024] {strides = array<i32>} : memref<128xf32, #tpu.memory_space<vmem>>, vector<16xf32>,
    %swap3A_1026 = vector.shape_cast %swap3A_1025 : vector<16xf32> to vector<16xf32>
    %swap3A_1027 = vector.shape_cast %add3A_1023 : vector<16xf32> to vector<16xf32>
    tpu.vector_store %arg12[%swap3A_1024], %swap3A_1027 {strides = array<i32>} : memref<128xf32, #tpu.memory_space<vmem>>, vector<16xf32>,
    %get3A_1028 = arith.constant 0 : i32
    %get3A_1029 = arith.index_cast %get3A_1028 : i32 to index
    %get3A_1030 = arith.constant 80 : index
    %get3A_1031 = tpu.vector_load %arg11[%get3A_1029, %get3A_1030] {strides = array<i32>} : memref<13x128xf32, #tpu.memory_space<vmem>>, vector<1x16xf32>,
    %get3A_1032 = vector.shape_cast %get3A_1031 : vector<1x16xf32> to vector<16xf32>
    %get3A_1033 = arith.constant 1 : i32
    %get3A_1034 = arith.index_cast %get3A_1033 : i32 to index
    %get3A_1035 = arith.constant 80 : index
    %get3A_1036 = tpu.vector_load %arg11[%get3A_1034, %get3A_1035] {strides = array<i32>} : memref<13x128xf32, #tpu.memory_space<vmem>>, vector<1x16xf32>,
    %get3A_1037 = vector.shape_cast %get3A_1036 : vector<1x16xf32> to vector<16xf32>
    %add3A_1038 = arith.addf %get3A_1032, %get3A_1037 : vector<16xf32>
    %get3A_1039 = arith.constant 2 : i32
    %get3A_1040 = arith.index_cast %get3A_1039 : i32 to index
    %get3A_1041 = arith.constant 80 : index
    %get3A_1042 = tpu.vector_load %arg11[%get3A_1040, %get3A_1041] {strides = array<i32>} : memref<13x128xf32, #tpu.memory_space<vmem>>, vector<1x16xf32>,
    %get3A_1043 = vector.shape_cast %get3A_1042 : vector<1x16xf32> to vector<16xf32>
    %add3A_1044 = arith.addf %add3A_1038, %get3A_1043 : vector<16xf32>
    %get3A_1045 = arith.constant 3 : i32
    %get3A_1046 = arith.index_cast %get3A_1045 : i32 to index
    %get3A_1047 = arith.constant 80 : index
    %get3A_1048 = tpu.vector_load %arg11[%get3A_1046, %get3A_1047] {strides = array<i32>} : memref<13x128xf32, #tpu.memory_space<vmem>>, vector<1x16xf32>,
    %get3A_1049 = vector.shape_cast %get3A_1048 : vector<1x16xf32> to vector<16xf32>
    %add3A_1050 = arith.addf %add3A_1044, %get3A_1049 : vector<16xf32>
    %get3A_1051 = arith.constant 4 : i32
    %get3A_1052 = arith.index_cast %get3A_1051 : i32 to index
    %get3A_1053 = arith.constant 80 : index
    %get3A_1054 = tpu.vector_load %arg11[%get3A_1052, %get3A_1053] {strides = array<i32>} : memref<13x128xf32, #tpu.memory_space<vmem>>, vector<1x16xf32>,
    %get3A_1055 = vector.shape_cast %get3A_1054 : vector<1x16xf32> to vector<16xf32>
    %add3A_1056 = arith.addf %add3A_1050, %get3A_1055 : vector<16xf32>
    %get3A_1057 = arith.constant 5 : i32
    %get3A_1058 = arith.index_cast %get3A_1057 : i32 to index
    %get3A_1059 = arith.constant 80 : index
    %get3A_1060 = tpu.vector_load %arg11[%get3A_1058, %get3A_1059] {strides = array<i32>} : memref<13x128xf32, #tpu.memory_space<vmem>>, vector<1x16xf32>,
    %get3A_1061 = vector.shape_cast %get3A_1060 : vector<1x16xf32> to vector<16xf32>
    %add3A_1062 = arith.addf %add3A_1056, %get3A_1061 : vector<16xf32>
    %get3A_1063 = arith.constant 6 : i32
    %get3A_1064 = arith.index_cast %get3A_1063 : i32 to index
    %get3A_1065 = arith.constant 80 : index
    %get3A_1066 = tpu.vector_load %arg11[%get3A_1064, %get3A_1065] {strides = array<i32>} : memref<13x128xf32, #tpu.memory_space<vmem>>, vector<1x16xf32>,
    %get3A_1067 = vector.shape_cast %get3A_1066 : vector<1x16xf32> to vector<16xf32>
    %add3A_1068 = arith.addf %add3A_1062, %get3A_1067 : vector<16xf32>
    %get3A_1069 = arith.constant 7 : i32
    %get3A_1070 = arith.index_cast %get3A_1069 : i32 to index
    %get3A_1071 = arith.constant 80 : index
    %get3A_1072 = tpu.vector_load %arg11[%get3A_1070, %get3A_1071] {strides = array<i32>} : memref<13x128xf32, #tpu.memory_space<vmem>>, vector<1x16xf32>,
    %get3A_1073 = vector.shape_cast %get3A_1072 : vector<1x16xf32> to vector<16xf32>
    %add3A_1074 = arith.addf %add3A_1068, %get3A_1073 : vector<16xf32>
    %get3A_1075 = arith.constant 8 : i32
    %get3A_1076 = arith.index_cast %get3A_1075 : i32 to index
    %get3A_1077 = arith.constant 80 : index
    %get3A_1078 = tpu.vector_load %arg11[%get3A_1076, %get3A_1077] {strides = array<i32>} : memref<13x128xf32, #tpu.memory_space<vmem>>, vector<1x16xf32>,
    %get3A_1079 = vector.shape_cast %get3A_1078 : vector<1x16xf32> to vector<16xf32>
    %add3A_1080 = arith.addf %add3A_1074, %get3A_1079 : vector<16xf32>
    %get3A_1081 = arith.constant 9 : i32
    %get3A_1082 = arith.index_cast %get3A_1081 : i32 to index
    %get3A_1083 = arith.constant 80 : index
    %get3A_1084 = tpu.vector_load %arg11[%get3A_1082, %get3A_1083] {strides = array<i32>} : memref<13x128xf32, #tpu.memory_space<vmem>>, vector<1x16xf32>,
    %get3A_1085 = vector.shape_cast %get3A_1084 : vector<1x16xf32> to vector<16xf32>
    %add3A_1086 = arith.addf %add3A_1080, %get3A_1085 : vector<16xf32>
    %get3A_1087 = arith.constant 10 : i32
    %get3A_1088 = arith.index_cast %get3A_1087 : i32 to index
    %get3A_1089 = arith.constant 80 : index
    %get3A_1090 = tpu.vector_load %arg11[%get3A_1088, %get3A_1089] {strides = array<i32>} : memref<13x128xf32, #tpu.memory_space<vmem>>, vector<1x16xf32>,
    %get3A_1091 = vector.shape_cast %get3A_1090 : vector<1x16xf32> to vector<16xf32>
    %add3A_1092 = arith.addf %add3A_1086, %get3A_1091 : vector<16xf32>
    %get3A_1093 = arith.constant 11 : i32
    %get3A_1094 = arith.index_cast %get3A_1093 : i32 to index
    %get3A_1095 = arith.constant 80 : index
    %get3A_1096 = tpu.vector_load %arg11[%get3A_1094, %get3A_1095] {strides = array<i32>} : memref<13x128xf32, #tpu.memory_space<vmem>>, vector<1x16xf32>,
    %get3A_1097 = vector.shape_cast %get3A_1096 : vector<1x16xf32> to vector<16xf32>
    %add3A_1098 = arith.addf %add3A_1092, %get3A_1097 : vector<16xf32>
    %get3A_1099 = arith.constant 12 : i32
    %get3A_1100 = arith.index_cast %get3A_1099 : i32 to index
    %get3A_1101 = arith.constant 80 : index
    %get3A_1102 = tpu.vector_load %arg11[%get3A_1100, %get3A_1101] {strides = array<i32>} : memref<13x128xf32, #tpu.memory_space<vmem>>, vector<1x16xf32>,
    %get3A_1103 = vector.shape_cast %get3A_1102 : vector<1x16xf32> to vector<16xf32>
    %add3A_1104 = arith.addf %add3A_1098, %get3A_1103 : vector<16xf32>
    %swap3A_1105 = arith.constant 80 : index
    %swap3A_1106 = tpu.vector_load %arg12[%swap3A_1105] {strides = array<i32>} : memref<128xf32, #tpu.memory_space<vmem>>, vector<16xf32>,
    %swap3A_1107 = vector.shape_cast %swap3A_1106 : vector<16xf32> to vector<16xf32>
    %swap3A_1108 = vector.shape_cast %add3A_1104 : vector<16xf32> to vector<16xf32>
    tpu.vector_store %arg12[%swap3A_1105], %swap3A_1108 {strides = array<i32>} : memref<128xf32, #tpu.memory_space<vmem>>, vector<16xf32>,
    %get3A_1109 = arith.constant 0 : i32
    %get3A_1110 = arith.index_cast %get3A_1109 : i32 to index
    %get3A_1111 = arith.constant 96 : index
    %get3A_1112 = tpu.vector_load %arg11[%get3A_1110, %get3A_1111] {strides = array<i32>} : memref<13x128xf32, #tpu.memory_space<vmem>>, vector<1x16xf32>,
    %get3A_1113 = vector.shape_cast %get3A_1112 : vector<1x16xf32> to vector<16xf32>
    %get3A_1114 = arith.constant 1 : i32
    %get3A_1115 = arith.index_cast %get3A_1114 : i32 to index
    %get3A_1116 = arith.constant 96 : index
    %get3A_1117 = tpu.vector_load %arg11[%get3A_1115, %get3A_1116] {strides = array<i32>} : memref<13x128xf32, #tpu.memory_space<vmem>>, vector<1x16xf32>,
    %get3A_1118 = vector.shape_cast %get3A_1117 : vector<1x16xf32> to vector<16xf32>
    %add3A_1119 = arith.addf %get3A_1113, %get3A_1118 : vector<16xf32>
    %get3A_1120 = arith.constant 2 : i32
    %get3A_1121 = arith.index_cast %get3A_1120 : i32 to index
    %get3A_1122 = arith.constant 96 : index
    %get3A_1123 = tpu.vector_load %arg11[%get3A_1121, %get3A_1122] {strides = array<i32>} : memref<13x128xf32, #tpu.memory_space<vmem>>, vector<1x16xf32>,
    %get3A_1124 = vector.shape_cast %get3A_1123 : vector<1x16xf32> to vector<16xf32>
    %add3A_1125 = arith.addf %add3A_1119, %get3A_1124 : vector<16xf32>
    %get3A_1126 = arith.constant 3 : i32
    %get3A_1127 = arith.index_cast %get3A_1126 : i32 to index
    %get3A_1128 = arith.constant 96 : index
    %get3A_1129 = tpu.vector_load %arg11[%get3A_1127, %get3A_1128] {strides = array<i32>} : memref<13x128xf32, #tpu.memory_space<vmem>>, vector<1x16xf32>,
    %get3A_1130 = vector.shape_cast %get3A_1129 : vector<1x16xf32> to vector<16xf32>
    %add3A_1131 = arith.addf %add3A_1125, %get3A_1130 : vector<16xf32>
    %get3A_1132 = arith.constant 4 : i32
    %get3A_1133 = arith.index_cast %get3A_1132 : i32 to index
    %get3A_1134 = arith.constant 96 : index
    %get3A_1135 = tpu.vector_load %arg11[%get3A_1133, %get3A_1134] {strides = array<i32>} : memref<13x128xf32, #tpu.memory_space<vmem>>, vector<1x16xf32>,
    %get3A_1136 = vector.shape_cast %get3A_1135 : vector<1x16xf32> to vector<16xf32>
    %add3A_1137 = arith.addf %add3A_1131, %get3A_1136 : vector<16xf32>
    %get3A_1138 = arith.constant 5 : i32
    %get3A_1139 = arith.index_cast %get3A_1138 : i32 to index
    %get3A_1140 = arith.constant 96 : index
    %get3A_1141 = tpu.vector_load %arg11[%get3A_1139, %get3A_1140] {strides = array<i32>} : memref<13x128xf32, #tpu.memory_space<vmem>>, vector<1x16xf32>,
    %get3A_1142 = vector.shape_cast %get3A_1141 : vector<1x16xf32> to vector<16xf32>
    %add3A_1143 = arith.addf %add3A_1137, %get3A_1142 : vector<16xf32>
    %get3A_1144 = arith.constant 6 : i32
    %get3A_1145 = arith.index_cast %get3A_1144 : i32 to index
    %get3A_1146 = arith.constant 96 : index
    %get3A_1147 = tpu.vector_load %arg11[%get3A_1145, %get3A_1146] {strides = array<i32>} : memref<13x128xf32, #tpu.memory_space<vmem>>, vector<1x16xf32>,
    %get3A_1148 = vector.shape_cast %get3A_1147 : vector<1x16xf32> to vector<16xf32>
    %add3A_1149 = arith.addf %add3A_1143, %get3A_1148 : vector<16xf32>
    %get3A_1150 = arith.constant 7 : i32
    %get3A_1151 = arith.index_cast %get3A_1150 : i32 to index
    %get3A_1152 = arith.constant 96 : index
    %get3A_1153 = tpu.vector_load %arg11[%get3A_1151, %get3A_1152] {strides = array<i32>} : memref<13x128xf32, #tpu.memory_space<vmem>>, vector<1x16xf32>,
    %get3A_1154 = vector.shape_cast %get3A_1153 : vector<1x16xf32> to vector<16xf32>
    %add3A_1155 = arith.addf %add3A_1149, %get3A_1154 : vector<16xf32>
    %get3A_1156 = arith.constant 8 : i32
    %get3A_1157 = arith.index_cast %get3A_1156 : i32 to index
    %get3A_1158 = arith.constant 96 : index
    %get3A_1159 = tpu.vector_load %arg11[%get3A_1157, %get3A_1158] {strides = array<i32>} : memref<13x128xf32, #tpu.memory_space<vmem>>, vector<1x16xf32>,
    %get3A_1160 = vector.shape_cast %get3A_1159 : vector<1x16xf32> to vector<16xf32>
    %add3A_1161 = arith.addf %add3A_1155, %get3A_1160 : vector<16xf32>
    %get3A_1162 = arith.constant 9 : i32
    %get3A_1163 = arith.index_cast %get3A_1162 : i32 to index
    %get3A_1164 = arith.constant 96 : index
    %get3A_1165 = tpu.vector_load %arg11[%get3A_1163, %get3A_1164] {strides = array<i32>} : memref<13x128xf32, #tpu.memory_space<vmem>>, vector<1x16xf32>,
    %get3A_1166 = vector.shape_cast %get3A_1165 : vector<1x16xf32> to vector<16xf32>
    %add3A_1167 = arith.addf %add3A_1161, %get3A_1166 : vector<16xf32>
    %get3A_1168 = arith.constant 10 : i32
    %get3A_1169 = arith.index_cast %get3A_1168 : i32 to index
    %get3A_1170 = arith.constant 96 : index
    %get3A_1171 = tpu.vector_load %arg11[%get3A_1169, %get3A_1170] {strides = array<i32>} : memref<13x128xf32, #tpu.memory_space<vmem>>, vector<1x16xf32>,
    %get3A_1172 = vector.shape_cast %get3A_1171 : vector<1x16xf32> to vector<16xf32>
    %add3A_1173 = arith.addf %add3A_1167, %get3A_1172 : vector<16xf32>
    %get3A_1174 = arith.constant 11 : i32
    %get3A_1175 = arith.index_cast %get3A_1174 : i32 to index
    %get3A_1176 = arith.constant 96 : index
    %get3A_1177 = tpu.vector_load %arg11[%get3A_1175, %get3A_1176] {strides = array<i32>} : memref<13x128xf32, #tpu.memory_space<vmem>>, vector<1x16xf32>,
    %get3A_1178 = vector.shape_cast %get3A_1177 : vector<1x16xf32> to vector<16xf32>
    %add3A_1179 = arith.addf %add3A_1173, %get3A_1178 : vector<16xf32>
    %get3A_1180 = arith.constant 12 : i32
    %get3A_1181 = arith.index_cast %get3A_1180 : i32 to index
    %get3A_1182 = arith.constant 96 : index
    %get3A_1183 = tpu.vector_load %arg11[%get3A_1181, %get3A_1182] {strides = array<i32>} : memref<13x128xf32, #tpu.memory_space<vmem>>, vector<1x16xf32>,
    %get3A_1184 = vector.shape_cast %get3A_1183 : vector<1x16xf32> to vector<16xf32>
    %add3A_1185 = arith.addf %add3A_1179, %get3A_1184 : vector<16xf32>
    %swap3A_1186 = arith.constant 96 : index
    %swap3A_1187 = tpu.vector_load %arg12[%swap3A_1186] {strides = array<i32>} : memref<128xf32, #tpu.memory_space<vmem>>, vector<16xf32>,
    %swap3A_1188 = vector.shape_cast %swap3A_1187 : vector<16xf32> to vector<16xf32>
    %swap3A_1189 = vector.shape_cast %add3A_1185 : vector<16xf32> to vector<16xf32>
    tpu.vector_store %arg12[%swap3A_1186], %swap3A_1189 {strides = array<i32>} : memref<128xf32, #tpu.memory_space<vmem>>, vector<16xf32>,
    %get3A_1190 = arith.constant 0 : i32
    %get3A_1191 = arith.index_cast %get3A_1190 : i32 to index
    %get3A_1192 = arith.constant 112 : index
    %get3A_1193 = tpu.vector_load %arg11[%get3A_1191, %get3A_1192] {strides = array<i32>} : memref<13x128xf32, #tpu.memory_space<vmem>>, vector<1x16xf32>,
    %get3A_1194 = vector.shape_cast %get3A_1193 : vector<1x16xf32> to vector<16xf32>
    %get3A_1195 = arith.constant 1 : i32
    %get3A_1196 = arith.index_cast %get3A_1195 : i32 to index
    %get3A_1197 = arith.constant 112 : index
    %get3A_1198 = tpu.vector_load %arg11[%get3A_1196, %get3A_1197] {strides = array<i32>} : memref<13x128xf32, #tpu.memory_space<vmem>>, vector<1x16xf32>,
    %get3A_1199 = vector.shape_cast %get3A_1198 : vector<1x16xf32> to vector<16xf32>
    %add3A_1200 = arith.addf %get3A_1194, %get3A_1199 : vector<16xf32>
    %get3A_1201 = arith.constant 2 : i32
    %get3A_1202 = arith.index_cast %get3A_1201 : i32 to index
    %get3A_1203 = arith.constant 112 : index
    %get3A_1204 = tpu.vector_load %arg11[%get3A_1202, %get3A_1203] {strides = array<i32>} : memref<13x128xf32, #tpu.memory_space<vmem>>, vector<1x16xf32>,
    %get3A_1205 = vector.shape_cast %get3A_1204 : vector<1x16xf32> to vector<16xf32>
    %add3A_1206 = arith.addf %add3A_1200, %get3A_1205 : vector<16xf32>
    %get3A_1207 = arith.constant 3 : i32
    %get3A_1208 = arith.index_cast %get3A_1207 : i32 to index
    %get3A_1209 = arith.constant 112 : index
    %get3A_1210 = tpu.vector_load %arg11[%get3A_1208, %get3A_1209] {strides = array<i32>} : memref<13x128xf32, #tpu.memory_space<vmem>>, vector<1x16xf32>,
    %get3A_1211 = vector.shape_cast %get3A_1210 : vector<1x16xf32> to vector<16xf32>
    %add3A_1212 = arith.addf %add3A_1206, %get3A_1211 : vector<16xf32>
    %get3A_1213 = arith.constant 4 : i32
    %get3A_1214 = arith.index_cast %get3A_1213 : i32 to index
    %get3A_1215 = arith.constant 112 : index
    %get3A_1216 = tpu.vector_load %arg11[%get3A_1214, %get3A_1215] {strides = array<i32>} : memref<13x128xf32, #tpu.memory_space<vmem>>, vector<1x16xf32>,
    %get3A_1217 = vector.shape_cast %get3A_1216 : vector<1x16xf32> to vector<16xf32>
    %add3A_1218 = arith.addf %add3A_1212, %get3A_1217 : vector<16xf32>
    %get3A_1219 = arith.constant 5 : i32
    %get3A_1220 = arith.index_cast %get3A_1219 : i32 to index
    %get3A_1221 = arith.constant 112 : index
    %get3A_1222 = tpu.vector_load %arg11[%get3A_1220, %get3A_1221] {strides = array<i32>} : memref<13x128xf32, #tpu.memory_space<vmem>>, vector<1x16xf32>,
    %get3A_1223 = vector.shape_cast %get3A_1222 : vector<1x16xf32> to vector<16xf32>
    %add3A_1224 = arith.addf %add3A_1218, %get3A_1223 : vector<16xf32>
    %get3A_1225 = arith.constant 6 : i32
    %get3A_1226 = arith.index_cast %get3A_1225 : i32 to index
    %get3A_1227 = arith.constant 112 : index
    %get3A_1228 = tpu.vector_load %arg11[%get3A_1226, %get3A_1227] {strides = array<i32>} : memref<13x128xf32, #tpu.memory_space<vmem>>, vector<1x16xf32>,
    %get3A_1229 = vector.shape_cast %get3A_1228 : vector<1x16xf32> to vector<16xf32>
    %add3A_1230 = arith.addf %add3A_1224, %get3A_1229 : vector<16xf32>
    %get3A_1231 = arith.constant 7 : i32
    %get3A_1232 = arith.index_cast %get3A_1231 : i32 to index
    %get3A_1233 = arith.constant 112 : index
    %get3A_1234 = tpu.vector_load %arg11[%get3A_1232, %get3A_1233] {strides = array<i32>} : memref<13x128xf32, #tpu.memory_space<vmem>>, vector<1x16xf32>,
    %get3A_1235 = vector.shape_cast %get3A_1234 : vector<1x16xf32> to vector<16xf32>
    %add3A_1236 = arith.addf %add3A_1230, %get3A_1235 : vector<16xf32>
    %get3A_1237 = arith.constant 8 : i32
    %get3A_1238 = arith.index_cast %get3A_1237 : i32 to index
    %get3A_1239 = arith.constant 112 : index
    %get3A_1240 = tpu.vector_load %arg11[%get3A_1238, %get3A_1239] {strides = array<i32>} : memref<13x128xf32, #tpu.memory_space<vmem>>, vector<1x16xf32>,
    %get3A_1241 = vector.shape_cast %get3A_1240 : vector<1x16xf32> to vector<16xf32>
    %add3A_1242 = arith.addf %add3A_1236, %get3A_1241 : vector<16xf32>
    %get3A_1243 = arith.constant 9 : i32
    %get3A_1244 = arith.index_cast %get3A_1243 : i32 to index
    %get3A_1245 = arith.constant 112 : index
    %get3A_1246 = tpu.vector_load %arg11[%get3A_1244, %get3A_1245] {strides = array<i32>} : memref<13x128xf32, #tpu.memory_space<vmem>>, vector<1x16xf32>,
    %get3A_1247 = vector.shape_cast %get3A_1246 : vector<1x16xf32> to vector<16xf32>
    %add3A_1248 = arith.addf %add3A_1242, %get3A_1247 : vector<16xf32>
    %get3A_1249 = arith.constant 10 : i32
    %get3A_1250 = arith.index_cast %get3A_1249 : i32 to index
    %get3A_1251 = arith.constant 112 : index
    %get3A_1252 = tpu.vector_load %arg11[%get3A_1250, %get3A_1251] {strides = array<i32>} : memref<13x128xf32, #tpu.memory_space<vmem>>, vector<1x16xf32>,
    %get3A_1253 = vector.shape_cast %get3A_1252 : vector<1x16xf32> to vector<16xf32>
    %add3A_1254 = arith.addf %add3A_1248, %get3A_1253 : vector<16xf32>
    %get3A_1255 = arith.constant 11 : i32
    %get3A_1256 = arith.index_cast %get3A_1255 : i32 to index
    %get3A_1257 = arith.constant 112 : index
    %get3A_1258 = tpu.vector_load %arg11[%get3A_1256, %get3A_1257] {strides = array<i32>} : memref<13x128xf32, #tpu.memory_space<vmem>>, vector<1x16xf32>,
    %get3A_1259 = vector.shape_cast %get3A_1258 : vector<1x16xf32> to vector<16xf32>
    %add3A_1260 = arith.addf %add3A_1254, %get3A_1259 : vector<16xf32>
    %get3A_1261 = arith.constant 12 : i32
    %get3A_1262 = arith.index_cast %get3A_1261 : i32 to index
    %get3A_1263 = arith.constant 112 : index
    %get3A_1264 = tpu.vector_load %arg11[%get3A_1262, %get3A_1263] {strides = array<i32>} : memref<13x128xf32, #tpu.memory_space<vmem>>, vector<1x16xf32>,
    %get3A_1265 = vector.shape_cast %get3A_1264 : vector<1x16xf32> to vector<16xf32>
    %add3A_1266 = arith.addf %add3A_1260, %get3A_1265 : vector<16xf32>
    %swap3A_1267 = arith.constant 112 : index
    %swap3A_1268 = tpu.vector_load %arg12[%swap3A_1267] {strides = array<i32>} : memref<128xf32, #tpu.memory_space<vmem>>, vector<16xf32>,
    %swap3A_1269 = vector.shape_cast %swap3A_1268 : vector<16xf32> to vector<16xf32>
    %swap3A_1270 = vector.shape_cast %add3A_1266 : vector<16xf32> to vector<16xf32>
    tpu.vector_store %arg12[%swap3A_1267], %swap3A_1270 {strides = array<i32>} : memref<128xf32, #tpu.memory_space<vmem>>, vector<16xf32>,
    %run_scoped3A = arith.constant 0 : i32
    "tpu.region"() ({
      %run_scoped3A_1271 = tpu.sem_alloc : memref<!tpu.dma_semaphore, #tpu.memory_space<semaphore_mem>>
      %dma_start3A_1272 = tpu.memref_slice %arg6[%run_scoped3A, %mul3A_2] : memref<1x4096xf32, #tpu.memory_space<hbm>> -> memref<1x128xf32, #tpu.memory_space<hbm>>
      %dma_start3A_1273 = tpu.memref_squeeze %dma_start3A_1272 : memref<1x128xf32, #tpu.memory_space<hbm>> -> memref<128xf32, #tpu.memory_space<hbm>>
      %dma_start3A_1274 = tpu.memref_slice %arg6[%run_scoped3A, %mul3A_2] : memref<1x4096xf32, #tpu.memory_space<hbm>> -> memref<1x128xf32, #tpu.memory_space<hbm>>
      %dma_start3A_1275 = tpu.memref_squeeze %dma_start3A_1274 : memref<1x128xf32, #tpu.memory_space<hbm>> -> memref<128xf32, #tpu.memory_space<hbm>>
      tpu.enqueue_dma source(%arg12 : memref<128xf32, #tpu.memory_space<vmem>>) target(%dma_start3A_1275 : memref<128xf32, #tpu.memory_space<hbm>>) target_semaphore(%run_scoped3A_1271 : memref<!tpu.dma_semaphore, #tpu.memory_space<semaphore_mem>>)
      %dma_wait3A_1276 = tpu.memref_slice %arg6[%run_scoped3A, %mul3A_2] : memref<1x4096xf32, #tpu.memory_space<hbm>> -> memref<1x128xf32, #tpu.memory_space<hbm>>
      %dma_wait3A_1277 = tpu.memref_squeeze %dma_wait3A_1276 : memref<1x128xf32, #tpu.memory_space<hbm>> -> memref<128xf32, #tpu.memory_space<hbm>>
      %dma_wait3A_1278 = tpu.memref_slice %arg6[%run_scoped3A, %mul3A_2] : memref<1x4096xf32, #tpu.memory_space<hbm>> -> memref<1x128xf32, #tpu.memory_space<hbm>>
      %dma_wait3A_1279 = tpu.memref_squeeze %dma_wait3A_1278 : memref<1x128xf32, #tpu.memory_space<hbm>> -> memref<128xf32, #tpu.memory_space<hbm>>
      tpu.wait_dma2 semaphore(%run_scoped3A_1271 : memref<!tpu.dma_semaphore, #tpu.memory_space<semaphore_mem>>) src(%arg12 : memref<128xf32, #tpu.memory_space<vmem>>) dst(%dma_wait3A_1279 : memref<128xf32, #tpu.memory_space<hbm>>)
      tpu.yield
    }) : () -> ()
    return
  }
}

#map = affine_map<(d0, d1) -> (0, 0, 0)>
#map1 = affine_map<(d0, d1) -> (0, 0)>
#map2 = affine_map<(d0, d1) -> (0)>
module attributes {stable_mosaic.version = 14 : i64} {
  func.func @two_tower_sc_gather(%arg0: i32, %arg1: i32, %arg2: memref<32x13x128xi32, #tpu.memory_space<hbm>>, %arg3: memref<13000x128xf32, #tpu.memory_space<hbm>>, %arg4: memref<13000xf32, #tpu.memory_space<hbm>>, %arg5: memref<13x4096x128xf32, #tpu.memory_space<hbm>>, %arg6: memref<1x4096xf32, #tpu.memory_space<hbm>>, %arg7: memref<13x128xi32, #tpu.memory_space<vmem>>, %arg8: memref<128x128xf32, #tpu.memory_space<vmem>>, %arg9: memref<128x128xf32, #tpu.memory_space<vmem>>, %arg10: memref<128x128xf32, #tpu.memory_space<vmem>>, %arg11: memref<13x128xf32, #tpu.memory_space<vmem>>, %arg12: memref<128xf32, #tpu.memory_space<vmem>>, %arg13: memref<!tpu.dma_semaphore, #tpu.memory_space<semaphore_mem>>, %arg14: memref<!tpu.dma_semaphore, #tpu.memory_space<semaphore_mem>>, %arg15: memref<!tpu.dma_semaphore, #tpu.memory_space<semaphore_mem>>) attributes {dimension_semantics = [#tpu.dimension_semantics<core_parallel>, #tpu.dimension_semantics<subcore_parallel>], iteration_bounds = array<i64: 2, 16>, scalar_prefetch = 0 : i64, scratch_operands = 9 : i64, tpu.core_type = #tpu.core_type<sc_vector_subcore>, window_params = [{transform_indices = #map}, {transform_indices = #map1}, {transform_indices = #map2}, {transform_indices = #map}, {transform_indices = #map1}]} {
    %mul3A = arith.constant 2 : i32
    %mul3A_0 = arith.muli %arg1, %mul3A : i32
    %add3A = arith.addi %mul3A_0, %arg0 : i32
    %mul3A_1 = arith.constant 128 : i32
    %mul3A_2 = arith.muli %add3A, %mul3A_1 : i32
    "tpu.region"() ({
      %run_scoped3A_1271 = tpu.sem_alloc : memref<!tpu.dma_semaphore, #tpu.memory_space<semaphore_mem>>
      %dma_start3A_1272 = arith.constant 0 : i32
      %dma_start3A_1273 = arith.constant 0 : i32
      %dma_start3A_1274 = tpu.memref_slice %arg2[%add3A, %dma_start3A_1272, %dma_start3A_1273] : memref<32x13x128xi32, #tpu.memory_space<hbm>> -> memref<1x13x128xi32, #tpu.memory_space<hbm>>
      %dma_start3A_1275 = tpu.memref_squeeze %dma_start3A_1274 : memref<1x13x128xi32, #tpu.memory_space<hbm>> -> memref<13x128xi32, #tpu.memory_space<hbm>>
      %dma_start3A_1276 = arith.constant 0 : i32
      %dma_start3A_1277 = arith.constant 0 : i32
      %dma_start3A_1278 = tpu.memref_slice %arg2[%add3A, %dma_start3A_1276, %dma_start3A_1277] : memref<32x13x128xi32, #tpu.memory_space<hbm>> -> memref<1x13x128xi32, #tpu.memory_space<hbm>>
      %dma_start3A_1279 = tpu.memref_squeeze %dma_start3A_1278 : memref<1x13x128xi32, #tpu.memory_space<hbm>> -> memref<13x128xi32, #tpu.memory_space<hbm>>
      tpu.enqueue_dma source(%dma_start3A_1279 : memref<13x128xi32, #tpu.memory_space<hbm>>) target(%arg7 : memref<13x128xi32, #tpu.memory_space<vmem>>) target_semaphore(%run_scoped3A_1271 : memref<!tpu.dma_semaphore, #tpu.memory_space<semaphore_mem>>)
      %dma_wait3A_1280 = arith.constant 0 : i32
      %dma_wait3A_1281 = arith.constant 0 : i32
      %dma_wait3A_1282 = tpu.memref_slice %arg2[%add3A, %dma_wait3A_1280, %dma_wait3A_1281] : memref<32x13x128xi32, #tpu.memory_space<hbm>> -> memref<1x13x128xi32, #tpu.memory_space<hbm>>
      %dma_wait3A_1283 = tpu.memref_squeeze %dma_wait3A_1282 : memref<1x13x128xi32, #tpu.memory_space<hbm>> -> memref<13x128xi32, #tpu.memory_space<hbm>>
      %dma_wait3A_1284 = arith.constant 0 : i32
      %dma_wait3A_1285 = arith.constant 0 : i32
      %dma_wait3A_1286 = tpu.memref_slice %arg2[%add3A, %dma_wait3A_1284, %dma_wait3A_1285] : memref<32x13x128xi32, #tpu.memory_space<hbm>> -> memref<1x13x128xi32, #tpu.memory_space<hbm>>
      %dma_wait3A_1287 = tpu.memref_squeeze %dma_wait3A_1286 : memref<1x13x128xi32, #tpu.memory_space<hbm>> -> memref<13x128xi32, #tpu.memory_space<hbm>>
      tpu.wait_dma2 semaphore(%run_scoped3A_1271 : memref<!tpu.dma_semaphore, #tpu.memory_space<semaphore_mem>>) src(%dma_wait3A_1287 : memref<13x128xi32, #tpu.memory_space<hbm>>) dst(%arg7 : memref<13x128xi32, #tpu.memory_space<vmem>>)
      tpu.yield
    }) : () -> ()
    %dma_start3A = arith.constant 0 : i32
    %dma_start3A_3 = arith.constant 0 : i32
    %dma_start3A_4 = arith.constant 0 : i32
    %dma_start3A_5 = tpu.memref_slice %arg11[%dma_start3A_3, %dma_start3A_4] : memref<13x128xf32, #tpu.memory_space<vmem>> -> memref<1x128xf32, #tpu.memory_space<vmem>>
    %dma_start3A_6 = tpu.memref_squeeze %dma_start3A_5 : memref<1x128xf32, #tpu.memory_space<vmem>> -> memref<128xf32, #tpu.memory_space<vmem>>
    %dma_start3A_7 = arith.constant 0 : i32
    %dma_start3A_8 = tpu.memref_slice %arg7[%dma_start3A, %dma_start3A_7] : memref<13x128xi32, #tpu.memory_space<vmem>> -> memref<1x128xi32, #tpu.memory_space<vmem>>
    %dma_start3A_9 = tpu.memref_squeeze %dma_start3A_8 : memref<1x128xi32, #tpu.memory_space<vmem>> -> memref<128xi32, #tpu.memory_space<vmem>>
    %dma_start3A_10 = arith.constant 0 : i32
    %dma_start3A_11 = tpu.memref_slice %arg4[%dma_start3A_10] : memref<13000xf32, #tpu.memory_space<hbm>> -> memref<13000xf32, #tpu.memory_space<hbm>>
    tpu.enqueue_indirect_dma source(%dma_start3A_11 : memref<13000xf32, #tpu.memory_space<hbm>>) target(%dma_start3A_6 : memref<128xf32, #tpu.memory_space<vmem>>) offsets(%dma_start3A_9 : memref<128xi32, #tpu.memory_space<vmem>>) semaphore(%arg14 : memref<!tpu.dma_semaphore, #tpu.memory_space<semaphore_mem>>)
    %dma_start3A_12 = arith.constant 1 : i32
    %dma_start3A_13 = arith.constant 1 : i32
    %dma_start3A_14 = arith.constant 0 : i32
    %dma_start3A_15 = tpu.memref_slice %arg11[%dma_start3A_13, %dma_start3A_14] : memref<13x128xf32, #tpu.memory_space<vmem>> -> memref<1x128xf32, #tpu.memory_space<vmem>>
    %dma_start3A_16 = tpu.memref_squeeze %dma_start3A_15 : memref<1x128xf32, #tpu.memory_space<vmem>> -> memref<128xf32, #tpu.memory_space<vmem>>
    %dma_start3A_17 = arith.constant 0 : i32
    %dma_start3A_18 = tpu.memref_slice %arg7[%dma_start3A_12, %dma_start3A_17] : memref<13x128xi32, #tpu.memory_space<vmem>> -> memref<1x128xi32, #tpu.memory_space<vmem>>
    %dma_start3A_19 = tpu.memref_squeeze %dma_start3A_18 : memref<1x128xi32, #tpu.memory_space<vmem>> -> memref<128xi32, #tpu.memory_space<vmem>>
    %dma_start3A_20 = arith.constant 0 : i32
    %dma_start3A_21 = tpu.memref_slice %arg4[%dma_start3A_20] : memref<13000xf32, #tpu.memory_space<hbm>> -> memref<13000xf32, #tpu.memory_space<hbm>>
    tpu.enqueue_indirect_dma source(%dma_start3A_21 : memref<13000xf32, #tpu.memory_space<hbm>>) target(%dma_start3A_16 : memref<128xf32, #tpu.memory_space<vmem>>) offsets(%dma_start3A_19 : memref<128xi32, #tpu.memory_space<vmem>>) semaphore(%arg14 : memref<!tpu.dma_semaphore, #tpu.memory_space<semaphore_mem>>)
    %dma_start3A_22 = arith.constant 2 : i32
    %dma_start3A_23 = arith.constant 2 : i32
    %dma_start3A_24 = arith.constant 0 : i32
    %dma_start3A_25 = tpu.memref_slice %arg11[%dma_start3A_23, %dma_start3A_24] : memref<13x128xf32, #tpu.memory_space<vmem>> -> memref<1x128xf32, #tpu.memory_space<vmem>>
    %dma_start3A_26 = tpu.memref_squeeze %dma_start3A_25 : memref<1x128xf32, #tpu.memory_space<vmem>> -> memref<128xf32, #tpu.memory_space<vmem>>
    %dma_start3A_27 = arith.constant 0 : i32
    %dma_start3A_28 = tpu.memref_slice %arg7[%dma_start3A_22, %dma_start3A_27] : memref<13x128xi32, #tpu.memory_space<vmem>> -> memref<1x128xi32, #tpu.memory_space<vmem>>
    %dma_start3A_29 = tpu.memref_squeeze %dma_start3A_28 : memref<1x128xi32, #tpu.memory_space<vmem>> -> memref<128xi32, #tpu.memory_space<vmem>>
    %dma_start3A_30 = arith.constant 0 : i32
    %dma_start3A_31 = tpu.memref_slice %arg4[%dma_start3A_30] : memref<13000xf32, #tpu.memory_space<hbm>> -> memref<13000xf32, #tpu.memory_space<hbm>>
    tpu.enqueue_indirect_dma source(%dma_start3A_31 : memref<13000xf32, #tpu.memory_space<hbm>>) target(%dma_start3A_26 : memref<128xf32, #tpu.memory_space<vmem>>) offsets(%dma_start3A_29 : memref<128xi32, #tpu.memory_space<vmem>>) semaphore(%arg14 : memref<!tpu.dma_semaphore, #tpu.memory_space<semaphore_mem>>)
    %dma_start3A_32 = arith.constant 3 : i32
    %dma_start3A_33 = arith.constant 3 : i32
    %dma_start3A_34 = arith.constant 0 : i32
    %dma_start3A_35 = tpu.memref_slice %arg11[%dma_start3A_33, %dma_start3A_34] : memref<13x128xf32, #tpu.memory_space<vmem>> -> memref<1x128xf32, #tpu.memory_space<vmem>>
    %dma_start3A_36 = tpu.memref_squeeze %dma_start3A_35 : memref<1x128xf32, #tpu.memory_space<vmem>> -> memref<128xf32, #tpu.memory_space<vmem>>
    %dma_start3A_37 = arith.constant 0 : i32
    %dma_start3A_38 = tpu.memref_slice %arg7[%dma_start3A_32, %dma_start3A_37] : memref<13x128xi32, #tpu.memory_space<vmem>> -> memref<1x128xi32, #tpu.memory_space<vmem>>
    %dma_start3A_39 = tpu.memref_squeeze %dma_start3A_38 : memref<1x128xi32, #tpu.memory_space<vmem>> -> memref<128xi32, #tpu.memory_space<vmem>>
    %dma_start3A_40 = arith.constant 0 : i32
    %dma_start3A_41 = tpu.memref_slice %arg4[%dma_start3A_40] : memref<13000xf32, #tpu.memory_space<hbm>> -> memref<13000xf32, #tpu.memory_space<hbm>>
    tpu.enqueue_indirect_dma source(%dma_start3A_41 : memref<13000xf32, #tpu.memory_space<hbm>>) target(%dma_start3A_36 : memref<128xf32, #tpu.memory_space<vmem>>) offsets(%dma_start3A_39 : memref<128xi32, #tpu.memory_space<vmem>>) semaphore(%arg14 : memref<!tpu.dma_semaphore, #tpu.memory_space<semaphore_mem>>)
    %dma_start3A_42 = arith.constant 4 : i32
    %dma_start3A_43 = arith.constant 4 : i32
    %dma_start3A_44 = arith.constant 0 : i32
    %dma_start3A_45 = tpu.memref_slice %arg11[%dma_start3A_43, %dma_start3A_44] : memref<13x128xf32, #tpu.memory_space<vmem>> -> memref<1x128xf32, #tpu.memory_space<vmem>>
    %dma_start3A_46 = tpu.memref_squeeze %dma_start3A_45 : memref<1x128xf32, #tpu.memory_space<vmem>> -> memref<128xf32, #tpu.memory_space<vmem>>
    %dma_start3A_47 = arith.constant 0 : i32
    %dma_start3A_48 = tpu.memref_slice %arg7[%dma_start3A_42, %dma_start3A_47] : memref<13x128xi32, #tpu.memory_space<vmem>> -> memref<1x128xi32, #tpu.memory_space<vmem>>
    %dma_start3A_49 = tpu.memref_squeeze %dma_start3A_48 : memref<1x128xi32, #tpu.memory_space<vmem>> -> memref<128xi32, #tpu.memory_space<vmem>>
    %dma_start3A_50 = arith.constant 0 : i32
    %dma_start3A_51 = tpu.memref_slice %arg4[%dma_start3A_50] : memref<13000xf32, #tpu.memory_space<hbm>> -> memref<13000xf32, #tpu.memory_space<hbm>>
    tpu.enqueue_indirect_dma source(%dma_start3A_51 : memref<13000xf32, #tpu.memory_space<hbm>>) target(%dma_start3A_46 : memref<128xf32, #tpu.memory_space<vmem>>) offsets(%dma_start3A_49 : memref<128xi32, #tpu.memory_space<vmem>>) semaphore(%arg14 : memref<!tpu.dma_semaphore, #tpu.memory_space<semaphore_mem>>)
    %dma_start3A_52 = arith.constant 5 : i32
    %dma_start3A_53 = arith.constant 5 : i32
    %dma_start3A_54 = arith.constant 0 : i32
    %dma_start3A_55 = tpu.memref_slice %arg11[%dma_start3A_53, %dma_start3A_54] : memref<13x128xf32, #tpu.memory_space<vmem>> -> memref<1x128xf32, #tpu.memory_space<vmem>>
    %dma_start3A_56 = tpu.memref_squeeze %dma_start3A_55 : memref<1x128xf32, #tpu.memory_space<vmem>> -> memref<128xf32, #tpu.memory_space<vmem>>
    %dma_start3A_57 = arith.constant 0 : i32
    %dma_start3A_58 = tpu.memref_slice %arg7[%dma_start3A_52, %dma_start3A_57] : memref<13x128xi32, #tpu.memory_space<vmem>> -> memref<1x128xi32, #tpu.memory_space<vmem>>
    %dma_start3A_59 = tpu.memref_squeeze %dma_start3A_58 : memref<1x128xi32, #tpu.memory_space<vmem>> -> memref<128xi32, #tpu.memory_space<vmem>>
    %dma_start3A_60 = arith.constant 0 : i32
    %dma_start3A_61 = tpu.memref_slice %arg4[%dma_start3A_60] : memref<13000xf32, #tpu.memory_space<hbm>> -> memref<13000xf32, #tpu.memory_space<hbm>>
    tpu.enqueue_indirect_dma source(%dma_start3A_61 : memref<13000xf32, #tpu.memory_space<hbm>>) target(%dma_start3A_56 : memref<128xf32, #tpu.memory_space<vmem>>) offsets(%dma_start3A_59 : memref<128xi32, #tpu.memory_space<vmem>>) semaphore(%arg14 : memref<!tpu.dma_semaphore, #tpu.memory_space<semaphore_mem>>)
    %dma_start3A_62 = arith.constant 6 : i32
    %dma_start3A_63 = arith.constant 6 : i32
    %dma_start3A_64 = arith.constant 0 : i32
    %dma_start3A_65 = tpu.memref_slice %arg11[%dma_start3A_63, %dma_start3A_64] : memref<13x128xf32, #tpu.memory_space<vmem>> -> memref<1x128xf32, #tpu.memory_space<vmem>>
    %dma_start3A_66 = tpu.memref_squeeze %dma_start3A_65 : memref<1x128xf32, #tpu.memory_space<vmem>> -> memref<128xf32, #tpu.memory_space<vmem>>
    %dma_start3A_67 = arith.constant 0 : i32
    %dma_start3A_68 = tpu.memref_slice %arg7[%dma_start3A_62, %dma_start3A_67] : memref<13x128xi32, #tpu.memory_space<vmem>> -> memref<1x128xi32, #tpu.memory_space<vmem>>
    %dma_start3A_69 = tpu.memref_squeeze %dma_start3A_68 : memref<1x128xi32, #tpu.memory_space<vmem>> -> memref<128xi32, #tpu.memory_space<vmem>>
    %dma_start3A_70 = arith.constant 0 : i32
    %dma_start3A_71 = tpu.memref_slice %arg4[%dma_start3A_70] : memref<13000xf32, #tpu.memory_space<hbm>> -> memref<13000xf32, #tpu.memory_space<hbm>>
    tpu.enqueue_indirect_dma source(%dma_start3A_71 : memref<13000xf32, #tpu.memory_space<hbm>>) target(%dma_start3A_66 : memref<128xf32, #tpu.memory_space<vmem>>) offsets(%dma_start3A_69 : memref<128xi32, #tpu.memory_space<vmem>>) semaphore(%arg14 : memref<!tpu.dma_semaphore, #tpu.memory_space<semaphore_mem>>)
    %dma_start3A_72 = arith.constant 7 : i32
    %dma_start3A_73 = arith.constant 7 : i32
    %dma_start3A_74 = arith.constant 0 : i32
    %dma_start3A_75 = tpu.memref_slice %arg11[%dma_start3A_73, %dma_start3A_74] : memref<13x128xf32, #tpu.memory_space<vmem>> -> memref<1x128xf32, #tpu.memory_space<vmem>>
    %dma_start3A_76 = tpu.memref_squeeze %dma_start3A_75 : memref<1x128xf32, #tpu.memory_space<vmem>> -> memref<128xf32, #tpu.memory_space<vmem>>
    %dma_start3A_77 = arith.constant 0 : i32
    %dma_start3A_78 = tpu.memref_slice %arg7[%dma_start3A_72, %dma_start3A_77] : memref<13x128xi32, #tpu.memory_space<vmem>> -> memref<1x128xi32, #tpu.memory_space<vmem>>
    %dma_start3A_79 = tpu.memref_squeeze %dma_start3A_78 : memref<1x128xi32, #tpu.memory_space<vmem>> -> memref<128xi32, #tpu.memory_space<vmem>>
    %dma_start3A_80 = arith.constant 0 : i32
    %dma_start3A_81 = tpu.memref_slice %arg4[%dma_start3A_80] : memref<13000xf32, #tpu.memory_space<hbm>> -> memref<13000xf32, #tpu.memory_space<hbm>>
    tpu.enqueue_indirect_dma source(%dma_start3A_81 : memref<13000xf32, #tpu.memory_space<hbm>>) target(%dma_start3A_76 : memref<128xf32, #tpu.memory_space<vmem>>) offsets(%dma_start3A_79 : memref<128xi32, #tpu.memory_space<vmem>>) semaphore(%arg14 : memref<!tpu.dma_semaphore, #tpu.memory_space<semaphore_mem>>)
    %dma_start3A_82 = arith.constant 8 : i32
    %dma_start3A_83 = arith.constant 8 : i32
    %dma_start3A_84 = arith.constant 0 : i32
    %dma_start3A_85 = tpu.memref_slice %arg11[%dma_start3A_83, %dma_start3A_84] : memref<13x128xf32, #tpu.memory_space<vmem>> -> memref<1x128xf32, #tpu.memory_space<vmem>>
    %dma_start3A_86 = tpu.memref_squeeze %dma_start3A_85 : memref<1x128xf32, #tpu.memory_space<vmem>> -> memref<128xf32, #tpu.memory_space<vmem>>
    %dma_start3A_87 = arith.constant 0 : i32
    %dma_start3A_88 = tpu.memref_slice %arg7[%dma_start3A_82, %dma_start3A_87] : memref<13x128xi32, #tpu.memory_space<vmem>> -> memref<1x128xi32, #tpu.memory_space<vmem>>
    %dma_start3A_89 = tpu.memref_squeeze %dma_start3A_88 : memref<1x128xi32, #tpu.memory_space<vmem>> -> memref<128xi32, #tpu.memory_space<vmem>>
    %dma_start3A_90 = arith.constant 0 : i32
    %dma_start3A_91 = tpu.memref_slice %arg4[%dma_start3A_90] : memref<13000xf32, #tpu.memory_space<hbm>> -> memref<13000xf32, #tpu.memory_space<hbm>>
    tpu.enqueue_indirect_dma source(%dma_start3A_91 : memref<13000xf32, #tpu.memory_space<hbm>>) target(%dma_start3A_86 : memref<128xf32, #tpu.memory_space<vmem>>) offsets(%dma_start3A_89 : memref<128xi32, #tpu.memory_space<vmem>>) semaphore(%arg14 : memref<!tpu.dma_semaphore, #tpu.memory_space<semaphore_mem>>)
    %dma_start3A_92 = arith.constant 9 : i32
    %dma_start3A_93 = arith.constant 9 : i32
    %dma_start3A_94 = arith.constant 0 : i32
    %dma_start3A_95 = tpu.memref_slice %arg11[%dma_start3A_93, %dma_start3A_94] : memref<13x128xf32, #tpu.memory_space<vmem>> -> memref<1x128xf32, #tpu.memory_space<vmem>>
    %dma_start3A_96 = tpu.memref_squeeze %dma_start3A_95 : memref<1x128xf32, #tpu.memory_space<vmem>> -> memref<128xf32, #tpu.memory_space<vmem>>
    %dma_start3A_97 = arith.constant 0 : i32
    %dma_start3A_98 = tpu.memref_slice %arg7[%dma_start3A_92, %dma_start3A_97] : memref<13x128xi32, #tpu.memory_space<vmem>> -> memref<1x128xi32, #tpu.memory_space<vmem>>
    %dma_start3A_99 = tpu.memref_squeeze %dma_start3A_98 : memref<1x128xi32, #tpu.memory_space<vmem>> -> memref<128xi32, #tpu.memory_space<vmem>>
    %dma_start3A_100 = arith.constant 0 : i32
    %dma_start3A_101 = tpu.memref_slice %arg4[%dma_start3A_100] : memref<13000xf32, #tpu.memory_space<hbm>> -> memref<13000xf32, #tpu.memory_space<hbm>>
    tpu.enqueue_indirect_dma source(%dma_start3A_101 : memref<13000xf32, #tpu.memory_space<hbm>>) target(%dma_start3A_96 : memref<128xf32, #tpu.memory_space<vmem>>) offsets(%dma_start3A_99 : memref<128xi32, #tpu.memory_space<vmem>>) semaphore(%arg14 : memref<!tpu.dma_semaphore, #tpu.memory_space<semaphore_mem>>)
    %dma_start3A_102 = arith.constant 10 : i32
    %dma_start3A_103 = arith.constant 10 : i32
    %dma_start3A_104 = arith.constant 0 : i32
    %dma_start3A_105 = tpu.memref_slice %arg11[%dma_start3A_103, %dma_start3A_104] : memref<13x128xf32, #tpu.memory_space<vmem>> -> memref<1x128xf32, #tpu.memory_space<vmem>>
    %dma_start3A_106 = tpu.memref_squeeze %dma_start3A_105 : memref<1x128xf32, #tpu.memory_space<vmem>> -> memref<128xf32, #tpu.memory_space<vmem>>
    %dma_start3A_107 = arith.constant 0 : i32
    %dma_start3A_108 = tpu.memref_slice %arg7[%dma_start3A_102, %dma_start3A_107] : memref<13x128xi32, #tpu.memory_space<vmem>> -> memref<1x128xi32, #tpu.memory_space<vmem>>
    %dma_start3A_109 = tpu.memref_squeeze %dma_start3A_108 : memref<1x128xi32, #tpu.memory_space<vmem>> -> memref<128xi32, #tpu.memory_space<vmem>>
    %dma_start3A_110 = arith.constant 0 : i32
    %dma_start3A_111 = tpu.memref_slice %arg4[%dma_start3A_110] : memref<13000xf32, #tpu.memory_space<hbm>> -> memref<13000xf32, #tpu.memory_space<hbm>>
    tpu.enqueue_indirect_dma source(%dma_start3A_111 : memref<13000xf32, #tpu.memory_space<hbm>>) target(%dma_start3A_106 : memref<128xf32, #tpu.memory_space<vmem>>) offsets(%dma_start3A_109 : memref<128xi32, #tpu.memory_space<vmem>>) semaphore(%arg14 : memref<!tpu.dma_semaphore, #tpu.memory_space<semaphore_mem>>)
    %dma_start3A_112 = arith.constant 11 : i32
    %dma_start3A_113 = arith.constant 11 : i32
    %dma_start3A_114 = arith.constant 0 : i32
    %dma_start3A_115 = tpu.memref_slice %arg11[%dma_start3A_113, %dma_start3A_114] : memref<13x128xf32, #tpu.memory_space<vmem>> -> memref<1x128xf32, #tpu.memory_space<vmem>>
    %dma_start3A_116 = tpu.memref_squeeze %dma_start3A_115 : memref<1x128xf32, #tpu.memory_space<vmem>> -> memref<128xf32, #tpu.memory_space<vmem>>
    %dma_start3A_117 = arith.constant 0 : i32
    %dma_start3A_118 = tpu.memref_slice %arg7[%dma_start3A_112, %dma_start3A_117] : memref<13x128xi32, #tpu.memory_space<vmem>> -> memref<1x128xi32, #tpu.memory_space<vmem>>
    %dma_start3A_119 = tpu.memref_squeeze %dma_start3A_118 : memref<1x128xi32, #tpu.memory_space<vmem>> -> memref<128xi32, #tpu.memory_space<vmem>>
    %dma_start3A_120 = arith.constant 0 : i32
    %dma_start3A_121 = tpu.memref_slice %arg4[%dma_start3A_120] : memref<13000xf32, #tpu.memory_space<hbm>> -> memref<13000xf32, #tpu.memory_space<hbm>>
    tpu.enqueue_indirect_dma source(%dma_start3A_121 : memref<13000xf32, #tpu.memory_space<hbm>>) target(%dma_start3A_116 : memref<128xf32, #tpu.memory_space<vmem>>) offsets(%dma_start3A_119 : memref<128xi32, #tpu.memory_space<vmem>>) semaphore(%arg14 : memref<!tpu.dma_semaphore, #tpu.memory_space<semaphore_mem>>)
    %dma_start3A_122 = arith.constant 12 : i32
    %dma_start3A_123 = arith.constant 12 : i32
    %dma_start3A_124 = arith.constant 0 : i32
    %dma_start3A_125 = tpu.memref_slice %arg11[%dma_start3A_123, %dma_start3A_124] : memref<13x128xf32, #tpu.memory_space<vmem>> -> memref<1x128xf32, #tpu.memory_space<vmem>>
    %dma_start3A_126 = tpu.memref_squeeze %dma_start3A_125 : memref<1x128xf32, #tpu.memory_space<vmem>> -> memref<128xf32, #tpu.memory_space<vmem>>
    %dma_start3A_127 = arith.constant 0 : i32
    %dma_start3A_128 = tpu.memref_slice %arg7[%dma_start3A_122, %dma_start3A_127] : memref<13x128xi32, #tpu.memory_space<vmem>> -> memref<1x128xi32, #tpu.memory_space<vmem>>
    %dma_start3A_129 = tpu.memref_squeeze %dma_start3A_128 : memref<1x128xi32, #tpu.memory_space<vmem>> -> memref<128xi32, #tpu.memory_space<vmem>>
    %dma_start3A_130 = arith.constant 0 : i32
    %dma_start3A_131 = tpu.memref_slice %arg4[%dma_start3A_130] : memref<13000xf32, #tpu.memory_space<hbm>> -> memref<13000xf32, #tpu.memory_space<hbm>>
    tpu.enqueue_indirect_dma source(%dma_start3A_131 : memref<13000xf32, #tpu.memory_space<hbm>>) target(%dma_start3A_126 : memref<128xf32, #tpu.memory_space<vmem>>) offsets(%dma_start3A_129 : memref<128xi32, #tpu.memory_space<vmem>>) semaphore(%arg14 : memref<!tpu.dma_semaphore, #tpu.memory_space<semaphore_mem>>)
    %dma_start3A_132 = arith.constant 0 : i32
    %dma_start3A_133 = arith.constant 0 : i32
    %dma_start3A_134 = tpu.memref_slice %arg7[%dma_start3A_132, %dma_start3A_133] : memref<13x128xi32, #tpu.memory_space<vmem>> -> memref<1x128xi32, #tpu.memory_space<vmem>>
    %dma_start3A_135 = tpu.memref_squeeze %dma_start3A_134 : memref<1x128xi32, #tpu.memory_space<vmem>> -> memref<128xi32, #tpu.memory_space<vmem>>
    %dma_start3A_136 = arith.constant 0 : i32
    %dma_start3A_137 = arith.constant 0 : i32
    %dma_start3A_138 = tpu.memref_slice %arg3[%dma_start3A_136, %dma_start3A_137] : memref<13000x128xf32, #tpu.memory_space<hbm>> -> memref<13000x128xf32, #tpu.memory_space<hbm>>
    tpu.enqueue_indirect_dma source(%dma_start3A_138 : memref<13000x128xf32, #tpu.memory_space<hbm>>) target(%arg8 : memref<128x128xf32, #tpu.memory_space<vmem>>) offsets(%dma_start3A_135 : memref<128xi32, #tpu.memory_space<vmem>>) semaphore(%arg13 : memref<!tpu.dma_semaphore, #tpu.memory_space<semaphore_mem>>)
    %dma_start3A_139 = arith.constant 1 : i32
    %dma_start3A_140 = arith.constant 0 : i32
    %dma_start3A_141 = tpu.memref_slice %arg7[%dma_start3A_139, %dma_start3A_140] : memref<13x128xi32, #tpu.memory_space<vmem>> -> memref<1x128xi32, #tpu.memory_space<vmem>>
    %dma_start3A_142 = tpu.memref_squeeze %dma_start3A_141 : memref<1x128xi32, #tpu.memory_space<vmem>> -> memref<128xi32, #tpu.memory_space<vmem>>
    %dma_start3A_143 = arith.constant 0 : i32
    %dma_start3A_144 = arith.constant 0 : i32
    %dma_start3A_145 = tpu.memref_slice %arg3[%dma_start3A_143, %dma_start3A_144] : memref<13000x128xf32, #tpu.memory_space<hbm>> -> memref<13000x128xf32, #tpu.memory_space<hbm>>
    tpu.enqueue_indirect_dma source(%dma_start3A_145 : memref<13000x128xf32, #tpu.memory_space<hbm>>) target(%arg9 : memref<128x128xf32, #tpu.memory_space<vmem>>) offsets(%dma_start3A_142 : memref<128xi32, #tpu.memory_space<vmem>>) semaphore(%arg13 : memref<!tpu.dma_semaphore, #tpu.memory_space<semaphore_mem>>)
    %dma_wait3A = arith.constant 0 : i32
    %dma_wait3A_146 = arith.constant 0 : i32
    %dma_wait3A_147 = tpu.memref_slice %arg7[%dma_wait3A, %dma_wait3A_146] : memref<13x128xi32, #tpu.memory_space<vmem>> -> memref<1x128xi32, #tpu.memory_space<vmem>>
    %dma_wait3A_148 = tpu.memref_squeeze %dma_wait3A_147 : memref<1x128xi32, #tpu.memory_space<vmem>> -> memref<128xi32, #tpu.memory_space<vmem>>
    %dma_wait3A_149 = arith.constant 0 : i32
    %dma_wait3A_150 = arith.constant 0 : i32
    %dma_wait3A_151 = tpu.memref_slice %arg3[%dma_wait3A_149, %dma_wait3A_150] : memref<13000x128xf32, #tpu.memory_space<hbm>> -> memref<13000x128xf32, #tpu.memory_space<hbm>>
    tpu.wait_indirect_dma semaphore(%arg13 : memref<!tpu.dma_semaphore, #tpu.memory_space<semaphore_mem>>) src(%dma_wait3A_151 : memref<13000x128xf32, #tpu.memory_space<hbm>>) dst(%arg8 : memref<128x128xf32, #tpu.memory_space<vmem>>)
    %dma_start3A_152 = arith.constant 0 : i32
    %dma_start3A_153 = arith.constant 0 : i32
    %dma_start3A_154 = tpu.memref_slice %arg5[%dma_start3A_152, %mul3A_2, %dma_start3A_153] : memref<13x4096x128xf32, #tpu.memory_space<hbm>> -> memref<1x128x128xf32, #tpu.memory_space<hbm>>
    %dma_start3A_155 = tpu.memref_squeeze %dma_start3A_154 : memref<1x128x128xf32, #tpu.memory_space<hbm>> -> memref<128x128xf32, #tpu.memory_space<hbm>>
    %dma_start3A_156 = arith.constant 0 : i32
    %dma_start3A_157 = tpu.memref_slice %arg5[%dma_start3A_152, %mul3A_2, %dma_start3A_156] : memref<13x4096x128xf32, #tpu.memory_space<hbm>> -> memref<1x128x128xf32, #tpu.memory_space<hbm>>
    %dma_start3A_158 = tpu.memref_squeeze %dma_start3A_157 : memref<1x128x128xf32, #tpu.memory_space<hbm>> -> memref<128x128xf32, #tpu.memory_space<hbm>>
    tpu.enqueue_dma source(%arg8 : memref<128x128xf32, #tpu.memory_space<vmem>>) target(%dma_start3A_158 : memref<128x128xf32, #tpu.memory_space<hbm>>) target_semaphore(%arg15 : memref<!tpu.dma_semaphore, #tpu.memory_space<semaphore_mem>>)
    %dma_start3A_159 = arith.constant 2 : i32
    %dma_start3A_160 = arith.constant 0 : i32
    %dma_start3A_161 = tpu.memref_slice %arg7[%dma_start3A_159, %dma_start3A_160] : memref<13x128xi32, #tpu.memory_space<vmem>> -> memref<1x128xi32, #tpu.memory_space<vmem>>
    %dma_start3A_162 = tpu.memref_squeeze %dma_start3A_161 : memref<1x128xi32, #tpu.memory_space<vmem>> -> memref<128xi32, #tpu.memory_space<vmem>>
    %dma_start3A_163 = arith.constant 0 : i32
    %dma_start3A_164 = arith.constant 0 : i32
    %dma_start3A_165 = tpu.memref_slice %arg3[%dma_start3A_163, %dma_start3A_164] : memref<13000x128xf32, #tpu.memory_space<hbm>> -> memref<13000x128xf32, #tpu.memory_space<hbm>>
    tpu.enqueue_indirect_dma source(%dma_start3A_165 : memref<13000x128xf32, #tpu.memory_space<hbm>>) target(%arg10 : memref<128x128xf32, #tpu.memory_space<vmem>>) offsets(%dma_start3A_162 : memref<128xi32, #tpu.memory_space<vmem>>) semaphore(%arg13 : memref<!tpu.dma_semaphore, #tpu.memory_space<semaphore_mem>>)
    %dma_wait3A_166 = arith.constant 1 : i32
    %dma_wait3A_167 = arith.constant 0 : i32
    %dma_wait3A_168 = tpu.memref_slice %arg7[%dma_wait3A_166, %dma_wait3A_167] : memref<13x128xi32, #tpu.memory_space<vmem>> -> memref<1x128xi32, #tpu.memory_space<vmem>>
    %dma_wait3A_169 = tpu.memref_squeeze %dma_wait3A_168 : memref<1x128xi32, #tpu.memory_space<vmem>> -> memref<128xi32, #tpu.memory_space<vmem>>
    %dma_wait3A_170 = arith.constant 0 : i32
    %dma_wait3A_171 = arith.constant 0 : i32
    %dma_wait3A_172 = tpu.memref_slice %arg3[%dma_wait3A_170, %dma_wait3A_171] : memref<13000x128xf32, #tpu.memory_space<hbm>> -> memref<13000x128xf32, #tpu.memory_space<hbm>>
    tpu.wait_indirect_dma semaphore(%arg13 : memref<!tpu.dma_semaphore, #tpu.memory_space<semaphore_mem>>) src(%dma_wait3A_172 : memref<13000x128xf32, #tpu.memory_space<hbm>>) dst(%arg9 : memref<128x128xf32, #tpu.memory_space<vmem>>)
    %dma_start3A_173 = arith.constant 1 : i32
    %dma_start3A_174 = arith.constant 0 : i32
    %dma_start3A_175 = tpu.memref_slice %arg5[%dma_start3A_173, %mul3A_2, %dma_start3A_174] : memref<13x4096x128xf32, #tpu.memory_space<hbm>> -> memref<1x128x128xf32, #tpu.memory_space<hbm>>
    %dma_start3A_176 = tpu.memref_squeeze %dma_start3A_175 : memref<1x128x128xf32, #tpu.memory_space<hbm>> -> memref<128x128xf32, #tpu.memory_space<hbm>>
    %dma_start3A_177 = arith.constant 0 : i32
    %dma_start3A_178 = tpu.memref_slice %arg5[%dma_start3A_173, %mul3A_2, %dma_start3A_177] : memref<13x4096x128xf32, #tpu.memory_space<hbm>> -> memref<1x128x128xf32, #tpu.memory_space<hbm>>
    %dma_start3A_179 = tpu.memref_squeeze %dma_start3A_178 : memref<1x128x128xf32, #tpu.memory_space<hbm>> -> memref<128x128xf32, #tpu.memory_space<hbm>>
    tpu.enqueue_dma source(%arg9 : memref<128x128xf32, #tpu.memory_space<vmem>>) target(%dma_start3A_179 : memref<128x128xf32, #tpu.memory_space<hbm>>) target_semaphore(%arg15 : memref<!tpu.dma_semaphore, #tpu.memory_space<semaphore_mem>>)
    %dma_wait3A_180 = arith.constant 0 : i32
    %dma_wait3A_181 = arith.constant 0 : i32
    %dma_wait3A_182 = tpu.memref_slice %arg5[%dma_wait3A_180, %mul3A_2, %dma_wait3A_181] : memref<13x4096x128xf32, #tpu.memory_space<hbm>> -> memref<1x128x128xf32, #tpu.memory_space<hbm>>
    %dma_wait3A_183 = tpu.memref_squeeze %dma_wait3A_182 : memref<1x128x128xf32, #tpu.memory_space<hbm>> -> memref<128x128xf32, #tpu.memory_space<hbm>>
    %dma_wait3A_184 = arith.constant 0 : i32
    %dma_wait3A_185 = tpu.memref_slice %arg5[%dma_wait3A_180, %mul3A_2, %dma_wait3A_184] : memref<13x4096x128xf32, #tpu.memory_space<hbm>> -> memref<1x128x128xf32, #tpu.memory_space<hbm>>
    %dma_wait3A_186 = tpu.memref_squeeze %dma_wait3A_185 : memref<1x128x128xf32, #tpu.memory_space<hbm>> -> memref<128x128xf32, #tpu.memory_space<hbm>>
    tpu.wait_dma2 semaphore(%arg15 : memref<!tpu.dma_semaphore, #tpu.memory_space<semaphore_mem>>) src(%arg8 : memref<128x128xf32, #tpu.memory_space<vmem>>) dst(%dma_wait3A_186 : memref<128x128xf32, #tpu.memory_space<hbm>>)
    %dma_start3A_187 = arith.constant 3 : i32
    %dma_start3A_188 = arith.constant 0 : i32
    %dma_start3A_189 = tpu.memref_slice %arg7[%dma_start3A_187, %dma_start3A_188] : memref<13x128xi32, #tpu.memory_space<vmem>> -> memref<1x128xi32, #tpu.memory_space<vmem>>
    %dma_start3A_190 = tpu.memref_squeeze %dma_start3A_189 : memref<1x128xi32, #tpu.memory_space<vmem>> -> memref<128xi32, #tpu.memory_space<vmem>>
    %dma_start3A_191 = arith.constant 0 : i32
    %dma_start3A_192 = arith.constant 0 : i32
    %dma_start3A_193 = tpu.memref_slice %arg3[%dma_start3A_191, %dma_start3A_192] : memref<13000x128xf32, #tpu.memory_space<hbm>> -> memref<13000x128xf32, #tpu.memory_space<hbm>>
    tpu.enqueue_indirect_dma source(%dma_start3A_193 : memref<13000x128xf32, #tpu.memory_space<hbm>>) target(%arg8 : memref<128x128xf32, #tpu.memory_space<vmem>>) offsets(%dma_start3A_190 : memref<128xi32, #tpu.memory_space<vmem>>) semaphore(%arg13 : memref<!tpu.dma_semaphore, #tpu.memory_space<semaphore_mem>>)
    %dma_wait3A_194 = arith.constant 2 : i32
    %dma_wait3A_195 = arith.constant 0 : i32
    %dma_wait3A_196 = tpu.memref_slice %arg7[%dma_wait3A_194, %dma_wait3A_195] : memref<13x128xi32, #tpu.memory_space<vmem>> -> memref<1x128xi32, #tpu.memory_space<vmem>>
    %dma_wait3A_197 = tpu.memref_squeeze %dma_wait3A_196 : memref<1x128xi32, #tpu.memory_space<vmem>> -> memref<128xi32, #tpu.memory_space<vmem>>
    %dma_wait3A_198 = arith.constant 0 : i32
    %dma_wait3A_199 = arith.constant 0 : i32
    %dma_wait3A_200 = tpu.memref_slice %arg3[%dma_wait3A_198, %dma_wait3A_199] : memref<13000x128xf32, #tpu.memory_space<hbm>> -> memref<13000x128xf32, #tpu.memory_space<hbm>>
    tpu.wait_indirect_dma semaphore(%arg13 : memref<!tpu.dma_semaphore, #tpu.memory_space<semaphore_mem>>) src(%dma_wait3A_200 : memref<13000x128xf32, #tpu.memory_space<hbm>>) dst(%arg10 : memref<128x128xf32, #tpu.memory_space<vmem>>)
    %dma_start3A_201 = arith.constant 2 : i32
    %dma_start3A_202 = arith.constant 0 : i32
    %dma_start3A_203 = tpu.memref_slice %arg5[%dma_start3A_201, %mul3A_2, %dma_start3A_202] : memref<13x4096x128xf32, #tpu.memory_space<hbm>> -> memref<1x128x128xf32, #tpu.memory_space<hbm>>
    %dma_start3A_204 = tpu.memref_squeeze %dma_start3A_203 : memref<1x128x128xf32, #tpu.memory_space<hbm>> -> memref<128x128xf32, #tpu.memory_space<hbm>>
    %dma_start3A_205 = arith.constant 0 : i32
    %dma_start3A_206 = tpu.memref_slice %arg5[%dma_start3A_201, %mul3A_2, %dma_start3A_205] : memref<13x4096x128xf32, #tpu.memory_space<hbm>> -> memref<1x128x128xf32, #tpu.memory_space<hbm>>
    %dma_start3A_207 = tpu.memref_squeeze %dma_start3A_206 : memref<1x128x128xf32, #tpu.memory_space<hbm>> -> memref<128x128xf32, #tpu.memory_space<hbm>>
    tpu.enqueue_dma source(%arg10 : memref<128x128xf32, #tpu.memory_space<vmem>>) target(%dma_start3A_207 : memref<128x128xf32, #tpu.memory_space<hbm>>) target_semaphore(%arg15 : memref<!tpu.dma_semaphore, #tpu.memory_space<semaphore_mem>>)
    %dma_wait3A_208 = arith.constant 1 : i32
    %dma_wait3A_209 = arith.constant 0 : i32
    %dma_wait3A_210 = tpu.memref_slice %arg5[%dma_wait3A_208, %mul3A_2, %dma_wait3A_209] : memref<13x4096x128xf32, #tpu.memory_space<hbm>> -> memref<1x128x128xf32, #tpu.memory_space<hbm>>
    %dma_wait3A_211 = tpu.memref_squeeze %dma_wait3A_210 : memref<1x128x128xf32, #tpu.memory_space<hbm>> -> memref<128x128xf32, #tpu.memory_space<hbm>>
    %dma_wait3A_212 = arith.constant 0 : i32
    %dma_wait3A_213 = tpu.memref_slice %arg5[%dma_wait3A_208, %mul3A_2, %dma_wait3A_212] : memref<13x4096x128xf32, #tpu.memory_space<hbm>> -> memref<1x128x128xf32, #tpu.memory_space<hbm>>
    %dma_wait3A_214 = tpu.memref_squeeze %dma_wait3A_213 : memref<1x128x128xf32, #tpu.memory_space<hbm>> -> memref<128x128xf32, #tpu.memory_space<hbm>>
    tpu.wait_dma2 semaphore(%arg15 : memref<!tpu.dma_semaphore, #tpu.memory_space<semaphore_mem>>) src(%arg9 : memref<128x128xf32, #tpu.memory_space<vmem>>) dst(%dma_wait3A_214 : memref<128x128xf32, #tpu.memory_space<hbm>>)
    %dma_start3A_215 = arith.constant 4 : i32
    %dma_start3A_216 = arith.constant 0 : i32
    %dma_start3A_217 = tpu.memref_slice %arg7[%dma_start3A_215, %dma_start3A_216] : memref<13x128xi32, #tpu.memory_space<vmem>> -> memref<1x128xi32, #tpu.memory_space<vmem>>
    %dma_start3A_218 = tpu.memref_squeeze %dma_start3A_217 : memref<1x128xi32, #tpu.memory_space<vmem>> -> memref<128xi32, #tpu.memory_space<vmem>>
    %dma_start3A_219 = arith.constant 0 : i32
    %dma_start3A_220 = arith.constant 0 : i32
    %dma_start3A_221 = tpu.memref_slice %arg3[%dma_start3A_219, %dma_start3A_220] : memref<13000x128xf32, #tpu.memory_space<hbm>> -> memref<13000x128xf32, #tpu.memory_space<hbm>>
    tpu.enqueue_indirect_dma source(%dma_start3A_221 : memref<13000x128xf32, #tpu.memory_space<hbm>>) target(%arg9 : memref<128x128xf32, #tpu.memory_space<vmem>>) offsets(%dma_start3A_218 : memref<128xi32, #tpu.memory_space<vmem>>) semaphore(%arg13 : memref<!tpu.dma_semaphore, #tpu.memory_space<semaphore_mem>>)
    %dma_wait3A_222 = arith.constant 3 : i32
    %dma_wait3A_223 = arith.constant 0 : i32
    %dma_wait3A_224 = tpu.memref_slice %arg7[%dma_wait3A_222, %dma_wait3A_223] : memref<13x128xi32, #tpu.memory_space<vmem>> -> memref<1x128xi32, #tpu.memory_space<vmem>>
    %dma_wait3A_225 = tpu.memref_squeeze %dma_wait3A_224 : memref<1x128xi32, #tpu.memory_space<vmem>> -> memref<128xi32, #tpu.memory_space<vmem>>
    %dma_wait3A_226 = arith.constant 0 : i32
    %dma_wait3A_227 = arith.constant 0 : i32
    %dma_wait3A_228 = tpu.memref_slice %arg3[%dma_wait3A_226, %dma_wait3A_227] : memref<13000x128xf32, #tpu.memory_space<hbm>> -> memref<13000x128xf32, #tpu.memory_space<hbm>>
    tpu.wait_indirect_dma semaphore(%arg13 : memref<!tpu.dma_semaphore, #tpu.memory_space<semaphore_mem>>) src(%dma_wait3A_228 : memref<13000x128xf32, #tpu.memory_space<hbm>>) dst(%arg8 : memref<128x128xf32, #tpu.memory_space<vmem>>)
    %dma_start3A_229 = arith.constant 3 : i32
    %dma_start3A_230 = arith.constant 0 : i32
    %dma_start3A_231 = tpu.memref_slice %arg5[%dma_start3A_229, %mul3A_2, %dma_start3A_230] : memref<13x4096x128xf32, #tpu.memory_space<hbm>> -> memref<1x128x128xf32, #tpu.memory_space<hbm>>
    %dma_start3A_232 = tpu.memref_squeeze %dma_start3A_231 : memref<1x128x128xf32, #tpu.memory_space<hbm>> -> memref<128x128xf32, #tpu.memory_space<hbm>>
    %dma_start3A_233 = arith.constant 0 : i32
    %dma_start3A_234 = tpu.memref_slice %arg5[%dma_start3A_229, %mul3A_2, %dma_start3A_233] : memref<13x4096x128xf32, #tpu.memory_space<hbm>> -> memref<1x128x128xf32, #tpu.memory_space<hbm>>
    %dma_start3A_235 = tpu.memref_squeeze %dma_start3A_234 : memref<1x128x128xf32, #tpu.memory_space<hbm>> -> memref<128x128xf32, #tpu.memory_space<hbm>>
    tpu.enqueue_dma source(%arg8 : memref<128x128xf32, #tpu.memory_space<vmem>>) target(%dma_start3A_235 : memref<128x128xf32, #tpu.memory_space<hbm>>) target_semaphore(%arg15 : memref<!tpu.dma_semaphore, #tpu.memory_space<semaphore_mem>>)
    %dma_wait3A_236 = arith.constant 2 : i32
    %dma_wait3A_237 = arith.constant 0 : i32
    %dma_wait3A_238 = tpu.memref_slice %arg5[%dma_wait3A_236, %mul3A_2, %dma_wait3A_237] : memref<13x4096x128xf32, #tpu.memory_space<hbm>> -> memref<1x128x128xf32, #tpu.memory_space<hbm>>
    %dma_wait3A_239 = tpu.memref_squeeze %dma_wait3A_238 : memref<1x128x128xf32, #tpu.memory_space<hbm>> -> memref<128x128xf32, #tpu.memory_space<hbm>>
    %dma_wait3A_240 = arith.constant 0 : i32
    %dma_wait3A_241 = tpu.memref_slice %arg5[%dma_wait3A_236, %mul3A_2, %dma_wait3A_240] : memref<13x4096x128xf32, #tpu.memory_space<hbm>> -> memref<1x128x128xf32, #tpu.memory_space<hbm>>
    %dma_wait3A_242 = tpu.memref_squeeze %dma_wait3A_241 : memref<1x128x128xf32, #tpu.memory_space<hbm>> -> memref<128x128xf32, #tpu.memory_space<hbm>>
    tpu.wait_dma2 semaphore(%arg15 : memref<!tpu.dma_semaphore, #tpu.memory_space<semaphore_mem>>) src(%arg10 : memref<128x128xf32, #tpu.memory_space<vmem>>) dst(%dma_wait3A_242 : memref<128x128xf32, #tpu.memory_space<hbm>>)
    %dma_start3A_243 = arith.constant 5 : i32
    %dma_start3A_244 = arith.constant 0 : i32
    %dma_start3A_245 = tpu.memref_slice %arg7[%dma_start3A_243, %dma_start3A_244] : memref<13x128xi32, #tpu.memory_space<vmem>> -> memref<1x128xi32, #tpu.memory_space<vmem>>
    %dma_start3A_246 = tpu.memref_squeeze %dma_start3A_245 : memref<1x128xi32, #tpu.memory_space<vmem>> -> memref<128xi32, #tpu.memory_space<vmem>>
    %dma_start3A_247 = arith.constant 0 : i32
    %dma_start3A_248 = arith.constant 0 : i32
    %dma_start3A_249 = tpu.memref_slice %arg3[%dma_start3A_247, %dma_start3A_248] : memref<13000x128xf32, #tpu.memory_space<hbm>> -> memref<13000x128xf32, #tpu.memory_space<hbm>>
    tpu.enqueue_indirect_dma source(%dma_start3A_249 : memref<13000x128xf32, #tpu.memory_space<hbm>>) target(%arg10 : memref<128x128xf32, #tpu.memory_space<vmem>>) offsets(%dma_start3A_246 : memref<128xi32, #tpu.memory_space<vmem>>) semaphore(%arg13 : memref<!tpu.dma_semaphore, #tpu.memory_space<semaphore_mem>>)
    %dma_wait3A_250 = arith.constant 4 : i32
    %dma_wait3A_251 = arith.constant 0 : i32
    %dma_wait3A_252 = tpu.memref_slice %arg7[%dma_wait3A_250, %dma_wait3A_251] : memref<13x128xi32, #tpu.memory_space<vmem>> -> memref<1x128xi32, #tpu.memory_space<vmem>>
    %dma_wait3A_253 = tpu.memref_squeeze %dma_wait3A_252 : memref<1x128xi32, #tpu.memory_space<vmem>> -> memref<128xi32, #tpu.memory_space<vmem>>
    %dma_wait3A_254 = arith.constant 0 : i32
    %dma_wait3A_255 = arith.constant 0 : i32
    %dma_wait3A_256 = tpu.memref_slice %arg3[%dma_wait3A_254, %dma_wait3A_255] : memref<13000x128xf32, #tpu.memory_space<hbm>> -> memref<13000x128xf32, #tpu.memory_space<hbm>>
    tpu.wait_indirect_dma semaphore(%arg13 : memref<!tpu.dma_semaphore, #tpu.memory_space<semaphore_mem>>) src(%dma_wait3A_256 : memref<13000x128xf32, #tpu.memory_space<hbm>>) dst(%arg9 : memref<128x128xf32, #tpu.memory_space<vmem>>)
    %dma_start3A_257 = arith.constant 4 : i32
    %dma_start3A_258 = arith.constant 0 : i32
    %dma_start3A_259 = tpu.memref_slice %arg5[%dma_start3A_257, %mul3A_2, %dma_start3A_258] : memref<13x4096x128xf32, #tpu.memory_space<hbm>> -> memref<1x128x128xf32, #tpu.memory_space<hbm>>
    %dma_start3A_260 = tpu.memref_squeeze %dma_start3A_259 : memref<1x128x128xf32, #tpu.memory_space<hbm>> -> memref<128x128xf32, #tpu.memory_space<hbm>>
    %dma_start3A_261 = arith.constant 0 : i32
    %dma_start3A_262 = tpu.memref_slice %arg5[%dma_start3A_257, %mul3A_2, %dma_start3A_261] : memref<13x4096x128xf32, #tpu.memory_space<hbm>> -> memref<1x128x128xf32, #tpu.memory_space<hbm>>
    %dma_start3A_263 = tpu.memref_squeeze %dma_start3A_262 : memref<1x128x128xf32, #tpu.memory_space<hbm>> -> memref<128x128xf32, #tpu.memory_space<hbm>>
    tpu.enqueue_dma source(%arg9 : memref<128x128xf32, #tpu.memory_space<vmem>>) target(%dma_start3A_263 : memref<128x128xf32, #tpu.memory_space<hbm>>) target_semaphore(%arg15 : memref<!tpu.dma_semaphore, #tpu.memory_space<semaphore_mem>>)
    %dma_wait3A_264 = arith.constant 3 : i32
    %dma_wait3A_265 = arith.constant 0 : i32
    %dma_wait3A_266 = tpu.memref_slice %arg5[%dma_wait3A_264, %mul3A_2, %dma_wait3A_265] : memref<13x4096x128xf32, #tpu.memory_space<hbm>> -> memref<1x128x128xf32, #tpu.memory_space<hbm>>
    %dma_wait3A_267 = tpu.memref_squeeze %dma_wait3A_266 : memref<1x128x128xf32, #tpu.memory_space<hbm>> -> memref<128x128xf32, #tpu.memory_space<hbm>>
    %dma_wait3A_268 = arith.constant 0 : i32
    %dma_wait3A_269 = tpu.memref_slice %arg5[%dma_wait3A_264, %mul3A_2, %dma_wait3A_268] : memref<13x4096x128xf32, #tpu.memory_space<hbm>> -> memref<1x128x128xf32, #tpu.memory_space<hbm>>
    %dma_wait3A_270 = tpu.memref_squeeze %dma_wait3A_269 : memref<1x128x128xf32, #tpu.memory_space<hbm>> -> memref<128x128xf32, #tpu.memory_space<hbm>>
    tpu.wait_dma2 semaphore(%arg15 : memref<!tpu.dma_semaphore, #tpu.memory_space<semaphore_mem>>) src(%arg8 : memref<128x128xf32, #tpu.memory_space<vmem>>) dst(%dma_wait3A_270 : memref<128x128xf32, #tpu.memory_space<hbm>>)
    %dma_start3A_271 = arith.constant 6 : i32
    %dma_start3A_272 = arith.constant 0 : i32
    %dma_start3A_273 = tpu.memref_slice %arg7[%dma_start3A_271, %dma_start3A_272] : memref<13x128xi32, #tpu.memory_space<vmem>> -> memref<1x128xi32, #tpu.memory_space<vmem>>
    %dma_start3A_274 = tpu.memref_squeeze %dma_start3A_273 : memref<1x128xi32, #tpu.memory_space<vmem>> -> memref<128xi32, #tpu.memory_space<vmem>>
    %dma_start3A_275 = arith.constant 0 : i32
    %dma_start3A_276 = arith.constant 0 : i32
    %dma_start3A_277 = tpu.memref_slice %arg3[%dma_start3A_275, %dma_start3A_276] : memref<13000x128xf32, #tpu.memory_space<hbm>> -> memref<13000x128xf32, #tpu.memory_space<hbm>>
    tpu.enqueue_indirect_dma source(%dma_start3A_277 : memref<13000x128xf32, #tpu.memory_space<hbm>>) target(%arg8 : memref<128x128xf32, #tpu.memory_space<vmem>>) offsets(%dma_start3A_274 : memref<128xi32, #tpu.memory_space<vmem>>) semaphore(%arg13 : memref<!tpu.dma_semaphore, #tpu.memory_space<semaphore_mem>>)
    %dma_wait3A_278 = arith.constant 5 : i32
    %dma_wait3A_279 = arith.constant 0 : i32
    %dma_wait3A_280 = tpu.memref_slice %arg7[%dma_wait3A_278, %dma_wait3A_279] : memref<13x128xi32, #tpu.memory_space<vmem>> -> memref<1x128xi32, #tpu.memory_space<vmem>>
    %dma_wait3A_281 = tpu.memref_squeeze %dma_wait3A_280 : memref<1x128xi32, #tpu.memory_space<vmem>> -> memref<128xi32, #tpu.memory_space<vmem>>
    %dma_wait3A_282 = arith.constant 0 : i32
    %dma_wait3A_283 = arith.constant 0 : i32
    %dma_wait3A_284 = tpu.memref_slice %arg3[%dma_wait3A_282, %dma_wait3A_283] : memref<13000x128xf32, #tpu.memory_space<hbm>> -> memref<13000x128xf32, #tpu.memory_space<hbm>>
    tpu.wait_indirect_dma semaphore(%arg13 : memref<!tpu.dma_semaphore, #tpu.memory_space<semaphore_mem>>) src(%dma_wait3A_284 : memref<13000x128xf32, #tpu.memory_space<hbm>>) dst(%arg10 : memref<128x128xf32, #tpu.memory_space<vmem>>)
    %dma_start3A_285 = arith.constant 5 : i32
    %dma_start3A_286 = arith.constant 0 : i32
    %dma_start3A_287 = tpu.memref_slice %arg5[%dma_start3A_285, %mul3A_2, %dma_start3A_286] : memref<13x4096x128xf32, #tpu.memory_space<hbm>> -> memref<1x128x128xf32, #tpu.memory_space<hbm>>
    %dma_start3A_288 = tpu.memref_squeeze %dma_start3A_287 : memref<1x128x128xf32, #tpu.memory_space<hbm>> -> memref<128x128xf32, #tpu.memory_space<hbm>>
    %dma_start3A_289 = arith.constant 0 : i32
    %dma_start3A_290 = tpu.memref_slice %arg5[%dma_start3A_285, %mul3A_2, %dma_start3A_289] : memref<13x4096x128xf32, #tpu.memory_space<hbm>> -> memref<1x128x128xf32, #tpu.memory_space<hbm>>
    %dma_start3A_291 = tpu.memref_squeeze %dma_start3A_290 : memref<1x128x128xf32, #tpu.memory_space<hbm>> -> memref<128x128xf32, #tpu.memory_space<hbm>>
    tpu.enqueue_dma source(%arg10 : memref<128x128xf32, #tpu.memory_space<vmem>>) target(%dma_start3A_291 : memref<128x128xf32, #tpu.memory_space<hbm>>) target_semaphore(%arg15 : memref<!tpu.dma_semaphore, #tpu.memory_space<semaphore_mem>>)
    %dma_wait3A_292 = arith.constant 4 : i32
    %dma_wait3A_293 = arith.constant 0 : i32
    %dma_wait3A_294 = tpu.memref_slice %arg5[%dma_wait3A_292, %mul3A_2, %dma_wait3A_293] : memref<13x4096x128xf32, #tpu.memory_space<hbm>> -> memref<1x128x128xf32, #tpu.memory_space<hbm>>
    %dma_wait3A_295 = tpu.memref_squeeze %dma_wait3A_294 : memref<1x128x128xf32, #tpu.memory_space<hbm>> -> memref<128x128xf32, #tpu.memory_space<hbm>>
    %dma_wait3A_296 = arith.constant 0 : i32
    %dma_wait3A_297 = tpu.memref_slice %arg5[%dma_wait3A_292, %mul3A_2, %dma_wait3A_296] : memref<13x4096x128xf32, #tpu.memory_space<hbm>> -> memref<1x128x128xf32, #tpu.memory_space<hbm>>
    %dma_wait3A_298 = tpu.memref_squeeze %dma_wait3A_297 : memref<1x128x128xf32, #tpu.memory_space<hbm>> -> memref<128x128xf32, #tpu.memory_space<hbm>>
    tpu.wait_dma2 semaphore(%arg15 : memref<!tpu.dma_semaphore, #tpu.memory_space<semaphore_mem>>) src(%arg9 : memref<128x128xf32, #tpu.memory_space<vmem>>) dst(%dma_wait3A_298 : memref<128x128xf32, #tpu.memory_space<hbm>>)
    %dma_start3A_299 = arith.constant 7 : i32
    %dma_start3A_300 = arith.constant 0 : i32
    %dma_start3A_301 = tpu.memref_slice %arg7[%dma_start3A_299, %dma_start3A_300] : memref<13x128xi32, #tpu.memory_space<vmem>> -> memref<1x128xi32, #tpu.memory_space<vmem>>
    %dma_start3A_302 = tpu.memref_squeeze %dma_start3A_301 : memref<1x128xi32, #tpu.memory_space<vmem>> -> memref<128xi32, #tpu.memory_space<vmem>>
    %dma_start3A_303 = arith.constant 0 : i32
    %dma_start3A_304 = arith.constant 0 : i32
    %dma_start3A_305 = tpu.memref_slice %arg3[%dma_start3A_303, %dma_start3A_304] : memref<13000x128xf32, #tpu.memory_space<hbm>> -> memref<13000x128xf32, #tpu.memory_space<hbm>>
    tpu.enqueue_indirect_dma source(%dma_start3A_305 : memref<13000x128xf32, #tpu.memory_space<hbm>>) target(%arg9 : memref<128x128xf32, #tpu.memory_space<vmem>>) offsets(%dma_start3A_302 : memref<128xi32, #tpu.memory_space<vmem>>) semaphore(%arg13 : memref<!tpu.dma_semaphore, #tpu.memory_space<semaphore_mem>>)
    %dma_wait3A_306 = arith.constant 6 : i32
    %dma_wait3A_307 = arith.constant 0 : i32
    %dma_wait3A_308 = tpu.memref_slice %arg7[%dma_wait3A_306, %dma_wait3A_307] : memref<13x128xi32, #tpu.memory_space<vmem>> -> memref<1x128xi32, #tpu.memory_space<vmem>>
    %dma_wait3A_309 = tpu.memref_squeeze %dma_wait3A_308 : memref<1x128xi32, #tpu.memory_space<vmem>> -> memref<128xi32, #tpu.memory_space<vmem>>
    %dma_wait3A_310 = arith.constant 0 : i32
    %dma_wait3A_311 = arith.constant 0 : i32
    %dma_wait3A_312 = tpu.memref_slice %arg3[%dma_wait3A_310, %dma_wait3A_311] : memref<13000x128xf32, #tpu.memory_space<hbm>> -> memref<13000x128xf32, #tpu.memory_space<hbm>>
    tpu.wait_indirect_dma semaphore(%arg13 : memref<!tpu.dma_semaphore, #tpu.memory_space<semaphore_mem>>) src(%dma_wait3A_312 : memref<13000x128xf32, #tpu.memory_space<hbm>>) dst(%arg8 : memref<128x128xf32, #tpu.memory_space<vmem>>)
    %dma_start3A_313 = arith.constant 6 : i32
    %dma_start3A_314 = arith.constant 0 : i32
    %dma_start3A_315 = tpu.memref_slice %arg5[%dma_start3A_313, %mul3A_2, %dma_start3A_314] : memref<13x4096x128xf32, #tpu.memory_space<hbm>> -> memref<1x128x128xf32, #tpu.memory_space<hbm>>
    %dma_start3A_316 = tpu.memref_squeeze %dma_start3A_315 : memref<1x128x128xf32, #tpu.memory_space<hbm>> -> memref<128x128xf32, #tpu.memory_space<hbm>>
    %dma_start3A_317 = arith.constant 0 : i32
    %dma_start3A_318 = tpu.memref_slice %arg5[%dma_start3A_313, %mul3A_2, %dma_start3A_317] : memref<13x4096x128xf32, #tpu.memory_space<hbm>> -> memref<1x128x128xf32, #tpu.memory_space<hbm>>
    %dma_start3A_319 = tpu.memref_squeeze %dma_start3A_318 : memref<1x128x128xf32, #tpu.memory_space<hbm>> -> memref<128x128xf32, #tpu.memory_space<hbm>>
    tpu.enqueue_dma source(%arg8 : memref<128x128xf32, #tpu.memory_space<vmem>>) target(%dma_start3A_319 : memref<128x128xf32, #tpu.memory_space<hbm>>) target_semaphore(%arg15 : memref<!tpu.dma_semaphore, #tpu.memory_space<semaphore_mem>>)
    %dma_wait3A_320 = arith.constant 5 : i32
    %dma_wait3A_321 = arith.constant 0 : i32
    %dma_wait3A_322 = tpu.memref_slice %arg5[%dma_wait3A_320, %mul3A_2, %dma_wait3A_321] : memref<13x4096x128xf32, #tpu.memory_space<hbm>> -> memref<1x128x128xf32, #tpu.memory_space<hbm>>
    %dma_wait3A_323 = tpu.memref_squeeze %dma_wait3A_322 : memref<1x128x128xf32, #tpu.memory_space<hbm>> -> memref<128x128xf32, #tpu.memory_space<hbm>>
    %dma_wait3A_324 = arith.constant 0 : i32
    %dma_wait3A_325 = tpu.memref_slice %arg5[%dma_wait3A_320, %mul3A_2, %dma_wait3A_324] : memref<13x4096x128xf32, #tpu.memory_space<hbm>> -> memref<1x128x128xf32, #tpu.memory_space<hbm>>
    %dma_wait3A_326 = tpu.memref_squeeze %dma_wait3A_325 : memref<1x128x128xf32, #tpu.memory_space<hbm>> -> memref<128x128xf32, #tpu.memory_space<hbm>>
    tpu.wait_dma2 semaphore(%arg15 : memref<!tpu.dma_semaphore, #tpu.memory_space<semaphore_mem>>) src(%arg10 : memref<128x128xf32, #tpu.memory_space<vmem>>) dst(%dma_wait3A_326 : memref<128x128xf32, #tpu.memory_space<hbm>>)
    %dma_start3A_327 = arith.constant 8 : i32
    %dma_start3A_328 = arith.constant 0 : i32
    %dma_start3A_329 = tpu.memref_slice %arg7[%dma_start3A_327, %dma_start3A_328] : memref<13x128xi32, #tpu.memory_space<vmem>> -> memref<1x128xi32, #tpu.memory_space<vmem>>
    %dma_start3A_330 = tpu.memref_squeeze %dma_start3A_329 : memref<1x128xi32, #tpu.memory_space<vmem>> -> memref<128xi32, #tpu.memory_space<vmem>>
    %dma_start3A_331 = arith.constant 0 : i32
    %dma_start3A_332 = arith.constant 0 : i32
    %dma_start3A_333 = tpu.memref_slice %arg3[%dma_start3A_331, %dma_start3A_332] : memref<13000x128xf32, #tpu.memory_space<hbm>> -> memref<13000x128xf32, #tpu.memory_space<hbm>>
    tpu.enqueue_indirect_dma source(%dma_start3A_333 : memref<13000x128xf32, #tpu.memory_space<hbm>>) target(%arg10 : memref<128x128xf32, #tpu.memory_space<vmem>>) offsets(%dma_start3A_330 : memref<128xi32, #tpu.memory_space<vmem>>) semaphore(%arg13 : memref<!tpu.dma_semaphore, #tpu.memory_space<semaphore_mem>>)
    %dma_wait3A_334 = arith.constant 7 : i32
    %dma_wait3A_335 = arith.constant 0 : i32
    %dma_wait3A_336 = tpu.memref_slice %arg7[%dma_wait3A_334, %dma_wait3A_335] : memref<13x128xi32, #tpu.memory_space<vmem>> -> memref<1x128xi32, #tpu.memory_space<vmem>>
    %dma_wait3A_337 = tpu.memref_squeeze %dma_wait3A_336 : memref<1x128xi32, #tpu.memory_space<vmem>> -> memref<128xi32, #tpu.memory_space<vmem>>
    %dma_wait3A_338 = arith.constant 0 : i32
    %dma_wait3A_339 = arith.constant 0 : i32
    %dma_wait3A_340 = tpu.memref_slice %arg3[%dma_wait3A_338, %dma_wait3A_339] : memref<13000x128xf32, #tpu.memory_space<hbm>> -> memref<13000x128xf32, #tpu.memory_space<hbm>>
    tpu.wait_indirect_dma semaphore(%arg13 : memref<!tpu.dma_semaphore, #tpu.memory_space<semaphore_mem>>) src(%dma_wait3A_340 : memref<13000x128xf32, #tpu.memory_space<hbm>>) dst(%arg9 : memref<128x128xf32, #tpu.memory_space<vmem>>)
    %dma_start3A_341 = arith.constant 7 : i32
    %dma_start3A_342 = arith.constant 0 : i32
    %dma_start3A_343 = tpu.memref_slice %arg5[%dma_start3A_341, %mul3A_2, %dma_start3A_342] : memref<13x4096x128xf32, #tpu.memory_space<hbm>> -> memref<1x128x128xf32, #tpu.memory_space<hbm>>
    %dma_start3A_344 = tpu.memref_squeeze %dma_start3A_343 : memref<1x128x128xf32, #tpu.memory_space<hbm>> -> memref<128x128xf32, #tpu.memory_space<hbm>>
    %dma_start3A_345 = arith.constant 0 : i32
    %dma_start3A_346 = tpu.memref_slice %arg5[%dma_start3A_341, %mul3A_2, %dma_start3A_345] : memref<13x4096x128xf32, #tpu.memory_space<hbm>> -> memref<1x128x128xf32, #tpu.memory_space<hbm>>
    %dma_start3A_347 = tpu.memref_squeeze %dma_start3A_346 : memref<1x128x128xf32, #tpu.memory_space<hbm>> -> memref<128x128xf32, #tpu.memory_space<hbm>>
    tpu.enqueue_dma source(%arg9 : memref<128x128xf32, #tpu.memory_space<vmem>>) target(%dma_start3A_347 : memref<128x128xf32, #tpu.memory_space<hbm>>) target_semaphore(%arg15 : memref<!tpu.dma_semaphore, #tpu.memory_space<semaphore_mem>>)
    %dma_wait3A_348 = arith.constant 6 : i32
    %dma_wait3A_349 = arith.constant 0 : i32
    %dma_wait3A_350 = tpu.memref_slice %arg5[%dma_wait3A_348, %mul3A_2, %dma_wait3A_349] : memref<13x4096x128xf32, #tpu.memory_space<hbm>> -> memref<1x128x128xf32, #tpu.memory_space<hbm>>
    %dma_wait3A_351 = tpu.memref_squeeze %dma_wait3A_350 : memref<1x128x128xf32, #tpu.memory_space<hbm>> -> memref<128x128xf32, #tpu.memory_space<hbm>>
    %dma_wait3A_352 = arith.constant 0 : i32
    %dma_wait3A_353 = tpu.memref_slice %arg5[%dma_wait3A_348, %mul3A_2, %dma_wait3A_352] : memref<13x4096x128xf32, #tpu.memory_space<hbm>> -> memref<1x128x128xf32, #tpu.memory_space<hbm>>
    %dma_wait3A_354 = tpu.memref_squeeze %dma_wait3A_353 : memref<1x128x128xf32, #tpu.memory_space<hbm>> -> memref<128x128xf32, #tpu.memory_space<hbm>>
    tpu.wait_dma2 semaphore(%arg15 : memref<!tpu.dma_semaphore, #tpu.memory_space<semaphore_mem>>) src(%arg8 : memref<128x128xf32, #tpu.memory_space<vmem>>) dst(%dma_wait3A_354 : memref<128x128xf32, #tpu.memory_space<hbm>>)
    %dma_start3A_355 = arith.constant 9 : i32
    %dma_start3A_356 = arith.constant 0 : i32
    %dma_start3A_357 = tpu.memref_slice %arg7[%dma_start3A_355, %dma_start3A_356] : memref<13x128xi32, #tpu.memory_space<vmem>> -> memref<1x128xi32, #tpu.memory_space<vmem>>
    %dma_start3A_358 = tpu.memref_squeeze %dma_start3A_357 : memref<1x128xi32, #tpu.memory_space<vmem>> -> memref<128xi32, #tpu.memory_space<vmem>>
    %dma_start3A_359 = arith.constant 0 : i32
    %dma_start3A_360 = arith.constant 0 : i32
    %dma_start3A_361 = tpu.memref_slice %arg3[%dma_start3A_359, %dma_start3A_360] : memref<13000x128xf32, #tpu.memory_space<hbm>> -> memref<13000x128xf32, #tpu.memory_space<hbm>>
    tpu.enqueue_indirect_dma source(%dma_start3A_361 : memref<13000x128xf32, #tpu.memory_space<hbm>>) target(%arg8 : memref<128x128xf32, #tpu.memory_space<vmem>>) offsets(%dma_start3A_358 : memref<128xi32, #tpu.memory_space<vmem>>) semaphore(%arg13 : memref<!tpu.dma_semaphore, #tpu.memory_space<semaphore_mem>>)
    %dma_wait3A_362 = arith.constant 8 : i32
    %dma_wait3A_363 = arith.constant 0 : i32
    %dma_wait3A_364 = tpu.memref_slice %arg7[%dma_wait3A_362, %dma_wait3A_363] : memref<13x128xi32, #tpu.memory_space<vmem>> -> memref<1x128xi32, #tpu.memory_space<vmem>>
    %dma_wait3A_365 = tpu.memref_squeeze %dma_wait3A_364 : memref<1x128xi32, #tpu.memory_space<vmem>> -> memref<128xi32, #tpu.memory_space<vmem>>
    %dma_wait3A_366 = arith.constant 0 : i32
    %dma_wait3A_367 = arith.constant 0 : i32
    %dma_wait3A_368 = tpu.memref_slice %arg3[%dma_wait3A_366, %dma_wait3A_367] : memref<13000x128xf32, #tpu.memory_space<hbm>> -> memref<13000x128xf32, #tpu.memory_space<hbm>>
    tpu.wait_indirect_dma semaphore(%arg13 : memref<!tpu.dma_semaphore, #tpu.memory_space<semaphore_mem>>) src(%dma_wait3A_368 : memref<13000x128xf32, #tpu.memory_space<hbm>>) dst(%arg10 : memref<128x128xf32, #tpu.memory_space<vmem>>)
    %dma_start3A_369 = arith.constant 8 : i32
    %dma_start3A_370 = arith.constant 0 : i32
    %dma_start3A_371 = tpu.memref_slice %arg5[%dma_start3A_369, %mul3A_2, %dma_start3A_370] : memref<13x4096x128xf32, #tpu.memory_space<hbm>> -> memref<1x128x128xf32, #tpu.memory_space<hbm>>
    %dma_start3A_372 = tpu.memref_squeeze %dma_start3A_371 : memref<1x128x128xf32, #tpu.memory_space<hbm>> -> memref<128x128xf32, #tpu.memory_space<hbm>>
    %dma_start3A_373 = arith.constant 0 : i32
    %dma_start3A_374 = tpu.memref_slice %arg5[%dma_start3A_369, %mul3A_2, %dma_start3A_373] : memref<13x4096x128xf32, #tpu.memory_space<hbm>> -> memref<1x128x128xf32, #tpu.memory_space<hbm>>
    %dma_start3A_375 = tpu.memref_squeeze %dma_start3A_374 : memref<1x128x128xf32, #tpu.memory_space<hbm>> -> memref<128x128xf32, #tpu.memory_space<hbm>>
    tpu.enqueue_dma source(%arg10 : memref<128x128xf32, #tpu.memory_space<vmem>>) target(%dma_start3A_375 : memref<128x128xf32, #tpu.memory_space<hbm>>) target_semaphore(%arg15 : memref<!tpu.dma_semaphore, #tpu.memory_space<semaphore_mem>>)
    %dma_wait3A_376 = arith.constant 7 : i32
    %dma_wait3A_377 = arith.constant 0 : i32
    %dma_wait3A_378 = tpu.memref_slice %arg5[%dma_wait3A_376, %mul3A_2, %dma_wait3A_377] : memref<13x4096x128xf32, #tpu.memory_space<hbm>> -> memref<1x128x128xf32, #tpu.memory_space<hbm>>
    %dma_wait3A_379 = tpu.memref_squeeze %dma_wait3A_378 : memref<1x128x128xf32, #tpu.memory_space<hbm>> -> memref<128x128xf32, #tpu.memory_space<hbm>>
    %dma_wait3A_380 = arith.constant 0 : i32
    %dma_wait3A_381 = tpu.memref_slice %arg5[%dma_wait3A_376, %mul3A_2, %dma_wait3A_380] : memref<13x4096x128xf32, #tpu.memory_space<hbm>> -> memref<1x128x128xf32, #tpu.memory_space<hbm>>
    %dma_wait3A_382 = tpu.memref_squeeze %dma_wait3A_381 : memref<1x128x128xf32, #tpu.memory_space<hbm>> -> memref<128x128xf32, #tpu.memory_space<hbm>>
    tpu.wait_dma2 semaphore(%arg15 : memref<!tpu.dma_semaphore, #tpu.memory_space<semaphore_mem>>) src(%arg9 : memref<128x128xf32, #tpu.memory_space<vmem>>) dst(%dma_wait3A_382 : memref<128x128xf32, #tpu.memory_space<hbm>>)
    %dma_start3A_383 = arith.constant 10 : i32
    %dma_start3A_384 = arith.constant 0 : i32
    %dma_start3A_385 = tpu.memref_slice %arg7[%dma_start3A_383, %dma_start3A_384] : memref<13x128xi32, #tpu.memory_space<vmem>> -> memref<1x128xi32, #tpu.memory_space<vmem>>
    %dma_start3A_386 = tpu.memref_squeeze %dma_start3A_385 : memref<1x128xi32, #tpu.memory_space<vmem>> -> memref<128xi32, #tpu.memory_space<vmem>>
    %dma_start3A_387 = arith.constant 0 : i32
    %dma_start3A_388 = arith.constant 0 : i32
    %dma_start3A_389 = tpu.memref_slice %arg3[%dma_start3A_387, %dma_start3A_388] : memref<13000x128xf32, #tpu.memory_space<hbm>> -> memref<13000x128xf32, #tpu.memory_space<hbm>>
    tpu.enqueue_indirect_dma source(%dma_start3A_389 : memref<13000x128xf32, #tpu.memory_space<hbm>>) target(%arg9 : memref<128x128xf32, #tpu.memory_space<vmem>>) offsets(%dma_start3A_386 : memref<128xi32, #tpu.memory_space<vmem>>) semaphore(%arg13 : memref<!tpu.dma_semaphore, #tpu.memory_space<semaphore_mem>>)
    %dma_wait3A_390 = arith.constant 9 : i32
    %dma_wait3A_391 = arith.constant 0 : i32
    %dma_wait3A_392 = tpu.memref_slice %arg7[%dma_wait3A_390, %dma_wait3A_391] : memref<13x128xi32, #tpu.memory_space<vmem>> -> memref<1x128xi32, #tpu.memory_space<vmem>>
    %dma_wait3A_393 = tpu.memref_squeeze %dma_wait3A_392 : memref<1x128xi32, #tpu.memory_space<vmem>> -> memref<128xi32, #tpu.memory_space<vmem>>
    %dma_wait3A_394 = arith.constant 0 : i32
    %dma_wait3A_395 = arith.constant 0 : i32
    %dma_wait3A_396 = tpu.memref_slice %arg3[%dma_wait3A_394, %dma_wait3A_395] : memref<13000x128xf32, #tpu.memory_space<hbm>> -> memref<13000x128xf32, #tpu.memory_space<hbm>>
    tpu.wait_indirect_dma semaphore(%arg13 : memref<!tpu.dma_semaphore, #tpu.memory_space<semaphore_mem>>) src(%dma_wait3A_396 : memref<13000x128xf32, #tpu.memory_space<hbm>>) dst(%arg8 : memref<128x128xf32, #tpu.memory_space<vmem>>)
    %dma_start3A_397 = arith.constant 9 : i32
    %dma_start3A_398 = arith.constant 0 : i32
    %dma_start3A_399 = tpu.memref_slice %arg5[%dma_start3A_397, %mul3A_2, %dma_start3A_398] : memref<13x4096x128xf32, #tpu.memory_space<hbm>> -> memref<1x128x128xf32, #tpu.memory_space<hbm>>
    %dma_start3A_400 = tpu.memref_squeeze %dma_start3A_399 : memref<1x128x128xf32, #tpu.memory_space<hbm>> -> memref<128x128xf32, #tpu.memory_space<hbm>>
    %dma_start3A_401 = arith.constant 0 : i32
    %dma_start3A_402 = tpu.memref_slice %arg5[%dma_start3A_397, %mul3A_2, %dma_start3A_401] : memref<13x4096x128xf32, #tpu.memory_space<hbm>> -> memref<1x128x128xf32, #tpu.memory_space<hbm>>
    %dma_start3A_403 = tpu.memref_squeeze %dma_start3A_402 : memref<1x128x128xf32, #tpu.memory_space<hbm>> -> memref<128x128xf32, #tpu.memory_space<hbm>>
    tpu.enqueue_dma source(%arg8 : memref<128x128xf32, #tpu.memory_space<vmem>>) target(%dma_start3A_403 : memref<128x128xf32, #tpu.memory_space<hbm>>) target_semaphore(%arg15 : memref<!tpu.dma_semaphore, #tpu.memory_space<semaphore_mem>>)
    %dma_wait3A_404 = arith.constant 8 : i32
    %dma_wait3A_405 = arith.constant 0 : i32
    %dma_wait3A_406 = tpu.memref_slice %arg5[%dma_wait3A_404, %mul3A_2, %dma_wait3A_405] : memref<13x4096x128xf32, #tpu.memory_space<hbm>> -> memref<1x128x128xf32, #tpu.memory_space<hbm>>
    %dma_wait3A_407 = tpu.memref_squeeze %dma_wait3A_406 : memref<1x128x128xf32, #tpu.memory_space<hbm>> -> memref<128x128xf32, #tpu.memory_space<hbm>>
    %dma_wait3A_408 = arith.constant 0 : i32
    %dma_wait3A_409 = tpu.memref_slice %arg5[%dma_wait3A_404, %mul3A_2, %dma_wait3A_408] : memref<13x4096x128xf32, #tpu.memory_space<hbm>> -> memref<1x128x128xf32, #tpu.memory_space<hbm>>
    %dma_wait3A_410 = tpu.memref_squeeze %dma_wait3A_409 : memref<1x128x128xf32, #tpu.memory_space<hbm>> -> memref<128x128xf32, #tpu.memory_space<hbm>>
    tpu.wait_dma2 semaphore(%arg15 : memref<!tpu.dma_semaphore, #tpu.memory_space<semaphore_mem>>) src(%arg10 : memref<128x128xf32, #tpu.memory_space<vmem>>) dst(%dma_wait3A_410 : memref<128x128xf32, #tpu.memory_space<hbm>>)
    %dma_start3A_411 = arith.constant 11 : i32
    %dma_start3A_412 = arith.constant 0 : i32
    %dma_start3A_413 = tpu.memref_slice %arg7[%dma_start3A_411, %dma_start3A_412] : memref<13x128xi32, #tpu.memory_space<vmem>> -> memref<1x128xi32, #tpu.memory_space<vmem>>
    %dma_start3A_414 = tpu.memref_squeeze %dma_start3A_413 : memref<1x128xi32, #tpu.memory_space<vmem>> -> memref<128xi32, #tpu.memory_space<vmem>>
    %dma_start3A_415 = arith.constant 0 : i32
    %dma_start3A_416 = arith.constant 0 : i32
    %dma_start3A_417 = tpu.memref_slice %arg3[%dma_start3A_415, %dma_start3A_416] : memref<13000x128xf32, #tpu.memory_space<hbm>> -> memref<13000x128xf32, #tpu.memory_space<hbm>>
    tpu.enqueue_indirect_dma source(%dma_start3A_417 : memref<13000x128xf32, #tpu.memory_space<hbm>>) target(%arg10 : memref<128x128xf32, #tpu.memory_space<vmem>>) offsets(%dma_start3A_414 : memref<128xi32, #tpu.memory_space<vmem>>) semaphore(%arg13 : memref<!tpu.dma_semaphore, #tpu.memory_space<semaphore_mem>>)
    %dma_wait3A_418 = arith.constant 10 : i32
    %dma_wait3A_419 = arith.constant 0 : i32
    %dma_wait3A_420 = tpu.memref_slice %arg7[%dma_wait3A_418, %dma_wait3A_419] : memref<13x128xi32, #tpu.memory_space<vmem>> -> memref<1x128xi32, #tpu.memory_space<vmem>>
    %dma_wait3A_421 = tpu.memref_squeeze %dma_wait3A_420 : memref<1x128xi32, #tpu.memory_space<vmem>> -> memref<128xi32, #tpu.memory_space<vmem>>
    %dma_wait3A_422 = arith.constant 0 : i32
    %dma_wait3A_423 = arith.constant 0 : i32
    %dma_wait3A_424 = tpu.memref_slice %arg3[%dma_wait3A_422, %dma_wait3A_423] : memref<13000x128xf32, #tpu.memory_space<hbm>> -> memref<13000x128xf32, #tpu.memory_space<hbm>>
    tpu.wait_indirect_dma semaphore(%arg13 : memref<!tpu.dma_semaphore, #tpu.memory_space<semaphore_mem>>) src(%dma_wait3A_424 : memref<13000x128xf32, #tpu.memory_space<hbm>>) dst(%arg9 : memref<128x128xf32, #tpu.memory_space<vmem>>)
    %dma_start3A_425 = arith.constant 10 : i32
    %dma_start3A_426 = arith.constant 0 : i32
    %dma_start3A_427 = tpu.memref_slice %arg5[%dma_start3A_425, %mul3A_2, %dma_start3A_426] : memref<13x4096x128xf32, #tpu.memory_space<hbm>> -> memref<1x128x128xf32, #tpu.memory_space<hbm>>
    %dma_start3A_428 = tpu.memref_squeeze %dma_start3A_427 : memref<1x128x128xf32, #tpu.memory_space<hbm>> -> memref<128x128xf32, #tpu.memory_space<hbm>>
    %dma_start3A_429 = arith.constant 0 : i32
    %dma_start3A_430 = tpu.memref_slice %arg5[%dma_start3A_425, %mul3A_2, %dma_start3A_429] : memref<13x4096x128xf32, #tpu.memory_space<hbm>> -> memref<1x128x128xf32, #tpu.memory_space<hbm>>
    %dma_start3A_431 = tpu.memref_squeeze %dma_start3A_430 : memref<1x128x128xf32, #tpu.memory_space<hbm>> -> memref<128x128xf32, #tpu.memory_space<hbm>>
    tpu.enqueue_dma source(%arg9 : memref<128x128xf32, #tpu.memory_space<vmem>>) target(%dma_start3A_431 : memref<128x128xf32, #tpu.memory_space<hbm>>) target_semaphore(%arg15 : memref<!tpu.dma_semaphore, #tpu.memory_space<semaphore_mem>>)
    %dma_wait3A_432 = arith.constant 9 : i32
    %dma_wait3A_433 = arith.constant 0 : i32
    %dma_wait3A_434 = tpu.memref_slice %arg5[%dma_wait3A_432, %mul3A_2, %dma_wait3A_433] : memref<13x4096x128xf32, #tpu.memory_space<hbm>> -> memref<1x128x128xf32, #tpu.memory_space<hbm>>
    %dma_wait3A_435 = tpu.memref_squeeze %dma_wait3A_434 : memref<1x128x128xf32, #tpu.memory_space<hbm>> -> memref<128x128xf32, #tpu.memory_space<hbm>>
    %dma_wait3A_436 = arith.constant 0 : i32
    %dma_wait3A_437 = tpu.memref_slice %arg5[%dma_wait3A_432, %mul3A_2, %dma_wait3A_436] : memref<13x4096x128xf32, #tpu.memory_space<hbm>> -> memref<1x128x128xf32, #tpu.memory_space<hbm>>
    %dma_wait3A_438 = tpu.memref_squeeze %dma_wait3A_437 : memref<1x128x128xf32, #tpu.memory_space<hbm>> -> memref<128x128xf32, #tpu.memory_space<hbm>>
    tpu.wait_dma2 semaphore(%arg15 : memref<!tpu.dma_semaphore, #tpu.memory_space<semaphore_mem>>) src(%arg8 : memref<128x128xf32, #tpu.memory_space<vmem>>) dst(%dma_wait3A_438 : memref<128x128xf32, #tpu.memory_space<hbm>>)
    %dma_start3A_439 = arith.constant 12 : i32
    %dma_start3A_440 = arith.constant 0 : i32
    %dma_start3A_441 = tpu.memref_slice %arg7[%dma_start3A_439, %dma_start3A_440] : memref<13x128xi32, #tpu.memory_space<vmem>> -> memref<1x128xi32, #tpu.memory_space<vmem>>
    %dma_start3A_442 = tpu.memref_squeeze %dma_start3A_441 : memref<1x128xi32, #tpu.memory_space<vmem>> -> memref<128xi32, #tpu.memory_space<vmem>>
    %dma_start3A_443 = arith.constant 0 : i32
    %dma_start3A_444 = arith.constant 0 : i32
    %dma_start3A_445 = tpu.memref_slice %arg3[%dma_start3A_443, %dma_start3A_444] : memref<13000x128xf32, #tpu.memory_space<hbm>> -> memref<13000x128xf32, #tpu.memory_space<hbm>>
    tpu.enqueue_indirect_dma source(%dma_start3A_445 : memref<13000x128xf32, #tpu.memory_space<hbm>>) target(%arg8 : memref<128x128xf32, #tpu.memory_space<vmem>>) offsets(%dma_start3A_442 : memref<128xi32, #tpu.memory_space<vmem>>) semaphore(%arg13 : memref<!tpu.dma_semaphore, #tpu.memory_space<semaphore_mem>>)
    %dma_wait3A_446 = arith.constant 11 : i32
    %dma_wait3A_447 = arith.constant 0 : i32
    %dma_wait3A_448 = tpu.memref_slice %arg7[%dma_wait3A_446, %dma_wait3A_447] : memref<13x128xi32, #tpu.memory_space<vmem>> -> memref<1x128xi32, #tpu.memory_space<vmem>>
    %dma_wait3A_449 = tpu.memref_squeeze %dma_wait3A_448 : memref<1x128xi32, #tpu.memory_space<vmem>> -> memref<128xi32, #tpu.memory_space<vmem>>
    %dma_wait3A_450 = arith.constant 0 : i32
    %dma_wait3A_451 = arith.constant 0 : i32
    %dma_wait3A_452 = tpu.memref_slice %arg3[%dma_wait3A_450, %dma_wait3A_451] : memref<13000x128xf32, #tpu.memory_space<hbm>> -> memref<13000x128xf32, #tpu.memory_space<hbm>>
    tpu.wait_indirect_dma semaphore(%arg13 : memref<!tpu.dma_semaphore, #tpu.memory_space<semaphore_mem>>) src(%dma_wait3A_452 : memref<13000x128xf32, #tpu.memory_space<hbm>>) dst(%arg10 : memref<128x128xf32, #tpu.memory_space<vmem>>)
    %dma_start3A_453 = arith.constant 11 : i32
    %dma_start3A_454 = arith.constant 0 : i32
    %dma_start3A_455 = tpu.memref_slice %arg5[%dma_start3A_453, %mul3A_2, %dma_start3A_454] : memref<13x4096x128xf32, #tpu.memory_space<hbm>> -> memref<1x128x128xf32, #tpu.memory_space<hbm>>
    %dma_start3A_456 = tpu.memref_squeeze %dma_start3A_455 : memref<1x128x128xf32, #tpu.memory_space<hbm>> -> memref<128x128xf32, #tpu.memory_space<hbm>>
    %dma_start3A_457 = arith.constant 0 : i32
    %dma_start3A_458 = tpu.memref_slice %arg5[%dma_start3A_453, %mul3A_2, %dma_start3A_457] : memref<13x4096x128xf32, #tpu.memory_space<hbm>> -> memref<1x128x128xf32, #tpu.memory_space<hbm>>
    %dma_start3A_459 = tpu.memref_squeeze %dma_start3A_458 : memref<1x128x128xf32, #tpu.memory_space<hbm>> -> memref<128x128xf32, #tpu.memory_space<hbm>>
    tpu.enqueue_dma source(%arg10 : memref<128x128xf32, #tpu.memory_space<vmem>>) target(%dma_start3A_459 : memref<128x128xf32, #tpu.memory_space<hbm>>) target_semaphore(%arg15 : memref<!tpu.dma_semaphore, #tpu.memory_space<semaphore_mem>>)
    %dma_wait3A_460 = arith.constant 12 : i32
    %dma_wait3A_461 = arith.constant 0 : i32
    %dma_wait3A_462 = tpu.memref_slice %arg7[%dma_wait3A_460, %dma_wait3A_461] : memref<13x128xi32, #tpu.memory_space<vmem>> -> memref<1x128xi32, #tpu.memory_space<vmem>>
    %dma_wait3A_463 = tpu.memref_squeeze %dma_wait3A_462 : memref<1x128xi32, #tpu.memory_space<vmem>> -> memref<128xi32, #tpu.memory_space<vmem>>
    %dma_wait3A_464 = arith.constant 0 : i32
    %dma_wait3A_465 = arith.constant 0 : i32
    %dma_wait3A_466 = tpu.memref_slice %arg3[%dma_wait3A_464, %dma_wait3A_465] : memref<13000x128xf32, #tpu.memory_space<hbm>> -> memref<13000x128xf32, #tpu.memory_space<hbm>>
    tpu.wait_indirect_dma semaphore(%arg13 : memref<!tpu.dma_semaphore, #tpu.memory_space<semaphore_mem>>) src(%dma_wait3A_466 : memref<13000x128xf32, #tpu.memory_space<hbm>>) dst(%arg8 : memref<128x128xf32, #tpu.memory_space<vmem>>)
    %dma_start3A_467 = arith.constant 12 : i32
    %dma_start3A_468 = arith.constant 0 : i32
    %dma_start3A_469 = tpu.memref_slice %arg5[%dma_start3A_467, %mul3A_2, %dma_start3A_468] : memref<13x4096x128xf32, #tpu.memory_space<hbm>> -> memref<1x128x128xf32, #tpu.memory_space<hbm>>
    %dma_start3A_470 = tpu.memref_squeeze %dma_start3A_469 : memref<1x128x128xf32, #tpu.memory_space<hbm>> -> memref<128x128xf32, #tpu.memory_space<hbm>>
    %dma_start3A_471 = arith.constant 0 : i32
    %dma_start3A_472 = tpu.memref_slice %arg5[%dma_start3A_467, %mul3A_2, %dma_start3A_471] : memref<13x4096x128xf32, #tpu.memory_space<hbm>> -> memref<1x128x128xf32, #tpu.memory_space<hbm>>
    %dma_start3A_473 = tpu.memref_squeeze %dma_start3A_472 : memref<1x128x128xf32, #tpu.memory_space<hbm>> -> memref<128x128xf32, #tpu.memory_space<hbm>>
    tpu.enqueue_dma source(%arg8 : memref<128x128xf32, #tpu.memory_space<vmem>>) target(%dma_start3A_473 : memref<128x128xf32, #tpu.memory_space<hbm>>) target_semaphore(%arg15 : memref<!tpu.dma_semaphore, #tpu.memory_space<semaphore_mem>>)
    %dma_wait3A_474 = arith.constant 12 : i32
    %dma_wait3A_475 = arith.constant 0 : i32
    %dma_wait3A_476 = tpu.memref_slice %arg5[%dma_wait3A_474, %mul3A_2, %dma_wait3A_475] : memref<13x4096x128xf32, #tpu.memory_space<hbm>> -> memref<1x128x128xf32, #tpu.memory_space<hbm>>
    %dma_wait3A_477 = tpu.memref_squeeze %dma_wait3A_476 : memref<1x128x128xf32, #tpu.memory_space<hbm>> -> memref<128x128xf32, #tpu.memory_space<hbm>>
    %dma_wait3A_478 = arith.constant 0 : i32
    %dma_wait3A_479 = tpu.memref_slice %arg5[%dma_wait3A_474, %mul3A_2, %dma_wait3A_478] : memref<13x4096x128xf32, #tpu.memory_space<hbm>> -> memref<1x128x128xf32, #tpu.memory_space<hbm>>
    %dma_wait3A_480 = tpu.memref_squeeze %dma_wait3A_479 : memref<1x128x128xf32, #tpu.memory_space<hbm>> -> memref<128x128xf32, #tpu.memory_space<hbm>>
    tpu.wait_dma2 semaphore(%arg15 : memref<!tpu.dma_semaphore, #tpu.memory_space<semaphore_mem>>) src(%arg8 : memref<128x128xf32, #tpu.memory_space<vmem>>) dst(%dma_wait3A_480 : memref<128x128xf32, #tpu.memory_space<hbm>>)
    %dma_wait3A_481 = arith.constant 10 : i32
    %dma_wait3A_482 = arith.constant 0 : i32
    %dma_wait3A_483 = tpu.memref_slice %arg5[%dma_wait3A_481, %mul3A_2, %dma_wait3A_482] : memref<13x4096x128xf32, #tpu.memory_space<hbm>> -> memref<1x128x128xf32, #tpu.memory_space<hbm>>
    %dma_wait3A_484 = tpu.memref_squeeze %dma_wait3A_483 : memref<1x128x128xf32, #tpu.memory_space<hbm>> -> memref<128x128xf32, #tpu.memory_space<hbm>>
    %dma_wait3A_485 = arith.constant 0 : i32
    %dma_wait3A_486 = tpu.memref_slice %arg5[%dma_wait3A_481, %mul3A_2, %dma_wait3A_485] : memref<13x4096x128xf32, #tpu.memory_space<hbm>> -> memref<1x128x128xf32, #tpu.memory_space<hbm>>
    %dma_wait3A_487 = tpu.memref_squeeze %dma_wait3A_486 : memref<1x128x128xf32, #tpu.memory_space<hbm>> -> memref<128x128xf32, #tpu.memory_space<hbm>>
    tpu.wait_dma2 semaphore(%arg15 : memref<!tpu.dma_semaphore, #tpu.memory_space<semaphore_mem>>) src(%arg9 : memref<128x128xf32, #tpu.memory_space<vmem>>) dst(%dma_wait3A_487 : memref<128x128xf32, #tpu.memory_space<hbm>>)
    %dma_wait3A_488 = arith.constant 11 : i32
    %dma_wait3A_489 = arith.constant 0 : i32
    %dma_wait3A_490 = tpu.memref_slice %arg5[%dma_wait3A_488, %mul3A_2, %dma_wait3A_489] : memref<13x4096x128xf32, #tpu.memory_space<hbm>> -> memref<1x128x128xf32, #tpu.memory_space<hbm>>
    %dma_wait3A_491 = tpu.memref_squeeze %dma_wait3A_490 : memref<1x128x128xf32, #tpu.memory_space<hbm>> -> memref<128x128xf32, #tpu.memory_space<hbm>>
    %dma_wait3A_492 = arith.constant 0 : i32
    %dma_wait3A_493 = tpu.memref_slice %arg5[%dma_wait3A_488, %mul3A_2, %dma_wait3A_492] : memref<13x4096x128xf32, #tpu.memory_space<hbm>> -> memref<1x128x128xf32, #tpu.memory_space<hbm>>
    %dma_wait3A_494 = tpu.memref_squeeze %dma_wait3A_493 : memref<1x128x128xf32, #tpu.memory_space<hbm>> -> memref<128x128xf32, #tpu.memory_space<hbm>>
    tpu.wait_dma2 semaphore(%arg15 : memref<!tpu.dma_semaphore, #tpu.memory_space<semaphore_mem>>) src(%arg10 : memref<128x128xf32, #tpu.memory_space<vmem>>) dst(%dma_wait3A_494 : memref<128x128xf32, #tpu.memory_space<hbm>>)
    %dma_wait3A_495 = arith.constant 0 : i32
    %dma_wait3A_496 = arith.constant 0 : i32
    %dma_wait3A_497 = arith.constant 0 : i32
    %dma_wait3A_498 = tpu.memref_slice %arg11[%dma_wait3A_496, %dma_wait3A_497] : memref<13x128xf32, #tpu.memory_space<vmem>> -> memref<1x128xf32, #tpu.memory_space<vmem>>
    %dma_wait3A_499 = tpu.memref_squeeze %dma_wait3A_498 : memref<1x128xf32, #tpu.memory_space<vmem>> -> memref<128xf32, #tpu.memory_space<vmem>>
    %dma_wait3A_500 = arith.constant 0 : i32
    %dma_wait3A_501 = tpu.memref_slice %arg7[%dma_wait3A_495, %dma_wait3A_500] : memref<13x128xi32, #tpu.memory_space<vmem>> -> memref<1x128xi32, #tpu.memory_space<vmem>>
    %dma_wait3A_502 = tpu.memref_squeeze %dma_wait3A_501 : memref<1x128xi32, #tpu.memory_space<vmem>> -> memref<128xi32, #tpu.memory_space<vmem>>
    %dma_wait3A_503 = arith.constant 0 : i32
    %dma_wait3A_504 = tpu.memref_slice %arg4[%dma_wait3A_503] : memref<13000xf32, #tpu.memory_space<hbm>> -> memref<13000xf32, #tpu.memory_space<hbm>>
    tpu.wait_indirect_dma semaphore(%arg14 : memref<!tpu.dma_semaphore, #tpu.memory_space<semaphore_mem>>) src(%dma_wait3A_504 : memref<13000xf32, #tpu.memory_space<hbm>>) dst(%dma_wait3A_499 : memref<128xf32, #tpu.memory_space<vmem>>)
    %dma_wait3A_505 = arith.constant 1 : i32
    %dma_wait3A_506 = arith.constant 1 : i32
    %dma_wait3A_507 = arith.constant 0 : i32
    %dma_wait3A_508 = tpu.memref_slice %arg11[%dma_wait3A_506, %dma_wait3A_507] : memref<13x128xf32, #tpu.memory_space<vmem>> -> memref<1x128xf32, #tpu.memory_space<vmem>>
    %dma_wait3A_509 = tpu.memref_squeeze %dma_wait3A_508 : memref<1x128xf32, #tpu.memory_space<vmem>> -> memref<128xf32, #tpu.memory_space<vmem>>
    %dma_wait3A_510 = arith.constant 0 : i32
    %dma_wait3A_511 = tpu.memref_slice %arg7[%dma_wait3A_505, %dma_wait3A_510] : memref<13x128xi32, #tpu.memory_space<vmem>> -> memref<1x128xi32, #tpu.memory_space<vmem>>
    %dma_wait3A_512 = tpu.memref_squeeze %dma_wait3A_511 : memref<1x128xi32, #tpu.memory_space<vmem>> -> memref<128xi32, #tpu.memory_space<vmem>>
    %dma_wait3A_513 = arith.constant 0 : i32
    %dma_wait3A_514 = tpu.memref_slice %arg4[%dma_wait3A_513] : memref<13000xf32, #tpu.memory_space<hbm>> -> memref<13000xf32, #tpu.memory_space<hbm>>
    tpu.wait_indirect_dma semaphore(%arg14 : memref<!tpu.dma_semaphore, #tpu.memory_space<semaphore_mem>>) src(%dma_wait3A_514 : memref<13000xf32, #tpu.memory_space<hbm>>) dst(%dma_wait3A_509 : memref<128xf32, #tpu.memory_space<vmem>>)
    %dma_wait3A_515 = arith.constant 2 : i32
    %dma_wait3A_516 = arith.constant 2 : i32
    %dma_wait3A_517 = arith.constant 0 : i32
    %dma_wait3A_518 = tpu.memref_slice %arg11[%dma_wait3A_516, %dma_wait3A_517] : memref<13x128xf32, #tpu.memory_space<vmem>> -> memref<1x128xf32, #tpu.memory_space<vmem>>
    %dma_wait3A_519 = tpu.memref_squeeze %dma_wait3A_518 : memref<1x128xf32, #tpu.memory_space<vmem>> -> memref<128xf32, #tpu.memory_space<vmem>>
    %dma_wait3A_520 = arith.constant 0 : i32
    %dma_wait3A_521 = tpu.memref_slice %arg7[%dma_wait3A_515, %dma_wait3A_520] : memref<13x128xi32, #tpu.memory_space<vmem>> -> memref<1x128xi32, #tpu.memory_space<vmem>>
    %dma_wait3A_522 = tpu.memref_squeeze %dma_wait3A_521 : memref<1x128xi32, #tpu.memory_space<vmem>> -> memref<128xi32, #tpu.memory_space<vmem>>
    %dma_wait3A_523 = arith.constant 0 : i32
    %dma_wait3A_524 = tpu.memref_slice %arg4[%dma_wait3A_523] : memref<13000xf32, #tpu.memory_space<hbm>> -> memref<13000xf32, #tpu.memory_space<hbm>>
    tpu.wait_indirect_dma semaphore(%arg14 : memref<!tpu.dma_semaphore, #tpu.memory_space<semaphore_mem>>) src(%dma_wait3A_524 : memref<13000xf32, #tpu.memory_space<hbm>>) dst(%dma_wait3A_519 : memref<128xf32, #tpu.memory_space<vmem>>)
    %dma_wait3A_525 = arith.constant 3 : i32
    %dma_wait3A_526 = arith.constant 3 : i32
    %dma_wait3A_527 = arith.constant 0 : i32
    %dma_wait3A_528 = tpu.memref_slice %arg11[%dma_wait3A_526, %dma_wait3A_527] : memref<13x128xf32, #tpu.memory_space<vmem>> -> memref<1x128xf32, #tpu.memory_space<vmem>>
    %dma_wait3A_529 = tpu.memref_squeeze %dma_wait3A_528 : memref<1x128xf32, #tpu.memory_space<vmem>> -> memref<128xf32, #tpu.memory_space<vmem>>
    %dma_wait3A_530 = arith.constant 0 : i32
    %dma_wait3A_531 = tpu.memref_slice %arg7[%dma_wait3A_525, %dma_wait3A_530] : memref<13x128xi32, #tpu.memory_space<vmem>> -> memref<1x128xi32, #tpu.memory_space<vmem>>
    %dma_wait3A_532 = tpu.memref_squeeze %dma_wait3A_531 : memref<1x128xi32, #tpu.memory_space<vmem>> -> memref<128xi32, #tpu.memory_space<vmem>>
    %dma_wait3A_533 = arith.constant 0 : i32
    %dma_wait3A_534 = tpu.memref_slice %arg4[%dma_wait3A_533] : memref<13000xf32, #tpu.memory_space<hbm>> -> memref<13000xf32, #tpu.memory_space<hbm>>
    tpu.wait_indirect_dma semaphore(%arg14 : memref<!tpu.dma_semaphore, #tpu.memory_space<semaphore_mem>>) src(%dma_wait3A_534 : memref<13000xf32, #tpu.memory_space<hbm>>) dst(%dma_wait3A_529 : memref<128xf32, #tpu.memory_space<vmem>>)
    %dma_wait3A_535 = arith.constant 4 : i32
    %dma_wait3A_536 = arith.constant 4 : i32
    %dma_wait3A_537 = arith.constant 0 : i32
    %dma_wait3A_538 = tpu.memref_slice %arg11[%dma_wait3A_536, %dma_wait3A_537] : memref<13x128xf32, #tpu.memory_space<vmem>> -> memref<1x128xf32, #tpu.memory_space<vmem>>
    %dma_wait3A_539 = tpu.memref_squeeze %dma_wait3A_538 : memref<1x128xf32, #tpu.memory_space<vmem>> -> memref<128xf32, #tpu.memory_space<vmem>>
    %dma_wait3A_540 = arith.constant 0 : i32
    %dma_wait3A_541 = tpu.memref_slice %arg7[%dma_wait3A_535, %dma_wait3A_540] : memref<13x128xi32, #tpu.memory_space<vmem>> -> memref<1x128xi32, #tpu.memory_space<vmem>>
    %dma_wait3A_542 = tpu.memref_squeeze %dma_wait3A_541 : memref<1x128xi32, #tpu.memory_space<vmem>> -> memref<128xi32, #tpu.memory_space<vmem>>
    %dma_wait3A_543 = arith.constant 0 : i32
    %dma_wait3A_544 = tpu.memref_slice %arg4[%dma_wait3A_543] : memref<13000xf32, #tpu.memory_space<hbm>> -> memref<13000xf32, #tpu.memory_space<hbm>>
    tpu.wait_indirect_dma semaphore(%arg14 : memref<!tpu.dma_semaphore, #tpu.memory_space<semaphore_mem>>) src(%dma_wait3A_544 : memref<13000xf32, #tpu.memory_space<hbm>>) dst(%dma_wait3A_539 : memref<128xf32, #tpu.memory_space<vmem>>)
    %dma_wait3A_545 = arith.constant 5 : i32
    %dma_wait3A_546 = arith.constant 5 : i32
    %dma_wait3A_547 = arith.constant 0 : i32
    %dma_wait3A_548 = tpu.memref_slice %arg11[%dma_wait3A_546, %dma_wait3A_547] : memref<13x128xf32, #tpu.memory_space<vmem>> -> memref<1x128xf32, #tpu.memory_space<vmem>>
    %dma_wait3A_549 = tpu.memref_squeeze %dma_wait3A_548 : memref<1x128xf32, #tpu.memory_space<vmem>> -> memref<128xf32, #tpu.memory_space<vmem>>
    %dma_wait3A_550 = arith.constant 0 : i32
    %dma_wait3A_551 = tpu.memref_slice %arg7[%dma_wait3A_545, %dma_wait3A_550] : memref<13x128xi32, #tpu.memory_space<vmem>> -> memref<1x128xi32, #tpu.memory_space<vmem>>
    %dma_wait3A_552 = tpu.memref_squeeze %dma_wait3A_551 : memref<1x128xi32, #tpu.memory_space<vmem>> -> memref<128xi32, #tpu.memory_space<vmem>>
    %dma_wait3A_553 = arith.constant 0 : i32
    %dma_wait3A_554 = tpu.memref_slice %arg4[%dma_wait3A_553] : memref<13000xf32, #tpu.memory_space<hbm>> -> memref<13000xf32, #tpu.memory_space<hbm>>
    tpu.wait_indirect_dma semaphore(%arg14 : memref<!tpu.dma_semaphore, #tpu.memory_space<semaphore_mem>>) src(%dma_wait3A_554 : memref<13000xf32, #tpu.memory_space<hbm>>) dst(%dma_wait3A_549 : memref<128xf32, #tpu.memory_space<vmem>>)
    %dma_wait3A_555 = arith.constant 6 : i32
    %dma_wait3A_556 = arith.constant 6 : i32
    %dma_wait3A_557 = arith.constant 0 : i32
    %dma_wait3A_558 = tpu.memref_slice %arg11[%dma_wait3A_556, %dma_wait3A_557] : memref<13x128xf32, #tpu.memory_space<vmem>> -> memref<1x128xf32, #tpu.memory_space<vmem>>
    %dma_wait3A_559 = tpu.memref_squeeze %dma_wait3A_558 : memref<1x128xf32, #tpu.memory_space<vmem>> -> memref<128xf32, #tpu.memory_space<vmem>>
    %dma_wait3A_560 = arith.constant 0 : i32
    %dma_wait3A_561 = tpu.memref_slice %arg7[%dma_wait3A_555, %dma_wait3A_560] : memref<13x128xi32, #tpu.memory_space<vmem>> -> memref<1x128xi32, #tpu.memory_space<vmem>>
    %dma_wait3A_562 = tpu.memref_squeeze %dma_wait3A_561 : memref<1x128xi32, #tpu.memory_space<vmem>> -> memref<128xi32, #tpu.memory_space<vmem>>
    %dma_wait3A_563 = arith.constant 0 : i32
    %dma_wait3A_564 = tpu.memref_slice %arg4[%dma_wait3A_563] : memref<13000xf32, #tpu.memory_space<hbm>> -> memref<13000xf32, #tpu.memory_space<hbm>>
    tpu.wait_indirect_dma semaphore(%arg14 : memref<!tpu.dma_semaphore, #tpu.memory_space<semaphore_mem>>) src(%dma_wait3A_564 : memref<13000xf32, #tpu.memory_space<hbm>>) dst(%dma_wait3A_559 : memref<128xf32, #tpu.memory_space<vmem>>)
    %dma_wait3A_565 = arith.constant 7 : i32
    %dma_wait3A_566 = arith.constant 7 : i32
    %dma_wait3A_567 = arith.constant 0 : i32
    %dma_wait3A_568 = tpu.memref_slice %arg11[%dma_wait3A_566, %dma_wait3A_567] : memref<13x128xf32, #tpu.memory_space<vmem>> -> memref<1x128xf32, #tpu.memory_space<vmem>>
    %dma_wait3A_569 = tpu.memref_squeeze %dma_wait3A_568 : memref<1x128xf32, #tpu.memory_space<vmem>> -> memref<128xf32, #tpu.memory_space<vmem>>
    %dma_wait3A_570 = arith.constant 0 : i32
    %dma_wait3A_571 = tpu.memref_slice %arg7[%dma_wait3A_565, %dma_wait3A_570] : memref<13x128xi32, #tpu.memory_space<vmem>> -> memref<1x128xi32, #tpu.memory_space<vmem>>
    %dma_wait3A_572 = tpu.memref_squeeze %dma_wait3A_571 : memref<1x128xi32, #tpu.memory_space<vmem>> -> memref<128xi32, #tpu.memory_space<vmem>>
    %dma_wait3A_573 = arith.constant 0 : i32
    %dma_wait3A_574 = tpu.memref_slice %arg4[%dma_wait3A_573] : memref<13000xf32, #tpu.memory_space<hbm>> -> memref<13000xf32, #tpu.memory_space<hbm>>
    tpu.wait_indirect_dma semaphore(%arg14 : memref<!tpu.dma_semaphore, #tpu.memory_space<semaphore_mem>>) src(%dma_wait3A_574 : memref<13000xf32, #tpu.memory_space<hbm>>) dst(%dma_wait3A_569 : memref<128xf32, #tpu.memory_space<vmem>>)
    %dma_wait3A_575 = arith.constant 8 : i32
    %dma_wait3A_576 = arith.constant 8 : i32
    %dma_wait3A_577 = arith.constant 0 : i32
    %dma_wait3A_578 = tpu.memref_slice %arg11[%dma_wait3A_576, %dma_wait3A_577] : memref<13x128xf32, #tpu.memory_space<vmem>> -> memref<1x128xf32, #tpu.memory_space<vmem>>
    %dma_wait3A_579 = tpu.memref_squeeze %dma_wait3A_578 : memref<1x128xf32, #tpu.memory_space<vmem>> -> memref<128xf32, #tpu.memory_space<vmem>>
    %dma_wait3A_580 = arith.constant 0 : i32
    %dma_wait3A_581 = tpu.memref_slice %arg7[%dma_wait3A_575, %dma_wait3A_580] : memref<13x128xi32, #tpu.memory_space<vmem>> -> memref<1x128xi32, #tpu.memory_space<vmem>>
    %dma_wait3A_582 = tpu.memref_squeeze %dma_wait3A_581 : memref<1x128xi32, #tpu.memory_space<vmem>> -> memref<128xi32, #tpu.memory_space<vmem>>
    %dma_wait3A_583 = arith.constant 0 : i32
    %dma_wait3A_584 = tpu.memref_slice %arg4[%dma_wait3A_583] : memref<13000xf32, #tpu.memory_space<hbm>> -> memref<13000xf32, #tpu.memory_space<hbm>>
    tpu.wait_indirect_dma semaphore(%arg14 : memref<!tpu.dma_semaphore, #tpu.memory_space<semaphore_mem>>) src(%dma_wait3A_584 : memref<13000xf32, #tpu.memory_space<hbm>>) dst(%dma_wait3A_579 : memref<128xf32, #tpu.memory_space<vmem>>)
    %dma_wait3A_585 = arith.constant 9 : i32
    %dma_wait3A_586 = arith.constant 9 : i32
    %dma_wait3A_587 = arith.constant 0 : i32
    %dma_wait3A_588 = tpu.memref_slice %arg11[%dma_wait3A_586, %dma_wait3A_587] : memref<13x128xf32, #tpu.memory_space<vmem>> -> memref<1x128xf32, #tpu.memory_space<vmem>>
    %dma_wait3A_589 = tpu.memref_squeeze %dma_wait3A_588 : memref<1x128xf32, #tpu.memory_space<vmem>> -> memref<128xf32, #tpu.memory_space<vmem>>
    %dma_wait3A_590 = arith.constant 0 : i32
    %dma_wait3A_591 = tpu.memref_slice %arg7[%dma_wait3A_585, %dma_wait3A_590] : memref<13x128xi32, #tpu.memory_space<vmem>> -> memref<1x128xi32, #tpu.memory_space<vmem>>
    %dma_wait3A_592 = tpu.memref_squeeze %dma_wait3A_591 : memref<1x128xi32, #tpu.memory_space<vmem>> -> memref<128xi32, #tpu.memory_space<vmem>>
    %dma_wait3A_593 = arith.constant 0 : i32
    %dma_wait3A_594 = tpu.memref_slice %arg4[%dma_wait3A_593] : memref<13000xf32, #tpu.memory_space<hbm>> -> memref<13000xf32, #tpu.memory_space<hbm>>
    tpu.wait_indirect_dma semaphore(%arg14 : memref<!tpu.dma_semaphore, #tpu.memory_space<semaphore_mem>>) src(%dma_wait3A_594 : memref<13000xf32, #tpu.memory_space<hbm>>) dst(%dma_wait3A_589 : memref<128xf32, #tpu.memory_space<vmem>>)
    %dma_wait3A_595 = arith.constant 10 : i32
    %dma_wait3A_596 = arith.constant 10 : i32
    %dma_wait3A_597 = arith.constant 0 : i32
    %dma_wait3A_598 = tpu.memref_slice %arg11[%dma_wait3A_596, %dma_wait3A_597] : memref<13x128xf32, #tpu.memory_space<vmem>> -> memref<1x128xf32, #tpu.memory_space<vmem>>
    %dma_wait3A_599 = tpu.memref_squeeze %dma_wait3A_598 : memref<1x128xf32, #tpu.memory_space<vmem>> -> memref<128xf32, #tpu.memory_space<vmem>>
    %dma_wait3A_600 = arith.constant 0 : i32
    %dma_wait3A_601 = tpu.memref_slice %arg7[%dma_wait3A_595, %dma_wait3A_600] : memref<13x128xi32, #tpu.memory_space<vmem>> -> memref<1x128xi32, #tpu.memory_space<vmem>>
    %dma_wait3A_602 = tpu.memref_squeeze %dma_wait3A_601 : memref<1x128xi32, #tpu.memory_space<vmem>> -> memref<128xi32, #tpu.memory_space<vmem>>
    %dma_wait3A_603 = arith.constant 0 : i32
    %dma_wait3A_604 = tpu.memref_slice %arg4[%dma_wait3A_603] : memref<13000xf32, #tpu.memory_space<hbm>> -> memref<13000xf32, #tpu.memory_space<hbm>>
    tpu.wait_indirect_dma semaphore(%arg14 : memref<!tpu.dma_semaphore, #tpu.memory_space<semaphore_mem>>) src(%dma_wait3A_604 : memref<13000xf32, #tpu.memory_space<hbm>>) dst(%dma_wait3A_599 : memref<128xf32, #tpu.memory_space<vmem>>)
    %dma_wait3A_605 = arith.constant 11 : i32
    %dma_wait3A_606 = arith.constant 11 : i32
    %dma_wait3A_607 = arith.constant 0 : i32
    %dma_wait3A_608 = tpu.memref_slice %arg11[%dma_wait3A_606, %dma_wait3A_607] : memref<13x128xf32, #tpu.memory_space<vmem>> -> memref<1x128xf32, #tpu.memory_space<vmem>>
    %dma_wait3A_609 = tpu.memref_squeeze %dma_wait3A_608 : memref<1x128xf32, #tpu.memory_space<vmem>> -> memref<128xf32, #tpu.memory_space<vmem>>
    %dma_wait3A_610 = arith.constant 0 : i32
    %dma_wait3A_611 = tpu.memref_slice %arg7[%dma_wait3A_605, %dma_wait3A_610] : memref<13x128xi32, #tpu.memory_space<vmem>> -> memref<1x128xi32, #tpu.memory_space<vmem>>
    %dma_wait3A_612 = tpu.memref_squeeze %dma_wait3A_611 : memref<1x128xi32, #tpu.memory_space<vmem>> -> memref<128xi32, #tpu.memory_space<vmem>>
    %dma_wait3A_613 = arith.constant 0 : i32
    %dma_wait3A_614 = tpu.memref_slice %arg4[%dma_wait3A_613] : memref<13000xf32, #tpu.memory_space<hbm>> -> memref<13000xf32, #tpu.memory_space<hbm>>
    tpu.wait_indirect_dma semaphore(%arg14 : memref<!tpu.dma_semaphore, #tpu.memory_space<semaphore_mem>>) src(%dma_wait3A_614 : memref<13000xf32, #tpu.memory_space<hbm>>) dst(%dma_wait3A_609 : memref<128xf32, #tpu.memory_space<vmem>>)
    %dma_wait3A_615 = arith.constant 12 : i32
    %dma_wait3A_616 = arith.constant 12 : i32
    %dma_wait3A_617 = arith.constant 0 : i32
    %dma_wait3A_618 = tpu.memref_slice %arg11[%dma_wait3A_616, %dma_wait3A_617] : memref<13x128xf32, #tpu.memory_space<vmem>> -> memref<1x128xf32, #tpu.memory_space<vmem>>
    %dma_wait3A_619 = tpu.memref_squeeze %dma_wait3A_618 : memref<1x128xf32, #tpu.memory_space<vmem>> -> memref<128xf32, #tpu.memory_space<vmem>>
    %dma_wait3A_620 = arith.constant 0 : i32
    %dma_wait3A_621 = tpu.memref_slice %arg7[%dma_wait3A_615, %dma_wait3A_620] : memref<13x128xi32, #tpu.memory_space<vmem>> -> memref<1x128xi32, #tpu.memory_space<vmem>>
    %dma_wait3A_622 = tpu.memref_squeeze %dma_wait3A_621 : memref<1x128xi32, #tpu.memory_space<vmem>> -> memref<128xi32, #tpu.memory_space<vmem>>
    %dma_wait3A_623 = arith.constant 0 : i32
    %dma_wait3A_624 = tpu.memref_slice %arg4[%dma_wait3A_623] : memref<13000xf32, #tpu.memory_space<hbm>> -> memref<13000xf32, #tpu.memory_space<hbm>>
    tpu.wait_indirect_dma semaphore(%arg14 : memref<!tpu.dma_semaphore, #tpu.memory_space<semaphore_mem>>) src(%dma_wait3A_624 : memref<13000xf32, #tpu.memory_space<hbm>>) dst(%dma_wait3A_619 : memref<128xf32, #tpu.memory_space<vmem>>)
    %get3A = arith.constant 0 : i32
    %get3A_625 = arith.index_cast %get3A : i32 to index
    %get3A_626 = arith.constant 0 : index
    %get3A_627 = tpu.vector_load %arg11[%get3A_625, %get3A_626] {strides = array<i32>} : memref<13x128xf32, #tpu.memory_space<vmem>>, vector<1x16xf32>,
    %get3A_628 = vector.shape_cast %get3A_627 : vector<1x16xf32> to vector<16xf32>
    %get3A_629 = arith.constant 1 : i32
    %get3A_630 = arith.index_cast %get3A_629 : i32 to index
    %get3A_631 = arith.constant 0 : index
    %get3A_632 = tpu.vector_load %arg11[%get3A_630, %get3A_631] {strides = array<i32>} : memref<13x128xf32, #tpu.memory_space<vmem>>, vector<1x16xf32>,
    %get3A_633 = vector.shape_cast %get3A_632 : vector<1x16xf32> to vector<16xf32>
    %add3A_634 = arith.addf %get3A_628, %get3A_633 : vector<16xf32>
    %get3A_635 = arith.constant 2 : i32
    %get3A_636 = arith.index_cast %get3A_635 : i32 to index
    %get3A_637 = arith.constant 0 : index
    %get3A_638 = tpu.vector_load %arg11[%get3A_636, %get3A_637] {strides = array<i32>} : memref<13x128xf32, #tpu.memory_space<vmem>>, vector<1x16xf32>,
    %get3A_639 = vector.shape_cast %get3A_638 : vector<1x16xf32> to vector<16xf32>
    %add3A_640 = arith.addf %add3A_634, %get3A_639 : vector<16xf32>
    %get3A_641 = arith.constant 3 : i32
    %get3A_642 = arith.index_cast %get3A_641 : i32 to index
    %get3A_643 = arith.constant 0 : index
    %get3A_644 = tpu.vector_load %arg11[%get3A_642, %get3A_643] {strides = array<i32>} : memref<13x128xf32, #tpu.memory_space<vmem>>, vector<1x16xf32>,
    %get3A_645 = vector.shape_cast %get3A_644 : vector<1x16xf32> to vector<16xf32>
    %add3A_646 = arith.addf %add3A_640, %get3A_645 : vector<16xf32>
    %get3A_647 = arith.constant 4 : i32
    %get3A_648 = arith.index_cast %get3A_647 : i32 to index
    %get3A_649 = arith.constant 0 : index
    %get3A_650 = tpu.vector_load %arg11[%get3A_648, %get3A_649] {strides = array<i32>} : memref<13x128xf32, #tpu.memory_space<vmem>>, vector<1x16xf32>,
    %get3A_651 = vector.shape_cast %get3A_650 : vector<1x16xf32> to vector<16xf32>
    %add3A_652 = arith.addf %add3A_646, %get3A_651 : vector<16xf32>
    %get3A_653 = arith.constant 5 : i32
    %get3A_654 = arith.index_cast %get3A_653 : i32 to index
    %get3A_655 = arith.constant 0 : index
    %get3A_656 = tpu.vector_load %arg11[%get3A_654, %get3A_655] {strides = array<i32>} : memref<13x128xf32, #tpu.memory_space<vmem>>, vector<1x16xf32>,
    %get3A_657 = vector.shape_cast %get3A_656 : vector<1x16xf32> to vector<16xf32>
    %add3A_658 = arith.addf %add3A_652, %get3A_657 : vector<16xf32>
    %get3A_659 = arith.constant 6 : i32
    %get3A_660 = arith.index_cast %get3A_659 : i32 to index
    %get3A_661 = arith.constant 0 : index
    %get3A_662 = tpu.vector_load %arg11[%get3A_660, %get3A_661] {strides = array<i32>} : memref<13x128xf32, #tpu.memory_space<vmem>>, vector<1x16xf32>,
    %get3A_663 = vector.shape_cast %get3A_662 : vector<1x16xf32> to vector<16xf32>
    %add3A_664 = arith.addf %add3A_658, %get3A_663 : vector<16xf32>
    %get3A_665 = arith.constant 7 : i32
    %get3A_666 = arith.index_cast %get3A_665 : i32 to index
    %get3A_667 = arith.constant 0 : index
    %get3A_668 = tpu.vector_load %arg11[%get3A_666, %get3A_667] {strides = array<i32>} : memref<13x128xf32, #tpu.memory_space<vmem>>, vector<1x16xf32>,
    %get3A_669 = vector.shape_cast %get3A_668 : vector<1x16xf32> to vector<16xf32>
    %add3A_670 = arith.addf %add3A_664, %get3A_669 : vector<16xf32>
    %get3A_671 = arith.constant 8 : i32
    %get3A_672 = arith.index_cast %get3A_671 : i32 to index
    %get3A_673 = arith.constant 0 : index
    %get3A_674 = tpu.vector_load %arg11[%get3A_672, %get3A_673] {strides = array<i32>} : memref<13x128xf32, #tpu.memory_space<vmem>>, vector<1x16xf32>,
    %get3A_675 = vector.shape_cast %get3A_674 : vector<1x16xf32> to vector<16xf32>
    %add3A_676 = arith.addf %add3A_670, %get3A_675 : vector<16xf32>
    %get3A_677 = arith.constant 9 : i32
    %get3A_678 = arith.index_cast %get3A_677 : i32 to index
    %get3A_679 = arith.constant 0 : index
    %get3A_680 = tpu.vector_load %arg11[%get3A_678, %get3A_679] {strides = array<i32>} : memref<13x128xf32, #tpu.memory_space<vmem>>, vector<1x16xf32>,
    %get3A_681 = vector.shape_cast %get3A_680 : vector<1x16xf32> to vector<16xf32>
    %add3A_682 = arith.addf %add3A_676, %get3A_681 : vector<16xf32>
    %get3A_683 = arith.constant 10 : i32
    %get3A_684 = arith.index_cast %get3A_683 : i32 to index
    %get3A_685 = arith.constant 0 : index
    %get3A_686 = tpu.vector_load %arg11[%get3A_684, %get3A_685] {strides = array<i32>} : memref<13x128xf32, #tpu.memory_space<vmem>>, vector<1x16xf32>,
    %get3A_687 = vector.shape_cast %get3A_686 : vector<1x16xf32> to vector<16xf32>
    %add3A_688 = arith.addf %add3A_682, %get3A_687 : vector<16xf32>
    %get3A_689 = arith.constant 11 : i32
    %get3A_690 = arith.index_cast %get3A_689 : i32 to index
    %get3A_691 = arith.constant 0 : index
    %get3A_692 = tpu.vector_load %arg11[%get3A_690, %get3A_691] {strides = array<i32>} : memref<13x128xf32, #tpu.memory_space<vmem>>, vector<1x16xf32>,
    %get3A_693 = vector.shape_cast %get3A_692 : vector<1x16xf32> to vector<16xf32>
    %add3A_694 = arith.addf %add3A_688, %get3A_693 : vector<16xf32>
    %get3A_695 = arith.constant 12 : i32
    %get3A_696 = arith.index_cast %get3A_695 : i32 to index
    %get3A_697 = arith.constant 0 : index
    %get3A_698 = tpu.vector_load %arg11[%get3A_696, %get3A_697] {strides = array<i32>} : memref<13x128xf32, #tpu.memory_space<vmem>>, vector<1x16xf32>,
    %get3A_699 = vector.shape_cast %get3A_698 : vector<1x16xf32> to vector<16xf32>
    %add3A_700 = arith.addf %add3A_694, %get3A_699 : vector<16xf32>
    %swap3A = arith.constant 0 : index
    %swap3A_701 = tpu.vector_load %arg12[%swap3A] {strides = array<i32>} : memref<128xf32, #tpu.memory_space<vmem>>, vector<16xf32>,
    %swap3A_702 = vector.shape_cast %swap3A_701 : vector<16xf32> to vector<16xf32>
    %swap3A_703 = vector.shape_cast %add3A_700 : vector<16xf32> to vector<16xf32>
    tpu.vector_store %arg12[%swap3A], %swap3A_703 {strides = array<i32>} : memref<128xf32, #tpu.memory_space<vmem>>, vector<16xf32>,
    %get3A_704 = arith.constant 0 : i32
    %get3A_705 = arith.index_cast %get3A_704 : i32 to index
    %get3A_706 = arith.constant 16 : index
    %get3A_707 = tpu.vector_load %arg11[%get3A_705, %get3A_706] {strides = array<i32>} : memref<13x128xf32, #tpu.memory_space<vmem>>, vector<1x16xf32>,
    %get3A_708 = vector.shape_cast %get3A_707 : vector<1x16xf32> to vector<16xf32>
    %get3A_709 = arith.constant 1 : i32
    %get3A_710 = arith.index_cast %get3A_709 : i32 to index
    %get3A_711 = arith.constant 16 : index
    %get3A_712 = tpu.vector_load %arg11[%get3A_710, %get3A_711] {strides = array<i32>} : memref<13x128xf32, #tpu.memory_space<vmem>>, vector<1x16xf32>,
    %get3A_713 = vector.shape_cast %get3A_712 : vector<1x16xf32> to vector<16xf32>
    %add3A_714 = arith.addf %get3A_708, %get3A_713 : vector<16xf32>
    %get3A_715 = arith.constant 2 : i32
    %get3A_716 = arith.index_cast %get3A_715 : i32 to index
    %get3A_717 = arith.constant 16 : index
    %get3A_718 = tpu.vector_load %arg11[%get3A_716, %get3A_717] {strides = array<i32>} : memref<13x128xf32, #tpu.memory_space<vmem>>, vector<1x16xf32>,
    %get3A_719 = vector.shape_cast %get3A_718 : vector<1x16xf32> to vector<16xf32>
    %add3A_720 = arith.addf %add3A_714, %get3A_719 : vector<16xf32>
    %get3A_721 = arith.constant 3 : i32
    %get3A_722 = arith.index_cast %get3A_721 : i32 to index
    %get3A_723 = arith.constant 16 : index
    %get3A_724 = tpu.vector_load %arg11[%get3A_722, %get3A_723] {strides = array<i32>} : memref<13x128xf32, #tpu.memory_space<vmem>>, vector<1x16xf32>,
    %get3A_725 = vector.shape_cast %get3A_724 : vector<1x16xf32> to vector<16xf32>
    %add3A_726 = arith.addf %add3A_720, %get3A_725 : vector<16xf32>
    %get3A_727 = arith.constant 4 : i32
    %get3A_728 = arith.index_cast %get3A_727 : i32 to index
    %get3A_729 = arith.constant 16 : index
    %get3A_730 = tpu.vector_load %arg11[%get3A_728, %get3A_729] {strides = array<i32>} : memref<13x128xf32, #tpu.memory_space<vmem>>, vector<1x16xf32>,
    %get3A_731 = vector.shape_cast %get3A_730 : vector<1x16xf32> to vector<16xf32>
    %add3A_732 = arith.addf %add3A_726, %get3A_731 : vector<16xf32>
    %get3A_733 = arith.constant 5 : i32
    %get3A_734 = arith.index_cast %get3A_733 : i32 to index
    %get3A_735 = arith.constant 16 : index
    %get3A_736 = tpu.vector_load %arg11[%get3A_734, %get3A_735] {strides = array<i32>} : memref<13x128xf32, #tpu.memory_space<vmem>>, vector<1x16xf32>,
    %get3A_737 = vector.shape_cast %get3A_736 : vector<1x16xf32> to vector<16xf32>
    %add3A_738 = arith.addf %add3A_732, %get3A_737 : vector<16xf32>
    %get3A_739 = arith.constant 6 : i32
    %get3A_740 = arith.index_cast %get3A_739 : i32 to index
    %get3A_741 = arith.constant 16 : index
    %get3A_742 = tpu.vector_load %arg11[%get3A_740, %get3A_741] {strides = array<i32>} : memref<13x128xf32, #tpu.memory_space<vmem>>, vector<1x16xf32>,
    %get3A_743 = vector.shape_cast %get3A_742 : vector<1x16xf32> to vector<16xf32>
    %add3A_744 = arith.addf %add3A_738, %get3A_743 : vector<16xf32>
    %get3A_745 = arith.constant 7 : i32
    %get3A_746 = arith.index_cast %get3A_745 : i32 to index
    %get3A_747 = arith.constant 16 : index
    %get3A_748 = tpu.vector_load %arg11[%get3A_746, %get3A_747] {strides = array<i32>} : memref<13x128xf32, #tpu.memory_space<vmem>>, vector<1x16xf32>,
    %get3A_749 = vector.shape_cast %get3A_748 : vector<1x16xf32> to vector<16xf32>
    %add3A_750 = arith.addf %add3A_744, %get3A_749 : vector<16xf32>
    %get3A_751 = arith.constant 8 : i32
    %get3A_752 = arith.index_cast %get3A_751 : i32 to index
    %get3A_753 = arith.constant 16 : index
    %get3A_754 = tpu.vector_load %arg11[%get3A_752, %get3A_753] {strides = array<i32>} : memref<13x128xf32, #tpu.memory_space<vmem>>, vector<1x16xf32>,
    %get3A_755 = vector.shape_cast %get3A_754 : vector<1x16xf32> to vector<16xf32>
    %add3A_756 = arith.addf %add3A_750, %get3A_755 : vector<16xf32>
    %get3A_757 = arith.constant 9 : i32
    %get3A_758 = arith.index_cast %get3A_757 : i32 to index
    %get3A_759 = arith.constant 16 : index
    %get3A_760 = tpu.vector_load %arg11[%get3A_758, %get3A_759] {strides = array<i32>} : memref<13x128xf32, #tpu.memory_space<vmem>>, vector<1x16xf32>,
    %get3A_761 = vector.shape_cast %get3A_760 : vector<1x16xf32> to vector<16xf32>
    %add3A_762 = arith.addf %add3A_756, %get3A_761 : vector<16xf32>
    %get3A_763 = arith.constant 10 : i32
    %get3A_764 = arith.index_cast %get3A_763 : i32 to index
    %get3A_765 = arith.constant 16 : index
    %get3A_766 = tpu.vector_load %arg11[%get3A_764, %get3A_765] {strides = array<i32>} : memref<13x128xf32, #tpu.memory_space<vmem>>, vector<1x16xf32>,
    %get3A_767 = vector.shape_cast %get3A_766 : vector<1x16xf32> to vector<16xf32>
    %add3A_768 = arith.addf %add3A_762, %get3A_767 : vector<16xf32>
    %get3A_769 = arith.constant 11 : i32
    %get3A_770 = arith.index_cast %get3A_769 : i32 to index
    %get3A_771 = arith.constant 16 : index
    %get3A_772 = tpu.vector_load %arg11[%get3A_770, %get3A_771] {strides = array<i32>} : memref<13x128xf32, #tpu.memory_space<vmem>>, vector<1x16xf32>,
    %get3A_773 = vector.shape_cast %get3A_772 : vector<1x16xf32> to vector<16xf32>
    %add3A_774 = arith.addf %add3A_768, %get3A_773 : vector<16xf32>
    %get3A_775 = arith.constant 12 : i32
    %get3A_776 = arith.index_cast %get3A_775 : i32 to index
    %get3A_777 = arith.constant 16 : index
    %get3A_778 = tpu.vector_load %arg11[%get3A_776, %get3A_777] {strides = array<i32>} : memref<13x128xf32, #tpu.memory_space<vmem>>, vector<1x16xf32>,
    %get3A_779 = vector.shape_cast %get3A_778 : vector<1x16xf32> to vector<16xf32>
    %add3A_780 = arith.addf %add3A_774, %get3A_779 : vector<16xf32>
    %swap3A_781 = arith.constant 16 : index
    %swap3A_782 = tpu.vector_load %arg12[%swap3A_781] {strides = array<i32>} : memref<128xf32, #tpu.memory_space<vmem>>, vector<16xf32>,
    %swap3A_783 = vector.shape_cast %swap3A_782 : vector<16xf32> to vector<16xf32>
    %swap3A_784 = vector.shape_cast %add3A_780 : vector<16xf32> to vector<16xf32>
    tpu.vector_store %arg12[%swap3A_781], %swap3A_784 {strides = array<i32>} : memref<128xf32, #tpu.memory_space<vmem>>, vector<16xf32>,
    %get3A_785 = arith.constant 0 : i32
    %get3A_786 = arith.index_cast %get3A_785 : i32 to index
    %get3A_787 = arith.constant 32 : index
    %get3A_788 = tpu.vector_load %arg11[%get3A_786, %get3A_787] {strides = array<i32>} : memref<13x128xf32, #tpu.memory_space<vmem>>, vector<1x16xf32>,
    %get3A_789 = vector.shape_cast %get3A_788 : vector<1x16xf32> to vector<16xf32>
    %get3A_790 = arith.constant 1 : i32
    %get3A_791 = arith.index_cast %get3A_790 : i32 to index
    %get3A_792 = arith.constant 32 : index
    %get3A_793 = tpu.vector_load %arg11[%get3A_791, %get3A_792] {strides = array<i32>} : memref<13x128xf32, #tpu.memory_space<vmem>>, vector<1x16xf32>,
    %get3A_794 = vector.shape_cast %get3A_793 : vector<1x16xf32> to vector<16xf32>
    %add3A_795 = arith.addf %get3A_789, %get3A_794 : vector<16xf32>
    %get3A_796 = arith.constant 2 : i32
    %get3A_797 = arith.index_cast %get3A_796 : i32 to index
    %get3A_798 = arith.constant 32 : index
    %get3A_799 = tpu.vector_load %arg11[%get3A_797, %get3A_798] {strides = array<i32>} : memref<13x128xf32, #tpu.memory_space<vmem>>, vector<1x16xf32>,
    %get3A_800 = vector.shape_cast %get3A_799 : vector<1x16xf32> to vector<16xf32>
    %add3A_801 = arith.addf %add3A_795, %get3A_800 : vector<16xf32>
    %get3A_802 = arith.constant 3 : i32
    %get3A_803 = arith.index_cast %get3A_802 : i32 to index
    %get3A_804 = arith.constant 32 : index
    %get3A_805 = tpu.vector_load %arg11[%get3A_803, %get3A_804] {strides = array<i32>} : memref<13x128xf32, #tpu.memory_space<vmem>>, vector<1x16xf32>,
    %get3A_806 = vector.shape_cast %get3A_805 : vector<1x16xf32> to vector<16xf32>
    %add3A_807 = arith.addf %add3A_801, %get3A_806 : vector<16xf32>
    %get3A_808 = arith.constant 4 : i32
    %get3A_809 = arith.index_cast %get3A_808 : i32 to index
    %get3A_810 = arith.constant 32 : index
    %get3A_811 = tpu.vector_load %arg11[%get3A_809, %get3A_810] {strides = array<i32>} : memref<13x128xf32, #tpu.memory_space<vmem>>, vector<1x16xf32>,
    %get3A_812 = vector.shape_cast %get3A_811 : vector<1x16xf32> to vector<16xf32>
    %add3A_813 = arith.addf %add3A_807, %get3A_812 : vector<16xf32>
    %get3A_814 = arith.constant 5 : i32
    %get3A_815 = arith.index_cast %get3A_814 : i32 to index
    %get3A_816 = arith.constant 32 : index
    %get3A_817 = tpu.vector_load %arg11[%get3A_815, %get3A_816] {strides = array<i32>} : memref<13x128xf32, #tpu.memory_space<vmem>>, vector<1x16xf32>,
    %get3A_818 = vector.shape_cast %get3A_817 : vector<1x16xf32> to vector<16xf32>
    %add3A_819 = arith.addf %add3A_813, %get3A_818 : vector<16xf32>
    %get3A_820 = arith.constant 6 : i32
    %get3A_821 = arith.index_cast %get3A_820 : i32 to index
    %get3A_822 = arith.constant 32 : index
    %get3A_823 = tpu.vector_load %arg11[%get3A_821, %get3A_822] {strides = array<i32>} : memref<13x128xf32, #tpu.memory_space<vmem>>, vector<1x16xf32>,
    %get3A_824 = vector.shape_cast %get3A_823 : vector<1x16xf32> to vector<16xf32>
    %add3A_825 = arith.addf %add3A_819, %get3A_824 : vector<16xf32>
    %get3A_826 = arith.constant 7 : i32
    %get3A_827 = arith.index_cast %get3A_826 : i32 to index
    %get3A_828 = arith.constant 32 : index
    %get3A_829 = tpu.vector_load %arg11[%get3A_827, %get3A_828] {strides = array<i32>} : memref<13x128xf32, #tpu.memory_space<vmem>>, vector<1x16xf32>,
    %get3A_830 = vector.shape_cast %get3A_829 : vector<1x16xf32> to vector<16xf32>
    %add3A_831 = arith.addf %add3A_825, %get3A_830 : vector<16xf32>
    %get3A_832 = arith.constant 8 : i32
    %get3A_833 = arith.index_cast %get3A_832 : i32 to index
    %get3A_834 = arith.constant 32 : index
    %get3A_835 = tpu.vector_load %arg11[%get3A_833, %get3A_834] {strides = array<i32>} : memref<13x128xf32, #tpu.memory_space<vmem>>, vector<1x16xf32>,
    %get3A_836 = vector.shape_cast %get3A_835 : vector<1x16xf32> to vector<16xf32>
    %add3A_837 = arith.addf %add3A_831, %get3A_836 : vector<16xf32>
    %get3A_838 = arith.constant 9 : i32
    %get3A_839 = arith.index_cast %get3A_838 : i32 to index
    %get3A_840 = arith.constant 32 : index
    %get3A_841 = tpu.vector_load %arg11[%get3A_839, %get3A_840] {strides = array<i32>} : memref<13x128xf32, #tpu.memory_space<vmem>>, vector<1x16xf32>,
    %get3A_842 = vector.shape_cast %get3A_841 : vector<1x16xf32> to vector<16xf32>
    %add3A_843 = arith.addf %add3A_837, %get3A_842 : vector<16xf32>
    %get3A_844 = arith.constant 10 : i32
    %get3A_845 = arith.index_cast %get3A_844 : i32 to index
    %get3A_846 = arith.constant 32 : index
    %get3A_847 = tpu.vector_load %arg11[%get3A_845, %get3A_846] {strides = array<i32>} : memref<13x128xf32, #tpu.memory_space<vmem>>, vector<1x16xf32>,
    %get3A_848 = vector.shape_cast %get3A_847 : vector<1x16xf32> to vector<16xf32>
    %add3A_849 = arith.addf %add3A_843, %get3A_848 : vector<16xf32>
    %get3A_850 = arith.constant 11 : i32
    %get3A_851 = arith.index_cast %get3A_850 : i32 to index
    %get3A_852 = arith.constant 32 : index
    %get3A_853 = tpu.vector_load %arg11[%get3A_851, %get3A_852] {strides = array<i32>} : memref<13x128xf32, #tpu.memory_space<vmem>>, vector<1x16xf32>,
    %get3A_854 = vector.shape_cast %get3A_853 : vector<1x16xf32> to vector<16xf32>
    %add3A_855 = arith.addf %add3A_849, %get3A_854 : vector<16xf32>
    %get3A_856 = arith.constant 12 : i32
    %get3A_857 = arith.index_cast %get3A_856 : i32 to index
    %get3A_858 = arith.constant 32 : index
    %get3A_859 = tpu.vector_load %arg11[%get3A_857, %get3A_858] {strides = array<i32>} : memref<13x128xf32, #tpu.memory_space<vmem>>, vector<1x16xf32>,
    %get3A_860 = vector.shape_cast %get3A_859 : vector<1x16xf32> to vector<16xf32>
    %add3A_861 = arith.addf %add3A_855, %get3A_860 : vector<16xf32>
    %swap3A_862 = arith.constant 32 : index
    %swap3A_863 = tpu.vector_load %arg12[%swap3A_862] {strides = array<i32>} : memref<128xf32, #tpu.memory_space<vmem>>, vector<16xf32>,
    %swap3A_864 = vector.shape_cast %swap3A_863 : vector<16xf32> to vector<16xf32>
    %swap3A_865 = vector.shape_cast %add3A_861 : vector<16xf32> to vector<16xf32>
    tpu.vector_store %arg12[%swap3A_862], %swap3A_865 {strides = array<i32>} : memref<128xf32, #tpu.memory_space<vmem>>, vector<16xf32>,
    %get3A_866 = arith.constant 0 : i32
    %get3A_867 = arith.index_cast %get3A_866 : i32 to index
    %get3A_868 = arith.constant 48 : index
    %get3A_869 = tpu.vector_load %arg11[%get3A_867, %get3A_868] {strides = array<i32>} : memref<13x128xf32, #tpu.memory_space<vmem>>, vector<1x16xf32>,
    %get3A_870 = vector.shape_cast %get3A_869 : vector<1x16xf32> to vector<16xf32>
    %get3A_871 = arith.constant 1 : i32
    %get3A_872 = arith.index_cast %get3A_871 : i32 to index
    %get3A_873 = arith.constant 48 : index
    %get3A_874 = tpu.vector_load %arg11[%get3A_872, %get3A_873] {strides = array<i32>} : memref<13x128xf32, #tpu.memory_space<vmem>>, vector<1x16xf32>,
    %get3A_875 = vector.shape_cast %get3A_874 : vector<1x16xf32> to vector<16xf32>
    %add3A_876 = arith.addf %get3A_870, %get3A_875 : vector<16xf32>
    %get3A_877 = arith.constant 2 : i32
    %get3A_878 = arith.index_cast %get3A_877 : i32 to index
    %get3A_879 = arith.constant 48 : index
    %get3A_880 = tpu.vector_load %arg11[%get3A_878, %get3A_879] {strides = array<i32>} : memref<13x128xf32, #tpu.memory_space<vmem>>, vector<1x16xf32>,
    %get3A_881 = vector.shape_cast %get3A_880 : vector<1x16xf32> to vector<16xf32>
    %add3A_882 = arith.addf %add3A_876, %get3A_881 : vector<16xf32>
    %get3A_883 = arith.constant 3 : i32
    %get3A_884 = arith.index_cast %get3A_883 : i32 to index
    %get3A_885 = arith.constant 48 : index
    %get3A_886 = tpu.vector_load %arg11[%get3A_884, %get3A_885] {strides = array<i32>} : memref<13x128xf32, #tpu.memory_space<vmem>>, vector<1x16xf32>,
    %get3A_887 = vector.shape_cast %get3A_886 : vector<1x16xf32> to vector<16xf32>
    %add3A_888 = arith.addf %add3A_882, %get3A_887 : vector<16xf32>
    %get3A_889 = arith.constant 4 : i32
    %get3A_890 = arith.index_cast %get3A_889 : i32 to index
    %get3A_891 = arith.constant 48 : index
    %get3A_892 = tpu.vector_load %arg11[%get3A_890, %get3A_891] {strides = array<i32>} : memref<13x128xf32, #tpu.memory_space<vmem>>, vector<1x16xf32>,
    %get3A_893 = vector.shape_cast %get3A_892 : vector<1x16xf32> to vector<16xf32>
    %add3A_894 = arith.addf %add3A_888, %get3A_893 : vector<16xf32>
    %get3A_895 = arith.constant 5 : i32
    %get3A_896 = arith.index_cast %get3A_895 : i32 to index
    %get3A_897 = arith.constant 48 : index
    %get3A_898 = tpu.vector_load %arg11[%get3A_896, %get3A_897] {strides = array<i32>} : memref<13x128xf32, #tpu.memory_space<vmem>>, vector<1x16xf32>,
    %get3A_899 = vector.shape_cast %get3A_898 : vector<1x16xf32> to vector<16xf32>
    %add3A_900 = arith.addf %add3A_894, %get3A_899 : vector<16xf32>
    %get3A_901 = arith.constant 6 : i32
    %get3A_902 = arith.index_cast %get3A_901 : i32 to index
    %get3A_903 = arith.constant 48 : index
    %get3A_904 = tpu.vector_load %arg11[%get3A_902, %get3A_903] {strides = array<i32>} : memref<13x128xf32, #tpu.memory_space<vmem>>, vector<1x16xf32>,
    %get3A_905 = vector.shape_cast %get3A_904 : vector<1x16xf32> to vector<16xf32>
    %add3A_906 = arith.addf %add3A_900, %get3A_905 : vector<16xf32>
    %get3A_907 = arith.constant 7 : i32
    %get3A_908 = arith.index_cast %get3A_907 : i32 to index
    %get3A_909 = arith.constant 48 : index
    %get3A_910 = tpu.vector_load %arg11[%get3A_908, %get3A_909] {strides = array<i32>} : memref<13x128xf32, #tpu.memory_space<vmem>>, vector<1x16xf32>,
    %get3A_911 = vector.shape_cast %get3A_910 : vector<1x16xf32> to vector<16xf32>
    %add3A_912 = arith.addf %add3A_906, %get3A_911 : vector<16xf32>
    %get3A_913 = arith.constant 8 : i32
    %get3A_914 = arith.index_cast %get3A_913 : i32 to index
    %get3A_915 = arith.constant 48 : index
    %get3A_916 = tpu.vector_load %arg11[%get3A_914, %get3A_915] {strides = array<i32>} : memref<13x128xf32, #tpu.memory_space<vmem>>, vector<1x16xf32>,
    %get3A_917 = vector.shape_cast %get3A_916 : vector<1x16xf32> to vector<16xf32>
    %add3A_918 = arith.addf %add3A_912, %get3A_917 : vector<16xf32>
    %get3A_919 = arith.constant 9 : i32
    %get3A_920 = arith.index_cast %get3A_919 : i32 to index
    %get3A_921 = arith.constant 48 : index
    %get3A_922 = tpu.vector_load %arg11[%get3A_920, %get3A_921] {strides = array<i32>} : memref<13x128xf32, #tpu.memory_space<vmem>>, vector<1x16xf32>,
    %get3A_923 = vector.shape_cast %get3A_922 : vector<1x16xf32> to vector<16xf32>
    %add3A_924 = arith.addf %add3A_918, %get3A_923 : vector<16xf32>
    %get3A_925 = arith.constant 10 : i32
    %get3A_926 = arith.index_cast %get3A_925 : i32 to index
    %get3A_927 = arith.constant 48 : index
    %get3A_928 = tpu.vector_load %arg11[%get3A_926, %get3A_927] {strides = array<i32>} : memref<13x128xf32, #tpu.memory_space<vmem>>, vector<1x16xf32>,
    %get3A_929 = vector.shape_cast %get3A_928 : vector<1x16xf32> to vector<16xf32>
    %add3A_930 = arith.addf %add3A_924, %get3A_929 : vector<16xf32>
    %get3A_931 = arith.constant 11 : i32
    %get3A_932 = arith.index_cast %get3A_931 : i32 to index
    %get3A_933 = arith.constant 48 : index
    %get3A_934 = tpu.vector_load %arg11[%get3A_932, %get3A_933] {strides = array<i32>} : memref<13x128xf32, #tpu.memory_space<vmem>>, vector<1x16xf32>,
    %get3A_935 = vector.shape_cast %get3A_934 : vector<1x16xf32> to vector<16xf32>
    %add3A_936 = arith.addf %add3A_930, %get3A_935 : vector<16xf32>
    %get3A_937 = arith.constant 12 : i32
    %get3A_938 = arith.index_cast %get3A_937 : i32 to index
    %get3A_939 = arith.constant 48 : index
    %get3A_940 = tpu.vector_load %arg11[%get3A_938, %get3A_939] {strides = array<i32>} : memref<13x128xf32, #tpu.memory_space<vmem>>, vector<1x16xf32>,
    %get3A_941 = vector.shape_cast %get3A_940 : vector<1x16xf32> to vector<16xf32>
    %add3A_942 = arith.addf %add3A_936, %get3A_941 : vector<16xf32>
    %swap3A_943 = arith.constant 48 : index
    %swap3A_944 = tpu.vector_load %arg12[%swap3A_943] {strides = array<i32>} : memref<128xf32, #tpu.memory_space<vmem>>, vector<16xf32>,
    %swap3A_945 = vector.shape_cast %swap3A_944 : vector<16xf32> to vector<16xf32>
    %swap3A_946 = vector.shape_cast %add3A_942 : vector<16xf32> to vector<16xf32>
    tpu.vector_store %arg12[%swap3A_943], %swap3A_946 {strides = array<i32>} : memref<128xf32, #tpu.memory_space<vmem>>, vector<16xf32>,
    %get3A_947 = arith.constant 0 : i32
    %get3A_948 = arith.index_cast %get3A_947 : i32 to index
    %get3A_949 = arith.constant 64 : index
    %get3A_950 = tpu.vector_load %arg11[%get3A_948, %get3A_949] {strides = array<i32>} : memref<13x128xf32, #tpu.memory_space<vmem>>, vector<1x16xf32>,
    %get3A_951 = vector.shape_cast %get3A_950 : vector<1x16xf32> to vector<16xf32>
    %get3A_952 = arith.constant 1 : i32
    %get3A_953 = arith.index_cast %get3A_952 : i32 to index
    %get3A_954 = arith.constant 64 : index
    %get3A_955 = tpu.vector_load %arg11[%get3A_953, %get3A_954] {strides = array<i32>} : memref<13x128xf32, #tpu.memory_space<vmem>>, vector<1x16xf32>,
    %get3A_956 = vector.shape_cast %get3A_955 : vector<1x16xf32> to vector<16xf32>
    %add3A_957 = arith.addf %get3A_951, %get3A_956 : vector<16xf32>
    %get3A_958 = arith.constant 2 : i32
    %get3A_959 = arith.index_cast %get3A_958 : i32 to index
    %get3A_960 = arith.constant 64 : index
    %get3A_961 = tpu.vector_load %arg11[%get3A_959, %get3A_960] {strides = array<i32>} : memref<13x128xf32, #tpu.memory_space<vmem>>, vector<1x16xf32>,
    %get3A_962 = vector.shape_cast %get3A_961 : vector<1x16xf32> to vector<16xf32>
    %add3A_963 = arith.addf %add3A_957, %get3A_962 : vector<16xf32>
    %get3A_964 = arith.constant 3 : i32
    %get3A_965 = arith.index_cast %get3A_964 : i32 to index
    %get3A_966 = arith.constant 64 : index
    %get3A_967 = tpu.vector_load %arg11[%get3A_965, %get3A_966] {strides = array<i32>} : memref<13x128xf32, #tpu.memory_space<vmem>>, vector<1x16xf32>,
    %get3A_968 = vector.shape_cast %get3A_967 : vector<1x16xf32> to vector<16xf32>
    %add3A_969 = arith.addf %add3A_963, %get3A_968 : vector<16xf32>
    %get3A_970 = arith.constant 4 : i32
    %get3A_971 = arith.index_cast %get3A_970 : i32 to index
    %get3A_972 = arith.constant 64 : index
    %get3A_973 = tpu.vector_load %arg11[%get3A_971, %get3A_972] {strides = array<i32>} : memref<13x128xf32, #tpu.memory_space<vmem>>, vector<1x16xf32>,
    %get3A_974 = vector.shape_cast %get3A_973 : vector<1x16xf32> to vector<16xf32>
    %add3A_975 = arith.addf %add3A_969, %get3A_974 : vector<16xf32>
    %get3A_976 = arith.constant 5 : i32
    %get3A_977 = arith.index_cast %get3A_976 : i32 to index
    %get3A_978 = arith.constant 64 : index
    %get3A_979 = tpu.vector_load %arg11[%get3A_977, %get3A_978] {strides = array<i32>} : memref<13x128xf32, #tpu.memory_space<vmem>>, vector<1x16xf32>,
    %get3A_980 = vector.shape_cast %get3A_979 : vector<1x16xf32> to vector<16xf32>
    %add3A_981 = arith.addf %add3A_975, %get3A_980 : vector<16xf32>
    %get3A_982 = arith.constant 6 : i32
    %get3A_983 = arith.index_cast %get3A_982 : i32 to index
    %get3A_984 = arith.constant 64 : index
    %get3A_985 = tpu.vector_load %arg11[%get3A_983, %get3A_984] {strides = array<i32>} : memref<13x128xf32, #tpu.memory_space<vmem>>, vector<1x16xf32>,
    %get3A_986 = vector.shape_cast %get3A_985 : vector<1x16xf32> to vector<16xf32>
    %add3A_987 = arith.addf %add3A_981, %get3A_986 : vector<16xf32>
    %get3A_988 = arith.constant 7 : i32
    %get3A_989 = arith.index_cast %get3A_988 : i32 to index
    %get3A_990 = arith.constant 64 : index
    %get3A_991 = tpu.vector_load %arg11[%get3A_989, %get3A_990] {strides = array<i32>} : memref<13x128xf32, #tpu.memory_space<vmem>>, vector<1x16xf32>,
    %get3A_992 = vector.shape_cast %get3A_991 : vector<1x16xf32> to vector<16xf32>
    %add3A_993 = arith.addf %add3A_987, %get3A_992 : vector<16xf32>
    %get3A_994 = arith.constant 8 : i32
    %get3A_995 = arith.index_cast %get3A_994 : i32 to index
    %get3A_996 = arith.constant 64 : index
    %get3A_997 = tpu.vector_load %arg11[%get3A_995, %get3A_996] {strides = array<i32>} : memref<13x128xf32, #tpu.memory_space<vmem>>, vector<1x16xf32>,
    %get3A_998 = vector.shape_cast %get3A_997 : vector<1x16xf32> to vector<16xf32>
    %add3A_999 = arith.addf %add3A_993, %get3A_998 : vector<16xf32>
    %get3A_1000 = arith.constant 9 : i32
    %get3A_1001 = arith.index_cast %get3A_1000 : i32 to index
    %get3A_1002 = arith.constant 64 : index
    %get3A_1003 = tpu.vector_load %arg11[%get3A_1001, %get3A_1002] {strides = array<i32>} : memref<13x128xf32, #tpu.memory_space<vmem>>, vector<1x16xf32>,
    %get3A_1004 = vector.shape_cast %get3A_1003 : vector<1x16xf32> to vector<16xf32>
    %add3A_1005 = arith.addf %add3A_999, %get3A_1004 : vector<16xf32>
    %get3A_1006 = arith.constant 10 : i32
    %get3A_1007 = arith.index_cast %get3A_1006 : i32 to index
    %get3A_1008 = arith.constant 64 : index
    %get3A_1009 = tpu.vector_load %arg11[%get3A_1007, %get3A_1008] {strides = array<i32>} : memref<13x128xf32, #tpu.memory_space<vmem>>, vector<1x16xf32>,
    %get3A_1010 = vector.shape_cast %get3A_1009 : vector<1x16xf32> to vector<16xf32>
    %add3A_1011 = arith.addf %add3A_1005, %get3A_1010 : vector<16xf32>
    %get3A_1012 = arith.constant 11 : i32
    %get3A_1013 = arith.index_cast %get3A_1012 : i32 to index
    %get3A_1014 = arith.constant 64 : index
    %get3A_1015 = tpu.vector_load %arg11[%get3A_1013, %get3A_1014] {strides = array<i32>} : memref<13x128xf32, #tpu.memory_space<vmem>>, vector<1x16xf32>,
    %get3A_1016 = vector.shape_cast %get3A_1015 : vector<1x16xf32> to vector<16xf32>
    %add3A_1017 = arith.addf %add3A_1011, %get3A_1016 : vector<16xf32>
    %get3A_1018 = arith.constant 12 : i32
    %get3A_1019 = arith.index_cast %get3A_1018 : i32 to index
    %get3A_1020 = arith.constant 64 : index
    %get3A_1021 = tpu.vector_load %arg11[%get3A_1019, %get3A_1020] {strides = array<i32>} : memref<13x128xf32, #tpu.memory_space<vmem>>, vector<1x16xf32>,
    %get3A_1022 = vector.shape_cast %get3A_1021 : vector<1x16xf32> to vector<16xf32>
    %add3A_1023 = arith.addf %add3A_1017, %get3A_1022 : vector<16xf32>
    %swap3A_1024 = arith.constant 64 : index
    %swap3A_1025 = tpu.vector_load %arg12[%swap3A_1024] {strides = array<i32>} : memref<128xf32, #tpu.memory_space<vmem>>, vector<16xf32>,
    %swap3A_1026 = vector.shape_cast %swap3A_1025 : vector<16xf32> to vector<16xf32>
    %swap3A_1027 = vector.shape_cast %add3A_1023 : vector<16xf32> to vector<16xf32>
    tpu.vector_store %arg12[%swap3A_1024], %swap3A_1027 {strides = array<i32>} : memref<128xf32, #tpu.memory_space<vmem>>, vector<16xf32>,
    %get3A_1028 = arith.constant 0 : i32
    %get3A_1029 = arith.index_cast %get3A_1028 : i32 to index
    %get3A_1030 = arith.constant 80 : index
    %get3A_1031 = tpu.vector_load %arg11[%get3A_1029, %get3A_1030] {strides = array<i32>} : memref<13x128xf32, #tpu.memory_space<vmem>>, vector<1x16xf32>,
    %get3A_1032 = vector.shape_cast %get3A_1031 : vector<1x16xf32> to vector<16xf32>
    %get3A_1033 = arith.constant 1 : i32
    %get3A_1034 = arith.index_cast %get3A_1033 : i32 to index
    %get3A_1035 = arith.constant 80 : index
    %get3A_1036 = tpu.vector_load %arg11[%get3A_1034, %get3A_1035] {strides = array<i32>} : memref<13x128xf32, #tpu.memory_space<vmem>>, vector<1x16xf32>,
    %get3A_1037 = vector.shape_cast %get3A_1036 : vector<1x16xf32> to vector<16xf32>
    %add3A_1038 = arith.addf %get3A_1032, %get3A_1037 : vector<16xf32>
    %get3A_1039 = arith.constant 2 : i32
    %get3A_1040 = arith.index_cast %get3A_1039 : i32 to index
    %get3A_1041 = arith.constant 80 : index
    %get3A_1042 = tpu.vector_load %arg11[%get3A_1040, %get3A_1041] {strides = array<i32>} : memref<13x128xf32, #tpu.memory_space<vmem>>, vector<1x16xf32>,
    %get3A_1043 = vector.shape_cast %get3A_1042 : vector<1x16xf32> to vector<16xf32>
    %add3A_1044 = arith.addf %add3A_1038, %get3A_1043 : vector<16xf32>
    %get3A_1045 = arith.constant 3 : i32
    %get3A_1046 = arith.index_cast %get3A_1045 : i32 to index
    %get3A_1047 = arith.constant 80 : index
    %get3A_1048 = tpu.vector_load %arg11[%get3A_1046, %get3A_1047] {strides = array<i32>} : memref<13x128xf32, #tpu.memory_space<vmem>>, vector<1x16xf32>,
    %get3A_1049 = vector.shape_cast %get3A_1048 : vector<1x16xf32> to vector<16xf32>
    %add3A_1050 = arith.addf %add3A_1044, %get3A_1049 : vector<16xf32>
    %get3A_1051 = arith.constant 4 : i32
    %get3A_1052 = arith.index_cast %get3A_1051 : i32 to index
    %get3A_1053 = arith.constant 80 : index
    %get3A_1054 = tpu.vector_load %arg11[%get3A_1052, %get3A_1053] {strides = array<i32>} : memref<13x128xf32, #tpu.memory_space<vmem>>, vector<1x16xf32>,
    %get3A_1055 = vector.shape_cast %get3A_1054 : vector<1x16xf32> to vector<16xf32>
    %add3A_1056 = arith.addf %add3A_1050, %get3A_1055 : vector<16xf32>
    %get3A_1057 = arith.constant 5 : i32
    %get3A_1058 = arith.index_cast %get3A_1057 : i32 to index
    %get3A_1059 = arith.constant 80 : index
    %get3A_1060 = tpu.vector_load %arg11[%get3A_1058, %get3A_1059] {strides = array<i32>} : memref<13x128xf32, #tpu.memory_space<vmem>>, vector<1x16xf32>,
    %get3A_1061 = vector.shape_cast %get3A_1060 : vector<1x16xf32> to vector<16xf32>
    %add3A_1062 = arith.addf %add3A_1056, %get3A_1061 : vector<16xf32>
    %get3A_1063 = arith.constant 6 : i32
    %get3A_1064 = arith.index_cast %get3A_1063 : i32 to index
    %get3A_1065 = arith.constant 80 : index
    %get3A_1066 = tpu.vector_load %arg11[%get3A_1064, %get3A_1065] {strides = array<i32>} : memref<13x128xf32, #tpu.memory_space<vmem>>, vector<1x16xf32>,
    %get3A_1067 = vector.shape_cast %get3A_1066 : vector<1x16xf32> to vector<16xf32>
    %add3A_1068 = arith.addf %add3A_1062, %get3A_1067 : vector<16xf32>
    %get3A_1069 = arith.constant 7 : i32
    %get3A_1070 = arith.index_cast %get3A_1069 : i32 to index
    %get3A_1071 = arith.constant 80 : index
    %get3A_1072 = tpu.vector_load %arg11[%get3A_1070, %get3A_1071] {strides = array<i32>} : memref<13x128xf32, #tpu.memory_space<vmem>>, vector<1x16xf32>,
    %get3A_1073 = vector.shape_cast %get3A_1072 : vector<1x16xf32> to vector<16xf32>
    %add3A_1074 = arith.addf %add3A_1068, %get3A_1073 : vector<16xf32>
    %get3A_1075 = arith.constant 8 : i32
    %get3A_1076 = arith.index_cast %get3A_1075 : i32 to index
    %get3A_1077 = arith.constant 80 : index
    %get3A_1078 = tpu.vector_load %arg11[%get3A_1076, %get3A_1077] {strides = array<i32>} : memref<13x128xf32, #tpu.memory_space<vmem>>, vector<1x16xf32>,
    %get3A_1079 = vector.shape_cast %get3A_1078 : vector<1x16xf32> to vector<16xf32>
    %add3A_1080 = arith.addf %add3A_1074, %get3A_1079 : vector<16xf32>
    %get3A_1081 = arith.constant 9 : i32
    %get3A_1082 = arith.index_cast %get3A_1081 : i32 to index
    %get3A_1083 = arith.constant 80 : index
    %get3A_1084 = tpu.vector_load %arg11[%get3A_1082, %get3A_1083] {strides = array<i32>} : memref<13x128xf32, #tpu.memory_space<vmem>>, vector<1x16xf32>,
    %get3A_1085 = vector.shape_cast %get3A_1084 : vector<1x16xf32> to vector<16xf32>
    %add3A_1086 = arith.addf %add3A_1080, %get3A_1085 : vector<16xf32>
    %get3A_1087 = arith.constant 10 : i32
    %get3A_1088 = arith.index_cast %get3A_1087 : i32 to index
    %get3A_1089 = arith.constant 80 : index
    %get3A_1090 = tpu.vector_load %arg11[%get3A_1088, %get3A_1089] {strides = array<i32>} : memref<13x128xf32, #tpu.memory_space<vmem>>, vector<1x16xf32>,
    %get3A_1091 = vector.shape_cast %get3A_1090 : vector<1x16xf32> to vector<16xf32>
    %add3A_1092 = arith.addf %add3A_1086, %get3A_1091 : vector<16xf32>
    %get3A_1093 = arith.constant 11 : i32
    %get3A_1094 = arith.index_cast %get3A_1093 : i32 to index
    %get3A_1095 = arith.constant 80 : index
    %get3A_1096 = tpu.vector_load %arg11[%get3A_1094, %get3A_1095] {strides = array<i32>} : memref<13x128xf32, #tpu.memory_space<vmem>>, vector<1x16xf32>,
    %get3A_1097 = vector.shape_cast %get3A_1096 : vector<1x16xf32> to vector<16xf32>
    %add3A_1098 = arith.addf %add3A_1092, %get3A_1097 : vector<16xf32>
    %get3A_1099 = arith.constant 12 : i32
    %get3A_1100 = arith.index_cast %get3A_1099 : i32 to index
    %get3A_1101 = arith.constant 80 : index
    %get3A_1102 = tpu.vector_load %arg11[%get3A_1100, %get3A_1101] {strides = array<i32>} : memref<13x128xf32, #tpu.memory_space<vmem>>, vector<1x16xf32>,
    %get3A_1103 = vector.shape_cast %get3A_1102 : vector<1x16xf32> to vector<16xf32>
    %add3A_1104 = arith.addf %add3A_1098, %get3A_1103 : vector<16xf32>
    %swap3A_1105 = arith.constant 80 : index
    %swap3A_1106 = tpu.vector_load %arg12[%swap3A_1105] {strides = array<i32>} : memref<128xf32, #tpu.memory_space<vmem>>, vector<16xf32>,
    %swap3A_1107 = vector.shape_cast %swap3A_1106 : vector<16xf32> to vector<16xf32>
    %swap3A_1108 = vector.shape_cast %add3A_1104 : vector<16xf32> to vector<16xf32>
    tpu.vector_store %arg12[%swap3A_1105], %swap3A_1108 {strides = array<i32>} : memref<128xf32, #tpu.memory_space<vmem>>, vector<16xf32>,
    %get3A_1109 = arith.constant 0 : i32
    %get3A_1110 = arith.index_cast %get3A_1109 : i32 to index
    %get3A_1111 = arith.constant 96 : index
    %get3A_1112 = tpu.vector_load %arg11[%get3A_1110, %get3A_1111] {strides = array<i32>} : memref<13x128xf32, #tpu.memory_space<vmem>>, vector<1x16xf32>,
    %get3A_1113 = vector.shape_cast %get3A_1112 : vector<1x16xf32> to vector<16xf32>
    %get3A_1114 = arith.constant 1 : i32
    %get3A_1115 = arith.index_cast %get3A_1114 : i32 to index
    %get3A_1116 = arith.constant 96 : index
    %get3A_1117 = tpu.vector_load %arg11[%get3A_1115, %get3A_1116] {strides = array<i32>} : memref<13x128xf32, #tpu.memory_space<vmem>>, vector<1x16xf32>,
    %get3A_1118 = vector.shape_cast %get3A_1117 : vector<1x16xf32> to vector<16xf32>
    %add3A_1119 = arith.addf %get3A_1113, %get3A_1118 : vector<16xf32>
    %get3A_1120 = arith.constant 2 : i32
    %get3A_1121 = arith.index_cast %get3A_1120 : i32 to index
    %get3A_1122 = arith.constant 96 : index
    %get3A_1123 = tpu.vector_load %arg11[%get3A_1121, %get3A_1122] {strides = array<i32>} : memref<13x128xf32, #tpu.memory_space<vmem>>, vector<1x16xf32>,
    %get3A_1124 = vector.shape_cast %get3A_1123 : vector<1x16xf32> to vector<16xf32>
    %add3A_1125 = arith.addf %add3A_1119, %get3A_1124 : vector<16xf32>
    %get3A_1126 = arith.constant 3 : i32
    %get3A_1127 = arith.index_cast %get3A_1126 : i32 to index
    %get3A_1128 = arith.constant 96 : index
    %get3A_1129 = tpu.vector_load %arg11[%get3A_1127, %get3A_1128] {strides = array<i32>} : memref<13x128xf32, #tpu.memory_space<vmem>>, vector<1x16xf32>,
    %get3A_1130 = vector.shape_cast %get3A_1129 : vector<1x16xf32> to vector<16xf32>
    %add3A_1131 = arith.addf %add3A_1125, %get3A_1130 : vector<16xf32>
    %get3A_1132 = arith.constant 4 : i32
    %get3A_1133 = arith.index_cast %get3A_1132 : i32 to index
    %get3A_1134 = arith.constant 96 : index
    %get3A_1135 = tpu.vector_load %arg11[%get3A_1133, %get3A_1134] {strides = array<i32>} : memref<13x128xf32, #tpu.memory_space<vmem>>, vector<1x16xf32>,
    %get3A_1136 = vector.shape_cast %get3A_1135 : vector<1x16xf32> to vector<16xf32>
    %add3A_1137 = arith.addf %add3A_1131, %get3A_1136 : vector<16xf32>
    %get3A_1138 = arith.constant 5 : i32
    %get3A_1139 = arith.index_cast %get3A_1138 : i32 to index
    %get3A_1140 = arith.constant 96 : index
    %get3A_1141 = tpu.vector_load %arg11[%get3A_1139, %get3A_1140] {strides = array<i32>} : memref<13x128xf32, #tpu.memory_space<vmem>>, vector<1x16xf32>,
    %get3A_1142 = vector.shape_cast %get3A_1141 : vector<1x16xf32> to vector<16xf32>
    %add3A_1143 = arith.addf %add3A_1137, %get3A_1142 : vector<16xf32>
    %get3A_1144 = arith.constant 6 : i32
    %get3A_1145 = arith.index_cast %get3A_1144 : i32 to index
    %get3A_1146 = arith.constant 96 : index
    %get3A_1147 = tpu.vector_load %arg11[%get3A_1145, %get3A_1146] {strides = array<i32>} : memref<13x128xf32, #tpu.memory_space<vmem>>, vector<1x16xf32>,
    %get3A_1148 = vector.shape_cast %get3A_1147 : vector<1x16xf32> to vector<16xf32>
    %add3A_1149 = arith.addf %add3A_1143, %get3A_1148 : vector<16xf32>
    %get3A_1150 = arith.constant 7 : i32
    %get3A_1151 = arith.index_cast %get3A_1150 : i32 to index
    %get3A_1152 = arith.constant 96 : index
    %get3A_1153 = tpu.vector_load %arg11[%get3A_1151, %get3A_1152] {strides = array<i32>} : memref<13x128xf32, #tpu.memory_space<vmem>>, vector<1x16xf32>,
    %get3A_1154 = vector.shape_cast %get3A_1153 : vector<1x16xf32> to vector<16xf32>
    %add3A_1155 = arith.addf %add3A_1149, %get3A_1154 : vector<16xf32>
    %get3A_1156 = arith.constant 8 : i32
    %get3A_1157 = arith.index_cast %get3A_1156 : i32 to index
    %get3A_1158 = arith.constant 96 : index
    %get3A_1159 = tpu.vector_load %arg11[%get3A_1157, %get3A_1158] {strides = array<i32>} : memref<13x128xf32, #tpu.memory_space<vmem>>, vector<1x16xf32>,
    %get3A_1160 = vector.shape_cast %get3A_1159 : vector<1x16xf32> to vector<16xf32>
    %add3A_1161 = arith.addf %add3A_1155, %get3A_1160 : vector<16xf32>
    %get3A_1162 = arith.constant 9 : i32
    %get3A_1163 = arith.index_cast %get3A_1162 : i32 to index
    %get3A_1164 = arith.constant 96 : index
    %get3A_1165 = tpu.vector_load %arg11[%get3A_1163, %get3A_1164] {strides = array<i32>} : memref<13x128xf32, #tpu.memory_space<vmem>>, vector<1x16xf32>,
    %get3A_1166 = vector.shape_cast %get3A_1165 : vector<1x16xf32> to vector<16xf32>
    %add3A_1167 = arith.addf %add3A_1161, %get3A_1166 : vector<16xf32>
    %get3A_1168 = arith.constant 10 : i32
    %get3A_1169 = arith.index_cast %get3A_1168 : i32 to index
    %get3A_1170 = arith.constant 96 : index
    %get3A_1171 = tpu.vector_load %arg11[%get3A_1169, %get3A_1170] {strides = array<i32>} : memref<13x128xf32, #tpu.memory_space<vmem>>, vector<1x16xf32>,
    %get3A_1172 = vector.shape_cast %get3A_1171 : vector<1x16xf32> to vector<16xf32>
    %add3A_1173 = arith.addf %add3A_1167, %get3A_1172 : vector<16xf32>
    %get3A_1174 = arith.constant 11 : i32
    %get3A_1175 = arith.index_cast %get3A_1174 : i32 to index
    %get3A_1176 = arith.constant 96 : index
    %get3A_1177 = tpu.vector_load %arg11[%get3A_1175, %get3A_1176] {strides = array<i32>} : memref<13x128xf32, #tpu.memory_space<vmem>>, vector<1x16xf32>,
    %get3A_1178 = vector.shape_cast %get3A_1177 : vector<1x16xf32> to vector<16xf32>
    %add3A_1179 = arith.addf %add3A_1173, %get3A_1178 : vector<16xf32>
    %get3A_1180 = arith.constant 12 : i32
    %get3A_1181 = arith.index_cast %get3A_1180 : i32 to index
    %get3A_1182 = arith.constant 96 : index
    %get3A_1183 = tpu.vector_load %arg11[%get3A_1181, %get3A_1182] {strides = array<i32>} : memref<13x128xf32, #tpu.memory_space<vmem>>, vector<1x16xf32>,
    %get3A_1184 = vector.shape_cast %get3A_1183 : vector<1x16xf32> to vector<16xf32>
    %add3A_1185 = arith.addf %add3A_1179, %get3A_1184 : vector<16xf32>
    %swap3A_1186 = arith.constant 96 : index
    %swap3A_1187 = tpu.vector_load %arg12[%swap3A_1186] {strides = array<i32>} : memref<128xf32, #tpu.memory_space<vmem>>, vector<16xf32>,
    %swap3A_1188 = vector.shape_cast %swap3A_1187 : vector<16xf32> to vector<16xf32>
    %swap3A_1189 = vector.shape_cast %add3A_1185 : vector<16xf32> to vector<16xf32>
    tpu.vector_store %arg12[%swap3A_1186], %swap3A_1189 {strides = array<i32>} : memref<128xf32, #tpu.memory_space<vmem>>, vector<16xf32>,
    %get3A_1190 = arith.constant 0 : i32
    %get3A_1191 = arith.index_cast %get3A_1190 : i32 to index
    %get3A_1192 = arith.constant 112 : index
    %get3A_1193 = tpu.vector_load %arg11[%get3A_1191, %get3A_1192] {strides = array<i32>} : memref<13x128xf32, #tpu.memory_space<vmem>>, vector<1x16xf32>,
    %get3A_1194 = vector.shape_cast %get3A_1193 : vector<1x16xf32> to vector<16xf32>
    %get3A_1195 = arith.constant 1 : i32
    %get3A_1196 = arith.index_cast %get3A_1195 : i32 to index
    %get3A_1197 = arith.constant 112 : index
    %get3A_1198 = tpu.vector_load %arg11[%get3A_1196, %get3A_1197] {strides = array<i32>} : memref<13x128xf32, #tpu.memory_space<vmem>>, vector<1x16xf32>,
    %get3A_1199 = vector.shape_cast %get3A_1198 : vector<1x16xf32> to vector<16xf32>
    %add3A_1200 = arith.addf %get3A_1194, %get3A_1199 : vector<16xf32>
    %get3A_1201 = arith.constant 2 : i32
    %get3A_1202 = arith.index_cast %get3A_1201 : i32 to index
    %get3A_1203 = arith.constant 112 : index
    %get3A_1204 = tpu.vector_load %arg11[%get3A_1202, %get3A_1203] {strides = array<i32>} : memref<13x128xf32, #tpu.memory_space<vmem>>, vector<1x16xf32>,
    %get3A_1205 = vector.shape_cast %get3A_1204 : vector<1x16xf32> to vector<16xf32>
    %add3A_1206 = arith.addf %add3A_1200, %get3A_1205 : vector<16xf32>
    %get3A_1207 = arith.constant 3 : i32
    %get3A_1208 = arith.index_cast %get3A_1207 : i32 to index
    %get3A_1209 = arith.constant 112 : index
    %get3A_1210 = tpu.vector_load %arg11[%get3A_1208, %get3A_1209] {strides = array<i32>} : memref<13x128xf32, #tpu.memory_space<vmem>>, vector<1x16xf32>,
    %get3A_1211 = vector.shape_cast %get3A_1210 : vector<1x16xf32> to vector<16xf32>
    %add3A_1212 = arith.addf %add3A_1206, %get3A_1211 : vector<16xf32>
    %get3A_1213 = arith.constant 4 : i32
    %get3A_1214 = arith.index_cast %get3A_1213 : i32 to index
    %get3A_1215 = arith.constant 112 : index
    %get3A_1216 = tpu.vector_load %arg11[%get3A_1214, %get3A_1215] {strides = array<i32>} : memref<13x128xf32, #tpu.memory_space<vmem>>, vector<1x16xf32>,
    %get3A_1217 = vector.shape_cast %get3A_1216 : vector<1x16xf32> to vector<16xf32>
    %add3A_1218 = arith.addf %add3A_1212, %get3A_1217 : vector<16xf32>
    %get3A_1219 = arith.constant 5 : i32
    %get3A_1220 = arith.index_cast %get3A_1219 : i32 to index
    %get3A_1221 = arith.constant 112 : index
    %get3A_1222 = tpu.vector_load %arg11[%get3A_1220, %get3A_1221] {strides = array<i32>} : memref<13x128xf32, #tpu.memory_space<vmem>>, vector<1x16xf32>,
    %get3A_1223 = vector.shape_cast %get3A_1222 : vector<1x16xf32> to vector<16xf32>
    %add3A_1224 = arith.addf %add3A_1218, %get3A_1223 : vector<16xf32>
    %get3A_1225 = arith.constant 6 : i32
    %get3A_1226 = arith.index_cast %get3A_1225 : i32 to index
    %get3A_1227 = arith.constant 112 : index
    %get3A_1228 = tpu.vector_load %arg11[%get3A_1226, %get3A_1227] {strides = array<i32>} : memref<13x128xf32, #tpu.memory_space<vmem>>, vector<1x16xf32>,
    %get3A_1229 = vector.shape_cast %get3A_1228 : vector<1x16xf32> to vector<16xf32>
    %add3A_1230 = arith.addf %add3A_1224, %get3A_1229 : vector<16xf32>
    %get3A_1231 = arith.constant 7 : i32
    %get3A_1232 = arith.index_cast %get3A_1231 : i32 to index
    %get3A_1233 = arith.constant 112 : index
    %get3A_1234 = tpu.vector_load %arg11[%get3A_1232, %get3A_1233] {strides = array<i32>} : memref<13x128xf32, #tpu.memory_space<vmem>>, vector<1x16xf32>,
    %get3A_1235 = vector.shape_cast %get3A_1234 : vector<1x16xf32> to vector<16xf32>
    %add3A_1236 = arith.addf %add3A_1230, %get3A_1235 : vector<16xf32>
    %get3A_1237 = arith.constant 8 : i32
    %get3A_1238 = arith.index_cast %get3A_1237 : i32 to index
    %get3A_1239 = arith.constant 112 : index
    %get3A_1240 = tpu.vector_load %arg11[%get3A_1238, %get3A_1239] {strides = array<i32>} : memref<13x128xf32, #tpu.memory_space<vmem>>, vector<1x16xf32>,
    %get3A_1241 = vector.shape_cast %get3A_1240 : vector<1x16xf32> to vector<16xf32>
    %add3A_1242 = arith.addf %add3A_1236, %get3A_1241 : vector<16xf32>
    %get3A_1243 = arith.constant 9 : i32
    %get3A_1244 = arith.index_cast %get3A_1243 : i32 to index
    %get3A_1245 = arith.constant 112 : index
    %get3A_1246 = tpu.vector_load %arg11[%get3A_1244, %get3A_1245] {strides = array<i32>} : memref<13x128xf32, #tpu.memory_space<vmem>>, vector<1x16xf32>,
    %get3A_1247 = vector.shape_cast %get3A_1246 : vector<1x16xf32> to vector<16xf32>
    %add3A_1248 = arith.addf %add3A_1242, %get3A_1247 : vector<16xf32>
    %get3A_1249 = arith.constant 10 : i32
    %get3A_1250 = arith.index_cast %get3A_1249 : i32 to index
    %get3A_1251 = arith.constant 112 : index
    %get3A_1252 = tpu.vector_load %arg11[%get3A_1250, %get3A_1251] {strides = array<i32>} : memref<13x128xf32, #tpu.memory_space<vmem>>, vector<1x16xf32>,
    %get3A_1253 = vector.shape_cast %get3A_1252 : vector<1x16xf32> to vector<16xf32>
    %add3A_1254 = arith.addf %add3A_1248, %get3A_1253 : vector<16xf32>
    %get3A_1255 = arith.constant 11 : i32
    %get3A_1256 = arith.index_cast %get3A_1255 : i32 to index
    %get3A_1257 = arith.constant 112 : index
    %get3A_1258 = tpu.vector_load %arg11[%get3A_1256, %get3A_1257] {strides = array<i32>} : memref<13x128xf32, #tpu.memory_space<vmem>>, vector<1x16xf32>,
    %get3A_1259 = vector.shape_cast %get3A_1258 : vector<1x16xf32> to vector<16xf32>
    %add3A_1260 = arith.addf %add3A_1254, %get3A_1259 : vector<16xf32>
    %get3A_1261 = arith.constant 12 : i32
    %get3A_1262 = arith.index_cast %get3A_1261 : i32 to index
    %get3A_1263 = arith.constant 112 : index
    %get3A_1264 = tpu.vector_load %arg11[%get3A_1262, %get3A_1263] {strides = array<i32>} : memref<13x128xf32, #tpu.memory_space<vmem>>, vector<1x16xf32>,
    %get3A_1265 = vector.shape_cast %get3A_1264 : vector<1x16xf32> to vector<16xf32>
    %add3A_1266 = arith.addf %add3A_1260, %get3A_1265 : vector<16xf32>
    %swap3A_1267 = arith.constant 112 : index
    %swap3A_1268 = tpu.vector_load %arg12[%swap3A_1267] {strides = array<i32>} : memref<128xf32, #tpu.memory_space<vmem>>, vector<16xf32>,
    %swap3A_1269 = vector.shape_cast %swap3A_1268 : vector<16xf32> to vector<16xf32>
    %swap3A_1270 = vector.shape_cast %add3A_1266 : vector<16xf32> to vector<16xf32>
    tpu.vector_store %arg12[%swap3A_1267], %swap3A_1270 {strides = array<i32>} : memref<128xf32, #tpu.memory_space<vmem>>, vector<16xf32>,
    %run_scoped3A = arith.constant 0 : i32
    "tpu.region"() ({
      %run_scoped3A_1271 = tpu.sem_alloc : memref<!tpu.dma_semaphore, #tpu.memory_space<semaphore_mem>>
      %dma_start3A_1272 = tpu.memref_slice %arg6[%run_scoped3A, %mul3A_2] : memref<1x4096xf32, #tpu.memory_space<hbm>> -> memref<1x128xf32, #tpu.memory_space<hbm>>
      %dma_start3A_1273 = tpu.memref_squeeze %dma_start3A_1272 : memref<1x128xf32, #tpu.memory_space<hbm>> -> memref<128xf32, #tpu.memory_space<hbm>>
      %dma_start3A_1274 = tpu.memref_slice %arg6[%run_scoped3A, %mul3A_2] : memref<1x4096xf32, #tpu.memory_space<hbm>> -> memref<1x128xf32, #tpu.memory_space<hbm>>
      %dma_start3A_1275 = tpu.memref_squeeze %dma_start3A_1274 : memref<1x128xf32, #tpu.memory_space<hbm>> -> memref<128xf32, #tpu.memory_space<hbm>>
      tpu.enqueue_dma source(%arg12 : memref<128xf32, #tpu.memory_space<vmem>>) target(%dma_start3A_1275 : memref<128xf32, #tpu.memory_space<hbm>>) target_semaphore(%run_scoped3A_1271 : memref<!tpu.dma_semaphore, #tpu.memory_space<semaphore_mem>>)
      %dma_wait3A_1276 = tpu.memref_slice %arg6[%run_scoped3A, %mul3A_2] : memref<1x4096xf32, #tpu.memory_space<hbm>> -> memref<1x128xf32, #tpu.memory_space<hbm>>
      %dma_wait3A_1277 = tpu.memref_squeeze %dma_wait3A_1276 : memref<1x128xf32, #tpu.memory_space<hbm>> -> memref<128xf32, #tpu.memory_space<hbm>>
      %dma_wait3A_1278 = tpu.memref_slice %arg6[%run_scoped3A, %mul3A_2] : memref<1x4096xf32, #tpu.memory_space<hbm>> -> memref<1x128xf32, #tpu.memory_space<hbm>>
      %dma_wait3A_1279 = tpu.memref_squeeze %dma_wait3A_1278 : memref<1x128xf32, #tpu.memory_space<hbm>> -> memref<128xf32, #tpu.memory_space<hbm>>
      tpu.wait_dma2 semaphore(%run_scoped3A_1271 : memref<!tpu.dma_semaphore, #tpu.memory_space<semaphore_mem>>) src(%arg12 : memref<128xf32, #tpu.memory_space<vmem>>) dst(%dma_wait3A_1279 : memref<128xf32, #tpu.memory_space<hbm>>)
      tpu.yield
    }) : () -> ()
    return
  }
}

module attributes {stable_mosaic.version = 14 : i64} {
  func.func @two_tower_tc_user(%arg0: i32, %arg1: memref<13x1024x128xf32, #tpu.memory_space<vmem>>, %arg2: memref<1664x1024xbf16, #tpu.memory_space<vmem>>, %arg3: memref<1x1024xf32, #tpu.memory_space<vmem>>, %arg4: memref<1024x512xbf16, #tpu.memory_space<vmem>>, %arg5: memref<1x512xf32, #tpu.memory_space<vmem>>, %arg6: memref<512x128xbf16, #tpu.memory_space<vmem>>, %arg7: memref<1x128xf32, #tpu.memory_space<vmem>>, %arg8: memref<1024x128xf32, #tpu.memory_space<vmem>>, %arg9: memref<1024x128xf32, #tpu.memory_space<vmem>>) attributes {dimension_semantics = [#tpu.dimension_semantics<arbitrary>], iteration_bounds = array<i64: 4>, scalar_prefetch = 0 : i64, scratch_operands = 0 : i64, tpu.core_type = #tpu.core_type<tc>, window_params = [{transform_indices = @transform_0, window_bounds = array<i64: 13, 1024, 128>}, {pipeline_mode = #tpu.pipeline_mode<synchronous>, transform_indices = @transform_1, window_bounds = array<i64: 1664, 1024>}, {pipeline_mode = #tpu.pipeline_mode<synchronous>, transform_indices = @transform_2, window_bounds = array<i64: 1, 1024>}, {pipeline_mode = #tpu.pipeline_mode<synchronous>, transform_indices = @transform_3, window_bounds = array<i64: 1024, 512>}, {pipeline_mode = #tpu.pipeline_mode<synchronous>, transform_indices = @transform_4, window_bounds = array<i64: 1, 512>}, {pipeline_mode = #tpu.pipeline_mode<synchronous>, transform_indices = @transform_5, window_bounds = array<i64: 512, 128>}, {pipeline_mode = #tpu.pipeline_mode<synchronous>, transform_indices = @transform_6, window_bounds = array<i64: 1, 128>}, {transform_indices = @transform_7, window_bounds = array<i64: 1024, 128>}, {transform_indices = @transform_8, window_bounds = array<i64: 1024, 128>}]} {
    %get3A = arith.constant 0 : index
    %get3A_0 = arith.constant 0 : index
    %get3A_1 = arith.constant 0 : index
    %get3A_2 = vector.load %arg1[%get3A, %get3A_0, %get3A_1] : memref<13x1024x128xf32, #tpu.memory_space<vmem>>, vector<1x1024x128xf32>
    %get3A_3 = vector.shape_cast %get3A_2 : vector<1x1024x128xf32> to vector<1024x128xf32>
    %get3A_4 = arith.constant 1 : index
    %get3A_5 = arith.constant 0 : index
    %get3A_6 = arith.constant 0 : index
    %get3A_7 = vector.load %arg1[%get3A_4, %get3A_5, %get3A_6] : memref<13x1024x128xf32, #tpu.memory_space<vmem>>, vector<1x1024x128xf32>
    %get3A_8 = vector.shape_cast %get3A_7 : vector<1x1024x128xf32> to vector<1024x128xf32>
    %get3A_9 = arith.constant 2 : index
    %get3A_10 = arith.constant 0 : index
    %get3A_11 = arith.constant 0 : index
    %get3A_12 = vector.load %arg1[%get3A_9, %get3A_10, %get3A_11] : memref<13x1024x128xf32, #tpu.memory_space<vmem>>, vector<1x1024x128xf32>
    %get3A_13 = vector.shape_cast %get3A_12 : vector<1x1024x128xf32> to vector<1024x128xf32>
    %get3A_14 = arith.constant 3 : index
    %get3A_15 = arith.constant 0 : index
    %get3A_16 = arith.constant 0 : index
    %get3A_17 = vector.load %arg1[%get3A_14, %get3A_15, %get3A_16] : memref<13x1024x128xf32, #tpu.memory_space<vmem>>, vector<1x1024x128xf32>
    %get3A_18 = vector.shape_cast %get3A_17 : vector<1x1024x128xf32> to vector<1024x128xf32>
    %get3A_19 = arith.constant 4 : index
    %get3A_20 = arith.constant 0 : index
    %get3A_21 = arith.constant 0 : index
    %get3A_22 = vector.load %arg1[%get3A_19, %get3A_20, %get3A_21] : memref<13x1024x128xf32, #tpu.memory_space<vmem>>, vector<1x1024x128xf32>
    %get3A_23 = vector.shape_cast %get3A_22 : vector<1x1024x128xf32> to vector<1024x128xf32>
    %get3A_24 = arith.constant 5 : index
    %get3A_25 = arith.constant 0 : index
    %get3A_26 = arith.constant 0 : index
    %get3A_27 = vector.load %arg1[%get3A_24, %get3A_25, %get3A_26] : memref<13x1024x128xf32, #tpu.memory_space<vmem>>, vector<1x1024x128xf32>
    %get3A_28 = vector.shape_cast %get3A_27 : vector<1x1024x128xf32> to vector<1024x128xf32>
    %get3A_29 = arith.constant 6 : index
    %get3A_30 = arith.constant 0 : index
    %get3A_31 = arith.constant 0 : index
    %get3A_32 = vector.load %arg1[%get3A_29, %get3A_30, %get3A_31] : memref<13x1024x128xf32, #tpu.memory_space<vmem>>, vector<1x1024x128xf32>
    %get3A_33 = vector.shape_cast %get3A_32 : vector<1x1024x128xf32> to vector<1024x128xf32>
    %get3A_34 = arith.constant 7 : index
    %get3A_35 = arith.constant 0 : index
    %get3A_36 = arith.constant 0 : index
    %get3A_37 = vector.load %arg1[%get3A_34, %get3A_35, %get3A_36] : memref<13x1024x128xf32, #tpu.memory_space<vmem>>, vector<1x1024x128xf32>
    %get3A_38 = vector.shape_cast %get3A_37 : vector<1x1024x128xf32> to vector<1024x128xf32>
    %get3A_39 = arith.constant 8 : index
    %get3A_40 = arith.constant 0 : index
    %get3A_41 = arith.constant 0 : index
    %get3A_42 = vector.load %arg1[%get3A_39, %get3A_40, %get3A_41] : memref<13x1024x128xf32, #tpu.memory_space<vmem>>, vector<1x1024x128xf32>
    %get3A_43 = vector.shape_cast %get3A_42 : vector<1x1024x128xf32> to vector<1024x128xf32>
    %get3A_44 = arith.constant 9 : index
    %get3A_45 = arith.constant 0 : index
    %get3A_46 = arith.constant 0 : index
    %get3A_47 = vector.load %arg1[%get3A_44, %get3A_45, %get3A_46] : memref<13x1024x128xf32, #tpu.memory_space<vmem>>, vector<1x1024x128xf32>
    %get3A_48 = vector.shape_cast %get3A_47 : vector<1x1024x128xf32> to vector<1024x128xf32>
    %get3A_49 = arith.constant 10 : index
    %get3A_50 = arith.constant 0 : index
    %get3A_51 = arith.constant 0 : index
    %get3A_52 = vector.load %arg1[%get3A_49, %get3A_50, %get3A_51] : memref<13x1024x128xf32, #tpu.memory_space<vmem>>, vector<1x1024x128xf32>
    %get3A_53 = vector.shape_cast %get3A_52 : vector<1x1024x128xf32> to vector<1024x128xf32>
    %get3A_54 = arith.constant 11 : index
    %get3A_55 = arith.constant 0 : index
    %get3A_56 = arith.constant 0 : index
    %get3A_57 = vector.load %arg1[%get3A_54, %get3A_55, %get3A_56] : memref<13x1024x128xf32, #tpu.memory_space<vmem>>, vector<1x1024x128xf32>
    %get3A_58 = vector.shape_cast %get3A_57 : vector<1x1024x128xf32> to vector<1024x128xf32>
    %get3A_59 = arith.constant 12 : index
    %get3A_60 = arith.constant 0 : index
    %get3A_61 = arith.constant 0 : index
    %get3A_62 = vector.load %arg1[%get3A_59, %get3A_60, %get3A_61] : memref<13x1024x128xf32, #tpu.memory_space<vmem>>, vector<1x1024x128xf32>
    %get3A_63 = vector.shape_cast %get3A_62 : vector<1x1024x128xf32> to vector<1024x128xf32>
    %mul3A = arith.mulf %get3A_3, %get3A_3 : vector<1024x128xf32>
    %add3A = arith.addf %get3A_3, %get3A_8 : vector<1024x128xf32>
    %mul3A_64 = arith.mulf %get3A_8, %get3A_8 : vector<1024x128xf32>
    %add3A_65 = arith.addf %mul3A, %mul3A_64 : vector<1024x128xf32>
    %add3A_66 = arith.addf %add3A, %get3A_13 : vector<1024x128xf32>
    %mul3A_67 = arith.mulf %get3A_13, %get3A_13 : vector<1024x128xf32>
    %add3A_68 = arith.addf %add3A_65, %mul3A_67 : vector<1024x128xf32>
    %add3A_69 = arith.addf %add3A_66, %get3A_18 : vector<1024x128xf32>
    %mul3A_70 = arith.mulf %get3A_18, %get3A_18 : vector<1024x128xf32>
    %add3A_71 = arith.addf %add3A_68, %mul3A_70 : vector<1024x128xf32>
    %add3A_72 = arith.addf %add3A_69, %get3A_23 : vector<1024x128xf32>
    %mul3A_73 = arith.mulf %get3A_23, %get3A_23 : vector<1024x128xf32>
    %add3A_74 = arith.addf %add3A_71, %mul3A_73 : vector<1024x128xf32>
    %add3A_75 = arith.addf %add3A_72, %get3A_28 : vector<1024x128xf32>
    %mul3A_76 = arith.mulf %get3A_28, %get3A_28 : vector<1024x128xf32>
    %add3A_77 = arith.addf %add3A_74, %mul3A_76 : vector<1024x128xf32>
    %add3A_78 = arith.addf %add3A_75, %get3A_33 : vector<1024x128xf32>
    %mul3A_79 = arith.mulf %get3A_33, %get3A_33 : vector<1024x128xf32>
    %add3A_80 = arith.addf %add3A_77, %mul3A_79 : vector<1024x128xf32>
    %add3A_81 = arith.addf %add3A_78, %get3A_38 : vector<1024x128xf32>
    %mul3A_82 = arith.mulf %get3A_38, %get3A_38 : vector<1024x128xf32>
    %add3A_83 = arith.addf %add3A_80, %mul3A_82 : vector<1024x128xf32>
    %add3A_84 = arith.addf %add3A_81, %get3A_43 : vector<1024x128xf32>
    %mul3A_85 = arith.mulf %get3A_43, %get3A_43 : vector<1024x128xf32>
    %add3A_86 = arith.addf %add3A_83, %mul3A_85 : vector<1024x128xf32>
    %add3A_87 = arith.addf %add3A_84, %get3A_48 : vector<1024x128xf32>
    %mul3A_88 = arith.mulf %get3A_48, %get3A_48 : vector<1024x128xf32>
    %add3A_89 = arith.addf %add3A_86, %mul3A_88 : vector<1024x128xf32>
    %add3A_90 = arith.addf %add3A_87, %get3A_53 : vector<1024x128xf32>
    %mul3A_91 = arith.mulf %get3A_53, %get3A_53 : vector<1024x128xf32>
    %add3A_92 = arith.addf %add3A_89, %mul3A_91 : vector<1024x128xf32>
    %add3A_93 = arith.addf %add3A_90, %get3A_58 : vector<1024x128xf32>
    %mul3A_94 = arith.mulf %get3A_58, %get3A_58 : vector<1024x128xf32>
    %add3A_95 = arith.addf %add3A_92, %mul3A_94 : vector<1024x128xf32>
    %add3A_96 = arith.addf %add3A_93, %get3A_63 : vector<1024x128xf32>
    %mul3A_97 = arith.mulf %get3A_63, %get3A_63 : vector<1024x128xf32>
    %add3A_98 = arith.addf %add3A_95, %mul3A_97 : vector<1024x128xf32>
    %mul3A_99 = arith.mulf %add3A_96, %add3A_96 : vector<1024x128xf32>
    %sub3A = arith.subf %mul3A_99, %add3A_98 : vector<1024x128xf32>
    %mul3A_100 = arith.constant 5.000000e-01 : f32
    %mul3A_101 = vector.broadcast %mul3A_100 : f32 to vector<1024x128xf32>
    %mul3A_102 = arith.mulf %mul3A_101, %sub3A : vector<1024x128xf32>
    %concatenate3A = tpu.concatenate %get3A_3, %get3A_8, %get3A_13, %get3A_18, %get3A_23, %get3A_28, %get3A_33, %get3A_38, %get3A_43, %get3A_48, %get3A_53, %get3A_58, %get3A_63 in 1 : vector<1024x128xf32>, vector<1024x128xf32>, vector<1024x128xf32>, vector<1024x128xf32>, vector<1024x128xf32>, vector<1024x128xf32>, vector<1024x128xf32>, vector<1024x128xf32>, vector<1024x128xf32>, vector<1024x128xf32>, vector<1024x128xf32>, vector<1024x128xf32>, vector<1024x128xf32> -> vector<1024x1664xf32>
    %convert_element_type3A = arith.truncf %concatenate3A : vector<1024x1664xf32> to vector<1024x1664xbf16>
    %get3A_103 = arith.constant 0 : index
    %get3A_104 = arith.constant 0 : index
    %get3A_105 = vector.load %arg2[%get3A_103, %get3A_104] : memref<1664x1024xbf16, #tpu.memory_space<vmem>>, vector<1664x1024xbf16>
    %dot_general3A = arith.constant dense<0.000000e+00> : vector<1024x1024xf32>
    %dot_general3A_106 = tpu.matmul %convert_element_type3A, %get3A_105, %dot_general3A {dimension_numbers = #tpu.dot_dimension_numbers<[1], [0], [0], [1], [0, 0, 1, 1], [], []>, transpose_lhs_hint = false} : vector<1024x1664xbf16>, vector<1664x1024xbf16>, vector<1024x1024xf32> -> vector<1024x1024xf32>
    %get3A_107 = arith.constant 0 : index
    %get3A_108 = arith.constant 0 : index
    %get3A_109 = vector.load %arg3[%get3A_107, %get3A_108] : memref<1x1024xf32, #tpu.memory_space<vmem>>, vector<1x1024xf32>
    %add3A_110 = vector.broadcast %get3A_109 : vector<1x1024xf32> to vector<1024x1024xf32>
    %add3A_111 = arith.addf %dot_general3A_106, %add3A_110 : vector<1024x1024xf32>
    %max3A = arith.constant 0.000000e+00 : f32
    %max3A_112 = vector.broadcast %max3A : f32 to vector<1024x1024xf32>
    %max3A_113 = arith.maximumf %add3A_111, %max3A_112 : vector<1024x1024xf32>
    %convert_element_type3A_114 = arith.truncf %max3A_113 : vector<1024x1024xf32> to vector<1024x1024xbf16>
    %get3A_115 = arith.constant 0 : index
    %get3A_116 = arith.constant 0 : index
    %get3A_117 = vector.load %arg4[%get3A_115, %get3A_116] : memref<1024x512xbf16, #tpu.memory_space<vmem>>, vector<1024x512xbf16>
    %dot_general3A_118 = arith.constant dense<0.000000e+00> : vector<1024x512xf32>
    %dot_general3A_119 = tpu.matmul %convert_element_type3A_114, %get3A_117, %dot_general3A_118 {dimension_numbers = #tpu.dot_dimension_numbers<[1], [0], [0], [1], [0, 0, 1, 1], [], []>, transpose_lhs_hint = false} : vector<1024x1024xbf16>, vector<1024x512xbf16>, vector<1024x512xf32> -> vector<1024x512xf32>
    %get3A_120 = arith.constant 0 : index
    %get3A_121 = arith.constant 0 : index
    %get3A_122 = vector.load %arg5[%get3A_120, %get3A_121] : memref<1x512xf32, #tpu.memory_space<vmem>>, vector<1x512xf32>
    %add3A_123 = vector.broadcast %get3A_122 : vector<1x512xf32> to vector<1024x512xf32>
    %add3A_124 = arith.addf %dot_general3A_119, %add3A_123 : vector<1024x512xf32>
    %max3A_125 = arith.constant 0.000000e+00 : f32
    %max3A_126 = vector.broadcast %max3A_125 : f32 to vector<1024x512xf32>
    %max3A_127 = arith.maximumf %add3A_124, %max3A_126 : vector<1024x512xf32>
    %convert_element_type3A_128 = arith.truncf %max3A_127 : vector<1024x512xf32> to vector<1024x512xbf16>
    %get3A_129 = arith.constant 0 : index
    %get3A_130 = arith.constant 0 : index
    %get3A_131 = vector.load %arg6[%get3A_129, %get3A_130] : memref<512x128xbf16, #tpu.memory_space<vmem>>, vector<512x128xbf16>
    %dot_general3A_132 = arith.constant dense<0.000000e+00> : vector<1024x128xf32>
    %dot_general3A_133 = tpu.matmul %convert_element_type3A_128, %get3A_131, %dot_general3A_132 {dimension_numbers = #tpu.dot_dimension_numbers<[1], [0], [0], [1], [0, 0, 1, 1], [], []>, transpose_lhs_hint = false} : vector<1024x512xbf16>, vector<512x128xbf16>, vector<1024x128xf32> -> vector<1024x128xf32>
    %get3A_134 = arith.constant 0 : index
    %get3A_135 = arith.constant 0 : index
    %get3A_136 = vector.load %arg7[%get3A_134, %get3A_135] : memref<1x128xf32, #tpu.memory_space<vmem>>, vector<1x128xf32>
    %add3A_137 = vector.broadcast %get3A_136 : vector<1x128xf32> to vector<1024x128xf32>
    %add3A_138 = arith.addf %dot_general3A_133, %add3A_137 : vector<1024x128xf32>
    %swap3A = arith.constant 0 : index
    %swap3A_139 = arith.constant 0 : index
    %swap3A_140 = vector.load %arg8[%swap3A, %swap3A_139] : memref<1024x128xf32, #tpu.memory_space<vmem>>, vector<1024x128xf32>
    tpu.vector_store %arg8[%swap3A, %swap3A_139], %mul3A_102 {strides = array<i32>} : memref<1024x128xf32, #tpu.memory_space<vmem>>, vector<1024x128xf32>,
    %swap3A_141 = arith.constant 0 : index
    %swap3A_142 = arith.constant 0 : index
    %swap3A_143 = vector.load %arg9[%swap3A_141, %swap3A_142] : memref<1024x128xf32, #tpu.memory_space<vmem>>, vector<1024x128xf32>
    tpu.vector_store %arg9[%swap3A_141, %swap3A_142], %add3A_138 {strides = array<i32>} : memref<1024x128xf32, #tpu.memory_space<vmem>>, vector<1024x128xf32>,
    return
  }
  func.func @transform_0(%arg0: i32) -> (i32, i32, i32) {
    %c0_i32 = arith.constant 0 : i32
    %c0_i32_0 = arith.constant 0 : i32
    %c0_i32_1 = arith.constant 0 : i32
    return %c0_i32, %arg0, %c0_i32_0 : i32, i32, i32
  }
  func.func @transform_1(%arg0: i32) -> (i32, i32) {
    %c0_i32 = arith.constant 0 : i32
    %c0_i32_0 = arith.constant 0 : i32
    %c0_i32_1 = arith.constant 0 : i32
    return %c0_i32, %c0_i32_0 : i32, i32
  }
  func.func @transform_2(%arg0: i32) -> (i32, i32) {
    %c0_i32 = arith.constant 0 : i32
    %c0_i32_0 = arith.constant 0 : i32
    %c0_i32_1 = arith.constant 0 : i32
    return %c0_i32, %c0_i32_0 : i32, i32
  }
  func.func @transform_3(%arg0: i32) -> (i32, i32) {
    %c0_i32 = arith.constant 0 : i32
    %c0_i32_0 = arith.constant 0 : i32
    %c0_i32_1 = arith.constant 0 : i32
    return %c0_i32, %c0_i32_0 : i32, i32
  }
  func.func @transform_4(%arg0: i32) -> (i32, i32) {
    %c0_i32 = arith.constant 0 : i32
    %c0_i32_0 = arith.constant 0 : i32
    %c0_i32_1 = arith.constant 0 : i32
    return %c0_i32, %c0_i32_0 : i32, i32
  }
  func.func @transform_5(%arg0: i32) -> (i32, i32) {
    %c0_i32 = arith.constant 0 : i32
    %c0_i32_0 = arith.constant 0 : i32
    %c0_i32_1 = arith.constant 0 : i32
    return %c0_i32, %c0_i32_0 : i32, i32
  }
  func.func @transform_6(%arg0: i32) -> (i32, i32) {
    %c0_i32 = arith.constant 0 : i32
    %c0_i32_0 = arith.constant 0 : i32
    %c0_i32_1 = arith.constant 0 : i32
    return %c0_i32, %c0_i32_0 : i32, i32
  }
  func.func @transform_7(%arg0: i32) -> (i32, i32) {
    %c0_i32 = arith.constant 0 : i32
    %c0_i32_0 = arith.constant 0 : i32
    return %arg0, %c0_i32 : i32, i32
  }
  func.func @transform_8(%arg0: i32) -> (i32, i32) {
    %c0_i32 = arith.constant 0 : i32
    %c0_i32_0 = arith.constant 0 : i32
    return %arg0, %c0_i32 : i32, i32
  }
}

module attributes {stable_mosaic.version = 14 : i64} {
  func.func @two_tower_tc_final(%arg0: i32, %arg1: memref<13x1024x128xf32, #tpu.memory_space<vmem>>, %arg2: memref<1664x1024xbf16, #tpu.memory_space<vmem>>, %arg3: memref<1x1024xf32, #tpu.memory_space<vmem>>, %arg4: memref<1024x512xbf16, #tpu.memory_space<vmem>>, %arg5: memref<1x512xf32, #tpu.memory_space<vmem>>, %arg6: memref<512x128xbf16, #tpu.memory_space<vmem>>, %arg7: memref<1x128xf32, #tpu.memory_space<vmem>>, %arg8: memref<1024x128xf32, #tpu.memory_space<vmem>>, %arg9: memref<1024x128xf32, #tpu.memory_space<vmem>>, %arg10: memref<1024x1xf32, #tpu.memory_space<vmem>>, %arg11: memref<1024x1xf32, #tpu.memory_space<vmem>>, %arg12: memref<1024x1xf32, #tpu.memory_space<vmem>>) attributes {dimension_semantics = [#tpu.dimension_semantics<arbitrary>], iteration_bounds = array<i64: 4>, scalar_prefetch = 0 : i64, scratch_operands = 0 : i64, tpu.core_type = #tpu.core_type<tc>, window_params = [{transform_indices = @transform_0, window_bounds = array<i64: 13, 1024, 128>}, {pipeline_mode = #tpu.pipeline_mode<synchronous>, transform_indices = @transform_1, window_bounds = array<i64: 1664, 1024>}, {pipeline_mode = #tpu.pipeline_mode<synchronous>, transform_indices = @transform_2, window_bounds = array<i64: 1, 1024>}, {pipeline_mode = #tpu.pipeline_mode<synchronous>, transform_indices = @transform_3, window_bounds = array<i64: 1024, 512>}, {pipeline_mode = #tpu.pipeline_mode<synchronous>, transform_indices = @transform_4, window_bounds = array<i64: 1, 512>}, {pipeline_mode = #tpu.pipeline_mode<synchronous>, transform_indices = @transform_5, window_bounds = array<i64: 512, 128>}, {pipeline_mode = #tpu.pipeline_mode<synchronous>, transform_indices = @transform_6, window_bounds = array<i64: 1, 128>}, {transform_indices = @transform_7, window_bounds = array<i64: 1024, 128>}, {transform_indices = @transform_8, window_bounds = array<i64: 1024, 128>}, {transform_indices = @transform_9, window_bounds = array<i64: 1024, 1>}, {transform_indices = @transform_10, window_bounds = array<i64: 1024, 1>}, {transform_indices = @transform_11, window_bounds = array<i64: 1024, 1>}]} {
    %get3A = arith.constant 0 : index
    %get3A_0 = arith.constant 0 : index
    %get3A_1 = arith.constant 0 : index
    %get3A_2 = vector.load %arg1[%get3A, %get3A_0, %get3A_1] : memref<13x1024x128xf32, #tpu.memory_space<vmem>>, vector<1x1024x128xf32>
    %get3A_3 = vector.shape_cast %get3A_2 : vector<1x1024x128xf32> to vector<1024x128xf32>
    %get3A_4 = arith.constant 1 : index
    %get3A_5 = arith.constant 0 : index
    %get3A_6 = arith.constant 0 : index
    %get3A_7 = vector.load %arg1[%get3A_4, %get3A_5, %get3A_6] : memref<13x1024x128xf32, #tpu.memory_space<vmem>>, vector<1x1024x128xf32>
    %get3A_8 = vector.shape_cast %get3A_7 : vector<1x1024x128xf32> to vector<1024x128xf32>
    %get3A_9 = arith.constant 2 : index
    %get3A_10 = arith.constant 0 : index
    %get3A_11 = arith.constant 0 : index
    %get3A_12 = vector.load %arg1[%get3A_9, %get3A_10, %get3A_11] : memref<13x1024x128xf32, #tpu.memory_space<vmem>>, vector<1x1024x128xf32>
    %get3A_13 = vector.shape_cast %get3A_12 : vector<1x1024x128xf32> to vector<1024x128xf32>
    %get3A_14 = arith.constant 3 : index
    %get3A_15 = arith.constant 0 : index
    %get3A_16 = arith.constant 0 : index
    %get3A_17 = vector.load %arg1[%get3A_14, %get3A_15, %get3A_16] : memref<13x1024x128xf32, #tpu.memory_space<vmem>>, vector<1x1024x128xf32>
    %get3A_18 = vector.shape_cast %get3A_17 : vector<1x1024x128xf32> to vector<1024x128xf32>
    %get3A_19 = arith.constant 4 : index
    %get3A_20 = arith.constant 0 : index
    %get3A_21 = arith.constant 0 : index
    %get3A_22 = vector.load %arg1[%get3A_19, %get3A_20, %get3A_21] : memref<13x1024x128xf32, #tpu.memory_space<vmem>>, vector<1x1024x128xf32>
    %get3A_23 = vector.shape_cast %get3A_22 : vector<1x1024x128xf32> to vector<1024x128xf32>
    %get3A_24 = arith.constant 5 : index
    %get3A_25 = arith.constant 0 : index
    %get3A_26 = arith.constant 0 : index
    %get3A_27 = vector.load %arg1[%get3A_24, %get3A_25, %get3A_26] : memref<13x1024x128xf32, #tpu.memory_space<vmem>>, vector<1x1024x128xf32>
    %get3A_28 = vector.shape_cast %get3A_27 : vector<1x1024x128xf32> to vector<1024x128xf32>
    %get3A_29 = arith.constant 6 : index
    %get3A_30 = arith.constant 0 : index
    %get3A_31 = arith.constant 0 : index
    %get3A_32 = vector.load %arg1[%get3A_29, %get3A_30, %get3A_31] : memref<13x1024x128xf32, #tpu.memory_space<vmem>>, vector<1x1024x128xf32>
    %get3A_33 = vector.shape_cast %get3A_32 : vector<1x1024x128xf32> to vector<1024x128xf32>
    %get3A_34 = arith.constant 7 : index
    %get3A_35 = arith.constant 0 : index
    %get3A_36 = arith.constant 0 : index
    %get3A_37 = vector.load %arg1[%get3A_34, %get3A_35, %get3A_36] : memref<13x1024x128xf32, #tpu.memory_space<vmem>>, vector<1x1024x128xf32>
    %get3A_38 = vector.shape_cast %get3A_37 : vector<1x1024x128xf32> to vector<1024x128xf32>
    %get3A_39 = arith.constant 8 : index
    %get3A_40 = arith.constant 0 : index
    %get3A_41 = arith.constant 0 : index
    %get3A_42 = vector.load %arg1[%get3A_39, %get3A_40, %get3A_41] : memref<13x1024x128xf32, #tpu.memory_space<vmem>>, vector<1x1024x128xf32>
    %get3A_43 = vector.shape_cast %get3A_42 : vector<1x1024x128xf32> to vector<1024x128xf32>
    %get3A_44 = arith.constant 9 : index
    %get3A_45 = arith.constant 0 : index
    %get3A_46 = arith.constant 0 : index
    %get3A_47 = vector.load %arg1[%get3A_44, %get3A_45, %get3A_46] : memref<13x1024x128xf32, #tpu.memory_space<vmem>>, vector<1x1024x128xf32>
    %get3A_48 = vector.shape_cast %get3A_47 : vector<1x1024x128xf32> to vector<1024x128xf32>
    %get3A_49 = arith.constant 10 : index
    %get3A_50 = arith.constant 0 : index
    %get3A_51 = arith.constant 0 : index
    %get3A_52 = vector.load %arg1[%get3A_49, %get3A_50, %get3A_51] : memref<13x1024x128xf32, #tpu.memory_space<vmem>>, vector<1x1024x128xf32>
    %get3A_53 = vector.shape_cast %get3A_52 : vector<1x1024x128xf32> to vector<1024x128xf32>
    %get3A_54 = arith.constant 11 : index
    %get3A_55 = arith.constant 0 : index
    %get3A_56 = arith.constant 0 : index
    %get3A_57 = vector.load %arg1[%get3A_54, %get3A_55, %get3A_56] : memref<13x1024x128xf32, #tpu.memory_space<vmem>>, vector<1x1024x128xf32>
    %get3A_58 = vector.shape_cast %get3A_57 : vector<1x1024x128xf32> to vector<1024x128xf32>
    %get3A_59 = arith.constant 12 : index
    %get3A_60 = arith.constant 0 : index
    %get3A_61 = arith.constant 0 : index
    %get3A_62 = vector.load %arg1[%get3A_59, %get3A_60, %get3A_61] : memref<13x1024x128xf32, #tpu.memory_space<vmem>>, vector<1x1024x128xf32>
    %get3A_63 = vector.shape_cast %get3A_62 : vector<1x1024x128xf32> to vector<1024x128xf32>
    %mul3A = arith.mulf %get3A_3, %get3A_3 : vector<1024x128xf32>
    %add3A = arith.addf %get3A_3, %get3A_8 : vector<1024x128xf32>
    %mul3A_64 = arith.mulf %get3A_8, %get3A_8 : vector<1024x128xf32>
    %add3A_65 = arith.addf %mul3A, %mul3A_64 : vector<1024x128xf32>
    %add3A_66 = arith.addf %add3A, %get3A_13 : vector<1024x128xf32>
    %mul3A_67 = arith.mulf %get3A_13, %get3A_13 : vector<1024x128xf32>
    %add3A_68 = arith.addf %add3A_65, %mul3A_67 : vector<1024x128xf32>
    %add3A_69 = arith.addf %add3A_66, %get3A_18 : vector<1024x128xf32>
    %mul3A_70 = arith.mulf %get3A_18, %get3A_18 : vector<1024x128xf32>
    %add3A_71 = arith.addf %add3A_68, %mul3A_70 : vector<1024x128xf32>
    %add3A_72 = arith.addf %add3A_69, %get3A_23 : vector<1024x128xf32>
    %mul3A_73 = arith.mulf %get3A_23, %get3A_23 : vector<1024x128xf32>
    %add3A_74 = arith.addf %add3A_71, %mul3A_73 : vector<1024x128xf32>
    %add3A_75 = arith.addf %add3A_72, %get3A_28 : vector<1024x128xf32>
    %mul3A_76 = arith.mulf %get3A_28, %get3A_28 : vector<1024x128xf32>
    %add3A_77 = arith.addf %add3A_74, %mul3A_76 : vector<1024x128xf32>
    %add3A_78 = arith.addf %add3A_75, %get3A_33 : vector<1024x128xf32>
    %mul3A_79 = arith.mulf %get3A_33, %get3A_33 : vector<1024x128xf32>
    %add3A_80 = arith.addf %add3A_77, %mul3A_79 : vector<1024x128xf32>
    %add3A_81 = arith.addf %add3A_78, %get3A_38 : vector<1024x128xf32>
    %mul3A_82 = arith.mulf %get3A_38, %get3A_38 : vector<1024x128xf32>
    %add3A_83 = arith.addf %add3A_80, %mul3A_82 : vector<1024x128xf32>
    %add3A_84 = arith.addf %add3A_81, %get3A_43 : vector<1024x128xf32>
    %mul3A_85 = arith.mulf %get3A_43, %get3A_43 : vector<1024x128xf32>
    %add3A_86 = arith.addf %add3A_83, %mul3A_85 : vector<1024x128xf32>
    %add3A_87 = arith.addf %add3A_84, %get3A_48 : vector<1024x128xf32>
    %mul3A_88 = arith.mulf %get3A_48, %get3A_48 : vector<1024x128xf32>
    %add3A_89 = arith.addf %add3A_86, %mul3A_88 : vector<1024x128xf32>
    %add3A_90 = arith.addf %add3A_87, %get3A_53 : vector<1024x128xf32>
    %mul3A_91 = arith.mulf %get3A_53, %get3A_53 : vector<1024x128xf32>
    %add3A_92 = arith.addf %add3A_89, %mul3A_91 : vector<1024x128xf32>
    %add3A_93 = arith.addf %add3A_90, %get3A_58 : vector<1024x128xf32>
    %mul3A_94 = arith.mulf %get3A_58, %get3A_58 : vector<1024x128xf32>
    %add3A_95 = arith.addf %add3A_92, %mul3A_94 : vector<1024x128xf32>
    %add3A_96 = arith.addf %add3A_93, %get3A_63 : vector<1024x128xf32>
    %mul3A_97 = arith.mulf %get3A_63, %get3A_63 : vector<1024x128xf32>
    %add3A_98 = arith.addf %add3A_95, %mul3A_97 : vector<1024x128xf32>
    %mul3A_99 = arith.mulf %add3A_96, %add3A_96 : vector<1024x128xf32>
    %sub3A = arith.subf %mul3A_99, %add3A_98 : vector<1024x128xf32>
    %mul3A_100 = arith.constant 5.000000e-01 : f32
    %mul3A_101 = vector.broadcast %mul3A_100 : f32 to vector<1024x128xf32>
    %mul3A_102 = arith.mulf %mul3A_101, %sub3A : vector<1024x128xf32>
    %concatenate3A = tpu.concatenate %get3A_3, %get3A_8, %get3A_13, %get3A_18, %get3A_23, %get3A_28, %get3A_33, %get3A_38, %get3A_43, %get3A_48, %get3A_53, %get3A_58, %get3A_63 in 1 : vector<1024x128xf32>, vector<1024x128xf32>, vector<1024x128xf32>, vector<1024x128xf32>, vector<1024x128xf32>, vector<1024x128xf32>, vector<1024x128xf32>, vector<1024x128xf32>, vector<1024x128xf32>, vector<1024x128xf32>, vector<1024x128xf32>, vector<1024x128xf32>, vector<1024x128xf32> -> vector<1024x1664xf32>
    %convert_element_type3A = arith.truncf %concatenate3A : vector<1024x1664xf32> to vector<1024x1664xbf16>
    %get3A_103 = arith.constant 0 : index
    %get3A_104 = arith.constant 0 : index
    %get3A_105 = vector.load %arg2[%get3A_103, %get3A_104] : memref<1664x1024xbf16, #tpu.memory_space<vmem>>, vector<1664x1024xbf16>
    %dot_general3A = arith.constant dense<0.000000e+00> : vector<1024x1024xf32>
    %dot_general3A_106 = tpu.matmul %convert_element_type3A, %get3A_105, %dot_general3A {dimension_numbers = #tpu.dot_dimension_numbers<[1], [0], [0], [1], [0, 0, 1, 1], [], []>, transpose_lhs_hint = false} : vector<1024x1664xbf16>, vector<1664x1024xbf16>, vector<1024x1024xf32> -> vector<1024x1024xf32>
    %get3A_107 = arith.constant 0 : index
    %get3A_108 = arith.constant 0 : index
    %get3A_109 = vector.load %arg3[%get3A_107, %get3A_108] : memref<1x1024xf32, #tpu.memory_space<vmem>>, vector<1x1024xf32>
    %add3A_110 = vector.broadcast %get3A_109 : vector<1x1024xf32> to vector<1024x1024xf32>
    %add3A_111 = arith.addf %dot_general3A_106, %add3A_110 : vector<1024x1024xf32>
    %max3A = arith.constant 0.000000e+00 : f32
    %max3A_112 = vector.broadcast %max3A : f32 to vector<1024x1024xf32>
    %max3A_113 = arith.maximumf %add3A_111, %max3A_112 : vector<1024x1024xf32>
    %convert_element_type3A_114 = arith.truncf %max3A_113 : vector<1024x1024xf32> to vector<1024x1024xbf16>
    %get3A_115 = arith.constant 0 : index
    %get3A_116 = arith.constant 0 : index
    %get3A_117 = vector.load %arg4[%get3A_115, %get3A_116] : memref<1024x512xbf16, #tpu.memory_space<vmem>>, vector<1024x512xbf16>
    %dot_general3A_118 = arith.constant dense<0.000000e+00> : vector<1024x512xf32>
    %dot_general3A_119 = tpu.matmul %convert_element_type3A_114, %get3A_117, %dot_general3A_118 {dimension_numbers = #tpu.dot_dimension_numbers<[1], [0], [0], [1], [0, 0, 1, 1], [], []>, transpose_lhs_hint = false} : vector<1024x1024xbf16>, vector<1024x512xbf16>, vector<1024x512xf32> -> vector<1024x512xf32>
    %get3A_120 = arith.constant 0 : index
    %get3A_121 = arith.constant 0 : index
    %get3A_122 = vector.load %arg5[%get3A_120, %get3A_121] : memref<1x512xf32, #tpu.memory_space<vmem>>, vector<1x512xf32>
    %add3A_123 = vector.broadcast %get3A_122 : vector<1x512xf32> to vector<1024x512xf32>
    %add3A_124 = arith.addf %dot_general3A_119, %add3A_123 : vector<1024x512xf32>
    %max3A_125 = arith.constant 0.000000e+00 : f32
    %max3A_126 = vector.broadcast %max3A_125 : f32 to vector<1024x512xf32>
    %max3A_127 = arith.maximumf %add3A_124, %max3A_126 : vector<1024x512xf32>
    %convert_element_type3A_128 = arith.truncf %max3A_127 : vector<1024x512xf32> to vector<1024x512xbf16>
    %get3A_129 = arith.constant 0 : index
    %get3A_130 = arith.constant 0 : index
    %get3A_131 = vector.load %arg6[%get3A_129, %get3A_130] : memref<512x128xbf16, #tpu.memory_space<vmem>>, vector<512x128xbf16>
    %dot_general3A_132 = arith.constant dense<0.000000e+00> : vector<1024x128xf32>
    %dot_general3A_133 = tpu.matmul %convert_element_type3A_128, %get3A_131, %dot_general3A_132 {dimension_numbers = #tpu.dot_dimension_numbers<[1], [0], [0], [1], [0, 0, 1, 1], [], []>, transpose_lhs_hint = false} : vector<1024x512xbf16>, vector<512x128xbf16>, vector<1024x128xf32> -> vector<1024x128xf32>
    %get3A_134 = arith.constant 0 : index
    %get3A_135 = arith.constant 0 : index
    %get3A_136 = vector.load %arg7[%get3A_134, %get3A_135] : memref<1x128xf32, #tpu.memory_space<vmem>>, vector<1x128xf32>
    %add3A_137 = vector.broadcast %get3A_136 : vector<1x128xf32> to vector<1024x128xf32>
    %add3A_138 = arith.addf %dot_general3A_133, %add3A_137 : vector<1024x128xf32>
    %get3A_139 = arith.constant 0 : index
    %get3A_140 = arith.constant 0 : index
    %get3A_141 = vector.load %arg10[%get3A_139, %get3A_140] : memref<1024x1xf32, #tpu.memory_space<vmem>>, vector<1024x1xf32>
    %get3A_142 = arith.constant 0 : index
    %get3A_143 = arith.constant 0 : index
    %get3A_144 = vector.load %arg11[%get3A_142, %get3A_143] : memref<1024x1xf32, #tpu.memory_space<vmem>>, vector<1024x1xf32>
    %mul3A_145 = arith.mulf %get3A_141, %get3A_144 : vector<1024x1xf32>
    %get3A_146 = arith.constant 0 : index
    %get3A_147 = arith.constant 0 : index
    %get3A_148 = vector.load %arg8[%get3A_146, %get3A_147] : memref<1024x128xf32, #tpu.memory_space<vmem>>, vector<1024x128xf32>
    %mul3A_149 = arith.mulf %get3A_148, %mul3A_102 : vector<1024x128xf32>
    %reduce_sum3A = arith.constant dense<0.000000e+00> : vector<1024xf32>
    %reduce_sum3A_150 = vector.multi_reduction <add>, %mul3A_149, %reduce_sum3A [1] : vector<1024x128xf32> to vector<1024xf32>
    %broadcast_in_dim3A = vector.shape_cast %reduce_sum3A_150 : vector<1024xf32> to vector<1024x1xf32>
    %add3A_151 = arith.addf %mul3A_145, %broadcast_in_dim3A : vector<1024x1xf32>
    %get3A_152 = arith.constant 0 : index
    %get3A_153 = arith.constant 0 : index
    %get3A_154 = vector.load %arg9[%get3A_152, %get3A_153] : memref<1024x128xf32, #tpu.memory_space<vmem>>, vector<1024x128xf32>
    %mul3A_155 = arith.mulf %get3A_154, %add3A_138 : vector<1024x128xf32>
    %reduce_sum3A_156 = arith.constant dense<0.000000e+00> : vector<1024xf32>
    %reduce_sum3A_157 = vector.multi_reduction <add>, %mul3A_155, %reduce_sum3A_156 [1] : vector<1024x128xf32> to vector<1024xf32>
    %broadcast_in_dim3A_158 = vector.shape_cast %reduce_sum3A_157 : vector<1024xf32> to vector<1024x1xf32>
    %add3A_159 = arith.addf %add3A_151, %broadcast_in_dim3A_158 : vector<1024x1xf32>
    %logistic3A = arith.negf %add3A_159 : vector<1024x1xf32>
    %logistic3A_160 = math.exp %logistic3A : vector<1024x1xf32>
    %logistic3A_161 = arith.constant 1.000000e+00 : f32
    %logistic3A_162 = vector.broadcast %logistic3A_161 : f32 to vector<1024x1xf32>
    %logistic3A_163 = arith.addf %logistic3A_162, %logistic3A_160 : vector<1024x1xf32>
    %logistic3A_164 = arith.divf %logistic3A_162, %logistic3A_163 : vector<1024x1xf32>
    %swap3A = arith.constant 0 : index
    %swap3A_165 = arith.constant 0 : index
    %swap3A_166 = vector.load %arg12[%swap3A, %swap3A_165] : memref<1024x1xf32, #tpu.memory_space<vmem>>, vector<1024x1xf32>
    tpu.vector_store %arg12[%swap3A, %swap3A_165], %logistic3A_164 {strides = array<i32>} : memref<1024x1xf32, #tpu.memory_space<vmem>>, vector<1024x1xf32>,
    return
  }
  func.func @transform_0(%arg0: i32) -> (i32, i32, i32) {
    %c0_i32 = arith.constant 0 : i32
    %c0_i32_0 = arith.constant 0 : i32
    %c0_i32_1 = arith.constant 0 : i32
    return %c0_i32, %arg0, %c0_i32_0 : i32, i32, i32
  }
  func.func @transform_1(%arg0: i32) -> (i32, i32) {
    %c0_i32 = arith.constant 0 : i32
    %c0_i32_0 = arith.constant 0 : i32
    %c0_i32_1 = arith.constant 0 : i32
    return %c0_i32, %c0_i32_0 : i32, i32
  }
  func.func @transform_2(%arg0: i32) -> (i32, i32) {
    %c0_i32 = arith.constant 0 : i32
    %c0_i32_0 = arith.constant 0 : i32
    %c0_i32_1 = arith.constant 0 : i32
    return %c0_i32, %c0_i32_0 : i32, i32
  }
  func.func @transform_3(%arg0: i32) -> (i32, i32) {
    %c0_i32 = arith.constant 0 : i32
    %c0_i32_0 = arith.constant 0 : i32
    %c0_i32_1 = arith.constant 0 : i32
    return %c0_i32, %c0_i32_0 : i32, i32
  }
  func.func @transform_4(%arg0: i32) -> (i32, i32) {
    %c0_i32 = arith.constant 0 : i32
    %c0_i32_0 = arith.constant 0 : i32
    %c0_i32_1 = arith.constant 0 : i32
    return %c0_i32, %c0_i32_0 : i32, i32
  }
  func.func @transform_5(%arg0: i32) -> (i32, i32) {
    %c0_i32 = arith.constant 0 : i32
    %c0_i32_0 = arith.constant 0 : i32
    %c0_i32_1 = arith.constant 0 : i32
    return %c0_i32, %c0_i32_0 : i32, i32
  }
  func.func @transform_6(%arg0: i32) -> (i32, i32) {
    %c0_i32 = arith.constant 0 : i32
    %c0_i32_0 = arith.constant 0 : i32
    %c0_i32_1 = arith.constant 0 : i32
    return %c0_i32, %c0_i32_0 : i32, i32
  }
  func.func @transform_7(%arg0: i32) -> (i32, i32) {
    %c0_i32 = arith.constant 0 : i32
    %c0_i32_0 = arith.constant 0 : i32
    return %arg0, %c0_i32 : i32, i32
  }
  func.func @transform_8(%arg0: i32) -> (i32, i32) {
    %c0_i32 = arith.constant 0 : i32
    %c0_i32_0 = arith.constant 0 : i32
    return %arg0, %c0_i32 : i32, i32
  }
  func.func @transform_9(%arg0: i32) -> (i32, i32) {
    %c0_i32 = arith.constant 0 : i32
    %c0_i32_0 = arith.constant 0 : i32
    return %arg0, %c0_i32 : i32, i32
  }
  func.func @transform_10(%arg0: i32) -> (i32, i32) {
    %c0_i32 = arith.constant 0 : i32
    %c0_i32_0 = arith.constant 0 : i32
    return %arg0, %c0_i32 : i32, i32
  }
  func.func @transform_11(%arg0: i32) -> (i32, i32) {
    %c0_i32 = arith.constant 0 : i32
    %c0_i32_0 = arith.constant 0 : i32
    return %arg0, %c0_i32 : i32, i32
  }
}

</mosaic_0001>

<sc_bundles>
// kernel: two_tower_sc_gather.4.cloned.1.call-start
scs
__scs_entry_jumppad:
0x0: {  	(pc) =	sbr.rel $0x88, $3  }
0x1: {  	(tag) =	ssettag $0x0;
	lr =	simm.s32 $0x1  }
0x2: {  	[smem:$0x3F90] =	sst lr;
	_ =	strace $0xD0000000  }
0x3: {  	_ = 	snop  }
0x4: {  	_ = 	snop  }
0x5: {  	_ = 	snop  }
0x6: {  	_ = 	snop  }
0x7: {  	_ = 	snop  }
__scs_overlays_trampoline_lowered:
0x8: {  	[smem:$0x3F9F] =	sst s0  }
0x9: {  	[smem:$0x3FA0] =	sst s1  }
0xa: {  	[smem:$0x3FA1] =	sst s2  }
0xb: {  	[smem:$0x3FA2] =	sst s3  }
0xc: {  	[smem:$0x3FA3] =	sst s4  }
0xd: {  	[smem:$0x3FA4] =	sst s5  }
0xe: {  	[smem:$0x3FA5] =	sst s6  }
0xf: {  	[smem:$0x3FA6] =	sst s7  }
0x10: {  	[smem:$0x3FA7] =	sst s8  }
0x11: {  	[smem:$0x3FA8] =	sst s9;
	s0 =	simm.s32 @!p0 $0x0  }
0x12: {  	s1 =	sld [smem:$0x3F8E];
	s0 =	simm.s32 @p0 $0x1  }
0x13: {  	[smem:$0x3FA9] =	sst s0;
	s0 =	simm.s32 @!p1 $0x0  }
0x14: {  	s2 =	sld [smem:$0x3F8D];
	s0 =	simm.s32 @p1 $0x1  }
0x15: {  	[smem:$0x3FAA] =	sst s0;
	s0 =	simm.s32 @!p2 $0x0  }
0x16: {  	s3 =	sld [smem:$0x3FDB];
	s0 =	simm.s32 @p2 $0x1  }
0x17: {  	s4 =	simm.s32 $0x1BF5;
	[smem:$0x3FAC] =	sst s0  }
0x18: {  	s0 =	sld [smem:$0x3F8F];
	_ =	swait.ge [sflag:s4], $0x0  }
0x19: {  	s7 =	sld [smem:$0x3F90]  }
0x1a: {  	s8 =	sadd.s32 $0xFFFFE003, lr  }
0x1b: {  	s9 =	sadd.s32 $0xFFFFFEF7, lr;
	s5 =	simm.s32 $0xFFFFFFFF;
	p2 =	slt.u32 s8, $0xFFFFF086  }
0x1c: {  	p1 =	slt.u32 s9, $0xF7A;
	s5 =	simm.s32 @!p2 $0x0  }
0x1d: {  	s5 =	simm.s32 @p1 $0x1;
	p0 =	seq.s32 s7, s2  }
0x1e: {  	s7 =	smul.u32 @!p0 $0xF7A, s2;
	p2 =	seq.s32 @!p0 s5, $0x0  }
0x1f: {  	s9 =	smul.u32 $0xF7A, s1;
	s8 =	simm.s32 @!p0 $0x1BF5;
	p2 =	por !p2, p0  }
0x20: {  	[sflag:s8] =	ssyncset.s32 @!p0 $0xFFFFF086;
	s6 =	sadd.s32 @!p0 s3, s7;
	s7 =	simm.s32 @!p0 $0x108  }
0x21: {  	s3 =	sadd.s32 s3, s9;
	s6 =	sadd.s32 @!p0 $0x88, s6;
	s7 =	simm.s32 @p2 $0x1082  }
0x22: {  	[simem:s7], [sflag:s8] =	dma.local @!p0 [hbm:s6], $0xF7A  }
0x23: {  	s9 =	sor.u32 $0xD0000000, s2;
	s6 =	simm.s32 $0x108;
	_ =	swait.ge @!p0 [sflag:s8], $0x0  }
0x24: {  	s3 =	sadd.s32 $0x88, s3;
	s6 =	simm.s32 @!p1 $0x1082;
	[sflag:s4] =	ssyncset.s32 $0xFFFFF086  }
0x25: {  	[simem:s6], [sflag:s4] =	dma.local [hbm:s3], $0xF7A  }
0x26: {  	[smem:$0x3F90] =	sst s1;
	(tag) =	ssettag s2;
	_ =	strace s9  }
0x27: {  	s1 =	sld [smem:$0x3FA0]  }
0x28: {  	s2 =	sld [smem:$0x3FA1]  }
0x29: {  	s4 =	sld [smem:$0x3FA3]  }
0x2a: {  	p0 =	seq.s32 s5, $0x0;
	s5 =	sld [smem:$0x3FA4]  }
0x2b: {  	s6 =	sld [smem:$0x3FA5]  }
0x2c: {  	s7 =	sld [smem:$0x3FA6]  }
0x2d: {  	s3 =	simm.s32 $0x108;
	s8 =	sld [smem:$0x3FA7]  }
0x2e: {  	s3 =	simm.s32 @!p0 $0x1082;
	s9 =	sld [smem:$0x3FA8]  }
0x2f: {  	lr =	sadd.s32 s0, s3;
	s0 =	sld [smem:$0x3F9F]  }
0x30: {  	s3 =	sld [smem:$0x3FA2]  }
0x31: {  	[smem:$0x3FAB] =	sst s10  }
0x32: {  	s10 =	sld [smem:$0x3FA9];
	_ =	sdelay $0x3  }
0x33: {  	p0 =	seq.s32 s10, $0x1;
	s10 =	sld [smem:$0x3FAB];
	_ =	sdelay $0x3  }
0x34: {  	[smem:$0x3FAB] =	sst s10  }
0x35: {  	s10 =	sld [smem:$0x3FAA];
	_ =	sdelay $0x3  }
0x36: {  	p1 =	seq.s32 s10, $0x1;
	s10 =	sld [smem:$0x3FAB];
	_ =	sdelay $0x3  }
0x37: {  	[smem:$0x3FAB] =	sst s10  }
0x38: {  	s10 =	sld [smem:$0x3FAC]  }
0x39: {  	_ = 	snop;
	(pc) =	sbr.ind lr, $3  }
0x3a: {  	_ = 	snop  }
0x3b: {  	_ = 	snop  }
0x3c: {  	p2 =	seq.s32 s10, $0x1;
	s10 =	sld [smem:$0x3FAB]  }
0x3d: {  	_ =	shalt  }
0x3e: {  	_ =	shalt  }
0x3f: {  	_ =	shalt  }
0x40: {  	_ =	shalt  }
0x41: {  	_ =	shalt  }
0x42: {  	_ =	shalt  }
0x43: {  	_ =	shalt  }
0x44: {  	_ =	shalt  }
0x45: {  	_ =	shalt  }
0x46: {  	_ =	shalt  }
0x47: {  	_ =	shalt  }
0x48: {  	_ =	shalt  }
0x49: {  	_ =	shalt  }
0x4a: {  	_ =	shalt  }
0x4b: {  	_ =	shalt  }
0x4c: {  	_ =	shalt  }
0x4d: {  	_ =	shalt  }
0x4e: {  	_ =	shalt  }
0x4f: {  	_ =	shalt  }
0x50: {  	_ =	shalt  }
0x51: {  	_ =	shalt  }
0x52: {  	_ =	shalt  }
0x53: {  	_ =	shalt  }
0x54: {  	_ =	shalt  }
0x55: {  	_ =	shalt  }
0x56: {  	_ =	shalt  }
0x57: {  	_ =	shalt  }
0x58: {  	_ =	shalt  }
0x59: {  	_ =	shalt  }
0x5a: {  	_ =	shalt  }
0x5b: {  	_ =	shalt  }
0x5c: {  	_ =	shalt  }
0x5d: {  	_ =	shalt  }
0x5e: {  	_ =	shalt  }
0x5f: {  	_ =	shalt  }
0x60: {  	_ =	shalt  }
0x61: {  	_ =	shalt  }
0x62: {  	_ =	shalt  }
0x63: {  	_ =	shalt  }
0x64: {  	_ =	shalt  }
0x65: {  	_ =	shalt  }
0x66: {  	_ =	shalt  }
0x67: {  	_ =	shalt  }
0x68: {  	_ =	shalt  }
0x69: {  	_ =	shalt  }
0x6a: {  	_ =	shalt  }
0x6b: {  	_ =	shalt  }
0x6c: {  	_ =	shalt  }
0x6d: {  	_ =	shalt  }
0x6e: {  	_ =	shalt  }
0x6f: {  	_ =	shalt  }
0x70: {  	_ =	shalt  }
0x71: {  	_ =	shalt  }
0x72: {  	_ =	shalt  }
0x73: {  	_ =	shalt  }
0x74: {  	_ =	shalt  }
0x75: {  	_ =	shalt  }
0x76: {  	_ =	shalt  }
0x77: {  	_ =	shalt  }
0x78: {  	_ =	shalt  }
0x79: {  	_ =	shalt  }
0x7a: {  	_ =	shalt  }
0x7b: {  	_ =	shalt  }
0x7c: {  	_ =	shalt  }
0x7d: {  	_ =	shalt  }
0x7e: {  	_ =	shalt  }
0x7f: {  	_ =	shalt  }
0x80: {  	_ =	shalt  }
0x81: {  	_ =	shalt  }
0x82: {  	_ =	shalt  }
0x83: {  	_ =	shalt  }
0x84: {  	_ =	shalt  }
0x85: {  	_ =	shalt  }
0x86: {  	_ =	shalt  }
0x87: {  	_ =	shalt  }
.Lfunc_end0:
.L_simem_size_0:
called_computation_lowered:
.L_overlay_start_0:
0x88: {  	s2 =	sld [smem:$0x3FD9]  }
0x89: {  	s3 =	sld [smem:$0x3FFE];
	_ =	sdelay $0x1  }
0x8a: {  	s1 =	srdreg.scid  }
0x8b: {  	s0 =	sand.u32 $0x1, s1  }
0x8c: {  	s17 =	sshll.u32 s0, $0xA;
	s2 =	sadd.s32 s3, s2  }
0x8d: {  	s2 =	sadd.s32 s2, s17  }
0x8e: {  	[smem:$0x3FB7] =	sst s2  }
0x8f: {  	_ = 	snop  }
0x90: {  	s2 =	sld [smem:$0x3FC8];
	(tm) =	ssettm $0x1  }
0x91: {  	s18 =	sld [smem:$0x3FFB];
	_ =	sdelay $0x3  }
0x92: {  	_ =	strace s18  }
0x93: {  	s3 =	sld [smem:$0x3FFC];
	_ =	sdelay $0x3  }
0x94: {  	_ =	strace s3  }
0x95: {  	s3 =	sld [smem:$0x3FFD];
	_ =	sdelay $0x3  }
0x96: {  	_ =	strace s3  }
0x97: {  	_ =	strace $0x8FFFFFFF  }
0x98: {  	s19 =	sld [smem:$0x3FDB];
	_ =	sdelay $0x1  }
0x99: {  	s4 =	simm.s32 $_scs_section_size  }
0x9a: {  	s5 =	simm.s32 $_size__tile_overlayer_lowered;
	s6 =	simm.s32 $_tile_overlayer_lowered  }
0x9b: {  	s22 =	simm.s32 $0x1BFF;
	s21 =	sshll.u32 s6, $0x1;
	s3 =	sadd.s32 s4, s19  }
0x9c: {  	s7 =	simm.s32 $0x0;
	s20 =	sshll.u32 s5, $0x1;
	s5 =	sadd.s32 s21, s3  }
0x9d: {  	[timem:s7], [sflag:s22] =	dma.local [hbm:s5], s20  }
0x9e: {  	_ =	swait.ge [sflag:s22], s20  }
0x9f: {  	s4 =	ssub.s32 $0x0, s20;
	[sflag:s22] =	ssyncset.done $0x0  }
0xa0: {  	[sflag:s22] =	ssyncadd.s32 s4;
	_ =	sdelay $0x1  }
0xa1: {  	s23 =	simm.s32 $0x1B8B  }
0xa2: {  	_ =	swait.ge [sflag:s23], $0x1  }
0xa3: {  	[sflag:s23] =	ssyncset.done $0x0  }
0xa4: {  	s25 =	simm.s32 $0x1B8E;
	s24 =	sld [smem:$0x3FFE];
	[sflag:s23] =	ssyncadd.s32 $0xFFFFFFFF  }
0xa5: {  	s26 =	simm.s32 $execute0_lowered;
	[smem:$0x3FD2] =	sst s25  }
0xa6: {  	s5 =	sshll.u32 s26, $0x1;
	_ =	strace $0x80000046;
	[dreg:$0x1] =	wrdreg $0xFFFFFFFF  }
0xa7: {  	s28 =	simm.s32 $_size_execute0_lowered;
	s3 =	sadd.s32 s3, s5;
	[dreg:$0x0] =	wrdreg $0x0  }
0xa8: {  	s5 =	sshll.u32 s28, $0x1;
	[dreg:$0x2] =	wrdreg s3  }
0xa9: {  	[dreg:$0x3] =	wrdreg s5  }
0xaa: {  	[dreg:$0x4] =	wrdreg $0xC0  }
0xab: {  	_ =	task [dreg:s7], $0x5FFFF  }
0xac: {  	[dreg:$0x1] =	wrdreg $0xFFFFFFFF  }
0xad: {  	[dreg:$0x0] =	wrdreg $0x60  }
0xae: {  	[dreg:$0x2] =	wrdreg s24  }
0xaf: {  	[dreg:$0x3] =	wrdreg s2  }
0xb0: {  	[dreg:$0x4] =	wrdreg $0x9  }
0xb1: {  	_ =	task.clear_ibuf [dreg:s7], $0x5FFFF;
	_ =	strace $0x90000046  }
0xb2: {  	s29 =	simm.s32 $0x9;
	_ =	strace $0x80000048  }
0xb3: {  	_ =	swait.ge [sflag:s29], $0x1  }
0xb4: {  	[sflag:s29] =	ssyncadd.s32 $0xFFFFFFFF  }
0xb5: {  	_ =	strace $0x90000048  }
0xb6: {  	_ =	sfence  }
0xb7: {  	s30 =	sld [smem:$0x0];
	_ =	sdelay $0x2  }
0xb8: {  	s31 =	sshll.u32 s1, $0xD;
	s1 =	sshrl.u32 s1, $0x2  }
0xb9: {  	s3 =	sand.u32 $0x4000, s31;
	s1 =	sadd.s32 s1, s30  }
0xba: {  	s0 =	sor.u32 s3, s0;
	s1 =	sshll.u32 s1, $0x11  }
0xbb: {  	s0 =	sor.u32 s1, s0  }
0xbc: {  	s0 =	sadd.s32 $0x8F2B, s0  }
0xbd: {  	[sflag:s0] =	ssyncadd.remote.s32 $0x1  }
0xbe: {  	_ =	sfence.sel $0xFFFF  }
0xbf: {  	[dreg:$0x0] =	wrdreg $0xFFFFFFFF;
	(pc) =	sbr.abs _section_cstart, $3  }
0xc0: {  	[dreg:$0x1] =	wrdreg $0xFFFFFFFF  }
0xc1: {  	_ =	task.clear_ibuf [dreg:s7], $0x2FFFF;
	_ =	strace $0x9FFFFFFF  }
0xc2: {  	(tm) =	ssettm $0x7FFFFFFF  }
0xc3: {  	_ =	shalt  }
tec
execute0_lowered:
.L_overlay_start_1:
0x0: {  	(tag) =	ssettag $0x1  }
0x1: {  	s1 =	srdreg.scid  }
0x2: {  	s0 =	stileid.u32;
	s5 =	rddreg [dreg:$0x0]  }
0x3: {  	s2 =	rddreg [dreg:$0x1];
	s20 =	simm.s32 $0xC800;
	s21 =	simm.s32 $0xC880  }
0x4: {  	s22 =	simm.s32 $0xC900;
	s1 =	sand.u32 $0x1, s1;
	s3 =	sshll.u32 s0, $0x1  }
0x5: {  	s23 =	simm.s32 $0xC980;
	s6 =	sor.u32 s1, s3;
	s3 =	simm.s32 $0x0  }
0x6: {  	s24 =	simm.s32 $0xCA00;
	s25 =	simm.s32 $0xCA80;
	[smem:$0x7FF] =	sst s3  }
0x7: {  	s26 =	simm.s32 $0xCB00;
	_ =	strace $0x80000047;
	[dreg:$0x12] =	wrdreg s20  }
0x8: {  	s28 =	simm.s32 $0x1;
	s29 =	simm.s32 $0x8800;
	[dreg:$0x13] =	wrdreg s21  }
0x9: {  	s30 =	simm.s32 $0x3;
	s31 =	simm.s32 $0x2;
	[dreg:$0x14] =	wrdreg s22  }
0xa: {  	s1 =	ssub.s32 $0x2, s1;
	s4 =	sshll.u32 s6, $0x8;
	[dreg:$0x15] =	wrdreg s23  }
0xb: {  	s7 =	sshll.u32 s6, $0xB;
	s6 =	sshll.u32 s6, $0x4;
	[dreg:$0x16] =	wrdreg s24  }
0xc: {  	s18 =	sshrl.u32 s1, $0x1;
	s4 =	sadd.s32 s4, s5;
	[dreg:$0x17] =	wrdreg s25  }
0xd: {  	s7 =	sadd.s32 s7, s5;
	[dreg:$0x18] =	wrdreg s26;
	s4 =	sadd.s32 $0x4200, s4  }
0xe: {  	s1 =	ssub.s32 s1, s18;
	s0 =	sadd.s32 $0x6400, s7;
	[dreg:$0x3] =	wrdreg s4  }
0xf: {  	s18 =	simm.s32 $0xCC80;
	s8 =	sadd.s32 $0x16400, s7;
	[dreg:$0x4] =	wrdreg s0  }
0x10: {  	s20 =	simm.s32 $0xCD00;
	s9 =	sadd.s32 $0x26400, s7;
	[dreg:$0x5] =	wrdreg s8  }
0x11: {  	s21 =	simm.s32 $0x580;
	s10 =	sadd.s32 $0x36400, s7;
	[dreg:$0x6] =	wrdreg s9  }
0x12: {  	s22 =	simm.s32 $0xCD80;
	s11 =	sadd.s32 $0x46400, s7;
	[dreg:$0x7] =	wrdreg s10  }
0x13: {  	s23 =	simm.s32 $0x600;
	s12 =	sadd.s32 $0x56400, s7;
	[dreg:$0x8] =	wrdreg s11  }
0x14: {  	s24 =	simm.s32 $0xCE00;
	s13 =	sadd.s32 $0x66400, s7;
	[dreg:$0x9] =	wrdreg s12  }
0x15: {  	s25 =	simm.s32 $0x800;
	s14 =	sadd.s32 $0x86400, s7;
	[dreg:$0xa] =	wrdreg s13  }
0x16: {  	s26 =	simm.s32 $0x4800;
	s15 =	sadd.s32 $0x96400, s7;
	[dreg:$0xc] =	wrdreg s14  }
0x17: {  	s16 =	sadd.s32 $0xA6400, s7;
	s17 =	sadd.s32 $0xB6400, s7;
	[dreg:$0xd] =	wrdreg s15  }
0x18: {  	s19 =	sadd.s32 $0xC6400, s7;
	s8 =	sadd.s32 $0x76400, s7;
	[dreg:$0xe] =	wrdreg s16  }
0x19: {  	s4 =	sadd.s32 $0x3A00, s5;
	s5 =	sadd.s32 s6, s5;
	[dreg:$0xf] =	wrdreg s17  }
0x1a: {  	[dreg:$0x10] =	wrdreg s19;
	s6 =	simm.s32 $0x4;
	s7 =	simm.s32 $0x80  }
0x1b: {  	s9 =	simm.s32 $0x180;
	s10 =	simm.s32 $0x200;
	s11 =	simm.s32 $0x280  }
0x1c: {  	s12 =	simm.s32 $0x300;
	s13 =	simm.s32 $0x380;
	s15 =	simm.s32 $0x400  }
0x1d: {  	s16 =	simm.s32 $0xCC00;
	s17 =	simm.s32 $0x480;
	s19 =	simm.s32 $0x500  }
0x1e: {  	[dreg:$0xb] =	wrdreg s8;
	s5 =	sadd.s32 $0x6200, s5;
	s8 =	simm.s32 $0x100  }
0x1f: {  	[dreg:$0x11] =	wrdreg s5;
	s5 =	smax.u32 s1, $0x1;
	s1 =	simm.s32 $0xD000  }
.LBB2_1:
0x20: {  	s0 =	rddreg [dreg:$0x3]  }
0x21: {  	[tilespmem:s3], [sflag:$0x4] =	stream.linear.gather [hbm4b:s0+s3], $0x680, $0x38;
	[tilespmem:$0xD080] =	vst v63  }
0x22: {  	_ =	swait.ge [sflag:s6], $0x680  }
0x23: {  	[sflag:s6] =	ssyncset.done $0x0  }
0x24: {  	s0 =	rddreg [dreg:$0x12];
	[sflag:s6] =	ssyncadd.s32 $0xFFFFF980  }
0x25: {  	[tilespmem:s0], [sflag:$0x2] =	stream.indirect.gather [hbm4b:s4+s7], $0x1, s3, s7, $0xb8;
	[tilespmem:$0xD080] =	vst v63  }
0x26: {  	s14 =	rddreg [dreg:$0x13]  }
0x27: {  	[tilespmem:s14], [sflag:$0x2] =	stream.indirect.gather [hbm4b:s4+s7], $0x1, s7, s7, $0xb8;
	[tilespmem:$0xD080] =	vst v63  }
0x28: {  	s0 =	rddreg [dreg:$0x14]  }
0x29: {  	[tilespmem:s0], [sflag:$0x2] =	stream.indirect.gather [hbm4b:s4+s7], $0x1, s8, s7, $0xb8;
	[tilespmem:$0xD080] =	vst v63  }
0x2a: {  	s14 =	rddreg [dreg:$0x15]  }
0x2b: {  	[tilespmem:s14], [sflag:$0x2] =	stream.indirect.gather [hbm4b:s4+s7], $0x1, s9, s7, $0xb8;
	[tilespmem:$0xD080] =	vst v63  }
0x2c: {  	s0 =	rddreg [dreg:$0x16]  }
0x2d: {  	[tilespmem:s0], [sflag:$0x2] =	stream.indirect.gather [hbm4b:s4+s7], $0x1, s10, s7, $0xb8;
	[tilespmem:$0xD080] =	vst v63  }
0x2e: {  	s14 =	rddreg [dreg:$0x17]  }
0x2f: {  	[tilespmem:s14], [sflag:$0x2] =	stream.indirect.gather [hbm4b:s4+s7], $0x1, s11, s7, $0xb8;
	[tilespmem:$0xD080] =	vst v63  }
0x30: {  	s0 =	rddreg [dreg:$0x18]  }
0x31: {  	[tilespmem:s0], [sflag:$0x2] =	stream.indirect.gather [hbm4b:s4+s7], $0x1, s12, s7, $0xb8;
	[tilespmem:$0xD080] =	vst v63  }
0x32: {  	s14 =	simm.s32 $0xCB80  }
0x33: {  	[tilespmem:s14], [sflag:$0x2] =	stream.indirect.gather [hbm4b:s4+s7], $0x1, s13, s7, $0xb8;
	[tilespmem:$0xD080] =	vst v63  }
0x34: {  	_ = 	snop  }
0x35: {  	[tilespmem:s16], [sflag:$0x2] =	stream.indirect.gather [hbm4b:s4+s7], $0x1, s15, s7, $0xb8;
	[tilespmem:$0xD080] =	vst v63  }
0x36: {  	_ = 	snop  }
0x37: {  	[tilespmem:s18], [sflag:$0x2] =	stream.indirect.gather [hbm4b:s4+s7], $0x1, s17, s7, $0xb8;
	[tilespmem:$0xD080] =	vst v63  }
0x38: {  	_ = 	snop  }
0x39: {  	[tilespmem:s20], [sflag:$0x2] =	stream.indirect.gather [hbm4b:s4+s7], $0x1, s19, s7, $0xb8;
	[tilespmem:$0xD080] =	vst v63  }
0x3a: {  	_ = 	snop  }
0x3b: {  	[tilespmem:s22], [sflag:$0x2] =	stream.indirect.gather [hbm4b:s4+s7], $0x1, s21, s7, $0xb8;
	[tilespmem:$0xD080] =	vst v63  }
0x3c: {  	_ = 	snop  }
0x3d: {  	[tilespmem:s24], [sflag:$0x2] =	stream.indirect.gather [hbm4b:s4+s7], $0x1, s23, s7, $0xb8;
	[tilespmem:$0xD080] =	vst v63  }
0x3e: {  	_ = 	snop  }
0x3f: {  	[tilespmem:s25], [sflag:$0x1] =	stream.indirect.gather [hbm4b:s2+s7], $0x80, s3, s7, $0xb8;
	[tilespmem:$0xD080] =	vst v63  }
0x40: {  	_ = 	snop  }
0x41: {  	[tilespmem:s26], [sflag:$0x1] =	stream.indirect.gather [hbm4b:s2+s7], $0x80, s7, s7, $0xb8;
	[tilespmem:$0xD080] =	vst v63  }
0x42: {  	_ =	swait.ge [sflag:s28], $0x4000  }
0x43: {  	[sflag:s28] =	ssyncset.done $0x0  }
0x44: {  	s14 =	rddreg [dreg:$0x4];
	[sflag:s28] =	ssyncadd.s32 $0xFFFFC000  }
0x45: {  	[hbm4b:s14+s3] =	stream.linear.scatter [tilespmem:s25], [sflag:$0x3], $0x4000, $0x38;
	[tilespmem:$0xD080] =	vst v63  }
0x46: {  	_ = 	snop  }
0x47: {  	[tilespmem:s29], [sflag:$0x1] =	stream.indirect.gather [hbm4b:s2+s7], $0x80, s8, s7, $0xb8;
	[tilespmem:$0xD080] =	vst v63  }
0x48: {  	_ =	swait.ge [sflag:s28], $0x4000  }
0x49: {  	[sflag:s28] =	ssyncset.done $0x0  }
0x4a: {  	s14 =	rddreg [dreg:$0x5];
	[sflag:s28] =	ssyncadd.s32 $0xFFFFC000  }
0x4b: {  	[hbm4b:s14+s3] =	stream.linear.scatter [tilespmem:s26], [sflag:$0x3], $0x4000, $0x38;
	[tilespmem:$0xD080] =	vst v63  }
0x4c: {  	_ =	swait.ge [sflag:s30], $0x4000  }
0x4d: {  	[sflag:s30] =	ssyncset.done $0x0  }
0x4e: {  	[sflag:s30] =	ssyncadd.s32 $0xFFFFC000  }
0x4f: {  	[tilespmem:s25], [sflag:$0x1] =	stream.indirect.gather [hbm4b:s2+s7], $0x80, s9, s7, $0xb8;
	[tilespmem:$0xD080] =	vst v63  }
0x50: {  	_ =	swait.ge [sflag:s28], $0x4000  }
0x51: {  	[sflag:s28] =	ssyncset.done $0x0  }
0x52: {  	s14 =	rddreg [dreg:$0x6];
	[sflag:s28] =	ssyncadd.s32 $0xFFFFC000  }
0x53: {  	[hbm4b:s14+s3] =	stream.linear.scatter [tilespmem:s29], [sflag:$0x3], $0x4000, $0x38;
	[tilespmem:$0xD080] =	vst v63  }
0x54: {  	_ =	swait.ge [sflag:s30], $0x4000  }
0x55: {  	[sflag:s30] =	ssyncset.done $0x0  }
0x56: {  	[sflag:s30] =	ssyncadd.s32 $0xFFFFC000  }
0x57: {  	[tilespmem:s26], [sflag:$0x1] =	stream.indirect.gather [hbm4b:s2+s7], $0x80, s10, s7, $0xb8;
	[tilespmem:$0xD080] =	vst v63  }
0x58: {  	_ =	swait.ge [sflag:s28], $0x4000  }
0x59: {  	[sflag:s28] =	ssyncset.done $0x0  }
0x5a: {  	s14 =	rddreg [dreg:$0x7];
	[sflag:s28] =	ssyncadd.s32 $0xFFFFC000  }
0x5b: {  	[hbm4b:s14+s3] =	stream.linear.scatter [tilespmem:s25], [sflag:$0x3], $0x4000, $0x38;
	[tilespmem:$0xD080] =	vst v63  }
0x5c: {  	_ =	swait.ge [sflag:s30], $0x4000  }
0x5d: {  	[sflag:s30] =	ssyncset.done $0x0  }
0x5e: {  	[sflag:s30] =	ssyncadd.s32 $0xFFFFC000  }
0x5f: {  	[tilespmem:s29], [sflag:$0x1] =	stream.indirect.gather [hbm4b:s2+s7], $0x80, s11, s7, $0xb8;
	[tilespmem:$0xD080] =	vst v63  }
0x60: {  	_ =	swait.ge [sflag:s28], $0x4000  }
0x61: {  	[sflag:s28] =	ssyncset.done $0x0  }
0x62: {  	s14 =	rddreg [dreg:$0x8];
	[sflag:s28] =	ssyncadd.s32 $0xFFFFC000  }
0x63: {  	[hbm4b:s14+s3] =	stream.linear.scatter [tilespmem:s26], [sflag:$0x3], $0x4000, $0x38;
	[tilespmem:$0xD080] =	vst v63  }
0x64: {  	_ =	swait.ge [sflag:s30], $0x4000  }
0x65: {  	[sflag:s30] =	ssyncset.done $0x0  }
0x66: {  	[sflag:s30] =	ssyncadd.s32 $0xFFFFC000  }
0x67: {  	[tilespmem:s25], [sflag:$0x1] =	stream.indirect.gather [hbm4b:s2+s7], $0x80, s12, s7, $0xb8;
	[tilespmem:$0xD080] =	vst v63  }
0x68: {  	_ =	swait.ge [sflag:s28], $0x4000  }
0x69: {  	[sflag:s28] =	ssyncset.done $0x0  }
0x6a: {  	s14 =	rddreg [dreg:$0x9];
	[sflag:s28] =	ssyncadd.s32 $0xFFFFC000  }
0x6b: {  	[hbm4b:s14+s3] =	stream.linear.scatter [tilespmem:s29], [sflag:$0x3], $0x4000, $0x38;
	[tilespmem:$0xD080] =	vst v63  }
0x6c: {  	_ =	swait.ge [sflag:s30], $0x4000  }
0x6d: {  	[sflag:s30] =	ssyncset.done $0x0  }
0x6e: {  	[sflag:s30] =	ssyncadd.s32 $0xFFFFC000  }
0x6f: {  	[tilespmem:s26], [sflag:$0x1] =	stream.indirect.gather [hbm4b:s2+s7], $0x80, s13, s7, $0xb8;
	[tilespmem:$0xD080] =	vst v63  }
0x70: {  	_ =	swait.ge [sflag:s28], $0x4000  }
0x71: {  	[sflag:s28] =	ssyncset.done $0x0  }
0x72: {  	s14 =	rddreg [dreg:$0xa];
	[sflag:s28] =	ssyncadd.s32 $0xFFFFC000  }
0x73: {  	[hbm4b:s14+s3] =	stream.linear.scatter [tilespmem:s25], [sflag:$0x3], $0x4000, $0x38;
	[tilespmem:$0xD080] =	vst v63  }
0x74: {  	_ =	swait.ge [sflag:s30], $0x4000  }
0x75: {  	[sflag:s30] =	ssyncset.done $0x0  }
0x76: {  	[sflag:s30] =	ssyncadd.s32 $0xFFFFC000  }
0x77: {  	[tilespmem:s29], [sflag:$0x1] =	stream.indirect.gather [hbm4b:s2+s7], $0x80, s15, s7, $0xb8;
	[tilespmem:$0xD080] =	vst v63  }
0x78: {  	_ =	swait.ge [sflag:s28], $0x4000  }
0x79: {  	[sflag:s28] =	ssyncset.done $0x0  }
0x7a: {  	s14 =	rddreg [dreg:$0xb];
	[sflag:s28] =	ssyncadd.s32 $0xFFFFC000  }
0x7b: {  	[hbm4b:s14+s3] =	stream.linear.scatter [tilespmem:s26], [sflag:$0x3], $0x4000, $0x38;
	[tilespmem:$0xD080] =	vst v63  }
0x7c: {  	_ =	swait.ge [sflag:s30], $0x4000  }
0x7d: {  	[sflag:s30] =	ssyncset.done $0x0  }
0x7e: {  	[sflag:s30] =	ssyncadd.s32 $0xFFFFC000  }
0x7f: {  	[tilespmem:s25], [sflag:$0x1] =	stream.indirect.gather [hbm4b:s2+s7], $0x80, s17, s7, $0xb8;
	[tilespmem:$0xD080] =	vst v63  }
0x80: {  	_ =	swait.ge [sflag:s28], $0x4000  }
0x81: {  	[sflag:s28] =	ssyncset.done $0x0  }
0x82: {  	s14 =	rddreg [dreg:$0xc];
	[sflag:s28] =	ssyncadd.s32 $0xFFFFC000  }
0x83: {  	[hbm4b:s14+s3] =	stream.linear.scatter [tilespmem:s29], [sflag:$0x3], $0x4000, $0x38;
	[tilespmem:$0xD080] =	vst v63  }
0x84: {  	_ =	swait.ge [sflag:s30], $0x4000  }
0x85: {  	[sflag:s30] =	ssyncset.done $0x0  }
0x86: {  	[sflag:s30] =	ssyncadd.s32 $0xFFFFC000  }
0x87: {  	[tilespmem:s26], [sflag:$0x1] =	stream.indirect.gather [hbm4b:s2+s7], $0x80, s19, s7, $0xb8;
	[tilespmem:$0xD080] =	vst v63  }
0x88: {  	_ =	swait.ge [sflag:s28], $0x4000  }
0x89: {  	[sflag:s28] =	ssyncset.done $0x0  }
0x8a: {  	s14 =	rddreg [dreg:$0xd];
	[sflag:s28] =	ssyncadd.s32 $0xFFFFC000  }
0x8b: {  	[hbm4b:s14+s3] =	stream.linear.scatter [tilespmem:s25], [sflag:$0x3], $0x4000, $0x38;
	[tilespmem:$0xD080] =	vst v63  }
0x8c: {  	_ =	swait.ge [sflag:s30], $0x4000  }
0x8d: {  	[sflag:s30] =	ssyncset.done $0x0  }
0x8e: {  	[sflag:s30] =	ssyncadd.s32 $0xFFFFC000  }
0x8f: {  	[tilespmem:s29], [sflag:$0x1] =	stream.indirect.gather [hbm4b:s2+s7], $0x80, s21, s7, $0xb8;
	[tilespmem:$0xD080] =	vst v63  }
0x90: {  	_ =	swait.ge [sflag:s28], $0x4000  }
0x91: {  	[sflag:s28] =	ssyncset.done $0x0  }
0x92: {  	s14 =	rddreg [dreg:$0xe];
	[sflag:s28] =	ssyncadd.s32 $0xFFFFC000  }
0x93: {  	[hbm4b:s14+s3] =	stream.linear.scatter [tilespmem:s26], [sflag:$0x3], $0x4000, $0x38;
	[tilespmem:$0xD080] =	vst v63  }
0x94: {  	_ =	swait.ge [sflag:s30], $0x4000  }
0x95: {  	[sflag:s30] =	ssyncset.done $0x0  }
0x96: {  	[sflag:s30] =	ssyncadd.s32 $0xFFFFC000  }
0x97: {  	[tilespmem:s25], [sflag:$0x1] =	stream.indirect.gather [hbm4b:s2+s7], $0x80, s23, s7, $0xb8;
	[tilespmem:$0xD080] =	vst v63  }
0x98: {  	_ =	swait.ge [sflag:s28], $0x4000  }
0x99: {  	[sflag:s28] =	ssyncset.done $0x0  }
0x9a: {  	s14 =	rddreg [dreg:$0xf];
	[sflag:s28] =	ssyncadd.s32 $0xFFFFC000  }
0x9b: {  	[hbm4b:s14+s3] =	stream.linear.scatter [tilespmem:s29], [sflag:$0x3], $0x4000, $0x38;
	[tilespmem:$0xD080] =	vst v63  }
0x9c: {  	_ =	swait.ge [sflag:s28], $0x4000  }
0x9d: {  	[sflag:s28] =	ssyncset.done $0x0  }
0x9e: {  	s14 =	rddreg [dreg:$0x10];
	[sflag:s28] =	ssyncadd.s32 $0xFFFFC000  }
0x9f: {  	[hbm4b:s14+s3] =	stream.linear.scatter [tilespmem:s25], [sflag:$0x3], $0x4000, $0x38;
	[tilespmem:$0xD080] =	vst v63  }
0xa0: {  	_ =	swait.ge [sflag:s30], $0x4000  }
0xa1: {  	[sflag:s30] =	ssyncset.done $0x0  }
0xa2: {  	[sflag:s30] =	ssyncadd.s32 $0xFFFFC000  }
0xa3: {  	_ =	swait.ge [sflag:s30], $0x4000  }
0xa4: {  	[sflag:s30] =	ssyncset.done $0x0  }
0xa5: {  	[sflag:s30] =	ssyncadd.s32 $0xFFFFC000  }
0xa6: {  	_ =	swait.ge [sflag:s30], $0x4000  }
0xa7: {  	[sflag:s30] =	ssyncset.done $0x0  }
0xa8: {  	[sflag:s30] =	ssyncadd.s32 $0xFFFFC000  }
0xa9: {  	_ =	swait.ge [sflag:s31], $0x80  }
0xaa: {  	[sflag:s31] =	ssyncset.done $0x0  }
0xab: {  	[sflag:s31] =	ssyncadd.s32 $0xFFFFFF80  }
0xac: {  	_ =	swait.ge [sflag:s31], $0x80  }
0xad: {  	[sflag:s31] =	ssyncset.done $0x0  }
0xae: {  	[sflag:s31] =	ssyncadd.s32 $0xFFFFFF80  }
0xaf: {  	_ =	swait.ge [sflag:s31], $0x80  }
0xb0: {  	[sflag:s31] =	ssyncset.done $0x0  }
0xb1: {  	[sflag:s31] =	ssyncadd.s32 $0xFFFFFF80  }
0xb2: {  	_ =	swait.ge [sflag:s31], $0x80  }
0xb3: {  	[sflag:s31] =	ssyncset.done $0x0  }
0xb4: {  	[sflag:s31] =	ssyncadd.s32 $0xFFFFFF80  }
0xb5: {  	_ =	swait.ge [sflag:s31], $0x80  }
0xb6: {  	[sflag:s31] =	ssyncset.done $0x0  }
0xb7: {  	[sflag:s31] =	ssyncadd.s32 $0xFFFFFF80  }
0xb8: {  	_ =	swait.ge [sflag:s31], $0x80  }
0xb9: {  	[sflag:s31] =	ssyncset.done $0x0  }
0xba: {  	[sflag:s31] =	ssyncadd.s32 $0xFFFFFF80  }
0xbb: {  	_ =	swait.ge [sflag:s31], $0x80  }
0xbc: {  	[sflag:s31] =	ssyncset.done $0x0  }
0xbd: {  	[sflag:s31] =	ssyncadd.s32 $0xFFFFFF80  }
0xbe: {  	_ =	swait.ge [sflag:s31], $0x80  }
0xbf: {  	[sflag:s31] =	ssyncset.done $0x0  }
0xc0: {  	[sflag:s31] =	ssyncadd.s32 $0xFFFFFF80  }
0xc1: {  	_ =	swait.ge [sflag:s31], $0x80  }
0xc2: {  	[sflag:s31] =	ssyncset.done $0x0  }
0xc3: {  	[sflag:s31] =	ssyncadd.s32 $0xFFFFFF80  }
0xc4: {  	_ =	swait.ge [sflag:s31], $0x80  }
0xc5: {  	[sflag:s31] =	ssyncset.done $0x0  }
0xc6: {  	[sflag:s31] =	ssyncadd.s32 $0xFFFFFF80  }
0xc7: {  	_ =	swait.ge [sflag:s31], $0x80  }
0xc8: {  	[sflag:s31] =	ssyncset.done $0x0  }
0xc9: {  	[sflag:s31] =	ssyncadd.s32 $0xFFFFFF80  }
0xca: {  	_ =	swait.ge [sflag:s31], $0x80  }
0xcb: {  	[sflag:s31] =	ssyncset.done $0x0  }
0xcc: {  	[sflag:s31] =	ssyncadd.s32 $0xFFFFFF80  }
0xcd: {  	_ =	swait.ge [sflag:s31], $0x80  }
0xce: {  	[sflag:s31] =	ssyncset.done $0x0  }
0xcf: {  	[sflag:s31] =	ssyncadd.s32 $0xFFFFFF80  }
0xd0: {  	v0 =	vld [tilespmem:$0xC800]  }
0xd1: {  	v1 =	vld [tilespmem:$0xC880]  }
0xd2: {  	v2 =	vld [tilespmem:$0xC900]  }
0xd3: {  	v3 =	vld [tilespmem:$0xC980]  }
0xd4: {  	v4 =	vld [tilespmem:$0xCA00]  }
0xd5: {  	v5 =	vld [tilespmem:$0xCA80]  }
0xd6: {  	v6 =	vld [tilespmem:$0xCB00]  }
0xd7: {  	v7 =	vld [tilespmem:$0xCB80]  }
0xd8: {  	v8 =	vld [tilespmem:$0xCC00]  }
0xd9: {  	v9 =	vld [tilespmem:$0xCC80]  }
0xda: {  	v10 =	vld [tilespmem:$0xCD00]  }
0xdb: {  	v11 =	vld [tilespmem:$0xCD80]  }
0xdc: {  	v12 =	vld [tilespmem:$0xCE00]  }
0xdd: {  	v13 =	vld [tilespmem:$0xC810]  }
0xde: {  	v14 =	vld [tilespmem:$0xC890]  }
0xdf: {  	v15 =	vld [tilespmem:$0xC910]  }
0xe0: {  	v16 =	vld [tilespmem:$0xC990]  }
0xe1: {  	v17 =	vld [tilespmem:$0xCA10]  }
0xe2: {  	v18 =	vld [tilespmem:$0xCA90]  }
0xe3: {  	v19 =	vld [tilespmem:$0xCB10]  }
0xe4: {  	v20 =	vld [tilespmem:$0xCB90]  }
0xe5: {  	v21 =	vld [tilespmem:$0xCC10]  }
0xe6: {  	v22 =	vld [tilespmem:$0xCC90]  }
0xe7: {  	v23 =	vld [tilespmem:$0xCD10]  }
0xe8: {  	v24 =	vld [tilespmem:$0xCD90]  }
0xe9: {  	v25 =	vld [tilespmem:$0xCE10]  }
0xea: {  	v26 =	vld [tilespmem:$0xC820]  }
0xeb: {  	v27 =	vld [tilespmem:$0xC8A0]  }
0xec: {  	v28 =	vld [tilespmem:$0xC920]  }
0xed: {  	v29 =	vld [tilespmem:$0xC9A0]  }
0xee: {  	v30 =	vld [tilespmem:$0xCA20]  }
0xef: {  	v31 =	vld [tilespmem:$0xCAA0]  }
0xf0: {  	v32 =	vld [tilespmem:$0xCB20]  }
0xf1: {  	v33 =	vld [tilespmem:$0xCBA0]  }
0xf2: {  	v34 =	vld [tilespmem:$0xCC20]  }
0xf3: {  	v35 =	vld [tilespmem:$0xCCA0]  }
0xf4: {  	v36 =	vld [tilespmem:$0xCD20]  }
0xf5: {  	v37 =	vld [tilespmem:$0xCDA0]  }
0xf6: {  	v38 =	vld [tilespmem:$0xCE20]  }
0xf7: {  	v39 =	vld [tilespmem:$0xC830]  }
0xf8: {  	v40 =	vld [tilespmem:$0xC8B0]  }
0xf9: {  	v41 =	vld [tilespmem:$0xC930]  }
0xfa: {  	v42 =	vld [tilespmem:$0xC9B0]  }
0xfb: {  	v43 =	vld [tilespmem:$0xCA30]  }
0xfc: {  	v44 =	vld [tilespmem:$0xCAB0]  }
0xfd: {  	v45 =	vld [tilespmem:$0xCB30]  }
0xfe: {  	v46 =	vld [tilespmem:$0xCBB0]  }
0xff: {  	v47 =	vld [tilespmem:$0xCC30]  }
0x100: {  	v48 =	vld [tilespmem:$0xCCB0]  }
0x101: {  	v49 =	vld [tilespmem:$0xCD30]  }
0x102: {  	v50 =	vld [tilespmem:$0xCDB0]  }
0x103: {  	v51 =	vld [tilespmem:$0xCE30]  }
0x104: {  	v52 =	vld [tilespmem:$0xC840]  }
0x105: {  	v53 =	vld [tilespmem:$0xC8C0]  }
0x106: {  	v54 =	vld [tilespmem:$0xC940]  }
0x107: {  	v55 =	vld [tilespmem:$0xC9C0]  }
0x108: {  	v56 =	vld [tilespmem:$0xCA40]  }
0x109: {  	v57 =	vld [tilespmem:$0xCAC0]  }
0x10a: {  	v58 =	vld [tilespmem:$0xCB40]  }
0x10b: {  	v59 =	vld [tilespmem:$0xCD50]  }
0x10c: {  	v60 =	vld [tilespmem:$0xC860];
	v0 =	vadd.f32 v1, v0;
	v13 =	vadd.f32 v14, v13  }
0x10d: {  	v61 =	vld [tilespmem:$0xC8E0];
	v62 =	vadd.f32 v27, v26;
	v63 =	vadd.f32 v40, v39  }
0x10e: {  	v39 =	vld [tilespmem:$0xC850];
	v0 =	vadd.f32 v2, v0;
	v13 =	vadd.f32 v15, v13  }
0x10f: {  	v40 =	vld [tilespmem:$0xC8D0];
	v2 =	vadd.f32 v28, v62;
	v15 =	vadd.f32 v41, v63  }
0x110: {  	v1 =	vld [tilespmem:$0xCBC0];
	v0 =	vadd.f32 v3, v0;
	v13 =	vadd.f32 v16, v13  }
0x111: {  	v41 =	vld [tilespmem:$0xC950];
	v2 =	vadd.f32 v29, v2;
	v15 =	vadd.f32 v42, v15  }
0x112: {  	v14 =	vld [tilespmem:$0xCC40];
	v0 =	vadd.f32 v4, v0;
	v13 =	vadd.f32 v17, v13  }
0x113: {  	v26 =	vld [tilespmem:$0xCCC0];
	v2 =	vadd.f32 v30, v2;
	v15 =	vadd.f32 v43, v15  }
0x114: {  	v42 =	vld [tilespmem:$0xC9D0];
	v4 =	vadd.f32 v40, v39;
	v0 =	vadd.f32 v5, v0  }
0x115: {  	v27 =	vld [tilespmem:$0xCD40];
	v13 =	vadd.f32 v18, v13;
	v2 =	vadd.f32 v31, v2  }
0x116: {  	v62 =	vld [tilespmem:$0xC870];
	v15 =	vadd.f32 v44, v15;
	v4 =	vadd.f32 v41, v4  }
0x117: {  	v43 =	vld [tilespmem:$0xCA50];
	v0 =	vadd.f32 v6, v0;
	v13 =	vadd.f32 v19, v13  }
0x118: {  	v63 =	vld [tilespmem:$0xC8F0];
	v2 =	vadd.f32 v32, v2;
	v15 =	vadd.f32 v45, v15  }
0x119: {  	v3 =	vld [tilespmem:$0xCDC0];
	v4 =	vadd.f32 v42, v4;
	v0 =	vadd.f32 v7, v0  }
0x11a: {  	v19 =	vld [tilespmem:$0xCAD0];
	v13 =	vadd.f32 v20, v13;
	v2 =	vadd.f32 v33, v2  }
0x11b: {  	v16 =	vld [tilespmem:$0xCE40];
	v15 =	vadd.f32 v46, v15;
	v33 =	vadd.f32 v53, v52  }
0x11c: {  	v40 =	vld [tilespmem:$0xCA70];
	v4 =	vadd.f32 v43, v4;
	v0 =	vadd.f32 v8, v0  }
0x11d: {  	v7 =	vld [tilespmem:$0xCB50];
	v13 =	vadd.f32 v21, v13;
	v2 =	vadd.f32 v34, v2  }
0x11e: {  	v41 =	vld [tilespmem:$0xCAE0];
	v15 =	vadd.f32 v47, v15;
	v28 =	vadd.f32 v54, v33  }
0x11f: {  	v20 =	vld [tilespmem:$0xCBD0];
	v4 =	vadd.f32 v19, v4;
	v0 =	vadd.f32 v9, v0  }
0x120: {  	v32 =	vld [tilespmem:$0xC960];
	v13 =	vadd.f32 v22, v13;
	v2 =	vadd.f32 v35, v2  }
0x121: {  	v42 =	vld [tilespmem:$0xCAF0];
	v15 =	vadd.f32 v48, v15;
	v39 =	vadd.f32 v55, v28  }
0x122: {  	v34 =	vld [tilespmem:$0xC970];
	v4 =	vadd.f32 v7, v4;
	v0 =	vadd.f32 v10, v0  }
0x123: {  	v45 =	vld [tilespmem:$0xCB70];
	v13 =	vadd.f32 v23, v13;
	v2 =	vadd.f32 v36, v2  }
0x124: {  	v15 =	vadd.f32 v49, v15;
	v36 =	vld [tilespmem:$0xC9F0];
	v4 =	vadd.f32 v20, v4  }
0x125: {  	v35 =	vld [tilespmem:$0xC9E0];
	v2 =	vadd.f32 v37, v2;
	v37 =	vadd.f32 v63, v62  }
0x126: {  	v8 =	vld [tilespmem:$0xCC50];
	v0 =	vadd.f32 v11, v0;
	v11 =	vadd.f32 v61, v60  }
0x127: {  	v2 =	vadd.f32 v38, v2;
	v38 =	vld [tilespmem:$0xCA60];
	v5 =	vadd.f32 v34, v37  }
0x128: {  	v43 =	vld [tilespmem:$0xCB60];
	v13 =	vadd.f32 v24, v13;
	v11 =	vadd.f32 v32, v11  }
0x129: {  	v46 =	vld [tilespmem:$0xCBE0];
	v15 =	vadd.f32 v50, v15;
	v5 =	vadd.f32 v36, v5  }
0x12a: {  	v52 =	vld [tilespmem:$0xCD60];
	v24 =	vadd.f32 v56, v39;
	v11 =	vadd.f32 v35, v11  }
0x12b: {  	v53 =	vld [tilespmem:$0xCD70];
	v4 =	vadd.f32 v8, v4;
	v5 =	vadd.f32 v40, v5  }
0x12c: {  	v47 =	vld [tilespmem:$0xCBF0];
	v44 =	vadd.f32 v57, v24;
	v11 =	vadd.f32 v38, v11  }
0x12d: {  	v21 =	vld [tilespmem:$0xCCD0];
	v0 =	vadd.f32 v12, v0;
	v5 =	vadd.f32 v42, v5  }
0x12e: {  	v49 =	vld [tilespmem:$0xCC70];
	v23 =	vadd.f32 v58, v44;
	v11 =	vadd.f32 v41, v11  }
0x12f: {  	v48 =	vld [tilespmem:$0xCC60];
	v15 =	vadd.f32 v51, v15;
	v5 =	vadd.f32 v45, v5  }
0x130: {  	v51 =	vld [tilespmem:$0xCCF0];
	v1 =	vadd.f32 v1, v23;
	v6 =	vadd.f32 v43, v11  }
0x131: {  	v50 =	vld [tilespmem:$0xCCE0];
	v13 =	vadd.f32 v25, v13;
	v5 =	vadd.f32 v47, v5  }
0x132: {  	v22 =	vld [tilespmem:$0xCDD0];
	v1 =	vadd.f32 v14, v1;
	v6 =	vadd.f32 v46, v6  }
0x133: {  	v55 =	vld [tilespmem:$0xCDF0];
	v4 =	vadd.f32 v21, v4;
	v5 =	vadd.f32 v49, v5  }
0x134: {  	v10 =	vld [tilespmem:$0xCE50];
	v1 =	vadd.f32 v26, v1;
	v6 =	vadd.f32 v48, v6  }
0x135: {  	v54 =	vld [tilespmem:$0xCDE0];
	v4 =	vadd.f32 v59, v4;
	v5 =	vadd.f32 v51, v5  }
0x136: {  	v59 =	vld [tilespmem:$0xCE70];
	v1 =	vadd.f32 v27, v1;
	v6 =	vadd.f32 v50, v6  }
0x137: {  	v56 =	vld [tilespmem:$0xCE60];
	[tilespmem:$0xD000] =	vst v0;
	v4 =	vadd.f32 v22, v4;
	v5 =	vadd.f32 v53, v5  }
0x138: {  	[tilespmem:$0xD010] =	vst v13;
	v57 =	vadd.f32 v3, v1;
	v58 =	vadd.f32 v52, v6  }
0x139: {  	[tilespmem:$0xD020] =	vst v2;
	v60 =	vadd.f32 v10, v4;
	v61 =	vadd.f32 v55, v5  }
0x13a: {  	[tilespmem:$0xD030] =	vst v15;
	v0 =	vadd.f32 v16, v57;
	v1 =	vadd.f32 v54, v58  }
0x13b: {  	[tilespmem:$0xD050] =	vst v60;
	v63 =	vadd.f32 v59, v61  }
0x13c: {  	[tilespmem:$0xD040] =	vst v0;
	v62 =	vadd.f32 v56, v1  }
0x13d: {  	p0 =	sne.s32 s5, $0x1;
	[tilespmem:$0xD070] =	vst v63  }
.Ltmp0:
0x13e: {  	s14 =	rddreg [dreg:$0x11];
	[tilespmem:$0xD060] =	vst v62;
	(pc) =	sbr.rel @p0 .LBB2_1-.Ltmp0, $4  }
0x13f: {  	[hbm4b:s14+s3] =	stream.linear.scatter [tilespmem:s1], [sflag:$0x4], $0x80, $0x38;
	[tilespmem:$0xD080] =	vst v63  }
0x140: {  	_ =	swait.ge [sflag:s6], $0x80  }
0x141: {  	[sflag:s6] =	ssyncset.done $0x0  }
0x142: {  	s5 =	sadd.s32 $0xFFFFFFFF, s5;
	[sflag:s6] =	ssyncadd.s32 $0xFFFFFF80  }
0x143: {  	_ =	sfence.sel $0x180000  }
0x144: {  	[bflag:$0x0] =	sbarrier.arrive $0xFFFF  }
0x145: {  	_ =	strace $0x90000047  }
0x146: {  	s0 =	stileid.u32;
	[bflag:$0x2] =	sbarrier.arrive $0xFFFF  }
0x147: {  	p0 =	sne.s32 s0, $0x0;
	s0 =	rddreg [dreg:$0x2]  }
0x148: {  	s0 =	sadd.s32 @!p0 $0x100000, s0  }
0x149: {  	[sflag:s0] =	ssyncadd.tile.s32 @!p0 $0x1;
	_ =	shalt  }
.Lfunc_end2:
_tile_overlayer_lowered:
.L_overlay_start_2:
0x14a: {  	(tag) =	ssettag $0x2  }
0x14b: {  	s0 =	rddreg [dreg:$0x0];
	s2 =	stileid.u32  }
0x14c: {  	s1 =	rddreg [dreg:$0x1];
	p0 =	sne.s32 s2, $0x0  }
0x14d: {  	s3 =	rddreg [dreg:$0x2];
	[bflag:$0x3] =	sbarrier.arrive $0xFFFF;
	s2 =	simm.s32 @!p0 $0x1C04  }
0x14e: {  	[timem:s3], [sflag:s2] =	dma.local @!p0 [hbm:s0], s1  }
0x14f: {  	s0 =	simm.s32 @!p0 $0x4  }
0x150: {  	_ =	swait.ge @!p0 [sflag:s0], s1  }
0x151: {  	s1 =	ssub.s32 @!p0 $0x0, s1;
	[sflag:s0] =	ssyncset.done @!p0 $0x0  }
0x152: {  	[sflag:s0] =	ssyncadd.s32 @!p0 s1  }
0x153: {  	[bflag:$0x3] =	sbarrier.arrive $0xFFFF  }
0x154: {  	_ =	shalt  }

// kernel: two_tower_sc_gather.7.cloned.1.call-start
scs
__scs_entry_jumppad:
0x0: {  	(pc) =	sbr.rel $0x88, $3  }
0x1: {  	(tag) =	ssettag $0x0;
	lr =	simm.s32 $0x1  }
0x2: {  	[smem:$0x3F90] =	sst lr;
	_ =	strace $0xD0000000  }
0x3: {  	_ = 	snop  }
0x4: {  	_ = 	snop  }
0x5: {  	_ = 	snop  }
0x6: {  	_ = 	snop  }
0x7: {  	_ = 	snop  }
__scs_overlays_trampoline_lowered:
0x8: {  	[smem:$0x3F9F] =	sst s0  }
0x9: {  	[smem:$0x3FA0] =	sst s1  }
0xa: {  	[smem:$0x3FA1] =	sst s2  }
0xb: {  	[smem:$0x3FA2] =	sst s3  }
0xc: {  	[smem:$0x3FA3] =	sst s4  }
0xd: {  	[smem:$0x3FA4] =	sst s5  }
0xe: {  	[smem:$0x3FA5] =	sst s6  }
0xf: {  	[smem:$0x3FA6] =	sst s7  }
0x10: {  	[smem:$0x3FA7] =	sst s8  }
0x11: {  	[smem:$0x3FA8] =	sst s9;
	s0 =	simm.s32 @!p0 $0x0  }
0x12: {  	s1 =	sld [smem:$0x3F8E];
	s0 =	simm.s32 @p0 $0x1  }
0x13: {  	[smem:$0x3FA9] =	sst s0;
	s0 =	simm.s32 @!p1 $0x0  }
0x14: {  	s2 =	sld [smem:$0x3F8D];
	s0 =	simm.s32 @p1 $0x1  }
0x15: {  	[smem:$0x3FAA] =	sst s0;
	s0 =	simm.s32 @!p2 $0x0  }
0x16: {  	s3 =	sld [smem:$0x3FDB];
	s0 =	simm.s32 @p2 $0x1  }
0x17: {  	s4 =	simm.s32 $0x1BF5;
	[smem:$0x3FAC] =	sst s0  }
0x18: {  	s0 =	sld [smem:$0x3F8F];
	_ =	swait.ge [sflag:s4], $0x0  }
0x19: {  	s7 =	sld [smem:$0x3F90]  }
0x1a: {  	s8 =	sadd.s32 $0xFFFFE003, lr  }
0x1b: {  	s9 =	sadd.s32 $0xFFFFFEF7, lr;
	s5 =	simm.s32 $0xFFFFFFFF;
	p2 =	slt.u32 s8, $0xFFFFF086  }
0x1c: {  	p1 =	slt.u32 s9, $0xF7A;
	s5 =	simm.s32 @!p2 $0x0  }
0x1d: {  	s5 =	simm.s32 @p1 $0x1;
	p0 =	seq.s32 s7, s2  }
0x1e: {  	s7 =	smul.u32 @!p0 $0xF7A, s2;
	p2 =	seq.s32 @!p0 s5, $0x0  }
0x1f: {  	s9 =	smul.u32 $0xF7A, s1;
	s8 =	simm.s32 @!p0 $0x1BF5;
	p2 =	por !p2, p0  }
0x20: {  	[sflag:s8] =	ssyncset.s32 @!p0 $0xFFFFF086;
	s6 =	sadd.s32 @!p0 s3, s7;
	s7 =	simm.s32 @!p0 $0x108  }
0x21: {  	s3 =	sadd.s32 s3, s9;
	s6 =	sadd.s32 @!p0 $0x88, s6;
	s7 =	simm.s32 @p2 $0x1082  }
0x22: {  	[simem:s7], [sflag:s8] =	dma.local @!p0 [hbm:s6], $0xF7A  }
0x23: {  	s9 =	sor.u32 $0xD0000000, s2;
	s6 =	simm.s32 $0x108;
	_ =	swait.ge @!p0 [sflag:s8], $0x0  }
0x24: {  	s3 =	sadd.s32 $0x88, s3;
	s6 =	simm.s32 @!p1 $0x1082;
	[sflag:s4] =	ssyncset.s32 $0xFFFFF086  }
0x25: {  	[simem:s6], [sflag:s4] =	dma.local [hbm:s3], $0xF7A  }
0x26: {  	[smem:$0x3F90] =	sst s1;
	(tag) =	ssettag s2;
	_ =	strace s9  }
0x27: {  	s1 =	sld [smem:$0x3FA0]  }
0x28: {  	s2 =	sld [smem:$0x3FA1]  }
0x29: {  	s4 =	sld [smem:$0x3FA3]  }
0x2a: {  	p0 =	seq.s32 s5, $0x0;
	s5 =	sld [smem:$0x3FA4]  }
0x2b: {  	s6 =	sld [smem:$0x3FA5]  }
0x2c: {  	s7 =	sld [smem:$0x3FA6]  }
0x2d: {  	s3 =	simm.s32 $0x108;
	s8 =	sld [smem:$0x3FA7]  }
0x2e: {  	s3 =	simm.s32 @!p0 $0x1082;
	s9 =	sld [smem:$0x3FA8]  }
0x2f: {  	lr =	sadd.s32 s0, s3;
	s0 =	sld [smem:$0x3F9F]  }
0x30: {  	s3 =	sld [smem:$0x3FA2]  }
0x31: {  	[smem:$0x3FAB] =	sst s10  }
0x32: {  	s10 =	sld [smem:$0x3FA9];
	_ =	sdelay $0x3  }
0x33: {  	p0 =	seq.s32 s10, $0x1;
	s10 =	sld [smem:$0x3FAB];
	_ =	sdelay $0x3  }
0x34: {  	[smem:$0x3FAB] =	sst s10  }
0x35: {  	s10 =	sld [smem:$0x3FAA];
	_ =	sdelay $0x3  }
0x36: {  	p1 =	seq.s32 s10, $0x1;
	s10 =	sld [smem:$0x3FAB];
	_ =	sdelay $0x3  }
0x37: {  	[smem:$0x3FAB] =	sst s10  }
0x38: {  	s10 =	sld [smem:$0x3FAC]  }
0x39: {  	_ = 	snop;
	(pc) =	sbr.ind lr, $3  }
0x3a: {  	_ = 	snop  }
0x3b: {  	_ = 	snop  }
0x3c: {  	p2 =	seq.s32 s10, $0x1;
	s10 =	sld [smem:$0x3FAB]  }
0x3d: {  	_ =	shalt  }
0x3e: {  	_ =	shalt  }
0x3f: {  	_ =	shalt  }
0x40: {  	_ =	shalt  }
0x41: {  	_ =	shalt  }
0x42: {  	_ =	shalt  }
0x43: {  	_ =	shalt  }
0x44: {  	_ =	shalt  }
0x45: {  	_ =	shalt  }
0x46: {  	_ =	shalt  }
0x47: {  	_ =	shalt  }
0x48: {  	_ =	shalt  }
0x49: {  	_ =	shalt  }
0x4a: {  	_ =	shalt  }
0x4b: {  	_ =	shalt  }
0x4c: {  	_ =	shalt  }
0x4d: {  	_ =	shalt  }
0x4e: {  	_ =	shalt  }
0x4f: {  	_ =	shalt  }
0x50: {  	_ =	shalt  }
0x51: {  	_ =	shalt  }
0x52: {  	_ =	shalt  }
0x53: {  	_ =	shalt  }
0x54: {  	_ =	shalt  }
0x55: {  	_ =	shalt  }
0x56: {  	_ =	shalt  }
0x57: {  	_ =	shalt  }
0x58: {  	_ =	shalt  }
0x59: {  	_ =	shalt  }
0x5a: {  	_ =	shalt  }
0x5b: {  	_ =	shalt  }
0x5c: {  	_ =	shalt  }
0x5d: {  	_ =	shalt  }
0x5e: {  	_ =	shalt  }
0x5f: {  	_ =	shalt  }
0x60: {  	_ =	shalt  }
0x61: {  	_ =	shalt  }
0x62: {  	_ =	shalt  }
0x63: {  	_ =	shalt  }
0x64: {  	_ =	shalt  }
0x65: {  	_ =	shalt  }
0x66: {  	_ =	shalt  }
0x67: {  	_ =	shalt  }
0x68: {  	_ =	shalt  }
0x69: {  	_ =	shalt  }
0x6a: {  	_ =	shalt  }
0x6b: {  	_ =	shalt  }
0x6c: {  	_ =	shalt  }
0x6d: {  	_ =	shalt  }
0x6e: {  	_ =	shalt  }
0x6f: {  	_ =	shalt  }
0x70: {  	_ =	shalt  }
0x71: {  	_ =	shalt  }
0x72: {  	_ =	shalt  }
0x73: {  	_ =	shalt  }
0x74: {  	_ =	shalt  }
0x75: {  	_ =	shalt  }
0x76: {  	_ =	shalt  }
0x77: {  	_ =	shalt  }
0x78: {  	_ =	shalt  }
0x79: {  	_ =	shalt  }
0x7a: {  	_ =	shalt  }
0x7b: {  	_ =	shalt  }
0x7c: {  	_ =	shalt  }
0x7d: {  	_ =	shalt  }
0x7e: {  	_ =	shalt  }
0x7f: {  	_ =	shalt  }
0x80: {  	_ =	shalt  }
0x81: {  	_ =	shalt  }
0x82: {  	_ =	shalt  }
0x83: {  	_ =	shalt  }
0x84: {  	_ =	shalt  }
0x85: {  	_ =	shalt  }
0x86: {  	_ =	shalt  }
0x87: {  	_ =	shalt  }
.Lfunc_end0:
.L_simem_size_0:
called_computation.1_lowered:
.L_overlay_start_0:
0x88: {  	s2 =	sld [smem:$0x3FD9]  }
0x89: {  	s3 =	sld [smem:$0x3FFE];
	_ =	sdelay $0x1  }
0x8a: {  	s1 =	srdreg.scid  }
0x8b: {  	s0 =	sand.u32 $0x1, s1  }
0x8c: {  	s17 =	sshll.u32 s0, $0xA;
	s2 =	sadd.s32 s3, s2  }
0x8d: {  	s2 =	sadd.s32 s2, s17  }
0x8e: {  	[smem:$0x3FB7] =	sst s2  }
0x8f: {  	_ = 	snop  }
0x90: {  	s18 =	sld [smem:$0x3FC6]  }
0x91: {  	s4 =	sld [smem:$0x3FD0];
	(tm) =	ssettm $0x1  }
0x92: {  	s19 =	sld [smem:$0x3FFB];
	_ =	sdelay $0x3  }
0x93: {  	_ =	strace s19  }
0x94: {  	s2 =	sld [smem:$0x3FFC];
	_ =	sdelay $0x3  }
0x95: {  	_ =	strace s2  }
0x96: {  	s2 =	sld [smem:$0x3FFD];
	_ =	sdelay $0x3  }
0x97: {  	_ =	strace s2  }
0x98: {  	_ =	strace $0x8FFFFFFF  }
0x99: {  	s20 =	sld [smem:$0x3FDB];
	_ =	sdelay $0x1  }
0x9a: {  	s5 =	simm.s32 $_scs_section_size  }
0x9b: {  	s6 =	simm.s32 $_size__tile_overlayer_lowered;
	s7 =	simm.s32 $_tile_overlayer_lowered  }
0x9c: {  	s8 =	simm.s32 $0x1BFF;
	s21 =	sshll.u32 s7, $0x1;
	s5 =	sadd.s32 s5, s20  }
0x9d: {  	s22 =	simm.s32 $0x0;
	s6 =	sshll.u32 s6, $0x1;
	s7 =	sadd.s32 s21, s5  }
0x9e: {  	[timem:s22], [sflag:s8] =	dma.local [hbm:s7], s6  }
0x9f: {  	_ =	swait.ge [sflag:s8], s6  }
0xa0: {  	s6 =	ssub.s32 $0x0, s6;
	[sflag:s8] =	ssyncset.done $0x0  }
0xa1: {  	[sflag:s8] =	ssyncadd.s32 s6;
	_ =	sdelay $0x1  }
0xa2: {  	s23 =	simm.s32 $0x1B8B  }
0xa3: {  	_ =	swait.ge [sflag:s23], $0x1  }
0xa4: {  	[sflag:s23] =	ssyncset.done $0x0  }
0xa5: {  	[sflag:s23] =	ssyncadd.s32 $0xFFFFFFFF  }
0xa6: {  	s6 =	sld [smem:$0x0]  }
0xa7: {  	s7 =	sand.u32 $0xFFFFFFFE, s1  }
0xa8: {  	p0 =	sne.s32 s1, s7  }
0xa9: {  	s7 =	sshll.u32 @p0 s7, $0xE  }
0xaa: {  	s7 =	sadd.s32 @p0 $0x11B8D, s7;
	s8 =	sshll.u32 @p0 s6, $0x11  }
0xab: {  	s7 =	sor.u32 @p0 s8, s7  }
0xac: {  	[sflag:s7] =	ssyncadd.remote.s32 @p0 $0x1;
	_ =	sdelay $0x1  }
0xad: {  	s7 =	simm.s32 @p0 $0x1B8D  }
0xae: {  	_ =	swait.eq @p0 [sflag:s7], $0x1  }
0xaf: {  	[sflag:s7] =	ssyncadd.s32 @p0 $0xFFFFFFFF  }
0xb0: {  	s8 =	sshll.u32 @!p0 s1, $0xE  }
0xb1: {  	s8 =	sor.u32 @!p0 $0x4000, s8;
	s7 =	simm.s32 @!p0 $0x1B8D  }
0xb2: {  	s6 =	sshll.u32 @!p0 s6, $0x11;
	s8 =	sadd.s32 @!p0 $0x11B8D, s8;
	_ =	swait.eq @!p0 [sflag:s7], $0x1  }
0xb3: {  	s6 =	sor.u32 @!p0 s6, s8;
	[sflag:s7] =	ssyncadd.s32 @!p0 $0xFFFFFFFF  }
0xb4: {  	s25 =	simm.s32 $0x1B8E;
	s24 =	sld [smem:$0x3FFE];
	[sflag:s6] =	ssyncadd.remote.s32 @!p0 $0x1  }
0xb5: {  	s26 =	simm.s32 $execute0_lowered;
	[smem:$0x3FD2] =	sst s25  }
0xb6: {  	s7 =	sshll.u32 s26, $0x1;
	_ =	strace $0x80000049;
	[dreg:$0x1] =	wrdreg $0xFFFFFFFF  }
0xb7: {  	s28 =	simm.s32 $_size_execute0_lowered;
	s5 =	sadd.s32 s5, s7;
	[dreg:$0x0] =	wrdreg $0x0  }
0xb8: {  	s7 =	sshll.u32 s28, $0x1;
	[dreg:$0x2] =	wrdreg s5  }
0xb9: {  	[dreg:$0x3] =	wrdreg s7  }
0xba: {  	[dreg:$0x4] =	wrdreg $0xC0  }
0xbb: {  	_ =	task [dreg:s22], $0x5FFFF  }
0xbc: {  	[dreg:$0x1] =	wrdreg $0xFFFFFFFF  }
0xbd: {  	[dreg:$0x0] =	wrdreg $0x60  }
0xbe: {  	[dreg:$0x2] =	wrdreg s24  }
0xbf: {  	[dreg:$0x3] =	wrdreg s18  }
0xc0: {  	[dreg:$0x4] =	wrdreg s4  }
0xc1: {  	[dreg:$0x5] =	wrdreg $0xA  }
0xc2: {  	_ =	task.clear_ibuf [dreg:s22], $0x6FFFF;
	_ =	strace $0x90000049  }
0xc3: {  	s29 =	simm.s32 $0xA;
	_ =	strace $0x8000004B  }
0xc4: {  	_ =	swait.ge [sflag:s29], $0x1  }
0xc5: {  	[sflag:s29] =	ssyncadd.s32 $0xFFFFFFFF  }
0xc6: {  	_ =	strace $0x9000004B  }
0xc7: {  	_ =	sfence  }
0xc8: {  	s30 =	sld [smem:$0x0];
	_ =	sdelay $0x2  }
0xc9: {  	s31 =	sshll.u32 s1, $0xD;
	s1 =	sshrl.u32 s1, $0x2  }
0xca: {  	s4 =	sand.u32 $0x4000, s31;
	s1 =	sadd.s32 s1, s30  }
0xcb: {  	s0 =	sor.u32 s4, s0;
	s1 =	sshll.u32 s1, $0x11  }
0xcc: {  	s0 =	sor.u32 s1, s0  }
0xcd: {  	s0 =	sadd.s32 $0x8F2B, s0  }
0xce: {  	[sflag:s0] =	ssyncadd.remote.s32 $0x1  }
0xcf: {  	_ =	sfence.sel $0xFFFF  }
0xd0: {  	[dreg:$0x0] =	wrdreg $0xFFFFFFFF;
	(pc) =	sbr.abs _section_cstart, $3  }
0xd1: {  	[dreg:$0x1] =	wrdreg $0xFFFFFFFF  }
0xd2: {  	_ =	task.clear_ibuf [dreg:s22], $0x2FFFF;
	_ =	strace $0x9FFFFFFF  }
0xd3: {  	(tm) =	ssettm $0x7FFFFFFF  }
tec
execute0_lowered:
.L_overlay_start_1:
0x0: {  	(tag) =	ssettag $0x1  }
0x1: {  	s1 =	rddreg [dreg:$0x0]  }
0x2: {  	s3 =	srdreg.scid;
	s2 =	rddreg [dreg:$0x1]  }
0x3: {  	s0 =	stileid.u32;
	s6 =	rddreg [dreg:$0x2];
	s20 =	simm.s32 $0xC800  }
0x4: {  	s21 =	simm.s32 $0xC880;
	s22 =	simm.s32 $0xC900;
	s23 =	simm.s32 $0xC980  }
0x5: {  	s28 =	simm.s32 $0x1;
	s5 =	sand.u32 $0x1, s3;
	s3 =	simm.s32 $0x0  }
0x6: {  	s29 =	simm.s32 $0x8800;
	s30 =	simm.s32 $0x3;
	[smem:$0x7FF] =	sst s3  }
0x7: {  	s24 =	sshll.u32 s0, $0x1;
	_ =	strace $0x8000004A;
	[dreg:$0x13] =	wrdreg s20  }
0x8: {  	s31 =	simm.s32 $0x2;
	s7 =	sor.u32 s5, s24;
	[dreg:$0x14] =	wrdreg s21  }
0x9: {  	s5 =	ssub.s32 $0x2, s5;
	s24 =	simm.s32 $0xCA00;
	[dreg:$0x15] =	wrdreg s22  }
0xa: {  	s4 =	sshll.u32 s7, $0x8;
	s8 =	sshll.u32 s7, $0xB;
	[dreg:$0x16] =	wrdreg s23  }
0xb: {  	s16 =	sshrl.u32 s5, $0x1;
	s7 =	sshll.u32 s7, $0x4;
	[dreg:$0x17] =	wrdreg s24  }
0xc: {  	s20 =	simm.s32 $0xCD00;
	s4 =	sadd.s32 s4, s1;
	s19 =	sadd.s32 s6, s7  }
0xd: {  	s8 =	sadd.s32 s8, s1;
	s4 =	sadd.s32 $0xD6C00, s4;
	[dreg:$0x12] =	wrdreg s19  }
0xe: {  	s21 =	simm.s32 $0x580;
	s25 =	sadd.s32 $0xD8C00, s8;
	[dreg:$0x4] =	wrdreg s4  }
0xf: {  	s22 =	simm.s32 $0xCD80;
	s26 =	sadd.s32 $0xE8C00, s8;
	[dreg:$0x5] =	wrdreg s25  }
0x10: {  	s23 =	simm.s32 $0x600;
	s0 =	sadd.s32 $0xF8C00, s8;
	[dreg:$0x6] =	wrdreg s26  }
0x11: {  	s24 =	simm.s32 $0xCE00;
	s9 =	sadd.s32 $0x108C00, s8;
	[dreg:$0x7] =	wrdreg s0  }
0x12: {  	s5 =	ssub.s32 s5, s16;
	s10 =	sadd.s32 $0x118C00, s8;
	[dreg:$0x8] =	wrdreg s9  }
0x13: {  	s6 =	simm.s32 $0x4;
	s11 =	sadd.s32 $0x128C00, s8;
	[dreg:$0x9] =	wrdreg s10  }
0x14: {  	s7 =	simm.s32 $0x80;
	s12 =	sadd.s32 $0x138C00, s8;
	[dreg:$0xa] =	wrdreg s11  }
0x15: {  	s16 =	simm.s32 $0xCC00;
	s13 =	sadd.s32 $0x148C00, s8;
	[dreg:$0xb] =	wrdreg s12  }
0x16: {  	s14 =	sadd.s32 $0x168C00, s8;
	s15 =	sadd.s32 $0x178C00, s8;
	[dreg:$0xc] =	wrdreg s13  }
0x17: {  	s17 =	sadd.s32 $0x188C00, s8;
	s18 =	sadd.s32 $0x198C00, s8;
	[dreg:$0xe] =	wrdreg s14  }
0x18: {  	s5 =	smax.u32 s5, $0x1;
	s19 =	simm.s32 $0x500;
	[dreg:$0xf] =	wrdreg s15  }
0x19: {  	s9 =	sadd.s32 $0x158C00, s8;
	s4 =	sadd.s32 $0xD6400, s1;
	[dreg:$0x10] =	wrdreg s17  }
0x1a: {  	[dreg:$0x11] =	wrdreg s18;
	s8 =	simm.s32 $0x100;
	s10 =	simm.s32 $0x200  }
0x1b: {  	s25 =	simm.s32 $0xCA80;
	s11 =	simm.s32 $0x280;
	s26 =	simm.s32 $0xCB00  }
0x1c: {  	s12 =	simm.s32 $0x300;
	s13 =	simm.s32 $0x380;
	s15 =	simm.s32 $0x400  }
0x1d: {  	s17 =	simm.s32 $0x480;
	s18 =	simm.s32 $0xCC80;
	[dreg:$0xd] =	wrdreg s9  }
0x1e: {  	s1 =	simm.s32 $0xD000;
	s9 =	simm.s32 $0x180;
	[dreg:$0x18] =	wrdreg s25  }
0x1f: {  	[dreg:$0x19] =	wrdreg s26;
	s25 =	simm.s32 $0x800;
	s26 =	simm.s32 $0x4800  }
.LBB2_1:
0x20: {  	s0 =	rddreg [dreg:$0x4]  }
0x21: {  	[tilespmem:s3], [sflag:$0x4] =	stream.linear.gather [hbm4b:s0+s3], $0x680, $0x38;
	[tilespmem:$0xD080] =	vst v63  }
0x22: {  	_ =	swait.ge [sflag:s6], $0x680  }
0x23: {  	[sflag:s6] =	ssyncset.done $0x0  }
0x24: {  	s0 =	rddreg [dreg:$0x13];
	[sflag:s6] =	ssyncadd.s32 $0xFFFFF980  }
0x25: {  	[tilespmem:s0], [sflag:$0x2] =	stream.indirect.gather [hbm4b:s4+s7], $0x1, s3, s7, $0xb8;
	[tilespmem:$0xD080] =	vst v63  }
0x26: {  	s14 =	rddreg [dreg:$0x14]  }
0x27: {  	[tilespmem:s14], [sflag:$0x2] =	stream.indirect.gather [hbm4b:s4+s7], $0x1, s7, s7, $0xb8;
	[tilespmem:$0xD080] =	vst v63  }
0x28: {  	s0 =	rddreg [dreg:$0x15]  }
0x29: {  	[tilespmem:s0], [sflag:$0x2] =	stream.indirect.gather [hbm4b:s4+s7], $0x1, s8, s7, $0xb8;
	[tilespmem:$0xD080] =	vst v63  }
0x2a: {  	s14 =	rddreg [dreg:$0x16]  }
0x2b: {  	[tilespmem:s14], [sflag:$0x2] =	stream.indirect.gather [hbm4b:s4+s7], $0x1, s9, s7, $0xb8;
	[tilespmem:$0xD080] =	vst v63  }
0x2c: {  	s0 =	rddreg [dreg:$0x17]  }
0x2d: {  	[tilespmem:s0], [sflag:$0x2] =	stream.indirect.gather [hbm4b:s4+s7], $0x1, s10, s7, $0xb8;
	[tilespmem:$0xD080] =	vst v63  }
0x2e: {  	s14 =	rddreg [dreg:$0x18]  }
0x2f: {  	[tilespmem:s14], [sflag:$0x2] =	stream.indirect.gather [hbm4b:s4+s7], $0x1, s11, s7, $0xb8;
	[tilespmem:$0xD080] =	vst v63  }
0x30: {  	s0 =	rddreg [dreg:$0x19]  }
0x31: {  	[tilespmem:s0], [sflag:$0x2] =	stream.indirect.gather [hbm4b:s4+s7], $0x1, s12, s7, $0xb8;
	[tilespmem:$0xD080] =	vst v63  }
0x32: {  	s14 =	simm.s32 $0xCB80  }
0x33: {  	[tilespmem:s14], [sflag:$0x2] =	stream.indirect.gather [hbm4b:s4+s7], $0x1, s13, s7, $0xb8;
	[tilespmem:$0xD080] =	vst v63  }
0x34: {  	_ = 	snop  }
0x35: {  	[tilespmem:s16], [sflag:$0x2] =	stream.indirect.gather [hbm4b:s4+s7], $0x1, s15, s7, $0xb8;
	[tilespmem:$0xD080] =	vst v63  }
0x36: {  	_ = 	snop  }
0x37: {  	[tilespmem:s18], [sflag:$0x2] =	stream.indirect.gather [hbm4b:s4+s7], $0x1, s17, s7, $0xb8;
	[tilespmem:$0xD080] =	vst v63  }
0x38: {  	_ = 	snop  }
0x39: {  	[tilespmem:s20], [sflag:$0x2] =	stream.indirect.gather [hbm4b:s4+s7], $0x1, s19, s7, $0xb8;
	[tilespmem:$0xD080] =	vst v63  }
0x3a: {  	_ = 	snop  }
0x3b: {  	[tilespmem:s22], [sflag:$0x2] =	stream.indirect.gather [hbm4b:s4+s7], $0x1, s21, s7, $0xb8;
	[tilespmem:$0xD080] =	vst v63  }
0x3c: {  	_ = 	snop  }
0x3d: {  	[tilespmem:s24], [sflag:$0x2] =	stream.indirect.gather [hbm4b:s4+s7], $0x1, s23, s7, $0xb8;
	[tilespmem:$0xD080] =	vst v63  }
0x3e: {  	_ = 	snop  }
0x3f: {  	[tilespmem:s25], [sflag:$0x1] =	stream.indirect.gather [hbm4b:s2+s7], $0x80, s3, s7, $0xb8;
	[tilespmem:$0xD080] =	vst v63  }
0x40: {  	_ = 	snop  }
0x41: {  	[tilespmem:s26], [sflag:$0x1] =	stream.indirect.gather [hbm4b:s2+s7], $0x80, s7, s7, $0xb8;
	[tilespmem:$0xD080] =	vst v63  }
0x42: {  	_ =	swait.ge [sflag:s28], $0x4000  }
0x43: {  	[sflag:s28] =	ssyncset.done $0x0  }
0x44: {  	s14 =	rddreg [dreg:$0x5];
	[sflag:s28] =	ssyncadd.s32 $0xFFFFC000  }
0x45: {  	[hbm4b:s14+s3] =	stream.linear.scatter [tilespmem:s25], [sflag:$0x3], $0x4000, $0x38;
	[tilespmem:$0xD080] =	vst v63  }
0x46: {  	_ = 	snop  }
0x47: {  	[tilespmem:s29], [sflag:$0x1] =	stream.indirect.gather [hbm4b:s2+s7], $0x80, s8, s7, $0xb8;
	[tilespmem:$0xD080] =	vst v63  }
0x48: {  	_ =	swait.ge [sflag:s28], $0x4000  }
0x49: {  	[sflag:s28] =	ssyncset.done $0x0  }
0x4a: {  	s14 =	rddreg [dreg:$0x6];
	[sflag:s28] =	ssyncadd.s32 $0xFFFFC000  }
0x4b: {  	[hbm4b:s14+s3] =	stream.linear.scatter [tilespmem:s26], [sflag:$0x3], $0x4000, $0x38;
	[tilespmem:$0xD080] =	vst v63  }
0x4c: {  	_ =	swait.ge [sflag:s30], $0x4000  }
0x4d: {  	[sflag:s30] =	ssyncset.done $0x0  }
0x4e: {  	[sflag:s30] =	ssyncadd.s32 $0xFFFFC000  }
0x4f: {  	[tilespmem:s25], [sflag:$0x1] =	stream.indirect.gather [hbm4b:s2+s7], $0x80, s9, s7, $0xb8;
	[tilespmem:$0xD080] =	vst v63  }
0x50: {  	_ =	swait.ge [sflag:s28], $0x4000  }
0x51: {  	[sflag:s28] =	ssyncset.done $0x0  }
0x52: {  	s14 =	rddreg [dreg:$0x7];
	[sflag:s28] =	ssyncadd.s32 $0xFFFFC000  }
0x53: {  	[hbm4b:s14+s3] =	stream.linear.scatter [tilespmem:s29], [sflag:$0x3], $0x4000, $0x38;
	[tilespmem:$0xD080] =	vst v63  }
0x54: {  	_ =	swait.ge [sflag:s30], $0x4000  }
0x55: {  	[sflag:s30] =	ssyncset.done $0x0  }
0x56: {  	[sflag:s30] =	ssyncadd.s32 $0xFFFFC000  }
0x57: {  	[tilespmem:s26], [sflag:$0x1] =	stream.indirect.gather [hbm4b:s2+s7], $0x80, s10, s7, $0xb8;
	[tilespmem:$0xD080] =	vst v63  }
0x58: {  	_ =	swait.ge [sflag:s28], $0x4000  }
0x59: {  	[sflag:s28] =	ssyncset.done $0x0  }
0x5a: {  	s14 =	rddreg [dreg:$0x8];
	[sflag:s28] =	ssyncadd.s32 $0xFFFFC000  }
0x5b: {  	[hbm4b:s14+s3] =	stream.linear.scatter [tilespmem:s25], [sflag:$0x3], $0x4000, $0x38;
	[tilespmem:$0xD080] =	vst v63  }
0x5c: {  	_ =	swait.ge [sflag:s30], $0x4000  }
0x5d: {  	[sflag:s30] =	ssyncset.done $0x0  }
0x5e: {  	[sflag:s30] =	ssyncadd.s32 $0xFFFFC000  }
0x5f: {  	[tilespmem:s29], [sflag:$0x1] =	stream.indirect.gather [hbm4b:s2+s7], $0x80, s11, s7, $0xb8;
	[tilespmem:$0xD080] =	vst v63  }
0x60: {  	_ =	swait.ge [sflag:s28], $0x4000  }
0x61: {  	[sflag:s28] =	ssyncset.done $0x0  }
0x62: {  	s14 =	rddreg [dreg:$0x9];
	[sflag:s28] =	ssyncadd.s32 $0xFFFFC000  }
0x63: {  	[hbm4b:s14+s3] =	stream.linear.scatter [tilespmem:s26], [sflag:$0x3], $0x4000, $0x38;
	[tilespmem:$0xD080] =	vst v63  }
0x64: {  	_ =	swait.ge [sflag:s30], $0x4000  }
0x65: {  	[sflag:s30] =	ssyncset.done $0x0  }
0x66: {  	[sflag:s30] =	ssyncadd.s32 $0xFFFFC000  }
0x67: {  	[tilespmem:s25], [sflag:$0x1] =	stream.indirect.gather [hbm4b:s2+s7], $0x80, s12, s7, $0xb8;
	[tilespmem:$0xD080] =	vst v63  }
0x68: {  	_ =	swait.ge [sflag:s28], $0x4000  }
0x69: {  	[sflag:s28] =	ssyncset.done $0x0  }
0x6a: {  	s14 =	rddreg [dreg:$0xa];
	[sflag:s28] =	ssyncadd.s32 $0xFFFFC000  }
0x6b: {  	[hbm4b:s14+s3] =	stream.linear.scatter [tilespmem:s29], [sflag:$0x3], $0x4000, $0x38;
	[tilespmem:$0xD080] =	vst v63  }
0x6c: {  	_ =	swait.ge [sflag:s30], $0x4000  }
0x6d: {  	[sflag:s30] =	ssyncset.done $0x0  }
0x6e: {  	[sflag:s30] =	ssyncadd.s32 $0xFFFFC000  }
0x6f: {  	[tilespmem:s26], [sflag:$0x1] =	stream.indirect.gather [hbm4b:s2+s7], $0x80, s13, s7, $0xb8;
	[tilespmem:$0xD080] =	vst v63  }
0x70: {  	_ =	swait.ge [sflag:s28], $0x4000  }
0x71: {  	[sflag:s28] =	ssyncset.done $0x0  }
0x72: {  	s14 =	rddreg [dreg:$0xb];
	[sflag:s28] =	ssyncadd.s32 $0xFFFFC000  }
0x73: {  	[hbm4b:s14+s3] =	stream.linear.scatter [tilespmem:s25], [sflag:$0x3], $0x4000, $0x38;
	[tilespmem:$0xD080] =	vst v63  }
0x74: {  	_ =	swait.ge [sflag:s30], $0x4000  }
0x75: {  	[sflag:s30] =	ssyncset.done $0x0  }
0x76: {  	[sflag:s30] =	ssyncadd.s32 $0xFFFFC000  }
0x77: {  	[tilespmem:s29], [sflag:$0x1] =	stream.indirect.gather [hbm4b:s2+s7], $0x80, s15, s7, $0xb8;
	[tilespmem:$0xD080] =	vst v63  }
0x78: {  	_ =	swait.ge [sflag:s28], $0x4000  }
0x79: {  	[sflag:s28] =	ssyncset.done $0x0  }
0x7a: {  	s14 =	rddreg [dreg:$0xc];
	[sflag:s28] =	ssyncadd.s32 $0xFFFFC000  }
0x7b: {  	[hbm4b:s14+s3] =	stream.linear.scatter [tilespmem:s26], [sflag:$0x3], $0x4000, $0x38;
	[tilespmem:$0xD080] =	vst v63  }
0x7c: {  	_ =	swait.ge [sflag:s30], $0x4000  }
0x7d: {  	[sflag:s30] =	ssyncset.done $0x0  }
0x7e: {  	[sflag:s30] =	ssyncadd.s32 $0xFFFFC000  }
0x7f: {  	[tilespmem:s25], [sflag:$0x1] =	stream.indirect.gather [hbm4b:s2+s7], $0x80, s17, s7, $0xb8;
	[tilespmem:$0xD080] =	vst v63  }
0x80: {  	_ =	swait.ge [sflag:s28], $0x4000  }
0x81: {  	[sflag:s28] =	ssyncset.done $0x0  }
0x82: {  	s14 =	rddreg [dreg:$0xd];
	[sflag:s28] =	ssyncadd.s32 $0xFFFFC000  }
0x83: {  	[hbm4b:s14+s3] =	stream.linear.scatter [tilespmem:s29], [sflag:$0x3], $0x4000, $0x38;
	[tilespmem:$0xD080] =	vst v63  }
0x84: {  	_ =	swait.ge [sflag:s30], $0x4000  }
0x85: {  	[sflag:s30] =	ssyncset.done $0x0  }
0x86: {  	[sflag:s30] =	ssyncadd.s32 $0xFFFFC000  }
0x87: {  	[tilespmem:s26], [sflag:$0x1] =	stream.indirect.gather [hbm4b:s2+s7], $0x80, s19, s7, $0xb8;
	[tilespmem:$0xD080] =	vst v63  }
0x88: {  	_ =	swait.ge [sflag:s28], $0x4000  }
0x89: {  	[sflag:s28] =	ssyncset.done $0x0  }
0x8a: {  	s14 =	rddreg [dreg:$0xe];
	[sflag:s28] =	ssyncadd.s32 $0xFFFFC000  }
0x8b: {  	[hbm4b:s14+s3] =	stream.linear.scatter [tilespmem:s25], [sflag:$0x3], $0x4000, $0x38;
	[tilespmem:$0xD080] =	vst v63  }
0x8c: {  	_ =	swait.ge [sflag:s30], $0x4000  }
0x8d: {  	[sflag:s30] =	ssyncset.done $0x0  }
0x8e: {  	[sflag:s30] =	ssyncadd.s32 $0xFFFFC000  }
0x8f: {  	[tilespmem:s29], [sflag:$0x1] =	stream.indirect.gather [hbm4b:s2+s7], $0x80, s21, s7, $0xb8;
	[tilespmem:$0xD080] =	vst v63  }
0x90: {  	_ =	swait.ge [sflag:s28], $0x4000  }
0x91: {  	[sflag:s28] =	ssyncset.done $0x0  }
0x92: {  	s14 =	rddreg [dreg:$0xf];
	[sflag:s28] =	ssyncadd.s32 $0xFFFFC000  }
0x93: {  	[hbm4b:s14+s3] =	stream.linear.scatter [tilespmem:s26], [sflag:$0x3], $0x4000, $0x38;
	[tilespmem:$0xD080] =	vst v63  }
0x94: {  	_ =	swait.ge [sflag:s30], $0x4000  }
0x95: {  	[sflag:s30] =	ssyncset.done $0x0  }
0x96: {  	[sflag:s30] =	ssyncadd.s32 $0xFFFFC000  }
0x97: {  	[tilespmem:s25], [sflag:$0x1] =	stream.indirect.gather [hbm4b:s2+s7], $0x80, s23, s7, $0xb8;
	[tilespmem:$0xD080] =	vst v63  }
0x98: {  	_ =	swait.ge [sflag:s28], $0x4000  }
0x99: {  	[sflag:s28] =	ssyncset.done $0x0  }
0x9a: {  	s14 =	rddreg [dreg:$0x10];
	[sflag:s28] =	ssyncadd.s32 $0xFFFFC000  }
0x9b: {  	[hbm4b:s14+s3] =	stream.linear.scatter [tilespmem:s29], [sflag:$0x3], $0x4000, $0x38;
	[tilespmem:$0xD080] =	vst v63  }
0x9c: {  	_ =	swait.ge [sflag:s28], $0x4000  }
0x9d: {  	[sflag:s28] =	ssyncset.done $0x0  }
0x9e: {  	s14 =	rddreg [dreg:$0x11];
	[sflag:s28] =	ssyncadd.s32 $0xFFFFC000  }
0x9f: {  	[hbm4b:s14+s3] =	stream.linear.scatter [tilespmem:s25], [sflag:$0x3], $0x4000, $0x38;
	[tilespmem:$0xD080] =	vst v63  }
0xa0: {  	_ =	swait.ge [sflag:s30], $0x4000  }
0xa1: {  	[sflag:s30] =	ssyncset.done $0x0  }
0xa2: {  	[sflag:s30] =	ssyncadd.s32 $0xFFFFC000  }
0xa3: {  	_ =	swait.ge [sflag:s30], $0x4000  }
0xa4: {  	[sflag:s30] =	ssyncset.done $0x0  }
0xa5: {  	[sflag:s30] =	ssyncadd.s32 $0xFFFFC000  }
0xa6: {  	_ =	swait.ge [sflag:s30], $0x4000  }
0xa7: {  	[sflag:s30] =	ssyncset.done $0x0  }
0xa8: {  	[sflag:s30] =	ssyncadd.s32 $0xFFFFC000  }
0xa9: {  	_ =	swait.ge [sflag:s31], $0x80  }
0xaa: {  	[sflag:s31] =	ssyncset.done $0x0  }
0xab: {  	[sflag:s31] =	ssyncadd.s32 $0xFFFFFF80  }
0xac: {  	_ =	swait.ge [sflag:s31], $0x80  }
0xad: {  	[sflag:s31] =	ssyncset.done $0x0  }
0xae: {  	[sflag:s31] =	ssyncadd.s32 $0xFFFFFF80  }
0xaf: {  	_ =	swait.ge [sflag:s31], $0x80  }
0xb0: {  	[sflag:s31] =	ssyncset.done $0x0  }
0xb1: {  	[sflag:s31] =	ssyncadd.s32 $0xFFFFFF80  }
0xb2: {  	_ =	swait.ge [sflag:s31], $0x80  }
0xb3: {  	[sflag:s31] =	ssyncset.done $0x0  }
0xb4: {  	[sflag:s31] =	ssyncadd.s32 $0xFFFFFF80  }
0xb5: {  	_ =	swait.ge [sflag:s31], $0x80  }
0xb6: {  	[sflag:s31] =	ssyncset.done $0x0  }
0xb7: {  	[sflag:s31] =	ssyncadd.s32 $0xFFFFFF80  }
0xb8: {  	_ =	swait.ge [sflag:s31], $0x80  }
0xb9: {  	[sflag:s31] =	ssyncset.done $0x0  }
0xba: {  	[sflag:s31] =	ssyncadd.s32 $0xFFFFFF80  }
0xbb: {  	_ =	swait.ge [sflag:s31], $0x80  }
0xbc: {  	[sflag:s31] =	ssyncset.done $0x0  }
0xbd: {  	[sflag:s31] =	ssyncadd.s32 $0xFFFFFF80  }
0xbe: {  	_ =	swait.ge [sflag:s31], $0x80  }
0xbf: {  	[sflag:s31] =	ssyncset.done $0x0  }
0xc0: {  	[sflag:s31] =	ssyncadd.s32 $0xFFFFFF80  }
0xc1: {  	_ =	swait.ge [sflag:s31], $0x80  }
0xc2: {  	[sflag:s31] =	ssyncset.done $0x0  }
0xc3: {  	[sflag:s31] =	ssyncadd.s32 $0xFFFFFF80  }
0xc4: {  	_ =	swait.ge [sflag:s31], $0x80  }
0xc5: {  	[sflag:s31] =	ssyncset.done $0x0  }
0xc6: {  	[sflag:s31] =	ssyncadd.s32 $0xFFFFFF80  }
0xc7: {  	_ =	swait.ge [sflag:s31], $0x80  }
0xc8: {  	[sflag:s31] =	ssyncset.done $0x0  }
0xc9: {  	[sflag:s31] =	ssyncadd.s32 $0xFFFFFF80  }
0xca: {  	_ =	swait.ge [sflag:s31], $0x80  }
0xcb: {  	[sflag:s31] =	ssyncset.done $0x0  }
0xcc: {  	[sflag:s31] =	ssyncadd.s32 $0xFFFFFF80  }
0xcd: {  	_ =	swait.ge [sflag:s31], $0x80  }
0xce: {  	[sflag:s31] =	ssyncset.done $0x0  }
0xcf: {  	[sflag:s31] =	ssyncadd.s32 $0xFFFFFF80  }
0xd0: {  	v0 =	vld [tilespmem:$0xC800]  }
0xd1: {  	v1 =	vld [tilespmem:$0xC880]  }
0xd2: {  	v2 =	vld [tilespmem:$0xC900]  }
0xd3: {  	v3 =	vld [tilespmem:$0xC980]  }
0xd4: {  	v4 =	vld [tilespmem:$0xCA00]  }
0xd5: {  	v5 =	vld [tilespmem:$0xCA80]  }
0xd6: {  	v6 =	vld [tilespmem:$0xCB00]  }
0xd7: {  	v7 =	vld [tilespmem:$0xCB80]  }
0xd8: {  	v8 =	vld [tilespmem:$0xCC00]  }
0xd9: {  	v9 =	vld [tilespmem:$0xCC80]  }
0xda: {  	v10 =	vld [tilespmem:$0xCD00]  }
0xdb: {  	v11 =	vld [tilespmem:$0xCD80]  }
0xdc: {  	v12 =	vld [tilespmem:$0xCE00]  }
0xdd: {  	v13 =	vld [tilespmem:$0xC810]  }
0xde: {  	v14 =	vld [tilespmem:$0xC890]  }
0xdf: {  	v15 =	vld [tilespmem:$0xC910]  }
0xe0: {  	v16 =	vld [tilespmem:$0xC990]  }
0xe1: {  	v17 =	vld [tilespmem:$0xCA10]  }
0xe2: {  	v18 =	vld [tilespmem:$0xCA90]  }
0xe3: {  	v19 =	vld [tilespmem:$0xCB10]  }
0xe4: {  	v20 =	vld [tilespmem:$0xCB90]  }
0xe5: {  	v21 =	vld [tilespmem:$0xCC10]  }
0xe6: {  	v22 =	vld [tilespmem:$0xCC90]  }
0xe7: {  	v23 =	vld [tilespmem:$0xCD10]  }
0xe8: {  	v24 =	vld [tilespmem:$0xCD90]  }
0xe9: {  	v25 =	vld [tilespmem:$0xCE10]  }
0xea: {  	v26 =	vld [tilespmem:$0xC820]  }
0xeb: {  	v27 =	vld [tilespmem:$0xC8A0]  }
0xec: {  	v28 =	vld [tilespmem:$0xC920]  }
0xed: {  	v29 =	vld [tilespmem:$0xC9A0]  }
0xee: {  	v30 =	vld [tilespmem:$0xCA20]  }
0xef: {  	v31 =	vld [tilespmem:$0xCAA0]  }
0xf0: {  	v32 =	vld [tilespmem:$0xCB20]  }
0xf1: {  	v33 =	vld [tilespmem:$0xCBA0]  }
0xf2: {  	v34 =	vld [tilespmem:$0xCC20]  }
0xf3: {  	v35 =	vld [tilespmem:$0xCCA0]  }
0xf4: {  	v36 =	vld [tilespmem:$0xCD20]  }
0xf5: {  	v37 =	vld [tilespmem:$0xCDA0]  }
0xf6: {  	v38 =	vld [tilespmem:$0xCE20]  }
0xf7: {  	v39 =	vld [tilespmem:$0xC830]  }
0xf8: {  	v40 =	vld [tilespmem:$0xC8B0]  }
0xf9: {  	v41 =	vld [tilespmem:$0xC930]  }
0xfa: {  	v42 =	vld [tilespmem:$0xC9B0]  }
0xfb: {  	v43 =	vld [tilespmem:$0xCA30]  }
0xfc: {  	v44 =	vld [tilespmem:$0xCAB0]  }
0xfd: {  	v45 =	vld [tilespmem:$0xCB30]  }
0xfe: {  	v46 =	vld [tilespmem:$0xCBB0]  }
0xff: {  	v47 =	vld [tilespmem:$0xCC30]  }
0x100: {  	v48 =	vld [tilespmem:$0xCCB0]  }
0x101: {  	v49 =	vld [tilespmem:$0xCD30]  }
0x102: {  	v50 =	vld [tilespmem:$0xCDB0]  }
0x103: {  	v51 =	vld [tilespmem:$0xCE30]  }
0x104: {  	v52 =	vld [tilespmem:$0xC840]  }
0x105: {  	v53 =	vld [tilespmem:$0xC8C0]  }
0x106: {  	v54 =	vld [tilespmem:$0xC940]  }
0x107: {  	v55 =	vld [tilespmem:$0xC9C0]  }
0x108: {  	v56 =	vld [tilespmem:$0xCA40]  }
0x109: {  	v57 =	vld [tilespmem:$0xCAC0]  }
0x10a: {  	v58 =	vld [tilespmem:$0xCB40]  }
0x10b: {  	v59 =	vld [tilespmem:$0xCD50]  }
0x10c: {  	v60 =	vld [tilespmem:$0xC860];
	v0 =	vadd.f32 v1, v0;
	v13 =	vadd.f32 v14, v13  }
0x10d: {  	v61 =	vld [tilespmem:$0xC8E0];
	v62 =	vadd.f32 v27, v26;
	v63 =	vadd.f32 v40, v39  }
0x10e: {  	v39 =	vld [tilespmem:$0xC850];
	v0 =	vadd.f32 v2, v0;
	v13 =	vadd.f32 v15, v13  }
0x10f: {  	v40 =	vld [tilespmem:$0xC8D0];
	v2 =	vadd.f32 v28, v62;
	v15 =	vadd.f32 v41, v63  }
0x110: {  	v1 =	vld [tilespmem:$0xCBC0];
	v0 =	vadd.f32 v3, v0;
	v13 =	vadd.f32 v16, v13  }
0x111: {  	v41 =	vld [tilespmem:$0xC950];
	v2 =	vadd.f32 v29, v2;
	v15 =	vadd.f32 v42, v15  }
0x112: {  	v14 =	vld [tilespmem:$0xCC40];
	v0 =	vadd.f32 v4, v0;
	v13 =	vadd.f32 v17, v13  }
0x113: {  	v26 =	vld [tilespmem:$0xCCC0];
	v2 =	vadd.f32 v30, v2;
	v15 =	vadd.f32 v43, v15  }
0x114: {  	v42 =	vld [tilespmem:$0xC9D0];
	v4 =	vadd.f32 v40, v39;
	v0 =	vadd.f32 v5, v0  }
0x115: {  	v27 =	vld [tilespmem:$0xCD40];
	v13 =	vadd.f32 v18, v13;
	v2 =	vadd.f32 v31, v2  }
0x116: {  	v62 =	vld [tilespmem:$0xC870];
	v15 =	vadd.f32 v44, v15;
	v4 =	vadd.f32 v41, v4  }
0x117: {  	v43 =	vld [tilespmem:$0xCA50];
	v0 =	vadd.f32 v6, v0;
	v13 =	vadd.f32 v19, v13  }
0x118: {  	v63 =	vld [tilespmem:$0xC8F0];
	v2 =	vadd.f32 v32, v2;
	v15 =	vadd.f32 v45, v15  }
0x119: {  	v3 =	vld [tilespmem:$0xCDC0];
	v4 =	vadd.f32 v42, v4;
	v0 =	vadd.f32 v7, v0  }
0x11a: {  	v19 =	vld [tilespmem:$0xCAD0];
	v13 =	vadd.f32 v20, v13;
	v2 =	vadd.f32 v33, v2  }
0x11b: {  	v16 =	vld [tilespmem:$0xCE40];
	v15 =	vadd.f32 v46, v15;
	v33 =	vadd.f32 v53, v52  }
0x11c: {  	v40 =	vld [tilespmem:$0xCA70];
	v4 =	vadd.f32 v43, v4;
	v0 =	vadd.f32 v8, v0  }
0x11d: {  	v7 =	vld [tilespmem:$0xCB50];
	v13 =	vadd.f32 v21, v13;
	v2 =	vadd.f32 v34, v2  }
0x11e: {  	v41 =	vld [tilespmem:$0xCAE0];
	v15 =	vadd.f32 v47, v15;
	v28 =	vadd.f32 v54, v33  }
0x11f: {  	v20 =	vld [tilespmem:$0xCBD0];
	v4 =	vadd.f32 v19, v4;
	v0 =	vadd.f32 v9, v0  }
0x120: {  	v32 =	vld [tilespmem:$0xC960];
	v13 =	vadd.f32 v22, v13;
	v2 =	vadd.f32 v35, v2  }
0x121: {  	v42 =	vld [tilespmem:$0xCAF0];
	v15 =	vadd.f32 v48, v15;
	v39 =	vadd.f32 v55, v28  }
0x122: {  	v34 =	vld [tilespmem:$0xC970];
	v4 =	vadd.f32 v7, v4;
	v0 =	vadd.f32 v10, v0  }
0x123: {  	v45 =	vld [tilespmem:$0xCB70];
	v13 =	vadd.f32 v23, v13;
	v2 =	vadd.f32 v36, v2  }
0x124: {  	v15 =	vadd.f32 v49, v15;
	v36 =	vld [tilespmem:$0xC9F0];
	v4 =	vadd.f32 v20, v4  }
0x125: {  	v35 =	vld [tilespmem:$0xC9E0];
	v2 =	vadd.f32 v37, v2;
	v37 =	vadd.f32 v63, v62  }
0x126: {  	v8 =	vld [tilespmem:$0xCC50];
	v0 =	vadd.f32 v11, v0;
	v11 =	vadd.f32 v61, v60  }
0x127: {  	v2 =	vadd.f32 v38, v2;
	v38 =	vld [tilespmem:$0xCA60];
	v5 =	vadd.f32 v34, v37  }
0x128: {  	v43 =	vld [tilespmem:$0xCB60];
	v13 =	vadd.f32 v24, v13;
	v11 =	vadd.f32 v32, v11  }
0x129: {  	v46 =	vld [tilespmem:$0xCBE0];
	v15 =	vadd.f32 v50, v15;
	v5 =	vadd.f32 v36, v5  }
0x12a: {  	v52 =	vld [tilespmem:$0xCD60];
	v24 =	vadd.f32 v56, v39;
	v11 =	vadd.f32 v35, v11  }
0x12b: {  	v53 =	vld [tilespmem:$0xCD70];
	v4 =	vadd.f32 v8, v4;
	v5 =	vadd.f32 v40, v5  }
0x12c: {  	v47 =	vld [tilespmem:$0xCBF0];
	v44 =	vadd.f32 v57, v24;
	v11 =	vadd.f32 v38, v11  }
0x12d: {  	v21 =	vld [tilespmem:$0xCCD0];
	v0 =	vadd.f32 v12, v0;
	v5 =	vadd.f32 v42, v5  }
0x12e: {  	v49 =	vld [tilespmem:$0xCC70];
	v23 =	vadd.f32 v58, v44;
	v11 =	vadd.f32 v41, v11  }
0x12f: {  	v48 =	vld [tilespmem:$0xCC60];
	v15 =	vadd.f32 v51, v15;
	v5 =	vadd.f32 v45, v5  }
0x130: {  	v51 =	vld [tilespmem:$0xCCF0];
	v1 =	vadd.f32 v1, v23;
	v6 =	vadd.f32 v43, v11  }
0x131: {  	v50 =	vld [tilespmem:$0xCCE0];
	v13 =	vadd.f32 v25, v13;
	v5 =	vadd.f32 v47, v5  }
0x132: {  	v22 =	vld [tilespmem:$0xCDD0];
	v1 =	vadd.f32 v14, v1;
	v6 =	vadd.f32 v46, v6  }
0x133: {  	v55 =	vld [tilespmem:$0xCDF0];
	v4 =	vadd.f32 v21, v4;
	v5 =	vadd.f32 v49, v5  }
0x134: {  	v10 =	vld [tilespmem:$0xCE50];
	v1 =	vadd.f32 v26, v1;
	v6 =	vadd.f32 v48, v6  }
0x135: {  	v54 =	vld [tilespmem:$0xCDE0];
	v4 =	vadd.f32 v59, v4;
	v5 =	vadd.f32 v51, v5  }
0x136: {  	v59 =	vld [tilespmem:$0xCE70];
	v1 =	vadd.f32 v27, v1;
	v6 =	vadd.f32 v50, v6  }
0x137: {  	v56 =	vld [tilespmem:$0xCE60];
	[tilespmem:$0xD000] =	vst v0;
	v4 =	vadd.f32 v22, v4;
	v5 =	vadd.f32 v53, v5  }
0x138: {  	[tilespmem:$0xD010] =	vst v13;
	v57 =	vadd.f32 v3, v1;
	v58 =	vadd.f32 v52, v6  }
0x139: {  	[tilespmem:$0xD020] =	vst v2;
	v60 =	vadd.f32 v10, v4;
	v61 =	vadd.f32 v55, v5  }
0x13a: {  	[tilespmem:$0xD030] =	vst v15;
	v0 =	vadd.f32 v16, v57;
	v1 =	vadd.f32 v54, v58  }
0x13b: {  	[tilespmem:$0xD050] =	vst v60;
	v63 =	vadd.f32 v59, v61  }
0x13c: {  	[tilespmem:$0xD040] =	vst v0;
	v62 =	vadd.f32 v56, v1  }
0x13d: {  	p0 =	sne.s32 s5, $0x1;
	[tilespmem:$0xD070] =	vst v63  }
.Ltmp0:
0x13e: {  	s14 =	rddreg [dreg:$0x12];
	[tilespmem:$0xD060] =	vst v62;
	(pc) =	sbr.rel @p0 .LBB2_1-.Ltmp0, $4  }
0x13f: {  	[hbm4b:s14+s3] =	stream.linear.scatter [tilespmem:s1], [sflag:$0x4], $0x80, $0x38;
	[tilespmem:$0xD080] =	vst v63  }
0x140: {  	_ =	swait.ge [sflag:s6], $0x80  }
0x141: {  	[sflag:s6] =	ssyncset.done $0x0  }
0x142: {  	s5 =	sadd.s32 $0xFFFFFFFF, s5;
	[sflag:s6] =	ssyncadd.s32 $0xFFFFFF80  }
0x143: {  	_ =	sfence.sel $0x180000  }
0x144: {  	[bflag:$0x0] =	sbarrier.arrive $0xFFFF  }
0x145: {  	_ =	strace $0x9000004A  }
0x146: {  	s0 =	stileid.u32;
	[bflag:$0x2] =	sbarrier.arrive $0xFFFF  }
0x147: {  	p0 =	sne.s32 s0, $0x0;
	s0 =	rddreg [dreg:$0x3]  }
0x148: {  	s0 =	sadd.s32 @!p0 $0x100000, s0  }
0x149: {  	[sflag:s0] =	ssyncadd.tile.s32 @!p0 $0x1;
	_ =	shalt  }
.Lfunc_end2:
_tile_overlayer_lowered:
.L_overlay_start_2:
0x14a: {  	(tag) =	ssettag $0x2  }
0x14b: {  	s0 =	rddreg [dreg:$0x0];
	s2 =	stileid.u32  }
0x14c: {  	s1 =	rddreg [dreg:$0x1];
	p0 =	sne.s32 s2, $0x0  }
0x14d: {  	s3 =	rddreg [dreg:$0x2];
	[bflag:$0x3] =	sbarrier.arrive $0xFFFF;
	s2 =	simm.s32 @!p0 $0x1C04  }
0x14e: {  	[timem:s3], [sflag:s2] =	dma.local @!p0 [hbm:s0], s1  }
0x14f: {  	s0 =	simm.s32 @!p0 $0x4  }
0x150: {  	_ =	swait.ge @!p0 [sflag:s0], s1  }
0x151: {  	s1 =	ssub.s32 @!p0 $0x0, s1;
	[sflag:s0] =	ssyncset.done @!p0 $0x0  }
0x152: {  	[sflag:s0] =	ssyncadd.s32 @!p0 s1  }
0x153: {  	[bflag:$0x3] =	sbarrier.arrive $0xFFFF  }
0x154: {  	_ =	shalt  }

</sc_bundles>
